<compile_context>
chip_gen: v7x
topology: tpu7x:2x2x1
jax: 0.10.2.dev20260603
libtpu: 0.0.44.dev20260713+nightly
codegen_flags: <defaults>
</compile_context>

<pallas_src>
import jax
import jax.numpy as jnp
from jax import lax
from jax.experimental import pallas as pl
from jax.experimental.pallas import tpu as pltpu
from jax.experimental.pallas import tpu_sc as plsc

N = 10000
E = 320000
D_IN = 128
D_H = 32
D_OUT = 128
D = 128

NC = 2
NS = 16
K = 125
NCHUNK = E // (NC * NS * K)
N_PAD = 10240
DPT = N_PAD // NS

EPT = E // (NC * NS)
EPT_PAD = 10240
KS = 16
NCHS = EPT_PAD // KS
NB = 8

NP = 2
L = 5120
H_PAD = L + 128
HPT = H_PAD // NS
OPT = L // NS

_MESH = dict(core_axis_name="c", subcore_axis_name="s")


def _sc_deg_body(dst_hbm, ones_hbm, zer_hbm, out_hbm, didx, ones_v, dacc,
                 s0, s1, s2, s3):
    c = lax.axis_index("c")
    s = lax.axis_index("s")
    pltpu.sync_copy(dst_hbm.at[c, s], didx)
    pltpu.sync_copy(ones_hbm, ones_v)
    pltpu.sync_copy(zer_hbm, dacc.at[pl.ds(s * DPT, DPT)])
    plsc.subcore_barrier()

    sems = [s0, s1, s2, s3]
    for p in range(4):
        pltpu.async_copy(ones_v, dacc.at[didx.at[p]], sems[p], add=True)

    def step(t, carry):
        for p in range(4):
            jj = 4 * t + p
            pltpu.make_async_copy(ones_v, dacc.at[didx.at[jj - 4]],
                                  sems[p]).wait()
            pltpu.async_copy(ones_v, dacc.at[didx.at[jj]], sems[p], add=True)
        return carry

    lax.fori_loop(1, NCHUNK // 4, step, 0)
    for p in range(4):
        jj = NCHUNK - 4 + p
        pltpu.make_async_copy(ones_v, dacc.at[didx.at[jj]], sems[p]).wait()

    plsc.subcore_barrier()
    pltpu.sync_copy(dacc.at[pl.ds(s * DPT, DPT)],
                    out_hbm.at[c, pl.ds(s * DPT, DPT)])


def _sc_deg(dst4, ones_k, z_deg):
    return pl.kernel(
        _sc_deg_body,
        out_type=jax.ShapeDtypeStruct((NC, N_PAD), jnp.float32),
        mesh=plsc.VectorSubcoreMesh(**_MESH),
        scratch_types=[
            pltpu.VMEM((NCHUNK, K), jnp.int32),
            pltpu.VMEM((K,), jnp.float32),
            pltpu.VMEM_SHARED((N_PAD,), jnp.float32),
            pltpu.SemaphoreType.DMA,
            pltpu.SemaphoreType.DMA,
            pltpu.SemaphoreType.DMA,
            pltpu.SemaphoreType.DMA,
        ],
        name="sc_gcn_deg",
    )(dst4, ones_k, z_deg)


def _sc_scatter_body(y_hbm, src_hbm, dst_hbm, zer_hbm, out_hbm,
                     sidx, didx,
                     b0, b1, b2, b3, b4, b5, b6, b7, acc,
                     g0, g1, g2, g3, g4, g5, g6, g7,
                     s0, s1, s2, s3, s4, s5, s6, s7):
    c = lax.axis_index("c")
    s = lax.axis_index("s")
    pltpu.sync_copy(src_hbm.at[c, s], sidx)

    bufs = [b0, b1, b2, b3, b4, b5, b6, b7]
    gs = [g0, g1, g2, g3, g4, g5, g6, g7]
    ss = [s0, s1, s2, s3, s4, s5, s6, s7]

    def g_start(jj, u):
        pltpu.async_copy(y_hbm.at[sidx.at[pl.ds(jj * KS, KS)]], bufs[u], gs[u])

    def g_wait(jj, u):
        pltpu.make_async_copy(y_hbm.at[sidx.at[pl.ds(jj * KS, KS)]], bufs[u], gs[u]).wait()

    def s_start(jj, u):
        pltpu.async_copy(bufs[u], acc.at[didx.at[pl.ds(jj * KS, KS)]], ss[u], add=True)

    def s_wait(jj, u):
        pltpu.make_async_copy(bufs[u], acc.at[didx.at[pl.ds(jj * KS, KS)]], ss[u]).wait()

    pltpu.sync_copy(dst_hbm.at[c, s], didx)
    pltpu.sync_copy(zer_hbm, acc.at[pl.ds(s * HPT, HPT), :])
    plsc.subcore_barrier()

    for u in range(4):
        g_start(u, u)
    for u in range(8):
        g_wait(u, u)
        s_start(u, u)
        if u >= 4:
            s_wait(u - 4, u - 4)
        g_start(u + 4, (u + 4) % NB)

    def step(t, carry):
        for u in range(8):
            jj = NB * t + u
            g_wait(jj, u)
            s_start(jj, u)
            s_wait(jj - 4, (u + 4) % NB)

            @pl.when(jj + 4 < NCHS)
            def _():
                g_start(jj + 4, (u + 4) % NB)
        return carry

    lax.fori_loop(1, NCHS // NB, step, 0)
    for u in range(4, 8):
        s_wait(NCHS - NB + u, u)
    plsc.subcore_barrier()
    pltpu.sync_copy(acc.at[pl.ds(s * OPT, OPT), :],
                    out_hbm.at[c, pl.ds(s * OPT, OPT), :])


def _sc_scatter(y, src4, dst4h, zrows):
    return pl.kernel(
        _sc_scatter_body,
        out_type=jax.ShapeDtypeStruct((NC, L, D), jnp.float32),
        mesh=plsc.VectorSubcoreMesh(**_MESH),
        scratch_types=(
            [pltpu.VMEM((EPT_PAD,), jnp.int32),
             pltpu.VMEM((EPT_PAD,), jnp.int32)]
            + [pltpu.VMEM((KS, D), jnp.float32) for _ in range(NB)]
            + [pltpu.VMEM_SHARED((H_PAD, D), jnp.float32)]
            + [pltpu.SemaphoreType.DMA for _ in range(2 * NB)]
        ),
        name="sc_gcn_scatter",
    )(y, src4, dst4h, zrows)


R = 1000


def _tc_prep_body(x_ref, d0_ref, d1_ref, g_ref, dinv_ref):
    dinv = lax.rsqrt(d0_ref[...] + d1_ref[...] + 1.0)
    g_ref[...] = x_ref[...] * dinv
    dinv_ref[...] = dinv


def _tc_prep(x, d0, d1):
    return pl.pallas_call(
        _tc_prep_body,
        grid=(N // R,),
        in_specs=[
            pl.BlockSpec((R, D_IN), lambda i: (i, 0)),
            pl.BlockSpec((R, 1), lambda i: (i, 0)),
            pl.BlockSpec((R, 1), lambda i: (i, 0)),
        ],
        out_specs=[
            pl.BlockSpec((R, D_IN), lambda i: (i, 0)),
            pl.BlockSpec((R, 1), lambda i: (i, 0)),
        ],
        out_shape=[
            jax.ShapeDtypeStruct((N, D_IN), jnp.float32),
            jax.ShapeDtypeStruct((N, 1), jnp.float32),
        ],
    )(x, d0, d1)


def _tc_mid_body(acc_ref, g_ref, dinv_ref, b0_ref, w0_ref, w1_ref, y1_ref):
    dinv = dinv_ref[...]
    agg = acc_ref[0] + acc_ref[1] + g_ref[...]
    pre = jnp.dot(agg, w0_ref[...],
                  preferred_element_type=jnp.float32) * dinv + b0_ref[...]
    h = jnp.maximum(pre, 0.0)
    y1_ref[...] = jnp.dot(h, w1_ref[...],
                          preferred_element_type=jnp.float32) * dinv


def _tc_mid(accp, g, dinv, b0, w0, w1):
    return pl.pallas_call(
        _tc_mid_body,
        grid=(N // R,),
        in_specs=[
            pl.BlockSpec((NC, R, D_IN), lambda i: (0, i, 0)),
            pl.BlockSpec((R, D_IN), lambda i: (i, 0)),
            pl.BlockSpec((R, 1), lambda i: (i, 0)),
            pl.BlockSpec((1, D_H), lambda i: (0, 0)),
            pl.BlockSpec((D_IN, D_H), lambda i: (0, 0)),
            pl.BlockSpec((D_H, D_OUT), lambda i: (0, 0)),
        ],
        out_specs=pl.BlockSpec((R, D_OUT), lambda i: (i, 0)),
        out_shape=jax.ShapeDtypeStruct((N, D_OUT), jnp.float32),
    )(accp, g, dinv, b0, w0, w1)


def _tc_final_body(acc_ref, y1_ref, dinv_ref, b1_ref, out_ref):
    pre = (acc_ref[0] + acc_ref[1] + y1_ref[...]) * dinv_ref[...] + b1_ref[...]
    out_ref[...] = jnp.maximum(pre, 0.0)


def _tc_final(accp, y1, dinv, b1):
    return pl.pallas_call(
        _tc_final_body,
        grid=(N // R,),
        in_specs=[
            pl.BlockSpec((NC, R, D_OUT), lambda i: (0, i, 0)),
            pl.BlockSpec((R, D_OUT), lambda i: (i, 0)),
            pl.BlockSpec((R, 1), lambda i: (i, 0)),
            pl.BlockSpec((1, D_OUT), lambda i: (0, 0)),
        ],
        out_specs=pl.BlockSpec((R, D_OUT), lambda i: (i, 0)),
        out_shape=jax.ShapeDtypeStruct((N, D_OUT), jnp.float32),
    )(accp, y1, dinv, b1)


@jax.jit
def kernel(x, edge_index, W0, b0, W1, b1):
    src = edge_index[0].astype(jnp.int32)
    dst = edge_index[1].astype(jnp.int32)
    pad_width = ((0, 0), (0, 0), (0, EPT_PAD - EPT))
    src4 = jnp.pad(src.reshape(NC, NS, EPT), pad_width)
    dst4 = dst.reshape(NC, NS, NCHUNK, K)
    fake = N_PAD + (jnp.arange(EPT_PAD - EPT, dtype=jnp.int32) % 128)
    dst3 = jnp.pad(dst.reshape(NC, NS, EPT), pad_width)
    dst3 = dst3.at[:, :, EPT:].set(fake[None, None, :])
    dump = L + (dst3 & 127)
    dstP = [jnp.where((dst3 >= p * L) & (dst3 < (p + 1) * L), dst3 - p * L,
                      dump) for p in range(NP)]
    ones_k = jnp.ones((K,), jnp.float32)
    z_deg = jnp.zeros((DPT,), jnp.float32)
    zrows = jnp.zeros((HPT, D), jnp.float32)

    degp = _sc_deg(dst4, ones_k, z_deg)
    d0 = degp[0, :N].reshape(N, 1)
    d1 = degp[1, :N].reshape(N, 1)

    g, dinv = _tc_prep(x, d0, d1)
    accp0 = jnp.concatenate(
        [_sc_scatter(g, src4, dstP[p], zrows) for p in range(NP)], axis=1)
    y1 = _tc_mid(accp0, g, dinv, b0.reshape(1, D_H), W0, W1)
    accp1 = jnp.concatenate(
        [_sc_scatter(y1, src4, dstP[p], zrows) for p in range(NP)], axis=1)
    return _tc_final(accp1, y1, dinv, b1.reshape(1, D_OUT))

# --- scband reference (transcript-rebuilt; emitter-appended) ---
"""Pipeline reference for scband-pyg-gcn-88072599371915 (READ-ONLY COPY).

The authoritative reference and input builder live on the scoring server;
editing this copy changes nothing except your own understanding.
"""

import jax, jax.numpy as jnp
import numpy as np

N = 10000
E = 320000
D_IN = 128
D_H = 32
D_OUT = 128


def setup_inputs(seed: int = 0) -> dict:
    key = jax.random.key(seed)
    k1, k2, k3, k4, k5, k6 = jax.random.split(key, 6)
    x = jax.random.normal(k1, (N, D_IN), dtype=jnp.float32)
    edge_index = jax.random.randint(k2, (2, E), 0, N)
    # GCNConv params: lin weight [in, out] (bias=False in lin), separate bias [out]
    W0 = jax.random.normal(k3, (D_IN, D_H), dtype=jnp.float32) * (1.0 / np.sqrt(D_IN))
    b0 = jnp.zeros((D_H,), dtype=jnp.float32)
    W1 = jax.random.normal(k4, (D_H, D_OUT), dtype=jnp.float32) * (1.0 / np.sqrt(D_H))
    b1 = jnp.zeros((D_OUT,), dtype=jnp.float32)
    return {"x": x, "edge_index": edge_index, "W0": W0, "b0": b0, "W1": W1, "b1": b1}


def gcn_conv(x, src, dst, W, b):
    # PyG GCNConv: add self-loops, symmetric D^-1/2 (A+I) D^-1/2 normalization
    n = x.shape[0]
    loop = jnp.arange(n, dtype=src.dtype)
    s = jnp.concatenate([src, loop])
    d = jnp.concatenate([dst, loop])
    deg = jnp.zeros((n,), dtype=x.dtype).at[d].add(1.0)
    deg_inv_sqrt = jnp.where(deg > 0, jax.lax.rsqrt(jnp.maximum(deg, 1e-12)), 0.0)
    norm = deg_inv_sqrt[s] * deg_inv_sqrt[d]
    xw = x @ W
    msg = xw[s] * norm[:, None]
    out = jnp.zeros((n, W.shape[1]), dtype=x.dtype).at[d].add(msg)
    return out + b


def reference(x, edge_index, W0, b0, W1, b1):
    src = edge_index[0]
    dst = edge_index[1]
    h = gcn_conv(x, src, dst, W0, b0)
    h = jax.nn.relu(h)
    h = gcn_conv(h, src, dst, W1, b1)
    h = jax.nn.relu(h)  # last_activation = relu
    return h

if __name__ == "__main__":
    import jax
    _d = setup_inputs()
    print(jax.jit(kernel)(*tuple(_d.values())))

</pallas_src>

<mosaic_0001>
#map = affine_map<(d0, d1) -> (0, 0)>
#map1 = affine_map<(d0, d1) -> (0, 0, 0)>
module attributes {stable_mosaic.version = 14 : i64} {
  func.func @sc_gcn_scatter(%arg0: i32, %arg1: i32, %arg2: memref<10000x128xf32, #tpu.memory_space<hbm>>, %arg3: memref<2x16x10240xi32, #tpu.memory_space<hbm>>, %arg4: memref<2x16x10240xi32, #tpu.memory_space<hbm>>, %arg5: memref<328x128xf32, #tpu.memory_space<hbm>>, %arg6: memref<2x5120x128xf32, #tpu.memory_space<hbm>>, %arg7: memref<10240xi32, #tpu.memory_space<vmem>>, %arg8: memref<10240xi32, #tpu.memory_space<vmem>>, %arg9: memref<16x128xf32, #tpu.memory_space<vmem>>, %arg10: memref<16x128xf32, #tpu.memory_space<vmem>>, %arg11: memref<16x128xf32, #tpu.memory_space<vmem>>, %arg12: memref<16x128xf32, #tpu.memory_space<vmem>>, %arg13: memref<16x128xf32, #tpu.memory_space<vmem>>, %arg14: memref<16x128xf32, #tpu.memory_space<vmem>>, %arg15: memref<16x128xf32, #tpu.memory_space<vmem>>, %arg16: memref<16x128xf32, #tpu.memory_space<vmem>>, %arg17: memref<5248x128xf32, #tpu.memory_space<vmem_shared>>, %arg18: memref<!tpu.dma_semaphore, #tpu.memory_space<semaphore_mem>>, %arg19: memref<!tpu.dma_semaphore, #tpu.memory_space<semaphore_mem>>, %arg20: memref<!tpu.dma_semaphore, #tpu.memory_space<semaphore_mem>>, %arg21: memref<!tpu.dma_semaphore, #tpu.memory_space<semaphore_mem>>, %arg22: memref<!tpu.dma_semaphore, #tpu.memory_space<semaphore_mem>>, %arg23: memref<!tpu.dma_semaphore, #tpu.memory_space<semaphore_mem>>, %arg24: memref<!tpu.dma_semaphore, #tpu.memory_space<semaphore_mem>>, %arg25: memref<!tpu.dma_semaphore, #tpu.memory_space<semaphore_mem>>, %arg26: memref<!tpu.dma_semaphore, #tpu.memory_space<semaphore_mem>>, %arg27: memref<!tpu.dma_semaphore, #tpu.memory_space<semaphore_mem>>, %arg28: memref<!tpu.dma_semaphore, #tpu.memory_space<semaphore_mem>>, %arg29: memref<!tpu.dma_semaphore, #tpu.memory_space<semaphore_mem>>, %arg30: memref<!tpu.dma_semaphore, #tpu.memory_space<semaphore_mem>>, %arg31: memref<!tpu.dma_semaphore, #tpu.memory_space<semaphore_mem>>, %arg32: memref<!tpu.dma_semaphore, #tpu.memory_space<semaphore_mem>>, %arg33: memref<!tpu.dma_semaphore, #tpu.memory_space<semaphore_mem>>) attributes {dimension_semantics = [#tpu.dimension_semantics<core_parallel>, #tpu.dimension_semantics<subcore_parallel>], iteration_bounds = array<i64: 2, 16>, scalar_prefetch = 0 : i64, scratch_operands = 27 : i64, tpu.core_type = #tpu.core_type<sc_vector_subcore>, window_params = [{transform_indices = #map}, {transform_indices = #map1}, {transform_indices = #map1}, {transform_indices = #map}, {transform_indices = #map1}]} {
    "tpu.region"() ({
      %run_scoped3A = tpu.sem_alloc : memref<!tpu.dma_semaphore, #tpu.memory_space<semaphore_mem>>
      %dma_start3A_189 = arith.constant 0 : i32
      %dma_start3A_190 = tpu.memref_slice %arg3[%arg0, %arg1, %dma_start3A_189] : memref<2x16x10240xi32, #tpu.memory_space<hbm>> -> memref<1x1x10240xi32, #tpu.memory_space<hbm>>
      %dma_start3A_191 = tpu.memref_squeeze %dma_start3A_190 : memref<1x1x10240xi32, #tpu.memory_space<hbm>> -> memref<10240xi32, #tpu.memory_space<hbm>>
      %dma_start3A_192 = arith.constant 0 : i32
      %dma_start3A_193 = tpu.memref_slice %arg3[%arg0, %arg1, %dma_start3A_192] : memref<2x16x10240xi32, #tpu.memory_space<hbm>> -> memref<1x1x10240xi32, #tpu.memory_space<hbm>>
      %dma_start3A_194 = tpu.memref_squeeze %dma_start3A_193 : memref<1x1x10240xi32, #tpu.memory_space<hbm>> -> memref<10240xi32, #tpu.memory_space<hbm>>
      tpu.enqueue_dma source(%dma_start3A_194 : memref<10240xi32, #tpu.memory_space<hbm>>) target(%arg7 : memref<10240xi32, #tpu.memory_space<vmem>>) target_semaphore(%run_scoped3A : memref<!tpu.dma_semaphore, #tpu.memory_space<semaphore_mem>>)
      %dma_wait3A_195 = arith.constant 0 : i32
      %dma_wait3A_196 = tpu.memref_slice %arg3[%arg0, %arg1, %dma_wait3A_195] : memref<2x16x10240xi32, #tpu.memory_space<hbm>> -> memref<1x1x10240xi32, #tpu.memory_space<hbm>>
      %dma_wait3A_197 = tpu.memref_squeeze %dma_wait3A_196 : memref<1x1x10240xi32, #tpu.memory_space<hbm>> -> memref<10240xi32, #tpu.memory_space<hbm>>
      %dma_wait3A_198 = arith.constant 0 : i32
      %dma_wait3A_199 = tpu.memref_slice %arg3[%arg0, %arg1, %dma_wait3A_198] : memref<2x16x10240xi32, #tpu.memory_space<hbm>> -> memref<1x1x10240xi32, #tpu.memory_space<hbm>>
      %dma_wait3A_200 = tpu.memref_squeeze %dma_wait3A_199 : memref<1x1x10240xi32, #tpu.memory_space<hbm>> -> memref<10240xi32, #tpu.memory_space<hbm>>
      tpu.wait_dma2 semaphore(%run_scoped3A : memref<!tpu.dma_semaphore, #tpu.memory_space<semaphore_mem>>) src(%dma_wait3A_200 : memref<10240xi32, #tpu.memory_space<hbm>>) dst(%arg7 : memref<10240xi32, #tpu.memory_space<vmem>>)
      tpu.yield
    }) : () -> ()
    "tpu.region"() ({
      %run_scoped3A = tpu.sem_alloc : memref<!tpu.dma_semaphore, #tpu.memory_space<semaphore_mem>>
      %dma_start3A_189 = arith.constant 0 : i32
      %dma_start3A_190 = tpu.memref_slice %arg4[%arg0, %arg1, %dma_start3A_189] : memref<2x16x10240xi32, #tpu.memory_space<hbm>> -> memref<1x1x10240xi32, #tpu.memory_space<hbm>>
      %dma_start3A_191 = tpu.memref_squeeze %dma_start3A_190 : memref<1x1x10240xi32, #tpu.memory_space<hbm>> -> memref<10240xi32, #tpu.memory_space<hbm>>
      %dma_start3A_192 = arith.constant 0 : i32
      %dma_start3A_193 = tpu.memref_slice %arg4[%arg0, %arg1, %dma_start3A_192] : memref<2x16x10240xi32, #tpu.memory_space<hbm>> -> memref<1x1x10240xi32, #tpu.memory_space<hbm>>
      %dma_start3A_194 = tpu.memref_squeeze %dma_start3A_193 : memref<1x1x10240xi32, #tpu.memory_space<hbm>> -> memref<10240xi32, #tpu.memory_space<hbm>>
      tpu.enqueue_dma source(%dma_start3A_194 : memref<10240xi32, #tpu.memory_space<hbm>>) target(%arg8 : memref<10240xi32, #tpu.memory_space<vmem>>) target_semaphore(%run_scoped3A : memref<!tpu.dma_semaphore, #tpu.memory_space<semaphore_mem>>)
      %dma_wait3A_195 = arith.constant 0 : i32
      %dma_wait3A_196 = tpu.memref_slice %arg4[%arg0, %arg1, %dma_wait3A_195] : memref<2x16x10240xi32, #tpu.memory_space<hbm>> -> memref<1x1x10240xi32, #tpu.memory_space<hbm>>
      %dma_wait3A_197 = tpu.memref_squeeze %dma_wait3A_196 : memref<1x1x10240xi32, #tpu.memory_space<hbm>> -> memref<10240xi32, #tpu.memory_space<hbm>>
      %dma_wait3A_198 = arith.constant 0 : i32
      %dma_wait3A_199 = tpu.memref_slice %arg4[%arg0, %arg1, %dma_wait3A_198] : memref<2x16x10240xi32, #tpu.memory_space<hbm>> -> memref<1x1x10240xi32, #tpu.memory_space<hbm>>
      %dma_wait3A_200 = tpu.memref_squeeze %dma_wait3A_199 : memref<1x1x10240xi32, #tpu.memory_space<hbm>> -> memref<10240xi32, #tpu.memory_space<hbm>>
      tpu.wait_dma2 semaphore(%run_scoped3A : memref<!tpu.dma_semaphore, #tpu.memory_space<semaphore_mem>>) src(%dma_wait3A_200 : memref<10240xi32, #tpu.memory_space<hbm>>) dst(%arg8 : memref<10240xi32, #tpu.memory_space<vmem>>)
      tpu.yield
    }) : () -> ()
    %mul3A = arith.constant 328 : i32
    %mul3A_0 = arith.muli %arg1, %mul3A : i32
    "tpu.region"() ({
      %run_scoped3A = tpu.sem_alloc : memref<!tpu.dma_semaphore, #tpu.memory_space<semaphore_mem>>
      %dma_start3A_189 = arith.constant 0 : i32
      %dma_start3A_190 = tpu.memref_slice %arg17[%mul3A_0, %dma_start3A_189] : memref<5248x128xf32, #tpu.memory_space<vmem_shared>> -> memref<328x128xf32, #tpu.memory_space<vmem_shared>>
      tpu.enqueue_dma source(%arg5 : memref<328x128xf32, #tpu.memory_space<hbm>>) target(%dma_start3A_190 : memref<328x128xf32, #tpu.memory_space<vmem_shared>>) target_semaphore(%run_scoped3A : memref<!tpu.dma_semaphore, #tpu.memory_space<semaphore_mem>>)
      %dma_wait3A_191 = arith.constant 0 : i32
      %dma_wait3A_192 = tpu.memref_slice %arg17[%mul3A_0, %dma_wait3A_191] : memref<5248x128xf32, #tpu.memory_space<vmem_shared>> -> memref<328x128xf32, #tpu.memory_space<vmem_shared>>
      tpu.wait_dma2 semaphore(%run_scoped3A : memref<!tpu.dma_semaphore, #tpu.memory_space<semaphore_mem>>) src(%arg5 : memref<328x128xf32, #tpu.memory_space<hbm>>) dst(%dma_wait3A_192 : memref<328x128xf32, #tpu.memory_space<vmem_shared>>)
      tpu.yield
    }) : () -> ()
    %barrier3A = arith.constant 0 : index
    tpu.barrier barrier_id(%barrier3A)
    %dma_start3A = arith.constant 0 : i32
    %dma_start3A_1 = tpu.memref_slice %arg7[%dma_start3A] : memref<10240xi32, #tpu.memory_space<vmem>> -> memref<16xi32, #tpu.memory_space<vmem>>
    %dma_start3A_2 = arith.constant 0 : i32
    %dma_start3A_3 = arith.constant 0 : i32
    %dma_start3A_4 = tpu.memref_slice %arg2[%dma_start3A_2, %dma_start3A_3] : memref<10000x128xf32, #tpu.memory_space<hbm>> -> memref<10000x128xf32, #tpu.memory_space<hbm>>
    tpu.enqueue_indirect_dma source(%dma_start3A_4 : memref<10000x128xf32, #tpu.memory_space<hbm>>) target(%arg9 : memref<16x128xf32, #tpu.memory_space<vmem>>) offsets(%dma_start3A_1 : memref<16xi32, #tpu.memory_space<vmem>>) semaphore(%arg18 : memref<!tpu.dma_semaphore, #tpu.memory_space<semaphore_mem>>)
    %dma_start3A_5 = arith.constant 16 : i32
    %dma_start3A_6 = tpu.memref_slice %arg7[%dma_start3A_5] : memref<10240xi32, #tpu.memory_space<vmem>> -> memref<16xi32, #tpu.memory_space<vmem>>
    %dma_start3A_7 = arith.constant 0 : i32
    %dma_start3A_8 = arith.constant 0 : i32
    %dma_start3A_9 = tpu.memref_slice %arg2[%dma_start3A_7, %dma_start3A_8] : memref<10000x128xf32, #tpu.memory_space<hbm>> -> memref<10000x128xf32, #tpu.memory_space<hbm>>
    tpu.enqueue_indirect_dma source(%dma_start3A_9 : memref<10000x128xf32, #tpu.memory_space<hbm>>) target(%arg10 : memref<16x128xf32, #tpu.memory_space<vmem>>) offsets(%dma_start3A_6 : memref<16xi32, #tpu.memory_space<vmem>>) semaphore(%arg19 : memref<!tpu.dma_semaphore, #tpu.memory_space<semaphore_mem>>)
    %dma_start3A_10 = arith.constant 32 : i32
    %dma_start3A_11 = tpu.memref_slice %arg7[%dma_start3A_10] : memref<10240xi32, #tpu.memory_space<vmem>> -> memref<16xi32, #tpu.memory_space<vmem>>
    %dma_start3A_12 = arith.constant 0 : i32
    %dma_start3A_13 = arith.constant 0 : i32
    %dma_start3A_14 = tpu.memref_slice %arg2[%dma_start3A_12, %dma_start3A_13] : memref<10000x128xf32, #tpu.memory_space<hbm>> -> memref<10000x128xf32, #tpu.memory_space<hbm>>
    tpu.enqueue_indirect_dma source(%dma_start3A_14 : memref<10000x128xf32, #tpu.memory_space<hbm>>) target(%arg11 : memref<16x128xf32, #tpu.memory_space<vmem>>) offsets(%dma_start3A_11 : memref<16xi32, #tpu.memory_space<vmem>>) semaphore(%arg20 : memref<!tpu.dma_semaphore, #tpu.memory_space<semaphore_mem>>)
    %dma_start3A_15 = arith.constant 48 : i32
    %dma_start3A_16 = tpu.memref_slice %arg7[%dma_start3A_15] : memref<10240xi32, #tpu.memory_space<vmem>> -> memref<16xi32, #tpu.memory_space<vmem>>
    %dma_start3A_17 = arith.constant 0 : i32
    %dma_start3A_18 = arith.constant 0 : i32
    %dma_start3A_19 = tpu.memref_slice %arg2[%dma_start3A_17, %dma_start3A_18] : memref<10000x128xf32, #tpu.memory_space<hbm>> -> memref<10000x128xf32, #tpu.memory_space<hbm>>
    tpu.enqueue_indirect_dma source(%dma_start3A_19 : memref<10000x128xf32, #tpu.memory_space<hbm>>) target(%arg12 : memref<16x128xf32, #tpu.memory_space<vmem>>) offsets(%dma_start3A_16 : memref<16xi32, #tpu.memory_space<vmem>>) semaphore(%arg21 : memref<!tpu.dma_semaphore, #tpu.memory_space<semaphore_mem>>)
    %dma_wait3A = arith.constant 0 : i32
    %dma_wait3A_20 = tpu.memref_slice %arg7[%dma_wait3A] : memref<10240xi32, #tpu.memory_space<vmem>> -> memref<16xi32, #tpu.memory_space<vmem>>
    %dma_wait3A_21 = arith.constant 0 : i32
    %dma_wait3A_22 = arith.constant 0 : i32
    %dma_wait3A_23 = tpu.memref_slice %arg2[%dma_wait3A_21, %dma_wait3A_22] : memref<10000x128xf32, #tpu.memory_space<hbm>> -> memref<10000x128xf32, #tpu.memory_space<hbm>>
    tpu.wait_indirect_dma semaphore(%arg18 : memref<!tpu.dma_semaphore, #tpu.memory_space<semaphore_mem>>) src(%dma_wait3A_23 : memref<10000x128xf32, #tpu.memory_space<hbm>>) dst(%arg9 : memref<16x128xf32, #tpu.memory_space<vmem>>)
    %dma_start3A_24 = arith.constant 0 : i32
    %dma_start3A_25 = tpu.memref_slice %arg8[%dma_start3A_24] : memref<10240xi32, #tpu.memory_space<vmem>> -> memref<16xi32, #tpu.memory_space<vmem>>
    %dma_start3A_26 = arith.constant 0 : i32
    %dma_start3A_27 = arith.constant 0 : i32
    %dma_start3A_28 = tpu.memref_slice %arg17[%dma_start3A_26, %dma_start3A_27] : memref<5248x128xf32, #tpu.memory_space<vmem_shared>> -> memref<5248x128xf32, #tpu.memory_space<vmem_shared>>
    tpu.enqueue_indirect_dma source(%arg9 : memref<16x128xf32, #tpu.memory_space<vmem>>) target(%dma_start3A_28 : memref<5248x128xf32, #tpu.memory_space<vmem_shared>>) offsets(%dma_start3A_25 : memref<16xi32, #tpu.memory_space<vmem>>) semaphore(%arg26 : memref<!tpu.dma_semaphore, #tpu.memory_space<semaphore_mem>>) {add = true}
    %dma_start3A_29 = arith.constant 64 : i32
    %dma_start3A_30 = tpu.memref_slice %arg7[%dma_start3A_29] : memref<10240xi32, #tpu.memory_space<vmem>> -> memref<16xi32, #tpu.memory_space<vmem>>
    %dma_start3A_31 = arith.constant 0 : i32
    %dma_start3A_32 = arith.constant 0 : i32
    %dma_start3A_33 = tpu.memref_slice %arg2[%dma_start3A_31, %dma_start3A_32] : memref<10000x128xf32, #tpu.memory_space<hbm>> -> memref<10000x128xf32, #tpu.memory_space<hbm>>
    tpu.enqueue_indirect_dma source(%dma_start3A_33 : memref<10000x128xf32, #tpu.memory_space<hbm>>) target(%arg13 : memref<16x128xf32, #tpu.memory_space<vmem>>) offsets(%dma_start3A_30 : memref<16xi32, #tpu.memory_space<vmem>>) semaphore(%arg22 : memref<!tpu.dma_semaphore, #tpu.memory_space<semaphore_mem>>)
    %dma_wait3A_34 = arith.constant 16 : i32
    %dma_wait3A_35 = tpu.memref_slice %arg7[%dma_wait3A_34] : memref<10240xi32, #tpu.memory_space<vmem>> -> memref<16xi32, #tpu.memory_space<vmem>>
    %dma_wait3A_36 = arith.constant 0 : i32
    %dma_wait3A_37 = arith.constant 0 : i32
    %dma_wait3A_38 = tpu.memref_slice %arg2[%dma_wait3A_36, %dma_wait3A_37] : memref<10000x128xf32, #tpu.memory_space<hbm>> -> memref<10000x128xf32, #tpu.memory_space<hbm>>
    tpu.wait_indirect_dma semaphore(%arg19 : memref<!tpu.dma_semaphore, #tpu.memory_space<semaphore_mem>>) src(%dma_wait3A_38 : memref<10000x128xf32, #tpu.memory_space<hbm>>) dst(%arg10 : memref<16x128xf32, #tpu.memory_space<vmem>>)
    %dma_start3A_39 = arith.constant 16 : i32
    %dma_start3A_40 = tpu.memref_slice %arg8[%dma_start3A_39] : memref<10240xi32, #tpu.memory_space<vmem>> -> memref<16xi32, #tpu.memory_space<vmem>>
    %dma_start3A_41 = arith.constant 0 : i32
    %dma_start3A_42 = arith.constant 0 : i32
    %dma_start3A_43 = tpu.memref_slice %arg17[%dma_start3A_41, %dma_start3A_42] : memref<5248x128xf32, #tpu.memory_space<vmem_shared>> -> memref<5248x128xf32, #tpu.memory_space<vmem_shared>>
    tpu.enqueue_indirect_dma source(%arg10 : memref<16x128xf32, #tpu.memory_space<vmem>>) target(%dma_start3A_43 : memref<5248x128xf32, #tpu.memory_space<vmem_shared>>) offsets(%dma_start3A_40 : memref<16xi32, #tpu.memory_space<vmem>>) semaphore(%arg27 : memref<!tpu.dma_semaphore, #tpu.memory_space<semaphore_mem>>) {add = true}
    %dma_start3A_44 = arith.constant 80 : i32
    %dma_start3A_45 = tpu.memref_slice %arg7[%dma_start3A_44] : memref<10240xi32, #tpu.memory_space<vmem>> -> memref<16xi32, #tpu.memory_space<vmem>>
    %dma_start3A_46 = arith.constant 0 : i32
    %dma_start3A_47 = arith.constant 0 : i32
    %dma_start3A_48 = tpu.memref_slice %arg2[%dma_start3A_46, %dma_start3A_47] : memref<10000x128xf32, #tpu.memory_space<hbm>> -> memref<10000x128xf32, #tpu.memory_space<hbm>>
    tpu.enqueue_indirect_dma source(%dma_start3A_48 : memref<10000x128xf32, #tpu.memory_space<hbm>>) target(%arg14 : memref<16x128xf32, #tpu.memory_space<vmem>>) offsets(%dma_start3A_45 : memref<16xi32, #tpu.memory_space<vmem>>) semaphore(%arg23 : memref<!tpu.dma_semaphore, #tpu.memory_space<semaphore_mem>>)
    %dma_wait3A_49 = arith.constant 32 : i32
    %dma_wait3A_50 = tpu.memref_slice %arg7[%dma_wait3A_49] : memref<10240xi32, #tpu.memory_space<vmem>> -> memref<16xi32, #tpu.memory_space<vmem>>
    %dma_wait3A_51 = arith.constant 0 : i32
    %dma_wait3A_52 = arith.constant 0 : i32
    %dma_wait3A_53 = tpu.memref_slice %arg2[%dma_wait3A_51, %dma_wait3A_52] : memref<10000x128xf32, #tpu.memory_space<hbm>> -> memref<10000x128xf32, #tpu.memory_space<hbm>>
    tpu.wait_indirect_dma semaphore(%arg20 : memref<!tpu.dma_semaphore, #tpu.memory_space<semaphore_mem>>) src(%dma_wait3A_53 : memref<10000x128xf32, #tpu.memory_space<hbm>>) dst(%arg11 : memref<16x128xf32, #tpu.memory_space<vmem>>)
    %dma_start3A_54 = arith.constant 32 : i32
    %dma_start3A_55 = tpu.memref_slice %arg8[%dma_start3A_54] : memref<10240xi32, #tpu.memory_space<vmem>> -> memref<16xi32, #tpu.memory_space<vmem>>
    %dma_start3A_56 = arith.constant 0 : i32
    %dma_start3A_57 = arith.constant 0 : i32
    %dma_start3A_58 = tpu.memref_slice %arg17[%dma_start3A_56, %dma_start3A_57] : memref<5248x128xf32, #tpu.memory_space<vmem_shared>> -> memref<5248x128xf32, #tpu.memory_space<vmem_shared>>
    tpu.enqueue_indirect_dma source(%arg11 : memref<16x128xf32, #tpu.memory_space<vmem>>) target(%dma_start3A_58 : memref<5248x128xf32, #tpu.memory_space<vmem_shared>>) offsets(%dma_start3A_55 : memref<16xi32, #tpu.memory_space<vmem>>) semaphore(%arg28 : memref<!tpu.dma_semaphore, #tpu.memory_space<semaphore_mem>>) {add = true}
    %dma_start3A_59 = arith.constant 96 : i32
    %dma_start3A_60 = tpu.memref_slice %arg7[%dma_start3A_59] : memref<10240xi32, #tpu.memory_space<vmem>> -> memref<16xi32, #tpu.memory_space<vmem>>
    %dma_start3A_61 = arith.constant 0 : i32
    %dma_start3A_62 = arith.constant 0 : i32
    %dma_start3A_63 = tpu.memref_slice %arg2[%dma_start3A_61, %dma_start3A_62] : memref<10000x128xf32, #tpu.memory_space<hbm>> -> memref<10000x128xf32, #tpu.memory_space<hbm>>
    tpu.enqueue_indirect_dma source(%dma_start3A_63 : memref<10000x128xf32, #tpu.memory_space<hbm>>) target(%arg15 : memref<16x128xf32, #tpu.memory_space<vmem>>) offsets(%dma_start3A_60 : memref<16xi32, #tpu.memory_space<vmem>>) semaphore(%arg24 : memref<!tpu.dma_semaphore, #tpu.memory_space<semaphore_mem>>)
    %dma_wait3A_64 = arith.constant 48 : i32
    %dma_wait3A_65 = tpu.memref_slice %arg7[%dma_wait3A_64] : memref<10240xi32, #tpu.memory_space<vmem>> -> memref<16xi32, #tpu.memory_space<vmem>>
    %dma_wait3A_66 = arith.constant 0 : i32
    %dma_wait3A_67 = arith.constant 0 : i32
    %dma_wait3A_68 = tpu.memref_slice %arg2[%dma_wait3A_66, %dma_wait3A_67] : memref<10000x128xf32, #tpu.memory_space<hbm>> -> memref<10000x128xf32, #tpu.memory_space<hbm>>
    tpu.wait_indirect_dma semaphore(%arg21 : memref<!tpu.dma_semaphore, #tpu.memory_space<semaphore_mem>>) src(%dma_wait3A_68 : memref<10000x128xf32, #tpu.memory_space<hbm>>) dst(%arg12 : memref<16x128xf32, #tpu.memory_space<vmem>>)
    %dma_start3A_69 = arith.constant 48 : i32
    %dma_start3A_70 = tpu.memref_slice %arg8[%dma_start3A_69] : memref<10240xi32, #tpu.memory_space<vmem>> -> memref<16xi32, #tpu.memory_space<vmem>>
    %dma_start3A_71 = arith.constant 0 : i32
    %dma_start3A_72 = arith.constant 0 : i32
    %dma_start3A_73 = tpu.memref_slice %arg17[%dma_start3A_71, %dma_start3A_72] : memref<5248x128xf32, #tpu.memory_space<vmem_shared>> -> memref<5248x128xf32, #tpu.memory_space<vmem_shared>>
    tpu.enqueue_indirect_dma source(%arg12 : memref<16x128xf32, #tpu.memory_space<vmem>>) target(%dma_start3A_73 : memref<5248x128xf32, #tpu.memory_space<vmem_shared>>) offsets(%dma_start3A_70 : memref<16xi32, #tpu.memory_space<vmem>>) semaphore(%arg29 : memref<!tpu.dma_semaphore, #tpu.memory_space<semaphore_mem>>) {add = true}
    %dma_start3A_74 = arith.constant 112 : i32
    %dma_start3A_75 = tpu.memref_slice %arg7[%dma_start3A_74] : memref<10240xi32, #tpu.memory_space<vmem>> -> memref<16xi32, #tpu.memory_space<vmem>>
    %dma_start3A_76 = arith.constant 0 : i32
    %dma_start3A_77 = arith.constant 0 : i32
    %dma_start3A_78 = tpu.memref_slice %arg2[%dma_start3A_76, %dma_start3A_77] : memref<10000x128xf32, #tpu.memory_space<hbm>> -> memref<10000x128xf32, #tpu.memory_space<hbm>>
    tpu.enqueue_indirect_dma source(%dma_start3A_78 : memref<10000x128xf32, #tpu.memory_space<hbm>>) target(%arg16 : memref<16x128xf32, #tpu.memory_space<vmem>>) offsets(%dma_start3A_75 : memref<16xi32, #tpu.memory_space<vmem>>) semaphore(%arg25 : memref<!tpu.dma_semaphore, #tpu.memory_space<semaphore_mem>>)
    %dma_wait3A_79 = arith.constant 64 : i32
    %dma_wait3A_80 = tpu.memref_slice %arg7[%dma_wait3A_79] : memref<10240xi32, #tpu.memory_space<vmem>> -> memref<16xi32, #tpu.memory_space<vmem>>
    %dma_wait3A_81 = arith.constant 0 : i32
    %dma_wait3A_82 = arith.constant 0 : i32
    %dma_wait3A_83 = tpu.memref_slice %arg2[%dma_wait3A_81, %dma_wait3A_82] : memref<10000x128xf32, #tpu.memory_space<hbm>> -> memref<10000x128xf32, #tpu.memory_space<hbm>>
    tpu.wait_indirect_dma semaphore(%arg22 : memref<!tpu.dma_semaphore, #tpu.memory_space<semaphore_mem>>) src(%dma_wait3A_83 : memref<10000x128xf32, #tpu.memory_space<hbm>>) dst(%arg13 : memref<16x128xf32, #tpu.memory_space<vmem>>)
    %dma_start3A_84 = arith.constant 64 : i32
    %dma_start3A_85 = tpu.memref_slice %arg8[%dma_start3A_84] : memref<10240xi32, #tpu.memory_space<vmem>> -> memref<16xi32, #tpu.memory_space<vmem>>
    %dma_start3A_86 = arith.constant 0 : i32
    %dma_start3A_87 = arith.constant 0 : i32
    %dma_start3A_88 = tpu.memref_slice %arg17[%dma_start3A_86, %dma_start3A_87] : memref<5248x128xf32, #tpu.memory_space<vmem_shared>> -> memref<5248x128xf32, #tpu.memory_space<vmem_shared>>
    tpu.enqueue_indirect_dma source(%arg13 : memref<16x128xf32, #tpu.memory_space<vmem>>) target(%dma_start3A_88 : memref<5248x128xf32, #tpu.memory_space<vmem_shared>>) offsets(%dma_start3A_85 : memref<16xi32, #tpu.memory_space<vmem>>) semaphore(%arg30 : memref<!tpu.dma_semaphore, #tpu.memory_space<semaphore_mem>>) {add = true}
    %dma_wait3A_89 = arith.constant 0 : i32
    %dma_wait3A_90 = tpu.memref_slice %arg8[%dma_wait3A_89] : memref<10240xi32, #tpu.memory_space<vmem>> -> memref<16xi32, #tpu.memory_space<vmem>>
    %dma_wait3A_91 = arith.constant 0 : i32
    %dma_wait3A_92 = arith.constant 0 : i32
    %dma_wait3A_93 = tpu.memref_slice %arg17[%dma_wait3A_91, %dma_wait3A_92] : memref<5248x128xf32, #tpu.memory_space<vmem_shared>> -> memref<5248x128xf32, #tpu.memory_space<vmem_shared>>
    tpu.wait_indirect_dma semaphore(%arg26 : memref<!tpu.dma_semaphore, #tpu.memory_space<semaphore_mem>>) src(%arg9 : memref<16x128xf32, #tpu.memory_space<vmem>>) dst(%dma_wait3A_93 : memref<5248x128xf32, #tpu.memory_space<vmem_shared>>)
    %dma_start3A_94 = arith.constant 128 : i32
    %dma_start3A_95 = tpu.memref_slice %arg7[%dma_start3A_94] : memref<10240xi32, #tpu.memory_space<vmem>> -> memref<16xi32, #tpu.memory_space<vmem>>
    %dma_start3A_96 = arith.constant 0 : i32
    %dma_start3A_97 = arith.constant 0 : i32
    %dma_start3A_98 = tpu.memref_slice %arg2[%dma_start3A_96, %dma_start3A_97] : memref<10000x128xf32, #tpu.memory_space<hbm>> -> memref<10000x128xf32, #tpu.memory_space<hbm>>
    tpu.enqueue_indirect_dma source(%dma_start3A_98 : memref<10000x128xf32, #tpu.memory_space<hbm>>) target(%arg9 : memref<16x128xf32, #tpu.memory_space<vmem>>) offsets(%dma_start3A_95 : memref<16xi32, #tpu.memory_space<vmem>>) semaphore(%arg18 : memref<!tpu.dma_semaphore, #tpu.memory_space<semaphore_mem>>)
    %dma_wait3A_99 = arith.constant 80 : i32
    %dma_wait3A_100 = tpu.memref_slice %arg7[%dma_wait3A_99] : memref<10240xi32, #tpu.memory_space<vmem>> -> memref<16xi32, #tpu.memory_space<vmem>>
    %dma_wait3A_101 = arith.constant 0 : i32
    %dma_wait3A_102 = arith.constant 0 : i32
    %dma_wait3A_103 = tpu.memref_slice %arg2[%dma_wait3A_101, %dma_wait3A_102] : memref<10000x128xf32, #tpu.memory_space<hbm>> -> memref<10000x128xf32, #tpu.memory_space<hbm>>
    tpu.wait_indirect_dma semaphore(%arg23 : memref<!tpu.dma_semaphore, #tpu.memory_space<semaphore_mem>>) src(%dma_wait3A_103 : memref<10000x128xf32, #tpu.memory_space<hbm>>) dst(%arg14 : memref<16x128xf32, #tpu.memory_space<vmem>>)
    %dma_start3A_104 = arith.constant 80 : i32
    %dma_start3A_105 = tpu.memref_slice %arg8[%dma_start3A_104] : memref<10240xi32, #tpu.memory_space<vmem>> -> memref<16xi32, #tpu.memory_space<vmem>>
    %dma_start3A_106 = arith.constant 0 : i32
    %dma_start3A_107 = arith.constant 0 : i32
    %dma_start3A_108 = tpu.memref_slice %arg17[%dma_start3A_106, %dma_start3A_107] : memref<5248x128xf32, #tpu.memory_space<vmem_shared>> -> memref<5248x128xf32, #tpu.memory_space<vmem_shared>>
    tpu.enqueue_indirect_dma source(%arg14 : memref<16x128xf32, #tpu.memory_space<vmem>>) target(%dma_start3A_108 : memref<5248x128xf32, #tpu.memory_space<vmem_shared>>) offsets(%dma_start3A_105 : memref<16xi32, #tpu.memory_space<vmem>>) semaphore(%arg31 : memref<!tpu.dma_semaphore, #tpu.memory_space<semaphore_mem>>) {add = true}
    %dma_wait3A_109 = arith.constant 16 : i32
    %dma_wait3A_110 = tpu.memref_slice %arg8[%dma_wait3A_109] : memref<10240xi32, #tpu.memory_space<vmem>> -> memref<16xi32, #tpu.memory_space<vmem>>
    %dma_wait3A_111 = arith.constant 0 : i32
    %dma_wait3A_112 = arith.constant 0 : i32
    %dma_wait3A_113 = tpu.memref_slice %arg17[%dma_wait3A_111, %dma_wait3A_112] : memref<5248x128xf32, #tpu.memory_space<vmem_shared>> -> memref<5248x128xf32, #tpu.memory_space<vmem_shared>>
    tpu.wait_indirect_dma semaphore(%arg27 : memref<!tpu.dma_semaphore, #tpu.memory_space<semaphore_mem>>) src(%arg10 : memref<16x128xf32, #tpu.memory_space<vmem>>) dst(%dma_wait3A_113 : memref<5248x128xf32, #tpu.memory_space<vmem_shared>>)
    %dma_start3A_114 = arith.constant 144 : i32
    %dma_start3A_115 = tpu.memref_slice %arg7[%dma_start3A_114] : memref<10240xi32, #tpu.memory_space<vmem>> -> memref<16xi32, #tpu.memory_space<vmem>>
    %dma_start3A_116 = arith.constant 0 : i32
    %dma_start3A_117 = arith.constant 0 : i32
    %dma_start3A_118 = tpu.memref_slice %arg2[%dma_start3A_116, %dma_start3A_117] : memref<10000x128xf32, #tpu.memory_space<hbm>> -> memref<10000x128xf32, #tpu.memory_space<hbm>>
    tpu.enqueue_indirect_dma source(%dma_start3A_118 : memref<10000x128xf32, #tpu.memory_space<hbm>>) target(%arg10 : memref<16x128xf32, #tpu.memory_space<vmem>>) offsets(%dma_start3A_115 : memref<16xi32, #tpu.memory_space<vmem>>) semaphore(%arg19 : memref<!tpu.dma_semaphore, #tpu.memory_space<semaphore_mem>>)
    %dma_wait3A_119 = arith.constant 96 : i32
    %dma_wait3A_120 = tpu.memref_slice %arg7[%dma_wait3A_119] : memref<10240xi32, #tpu.memory_space<vmem>> -> memref<16xi32, #tpu.memory_space<vmem>>
    %dma_wait3A_121 = arith.constant 0 : i32
    %dma_wait3A_122 = arith.constant 0 : i32
    %dma_wait3A_123 = tpu.memref_slice %arg2[%dma_wait3A_121, %dma_wait3A_122] : memref<10000x128xf32, #tpu.memory_space<hbm>> -> memref<10000x128xf32, #tpu.memory_space<hbm>>
    tpu.wait_indirect_dma semaphore(%arg24 : memref<!tpu.dma_semaphore, #tpu.memory_space<semaphore_mem>>) src(%dma_wait3A_123 : memref<10000x128xf32, #tpu.memory_space<hbm>>) dst(%arg15 : memref<16x128xf32, #tpu.memory_space<vmem>>)
    %dma_start3A_124 = arith.constant 96 : i32
    %dma_start3A_125 = tpu.memref_slice %arg8[%dma_start3A_124] : memref<10240xi32, #tpu.memory_space<vmem>> -> memref<16xi32, #tpu.memory_space<vmem>>
    %dma_start3A_126 = arith.constant 0 : i32
    %dma_start3A_127 = arith.constant 0 : i32
    %dma_start3A_128 = tpu.memref_slice %arg17[%dma_start3A_126, %dma_start3A_127] : memref<5248x128xf32, #tpu.memory_space<vmem_shared>> -> memref<5248x128xf32, #tpu.memory_space<vmem_shared>>
    tpu.enqueue_indirect_dma source(%arg15 : memref<16x128xf32, #tpu.memory_space<vmem>>) target(%dma_start3A_128 : memref<5248x128xf32, #tpu.memory_space<vmem_shared>>) offsets(%dma_start3A_125 : memref<16xi32, #tpu.memory_space<vmem>>) semaphore(%arg32 : memref<!tpu.dma_semaphore, #tpu.memory_space<semaphore_mem>>) {add = true}
    %dma_wait3A_129 = arith.constant 32 : i32
    %dma_wait3A_130 = tpu.memref_slice %arg8[%dma_wait3A_129] : memref<10240xi32, #tpu.memory_space<vmem>> -> memref<16xi32, #tpu.memory_space<vmem>>
    %dma_wait3A_131 = arith.constant 0 : i32
    %dma_wait3A_132 = arith.constant 0 : i32
    %dma_wait3A_133 = tpu.memref_slice %arg17[%dma_wait3A_131, %dma_wait3A_132] : memref<5248x128xf32, #tpu.memory_space<vmem_shared>> -> memref<5248x128xf32, #tpu.memory_space<vmem_shared>>
    tpu.wait_indirect_dma semaphore(%arg28 : memref<!tpu.dma_semaphore, #tpu.memory_space<semaphore_mem>>) src(%arg11 : memref<16x128xf32, #tpu.memory_space<vmem>>) dst(%dma_wait3A_133 : memref<5248x128xf32, #tpu.memory_space<vmem_shared>>)
    %dma_start3A_134 = arith.constant 160 : i32
    %dma_start3A_135 = tpu.memref_slice %arg7[%dma_start3A_134] : memref<10240xi32, #tpu.memory_space<vmem>> -> memref<16xi32, #tpu.memory_space<vmem>>
    %dma_start3A_136 = arith.constant 0 : i32
    %dma_start3A_137 = arith.constant 0 : i32
    %dma_start3A_138 = tpu.memref_slice %arg2[%dma_start3A_136, %dma_start3A_137] : memref<10000x128xf32, #tpu.memory_space<hbm>> -> memref<10000x128xf32, #tpu.memory_space<hbm>>
    tpu.enqueue_indirect_dma source(%dma_start3A_138 : memref<10000x128xf32, #tpu.memory_space<hbm>>) target(%arg11 : memref<16x128xf32, #tpu.memory_space<vmem>>) offsets(%dma_start3A_135 : memref<16xi32, #tpu.memory_space<vmem>>) semaphore(%arg20 : memref<!tpu.dma_semaphore, #tpu.memory_space<semaphore_mem>>)
    %dma_wait3A_139 = arith.constant 112 : i32
    %dma_wait3A_140 = tpu.memref_slice %arg7[%dma_wait3A_139] : memref<10240xi32, #tpu.memory_space<vmem>> -> memref<16xi32, #tpu.memory_space<vmem>>
    %dma_wait3A_141 = arith.constant 0 : i32
    %dma_wait3A_142 = arith.constant 0 : i32
    %dma_wait3A_143 = tpu.memref_slice %arg2[%dma_wait3A_141, %dma_wait3A_142] : memref<10000x128xf32, #tpu.memory_space<hbm>> -> memref<10000x128xf32, #tpu.memory_space<hbm>>
    tpu.wait_indirect_dma semaphore(%arg25 : memref<!tpu.dma_semaphore, #tpu.memory_space<semaphore_mem>>) src(%dma_wait3A_143 : memref<10000x128xf32, #tpu.memory_space<hbm>>) dst(%arg16 : memref<16x128xf32, #tpu.memory_space<vmem>>)
    %dma_start3A_144 = arith.constant 112 : i32
    %dma_start3A_145 = tpu.memref_slice %arg8[%dma_start3A_144] : memref<10240xi32, #tpu.memory_space<vmem>> -> memref<16xi32, #tpu.memory_space<vmem>>
    %dma_start3A_146 = arith.constant 0 : i32
    %dma_start3A_147 = arith.constant 0 : i32
    %dma_start3A_148 = tpu.memref_slice %arg17[%dma_start3A_146, %dma_start3A_147] : memref<5248x128xf32, #tpu.memory_space<vmem_shared>> -> memref<5248x128xf32, #tpu.memory_space<vmem_shared>>
    tpu.enqueue_indirect_dma source(%arg16 : memref<16x128xf32, #tpu.memory_space<vmem>>) target(%dma_start3A_148 : memref<5248x128xf32, #tpu.memory_space<vmem_shared>>) offsets(%dma_start3A_145 : memref<16xi32, #tpu.memory_space<vmem>>) semaphore(%arg33 : memref<!tpu.dma_semaphore, #tpu.memory_space<semaphore_mem>>) {add = true}
    %dma_wait3A_149 = arith.constant 48 : i32
    %dma_wait3A_150 = tpu.memref_slice %arg8[%dma_wait3A_149] : memref<10240xi32, #tpu.memory_space<vmem>> -> memref<16xi32, #tpu.memory_space<vmem>>
    %dma_wait3A_151 = arith.constant 0 : i32
    %dma_wait3A_152 = arith.constant 0 : i32
    %dma_wait3A_153 = tpu.memref_slice %arg17[%dma_wait3A_151, %dma_wait3A_152] : memref<5248x128xf32, #tpu.memory_space<vmem_shared>> -> memref<5248x128xf32, #tpu.memory_space<vmem_shared>>
    tpu.wait_indirect_dma semaphore(%arg29 : memref<!tpu.dma_semaphore, #tpu.memory_space<semaphore_mem>>) src(%arg12 : memref<16x128xf32, #tpu.memory_space<vmem>>) dst(%dma_wait3A_153 : memref<5248x128xf32, #tpu.memory_space<vmem_shared>>)
    %dma_start3A_154 = arith.constant 176 : i32
    %dma_start3A_155 = tpu.memref_slice %arg7[%dma_start3A_154] : memref<10240xi32, #tpu.memory_space<vmem>> -> memref<16xi32, #tpu.memory_space<vmem>>
    %dma_start3A_156 = arith.constant 0 : i32
    %dma_start3A_157 = arith.constant 0 : i32
    %dma_start3A_158 = tpu.memref_slice %arg2[%dma_start3A_156, %dma_start3A_157] : memref<10000x128xf32, #tpu.memory_space<hbm>> -> memref<10000x128xf32, #tpu.memory_space<hbm>>
    tpu.enqueue_indirect_dma source(%dma_start3A_158 : memref<10000x128xf32, #tpu.memory_space<hbm>>) target(%arg12 : memref<16x128xf32, #tpu.memory_space<vmem>>) offsets(%dma_start3A_155 : memref<16xi32, #tpu.memory_space<vmem>>) semaphore(%arg21 : memref<!tpu.dma_semaphore, #tpu.memory_space<semaphore_mem>>)
    %scan3A = arith.constant 0 : i32
    %scan3A_159 = arith.constant 1 : i32
    %scan3A_160 = arith.constant 79 : i32
    %scan3A_161 = arith.addi %scan3A_159, %scan3A_160 : i32
    %scan3A_162 = arith.constant 1 : i32
    scf.for %scan3A_189 = %scan3A_159 to %scan3A_161 step %scan3A_162  : i32 {
      %mul3A_190 = arith.constant 8 : i32
      %mul3A_191 = arith.muli %mul3A_190, %scan3A_189 : i32
      %add3A = arith.constant 0 : i32
      %add3A_192 = arith.addi %mul3A_191, %add3A : i32
      %mul3A_193 = arith.constant 16 : i32
      %mul3A_194 = arith.muli %add3A_192, %mul3A_193 : i32
      %dma_wait3A_195 = tpu.memref_slice %arg7[%mul3A_194] : memref<10240xi32, #tpu.memory_space<vmem>> -> memref<16xi32, #tpu.memory_space<vmem>>
      %dma_wait3A_196 = arith.constant 0 : i32
      %dma_wait3A_197 = arith.constant 0 : i32
      %dma_wait3A_198 = tpu.memref_slice %arg2[%dma_wait3A_196, %dma_wait3A_197] : memref<10000x128xf32, #tpu.memory_space<hbm>> -> memref<10000x128xf32, #tpu.memory_space<hbm>>
      tpu.wait_indirect_dma semaphore(%arg18 : memref<!tpu.dma_semaphore, #tpu.memory_space<semaphore_mem>>) src(%dma_wait3A_198 : memref<10000x128xf32, #tpu.memory_space<hbm>>) dst(%arg9 : memref<16x128xf32, #tpu.memory_space<vmem>>)
      %mul3A_199 = arith.constant 16 : i32
      %mul3A_200 = arith.muli %add3A_192, %mul3A_199 : i32
      %dma_start3A_201 = tpu.memref_slice %arg8[%mul3A_200] : memref<10240xi32, #tpu.memory_space<vmem>> -> memref<16xi32, #tpu.memory_space<vmem>>
      %dma_start3A_202 = arith.constant 0 : i32
      %dma_start3A_203 = arith.constant 0 : i32
      %dma_start3A_204 = tpu.memref_slice %arg17[%dma_start3A_202, %dma_start3A_203] : memref<5248x128xf32, #tpu.memory_space<vmem_shared>> -> memref<5248x128xf32, #tpu.memory_space<vmem_shared>>
      tpu.enqueue_indirect_dma source(%arg9 : memref<16x128xf32, #tpu.memory_space<vmem>>) target(%dma_start3A_204 : memref<5248x128xf32, #tpu.memory_space<vmem_shared>>) offsets(%dma_start3A_201 : memref<16xi32, #tpu.memory_space<vmem>>) semaphore(%arg26 : memref<!tpu.dma_semaphore, #tpu.memory_space<semaphore_mem>>) {add = true}
      %sub3A = arith.constant 4 : i32
      %sub3A_205 = arith.subi %add3A_192, %sub3A : i32
      %mul3A_206 = arith.constant 16 : i32
      %mul3A_207 = arith.muli %sub3A_205, %mul3A_206 : i32
      %dma_wait3A_208 = tpu.memref_slice %arg8[%mul3A_207] : memref<10240xi32, #tpu.memory_space<vmem>> -> memref<16xi32, #tpu.memory_space<vmem>>
      %dma_wait3A_209 = arith.constant 0 : i32
      %dma_wait3A_210 = arith.constant 0 : i32
      %dma_wait3A_211 = tpu.memref_slice %arg17[%dma_wait3A_209, %dma_wait3A_210] : memref<5248x128xf32, #tpu.memory_space<vmem_shared>> -> memref<5248x128xf32, #tpu.memory_space<vmem_shared>>
      tpu.wait_indirect_dma semaphore(%arg30 : memref<!tpu.dma_semaphore, #tpu.memory_space<semaphore_mem>>) src(%arg13 : memref<16x128xf32, #tpu.memory_space<vmem>>) dst(%dma_wait3A_211 : memref<5248x128xf32, #tpu.memory_space<vmem_shared>>)
      %add3A_212 = arith.constant 4 : i32
      %add3A_213 = arith.addi %add3A_192, %add3A_212 : i32
      %lt3A = arith.constant 640 : i32
      %lt3A_214 = arith.cmpi slt, %add3A_213, %lt3A : i32
      %convert_element_type3A = arith.extui %lt3A_214 : i1 to i32
      %cond3A = arith.constant 0 : i32
      %cond3A_215 = arith.cmpi ne, %convert_element_type3A, %cond3A : i32
      scf.if %cond3A_215 {
        %add3A_433 = arith.constant 4 : i32
        %add3A_434 = arith.addi %add3A_192, %add3A_433 : i32
        %mul3A_435 = arith.constant 16 : i32
        %mul3A_436 = arith.muli %add3A_434, %mul3A_435 : i32
        %dma_start3A_437 = tpu.memref_slice %arg7[%mul3A_436] : memref<10240xi32, #tpu.memory_space<vmem>> -> memref<16xi32, #tpu.memory_space<vmem>>
        %dma_start3A_438 = arith.constant 0 : i32
        %dma_start3A_439 = arith.constant 0 : i32
        %dma_start3A_440 = tpu.memref_slice %arg2[%dma_start3A_438, %dma_start3A_439] : memref<10000x128xf32, #tpu.memory_space<hbm>> -> memref<10000x128xf32, #tpu.memory_space<hbm>>
        tpu.enqueue_indirect_dma source(%dma_start3A_440 : memref<10000x128xf32, #tpu.memory_space<hbm>>) target(%arg13 : memref<16x128xf32, #tpu.memory_space<vmem>>) offsets(%dma_start3A_437 : memref<16xi32, #tpu.memory_space<vmem>>) semaphore(%arg22 : memref<!tpu.dma_semaphore, #tpu.memory_space<semaphore_mem>>)
      } else {
      }
      %mul3A_216 = arith.constant 8 : i32
      %mul3A_217 = arith.muli %mul3A_216, %scan3A_189 : i32
      %add3A_218 = arith.constant 1 : i32
      %add3A_219 = arith.addi %mul3A_217, %add3A_218 : i32
      %mul3A_220 = arith.constant 16 : i32
      %mul3A_221 = arith.muli %add3A_219, %mul3A_220 : i32
      %dma_wait3A_222 = tpu.memref_slice %arg7[%mul3A_221] : memref<10240xi32, #tpu.memory_space<vmem>> -> memref<16xi32, #tpu.memory_space<vmem>>
      %dma_wait3A_223 = arith.constant 0 : i32
      %dma_wait3A_224 = arith.constant 0 : i32
      %dma_wait3A_225 = tpu.memref_slice %arg2[%dma_wait3A_223, %dma_wait3A_224] : memref<10000x128xf32, #tpu.memory_space<hbm>> -> memref<10000x128xf32, #tpu.memory_space<hbm>>
      tpu.wait_indirect_dma semaphore(%arg19 : memref<!tpu.dma_semaphore, #tpu.memory_space<semaphore_mem>>) src(%dma_wait3A_225 : memref<10000x128xf32, #tpu.memory_space<hbm>>) dst(%arg10 : memref<16x128xf32, #tpu.memory_space<vmem>>)
      %mul3A_226 = arith.constant 16 : i32
      %mul3A_227 = arith.muli %add3A_219, %mul3A_226 : i32
      %dma_start3A_228 = tpu.memref_slice %arg8[%mul3A_227] : memref<10240xi32, #tpu.memory_space<vmem>> -> memref<16xi32, #tpu.memory_space<vmem>>
      %dma_start3A_229 = arith.constant 0 : i32
      %dma_start3A_230 = arith.constant 0 : i32
      %dma_start3A_231 = tpu.memref_slice %arg17[%dma_start3A_229, %dma_start3A_230] : memref<5248x128xf32, #tpu.memory_space<vmem_shared>> -> memref<5248x128xf32, #tpu.memory_space<vmem_shared>>
      tpu.enqueue_indirect_dma source(%arg10 : memref<16x128xf32, #tpu.memory_space<vmem>>) target(%dma_start3A_231 : memref<5248x128xf32, #tpu.memory_space<vmem_shared>>) offsets(%dma_start3A_228 : memref<16xi32, #tpu.memory_space<vmem>>) semaphore(%arg27 : memref<!tpu.dma_semaphore, #tpu.memory_space<semaphore_mem>>) {add = true}
      %sub3A_232 = arith.constant 4 : i32
      %sub3A_233 = arith.subi %add3A_219, %sub3A_232 : i32
      %mul3A_234 = arith.constant 16 : i32
      %mul3A_235 = arith.muli %sub3A_233, %mul3A_234 : i32
      %dma_wait3A_236 = tpu.memref_slice %arg8[%mul3A_235] : memref<10240xi32, #tpu.memory_space<vmem>> -> memref<16xi32, #tpu.memory_space<vmem>>
      %dma_wait3A_237 = arith.constant 0 : i32
      %dma_wait3A_238 = arith.constant 0 : i32
      %dma_wait3A_239 = tpu.memref_slice %arg17[%dma_wait3A_237, %dma_wait3A_238] : memref<5248x128xf32, #tpu.memory_space<vmem_shared>> -> memref<5248x128xf32, #tpu.memory_space<vmem_shared>>
      tpu.wait_indirect_dma semaphore(%arg31 : memref<!tpu.dma_semaphore, #tpu.memory_space<semaphore_mem>>) src(%arg14 : memref<16x128xf32, #tpu.memory_space<vmem>>) dst(%dma_wait3A_239 : memref<5248x128xf32, #tpu.memory_space<vmem_shared>>)
      %add3A_240 = arith.constant 4 : i32
      %add3A_241 = arith.addi %add3A_219, %add3A_240 : i32
      %lt3A_242 = arith.constant 640 : i32
      %lt3A_243 = arith.cmpi slt, %add3A_241, %lt3A_242 : i32
      %convert_element_type3A_244 = arith.extui %lt3A_243 : i1 to i32
      %cond3A_245 = arith.constant 0 : i32
      %cond3A_246 = arith.cmpi ne, %convert_element_type3A_244, %cond3A_245 : i32
      scf.if %cond3A_246 {
        %add3A_433 = arith.constant 4 : i32
        %add3A_434 = arith.addi %add3A_219, %add3A_433 : i32
        %mul3A_435 = arith.constant 16 : i32
        %mul3A_436 = arith.muli %add3A_434, %mul3A_435 : i32
        %dma_start3A_437 = tpu.memref_slice %arg7[%mul3A_436] : memref<10240xi32, #tpu.memory_space<vmem>> -> memref<16xi32, #tpu.memory_space<vmem>>
        %dma_start3A_438 = arith.constant 0 : i32
        %dma_start3A_439 = arith.constant 0 : i32
        %dma_start3A_440 = tpu.memref_slice %arg2[%dma_start3A_438, %dma_start3A_439] : memref<10000x128xf32, #tpu.memory_space<hbm>> -> memref<10000x128xf32, #tpu.memory_space<hbm>>
        tpu.enqueue_indirect_dma source(%dma_start3A_440 : memref<10000x128xf32, #tpu.memory_space<hbm>>) target(%arg14 : memref<16x128xf32, #tpu.memory_space<vmem>>) offsets(%dma_start3A_437 : memref<16xi32, #tpu.memory_space<vmem>>) semaphore(%arg23 : memref<!tpu.dma_semaphore, #tpu.memory_space<semaphore_mem>>)
      } else {
      }
      %mul3A_247 = arith.constant 8 : i32
      %mul3A_248 = arith.muli %mul3A_247, %scan3A_189 : i32
      %add3A_249 = arith.constant 2 : i32
      %add3A_250 = arith.addi %mul3A_248, %add3A_249 : i32
      %mul3A_251 = arith.constant 16 : i32
      %mul3A_252 = arith.muli %add3A_250, %mul3A_251 : i32
      %dma_wait3A_253 = tpu.memref_slice %arg7[%mul3A_252] : memref<10240xi32, #tpu.memory_space<vmem>> -> memref<16xi32, #tpu.memory_space<vmem>>
      %dma_wait3A_254 = arith.constant 0 : i32
      %dma_wait3A_255 = arith.constant 0 : i32
      %dma_wait3A_256 = tpu.memref_slice %arg2[%dma_wait3A_254, %dma_wait3A_255] : memref<10000x128xf32, #tpu.memory_space<hbm>> -> memref<10000x128xf32, #tpu.memory_space<hbm>>
      tpu.wait_indirect_dma semaphore(%arg20 : memref<!tpu.dma_semaphore, #tpu.memory_space<semaphore_mem>>) src(%dma_wait3A_256 : memref<10000x128xf32, #tpu.memory_space<hbm>>) dst(%arg11 : memref<16x128xf32, #tpu.memory_space<vmem>>)
      %mul3A_257 = arith.constant 16 : i32
      %mul3A_258 = arith.muli %add3A_250, %mul3A_257 : i32
      %dma_start3A_259 = tpu.memref_slice %arg8[%mul3A_258] : memref<10240xi32, #tpu.memory_space<vmem>> -> memref<16xi32, #tpu.memory_space<vmem>>
      %dma_start3A_260 = arith.constant 0 : i32
      %dma_start3A_261 = arith.constant 0 : i32
      %dma_start3A_262 = tpu.memref_slice %arg17[%dma_start3A_260, %dma_start3A_261] : memref<5248x128xf32, #tpu.memory_space<vmem_shared>> -> memref<5248x128xf32, #tpu.memory_space<vmem_shared>>
      tpu.enqueue_indirect_dma source(%arg11 : memref<16x128xf32, #tpu.memory_space<vmem>>) target(%dma_start3A_262 : memref<5248x128xf32, #tpu.memory_space<vmem_shared>>) offsets(%dma_start3A_259 : memref<16xi32, #tpu.memory_space<vmem>>) semaphore(%arg28 : memref<!tpu.dma_semaphore, #tpu.memory_space<semaphore_mem>>) {add = true}
      %sub3A_263 = arith.constant 4 : i32
      %sub3A_264 = arith.subi %add3A_250, %sub3A_263 : i32
      %mul3A_265 = arith.constant 16 : i32
      %mul3A_266 = arith.muli %sub3A_264, %mul3A_265 : i32
      %dma_wait3A_267 = tpu.memref_slice %arg8[%mul3A_266] : memref<10240xi32, #tpu.memory_space<vmem>> -> memref<16xi32, #tpu.memory_space<vmem>>
      %dma_wait3A_268 = arith.constant 0 : i32
      %dma_wait3A_269 = arith.constant 0 : i32
      %dma_wait3A_270 = tpu.memref_slice %arg17[%dma_wait3A_268, %dma_wait3A_269] : memref<5248x128xf32, #tpu.memory_space<vmem_shared>> -> memref<5248x128xf32, #tpu.memory_space<vmem_shared>>
      tpu.wait_indirect_dma semaphore(%arg32 : memref<!tpu.dma_semaphore, #tpu.memory_space<semaphore_mem>>) src(%arg15 : memref<16x128xf32, #tpu.memory_space<vmem>>) dst(%dma_wait3A_270 : memref<5248x128xf32, #tpu.memory_space<vmem_shared>>)
      %add3A_271 = arith.constant 4 : i32
      %add3A_272 = arith.addi %add3A_250, %add3A_271 : i32
      %lt3A_273 = arith.constant 640 : i32
      %lt3A_274 = arith.cmpi slt, %add3A_272, %lt3A_273 : i32
      %convert_element_type3A_275 = arith.extui %lt3A_274 : i1 to i32
      %cond3A_276 = arith.constant 0 : i32
      %cond3A_277 = arith.cmpi ne, %convert_element_type3A_275, %cond3A_276 : i32
      scf.if %cond3A_277 {
        %add3A_433 = arith.constant 4 : i32
        %add3A_434 = arith.addi %add3A_250, %add3A_433 : i32
        %mul3A_435 = arith.constant 16 : i32
        %mul3A_436 = arith.muli %add3A_434, %mul3A_435 : i32
        %dma_start3A_437 = tpu.memref_slice %arg7[%mul3A_436] : memref<10240xi32, #tpu.memory_space<vmem>> -> memref<16xi32, #tpu.memory_space<vmem>>
        %dma_start3A_438 = arith.constant 0 : i32
        %dma_start3A_439 = arith.constant 0 : i32
        %dma_start3A_440 = tpu.memref_slice %arg2[%dma_start3A_438, %dma_start3A_439] : memref<10000x128xf32, #tpu.memory_space<hbm>> -> memref<10000x128xf32, #tpu.memory_space<hbm>>
        tpu.enqueue_indirect_dma source(%dma_start3A_440 : memref<10000x128xf32, #tpu.memory_space<hbm>>) target(%arg15 : memref<16x128xf32, #tpu.memory_space<vmem>>) offsets(%dma_start3A_437 : memref<16xi32, #tpu.memory_space<vmem>>) semaphore(%arg24 : memref<!tpu.dma_semaphore, #tpu.memory_space<semaphore_mem>>)
      } else {
      }
      %mul3A_278 = arith.constant 8 : i32
      %mul3A_279 = arith.muli %mul3A_278, %scan3A_189 : i32
      %add3A_280 = arith.constant 3 : i32
      %add3A_281 = arith.addi %mul3A_279, %add3A_280 : i32
      %mul3A_282 = arith.constant 16 : i32
      %mul3A_283 = arith.muli %add3A_281, %mul3A_282 : i32
      %dma_wait3A_284 = tpu.memref_slice %arg7[%mul3A_283] : memref<10240xi32, #tpu.memory_space<vmem>> -> memref<16xi32, #tpu.memory_space<vmem>>
      %dma_wait3A_285 = arith.constant 0 : i32
      %dma_wait3A_286 = arith.constant 0 : i32
      %dma_wait3A_287 = tpu.memref_slice %arg2[%dma_wait3A_285, %dma_wait3A_286] : memref<10000x128xf32, #tpu.memory_space<hbm>> -> memref<10000x128xf32, #tpu.memory_space<hbm>>
      tpu.wait_indirect_dma semaphore(%arg21 : memref<!tpu.dma_semaphore, #tpu.memory_space<semaphore_mem>>) src(%dma_wait3A_287 : memref<10000x128xf32, #tpu.memory_space<hbm>>) dst(%arg12 : memref<16x128xf32, #tpu.memory_space<vmem>>)
      %mul3A_288 = arith.constant 16 : i32
      %mul3A_289 = arith.muli %add3A_281, %mul3A_288 : i32
      %dma_start3A_290 = tpu.memref_slice %arg8[%mul3A_289] : memref<10240xi32, #tpu.memory_space<vmem>> -> memref<16xi32, #tpu.memory_space<vmem>>
      %dma_start3A_291 = arith.constant 0 : i32
      %dma_start3A_292 = arith.constant 0 : i32
      %dma_start3A_293 = tpu.memref_slice %arg17[%dma_start3A_291, %dma_start3A_292] : memref<5248x128xf32, #tpu.memory_space<vmem_shared>> -> memref<5248x128xf32, #tpu.memory_space<vmem_shared>>
      tpu.enqueue_indirect_dma source(%arg12 : memref<16x128xf32, #tpu.memory_space<vmem>>) target(%dma_start3A_293 : memref<5248x128xf32, #tpu.memory_space<vmem_shared>>) offsets(%dma_start3A_290 : memref<16xi32, #tpu.memory_space<vmem>>) semaphore(%arg29 : memref<!tpu.dma_semaphore, #tpu.memory_space<semaphore_mem>>) {add = true}
      %sub3A_294 = arith.constant 4 : i32
      %sub3A_295 = arith.subi %add3A_281, %sub3A_294 : i32
      %mul3A_296 = arith.constant 16 : i32
      %mul3A_297 = arith.muli %sub3A_295, %mul3A_296 : i32
      %dma_wait3A_298 = tpu.memref_slice %arg8[%mul3A_297] : memref<10240xi32, #tpu.memory_space<vmem>> -> memref<16xi32, #tpu.memory_space<vmem>>
      %dma_wait3A_299 = arith.constant 0 : i32
      %dma_wait3A_300 = arith.constant 0 : i32
      %dma_wait3A_301 = tpu.memref_slice %arg17[%dma_wait3A_299, %dma_wait3A_300] : memref<5248x128xf32, #tpu.memory_space<vmem_shared>> -> memref<5248x128xf32, #tpu.memory_space<vmem_shared>>
      tpu.wait_indirect_dma semaphore(%arg33 : memref<!tpu.dma_semaphore, #tpu.memory_space<semaphore_mem>>) src(%arg16 : memref<16x128xf32, #tpu.memory_space<vmem>>) dst(%dma_wait3A_301 : memref<5248x128xf32, #tpu.memory_space<vmem_shared>>)
      %add3A_302 = arith.constant 4 : i32
      %add3A_303 = arith.addi %add3A_281, %add3A_302 : i32
      %lt3A_304 = arith.constant 640 : i32
      %lt3A_305 = arith.cmpi slt, %add3A_303, %lt3A_304 : i32
      %convert_element_type3A_306 = arith.extui %lt3A_305 : i1 to i32
      %cond3A_307 = arith.constant 0 : i32
      %cond3A_308 = arith.cmpi ne, %convert_element_type3A_306, %cond3A_307 : i32
      scf.if %cond3A_308 {
        %add3A_433 = arith.constant 4 : i32
        %add3A_434 = arith.addi %add3A_281, %add3A_433 : i32
        %mul3A_435 = arith.constant 16 : i32
        %mul3A_436 = arith.muli %add3A_434, %mul3A_435 : i32
        %dma_start3A_437 = tpu.memref_slice %arg7[%mul3A_436] : memref<10240xi32, #tpu.memory_space<vmem>> -> memref<16xi32, #tpu.memory_space<vmem>>
        %dma_start3A_438 = arith.constant 0 : i32
        %dma_start3A_439 = arith.constant 0 : i32
        %dma_start3A_440 = tpu.memref_slice %arg2[%dma_start3A_438, %dma_start3A_439] : memref<10000x128xf32, #tpu.memory_space<hbm>> -> memref<10000x128xf32, #tpu.memory_space<hbm>>
        tpu.enqueue_indirect_dma source(%dma_start3A_440 : memref<10000x128xf32, #tpu.memory_space<hbm>>) target(%arg16 : memref<16x128xf32, #tpu.memory_space<vmem>>) offsets(%dma_start3A_437 : memref<16xi32, #tpu.memory_space<vmem>>) semaphore(%arg25 : memref<!tpu.dma_semaphore, #tpu.memory_space<semaphore_mem>>)
      } else {
      }
      %mul3A_309 = arith.constant 8 : i32
      %mul3A_310 = arith.muli %mul3A_309, %scan3A_189 : i32
      %add3A_311 = arith.constant 4 : i32
      %add3A_312 = arith.addi %mul3A_310, %add3A_311 : i32
      %mul3A_313 = arith.constant 16 : i32
      %mul3A_314 = arith.muli %add3A_312, %mul3A_313 : i32
      %dma_wait3A_315 = tpu.memref_slice %arg7[%mul3A_314] : memref<10240xi32, #tpu.memory_space<vmem>> -> memref<16xi32, #tpu.memory_space<vmem>>
      %dma_wait3A_316 = arith.constant 0 : i32
      %dma_wait3A_317 = arith.constant 0 : i32
      %dma_wait3A_318 = tpu.memref_slice %arg2[%dma_wait3A_316, %dma_wait3A_317] : memref<10000x128xf32, #tpu.memory_space<hbm>> -> memref<10000x128xf32, #tpu.memory_space<hbm>>
      tpu.wait_indirect_dma semaphore(%arg22 : memref<!tpu.dma_semaphore, #tpu.memory_space<semaphore_mem>>) src(%dma_wait3A_318 : memref<10000x128xf32, #tpu.memory_space<hbm>>) dst(%arg13 : memref<16x128xf32, #tpu.memory_space<vmem>>)
      %mul3A_319 = arith.constant 16 : i32
      %mul3A_320 = arith.muli %add3A_312, %mul3A_319 : i32
      %dma_start3A_321 = tpu.memref_slice %arg8[%mul3A_320] : memref<10240xi32, #tpu.memory_space<vmem>> -> memref<16xi32, #tpu.memory_space<vmem>>
      %dma_start3A_322 = arith.constant 0 : i32
      %dma_start3A_323 = arith.constant 0 : i32
      %dma_start3A_324 = tpu.memref_slice %arg17[%dma_start3A_322, %dma_start3A_323] : memref<5248x128xf32, #tpu.memory_space<vmem_shared>> -> memref<5248x128xf32, #tpu.memory_space<vmem_shared>>
      tpu.enqueue_indirect_dma source(%arg13 : memref<16x128xf32, #tpu.memory_space<vmem>>) target(%dma_start3A_324 : memref<5248x128xf32, #tpu.memory_space<vmem_shared>>) offsets(%dma_start3A_321 : memref<16xi32, #tpu.memory_space<vmem>>) semaphore(%arg30 : memref<!tpu.dma_semaphore, #tpu.memory_space<semaphore_mem>>) {add = true}
      %sub3A_325 = arith.constant 4 : i32
      %sub3A_326 = arith.subi %add3A_312, %sub3A_325 : i32
      %mul3A_327 = arith.constant 16 : i32
      %mul3A_328 = arith.muli %sub3A_326, %mul3A_327 : i32
      %dma_wait3A_329 = tpu.memref_slice %arg8[%mul3A_328] : memref<10240xi32, #tpu.memory_space<vmem>> -> memref<16xi32, #tpu.memory_space<vmem>>
      %dma_wait3A_330 = arith.constant 0 : i32
      %dma_wait3A_331 = arith.constant 0 : i32
      %dma_wait3A_332 = tpu.memref_slice %arg17[%dma_wait3A_330, %dma_wait3A_331] : memref<5248x128xf32, #tpu.memory_space<vmem_shared>> -> memref<5248x128xf32, #tpu.memory_space<vmem_shared>>
      tpu.wait_indirect_dma semaphore(%arg26 : memref<!tpu.dma_semaphore, #tpu.memory_space<semaphore_mem>>) src(%arg9 : memref<16x128xf32, #tpu.memory_space<vmem>>) dst(%dma_wait3A_332 : memref<5248x128xf32, #tpu.memory_space<vmem_shared>>)
      %add3A_333 = arith.constant 4 : i32
      %add3A_334 = arith.addi %add3A_312, %add3A_333 : i32
      %lt3A_335 = arith.constant 640 : i32
      %lt3A_336 = arith.cmpi slt, %add3A_334, %lt3A_335 : i32
      %convert_element_type3A_337 = arith.extui %lt3A_336 : i1 to i32
      %cond3A_338 = arith.constant 0 : i32
      %cond3A_339 = arith.cmpi ne, %convert_element_type3A_337, %cond3A_338 : i32
      scf.if %cond3A_339 {
        %add3A_433 = arith.constant 4 : i32
        %add3A_434 = arith.addi %add3A_312, %add3A_433 : i32
        %mul3A_435 = arith.constant 16 : i32
        %mul3A_436 = arith.muli %add3A_434, %mul3A_435 : i32
        %dma_start3A_437 = tpu.memref_slice %arg7[%mul3A_436] : memref<10240xi32, #tpu.memory_space<vmem>> -> memref<16xi32, #tpu.memory_space<vmem>>
        %dma_start3A_438 = arith.constant 0 : i32
        %dma_start3A_439 = arith.constant 0 : i32
        %dma_start3A_440 = tpu.memref_slice %arg2[%dma_start3A_438, %dma_start3A_439] : memref<10000x128xf32, #tpu.memory_space<hbm>> -> memref<10000x128xf32, #tpu.memory_space<hbm>>
        tpu.enqueue_indirect_dma source(%dma_start3A_440 : memref<10000x128xf32, #tpu.memory_space<hbm>>) target(%arg9 : memref<16x128xf32, #tpu.memory_space<vmem>>) offsets(%dma_start3A_437 : memref<16xi32, #tpu.memory_space<vmem>>) semaphore(%arg18 : memref<!tpu.dma_semaphore, #tpu.memory_space<semaphore_mem>>)
      } else {
      }
      %mul3A_340 = arith.constant 8 : i32
      %mul3A_341 = arith.muli %mul3A_340, %scan3A_189 : i32
      %add3A_342 = arith.constant 5 : i32
      %add3A_343 = arith.addi %mul3A_341, %add3A_342 : i32
      %mul3A_344 = arith.constant 16 : i32
      %mul3A_345 = arith.muli %add3A_343, %mul3A_344 : i32
      %dma_wait3A_346 = tpu.memref_slice %arg7[%mul3A_345] : memref<10240xi32, #tpu.memory_space<vmem>> -> memref<16xi32, #tpu.memory_space<vmem>>
      %dma_wait3A_347 = arith.constant 0 : i32
      %dma_wait3A_348 = arith.constant 0 : i32
      %dma_wait3A_349 = tpu.memref_slice %arg2[%dma_wait3A_347, %dma_wait3A_348] : memref<10000x128xf32, #tpu.memory_space<hbm>> -> memref<10000x128xf32, #tpu.memory_space<hbm>>
      tpu.wait_indirect_dma semaphore(%arg23 : memref<!tpu.dma_semaphore, #tpu.memory_space<semaphore_mem>>) src(%dma_wait3A_349 : memref<10000x128xf32, #tpu.memory_space<hbm>>) dst(%arg14 : memref<16x128xf32, #tpu.memory_space<vmem>>)
      %mul3A_350 = arith.constant 16 : i32
      %mul3A_351 = arith.muli %add3A_343, %mul3A_350 : i32
      %dma_start3A_352 = tpu.memref_slice %arg8[%mul3A_351] : memref<10240xi32, #tpu.memory_space<vmem>> -> memref<16xi32, #tpu.memory_space<vmem>>
      %dma_start3A_353 = arith.constant 0 : i32
      %dma_start3A_354 = arith.constant 0 : i32
      %dma_start3A_355 = tpu.memref_slice %arg17[%dma_start3A_353, %dma_start3A_354] : memref<5248x128xf32, #tpu.memory_space<vmem_shared>> -> memref<5248x128xf32, #tpu.memory_space<vmem_shared>>
      tpu.enqueue_indirect_dma source(%arg14 : memref<16x128xf32, #tpu.memory_space<vmem>>) target(%dma_start3A_355 : memref<5248x128xf32, #tpu.memory_space<vmem_shared>>) offsets(%dma_start3A_352 : memref<16xi32, #tpu.memory_space<vmem>>) semaphore(%arg31 : memref<!tpu.dma_semaphore, #tpu.memory_space<semaphore_mem>>) {add = true}
      %sub3A_356 = arith.constant 4 : i32
      %sub3A_357 = arith.subi %add3A_343, %sub3A_356 : i32
      %mul3A_358 = arith.constant 16 : i32
      %mul3A_359 = arith.muli %sub3A_357, %mul3A_358 : i32
      %dma_wait3A_360 = tpu.memref_slice %arg8[%mul3A_359] : memref<10240xi32, #tpu.memory_space<vmem>> -> memref<16xi32, #tpu.memory_space<vmem>>
      %dma_wait3A_361 = arith.constant 0 : i32
      %dma_wait3A_362 = arith.constant 0 : i32
      %dma_wait3A_363 = tpu.memref_slice %arg17[%dma_wait3A_361, %dma_wait3A_362] : memref<5248x128xf32, #tpu.memory_space<vmem_shared>> -> memref<5248x128xf32, #tpu.memory_space<vmem_shared>>
      tpu.wait_indirect_dma semaphore(%arg27 : memref<!tpu.dma_semaphore, #tpu.memory_space<semaphore_mem>>) src(%arg10 : memref<16x128xf32, #tpu.memory_space<vmem>>) dst(%dma_wait3A_363 : memref<5248x128xf32, #tpu.memory_space<vmem_shared>>)
      %add3A_364 = arith.constant 4 : i32
      %add3A_365 = arith.addi %add3A_343, %add3A_364 : i32
      %lt3A_366 = arith.constant 640 : i32
      %lt3A_367 = arith.cmpi slt, %add3A_365, %lt3A_366 : i32
      %convert_element_type3A_368 = arith.extui %lt3A_367 : i1 to i32
      %cond3A_369 = arith.constant 0 : i32
      %cond3A_370 = arith.cmpi ne, %convert_element_type3A_368, %cond3A_369 : i32
      scf.if %cond3A_370 {
        %add3A_433 = arith.constant 4 : i32
        %add3A_434 = arith.addi %add3A_343, %add3A_433 : i32
        %mul3A_435 = arith.constant 16 : i32
        %mul3A_436 = arith.muli %add3A_434, %mul3A_435 : i32
        %dma_start3A_437 = tpu.memref_slice %arg7[%mul3A_436] : memref<10240xi32, #tpu.memory_space<vmem>> -> memref<16xi32, #tpu.memory_space<vmem>>
        %dma_start3A_438 = arith.constant 0 : i32
        %dma_start3A_439 = arith.constant 0 : i32
        %dma_start3A_440 = tpu.memref_slice %arg2[%dma_start3A_438, %dma_start3A_439] : memref<10000x128xf32, #tpu.memory_space<hbm>> -> memref<10000x128xf32, #tpu.memory_space<hbm>>
        tpu.enqueue_indirect_dma source(%dma_start3A_440 : memref<10000x128xf32, #tpu.memory_space<hbm>>) target(%arg10 : memref<16x128xf32, #tpu.memory_space<vmem>>) offsets(%dma_start3A_437 : memref<16xi32, #tpu.memory_space<vmem>>) semaphore(%arg19 : memref<!tpu.dma_semaphore, #tpu.memory_space<semaphore_mem>>)
      } else {
      }
      %mul3A_371 = arith.constant 8 : i32
      %mul3A_372 = arith.muli %mul3A_371, %scan3A_189 : i32
      %add3A_373 = arith.constant 6 : i32
      %add3A_374 = arith.addi %mul3A_372, %add3A_373 : i32
      %mul3A_375 = arith.constant 16 : i32
      %mul3A_376 = arith.muli %add3A_374, %mul3A_375 : i32
      %dma_wait3A_377 = tpu.memref_slice %arg7[%mul3A_376] : memref<10240xi32, #tpu.memory_space<vmem>> -> memref<16xi32, #tpu.memory_space<vmem>>
      %dma_wait3A_378 = arith.constant 0 : i32
      %dma_wait3A_379 = arith.constant 0 : i32
      %dma_wait3A_380 = tpu.memref_slice %arg2[%dma_wait3A_378, %dma_wait3A_379] : memref<10000x128xf32, #tpu.memory_space<hbm>> -> memref<10000x128xf32, #tpu.memory_space<hbm>>
      tpu.wait_indirect_dma semaphore(%arg24 : memref<!tpu.dma_semaphore, #tpu.memory_space<semaphore_mem>>) src(%dma_wait3A_380 : memref<10000x128xf32, #tpu.memory_space<hbm>>) dst(%arg15 : memref<16x128xf32, #tpu.memory_space<vmem>>)
      %mul3A_381 = arith.constant 16 : i32
      %mul3A_382 = arith.muli %add3A_374, %mul3A_381 : i32
      %dma_start3A_383 = tpu.memref_slice %arg8[%mul3A_382] : memref<10240xi32, #tpu.memory_space<vmem>> -> memref<16xi32, #tpu.memory_space<vmem>>
      %dma_start3A_384 = arith.constant 0 : i32
      %dma_start3A_385 = arith.constant 0 : i32
      %dma_start3A_386 = tpu.memref_slice %arg17[%dma_start3A_384, %dma_start3A_385] : memref<5248x128xf32, #tpu.memory_space<vmem_shared>> -> memref<5248x128xf32, #tpu.memory_space<vmem_shared>>
      tpu.enqueue_indirect_dma source(%arg15 : memref<16x128xf32, #tpu.memory_space<vmem>>) target(%dma_start3A_386 : memref<5248x128xf32, #tpu.memory_space<vmem_shared>>) offsets(%dma_start3A_383 : memref<16xi32, #tpu.memory_space<vmem>>) semaphore(%arg32 : memref<!tpu.dma_semaphore, #tpu.memory_space<semaphore_mem>>) {add = true}
      %sub3A_387 = arith.constant 4 : i32
      %sub3A_388 = arith.subi %add3A_374, %sub3A_387 : i32
      %mul3A_389 = arith.constant 16 : i32
      %mul3A_390 = arith.muli %sub3A_388, %mul3A_389 : i32
      %dma_wait3A_391 = tpu.memref_slice %arg8[%mul3A_390] : memref<10240xi32, #tpu.memory_space<vmem>> -> memref<16xi32, #tpu.memory_space<vmem>>
      %dma_wait3A_392 = arith.constant 0 : i32
      %dma_wait3A_393 = arith.constant 0 : i32
      %dma_wait3A_394 = tpu.memref_slice %arg17[%dma_wait3A_392, %dma_wait3A_393] : memref<5248x128xf32, #tpu.memory_space<vmem_shared>> -> memref<5248x128xf32, #tpu.memory_space<vmem_shared>>
      tpu.wait_indirect_dma semaphore(%arg28 : memref<!tpu.dma_semaphore, #tpu.memory_space<semaphore_mem>>) src(%arg11 : memref<16x128xf32, #tpu.memory_space<vmem>>) dst(%dma_wait3A_394 : memref<5248x128xf32, #tpu.memory_space<vmem_shared>>)
      %add3A_395 = arith.constant 4 : i32
      %add3A_396 = arith.addi %add3A_374, %add3A_395 : i32
      %lt3A_397 = arith.constant 640 : i32
      %lt3A_398 = arith.cmpi slt, %add3A_396, %lt3A_397 : i32
      %convert_element_type3A_399 = arith.extui %lt3A_398 : i1 to i32
      %cond3A_400 = arith.constant 0 : i32
      %cond3A_401 = arith.cmpi ne, %convert_element_type3A_399, %cond3A_400 : i32
      scf.if %cond3A_401 {
        %add3A_433 = arith.constant 4 : i32
        %add3A_434 = arith.addi %add3A_374, %add3A_433 : i32
        %mul3A_435 = arith.constant 16 : i32
        %mul3A_436 = arith.muli %add3A_434, %mul3A_435 : i32
        %dma_start3A_437 = tpu.memref_slice %arg7[%mul3A_436] : memref<10240xi32, #tpu.memory_space<vmem>> -> memref<16xi32, #tpu.memory_space<vmem>>
        %dma_start3A_438 = arith.constant 0 : i32
        %dma_start3A_439 = arith.constant 0 : i32
        %dma_start3A_440 = tpu.memref_slice %arg2[%dma_start3A_438, %dma_start3A_439] : memref<10000x128xf32, #tpu.memory_space<hbm>> -> memref<10000x128xf32, #tpu.memory_space<hbm>>
        tpu.enqueue_indirect_dma source(%dma_start3A_440 : memref<10000x128xf32, #tpu.memory_space<hbm>>) target(%arg11 : memref<16x128xf32, #tpu.memory_space<vmem>>) offsets(%dma_start3A_437 : memref<16xi32, #tpu.memory_space<vmem>>) semaphore(%arg20 : memref<!tpu.dma_semaphore, #tpu.memory_space<semaphore_mem>>)
      } else {
      }
      %mul3A_402 = arith.constant 8 : i32
      %mul3A_403 = arith.muli %mul3A_402, %scan3A_189 : i32
      %add3A_404 = arith.constant 7 : i32
      %add3A_405 = arith.addi %mul3A_403, %add3A_404 : i32
      %mul3A_406 = arith.constant 16 : i32
      %mul3A_407 = arith.muli %add3A_405, %mul3A_406 : i32
      %dma_wait3A_408 = tpu.memref_slice %arg7[%mul3A_407] : memref<10240xi32, #tpu.memory_space<vmem>> -> memref<16xi32, #tpu.memory_space<vmem>>
      %dma_wait3A_409 = arith.constant 0 : i32
      %dma_wait3A_410 = arith.constant 0 : i32
      %dma_wait3A_411 = tpu.memref_slice %arg2[%dma_wait3A_409, %dma_wait3A_410] : memref<10000x128xf32, #tpu.memory_space<hbm>> -> memref<10000x128xf32, #tpu.memory_space<hbm>>
      tpu.wait_indirect_dma semaphore(%arg25 : memref<!tpu.dma_semaphore, #tpu.memory_space<semaphore_mem>>) src(%dma_wait3A_411 : memref<10000x128xf32, #tpu.memory_space<hbm>>) dst(%arg16 : memref<16x128xf32, #tpu.memory_space<vmem>>)
      %mul3A_412 = arith.constant 16 : i32
      %mul3A_413 = arith.muli %add3A_405, %mul3A_412 : i32
      %dma_start3A_414 = tpu.memref_slice %arg8[%mul3A_413] : memref<10240xi32, #tpu.memory_space<vmem>> -> memref<16xi32, #tpu.memory_space<vmem>>
      %dma_start3A_415 = arith.constant 0 : i32
      %dma_start3A_416 = arith.constant 0 : i32
      %dma_start3A_417 = tpu.memref_slice %arg17[%dma_start3A_415, %dma_start3A_416] : memref<5248x128xf32, #tpu.memory_space<vmem_shared>> -> memref<5248x128xf32, #tpu.memory_space<vmem_shared>>
      tpu.enqueue_indirect_dma source(%arg16 : memref<16x128xf32, #tpu.memory_space<vmem>>) target(%dma_start3A_417 : memref<5248x128xf32, #tpu.memory_space<vmem_shared>>) offsets(%dma_start3A_414 : memref<16xi32, #tpu.memory_space<vmem>>) semaphore(%arg33 : memref<!tpu.dma_semaphore, #tpu.memory_space<semaphore_mem>>) {add = true}
      %sub3A_418 = arith.constant 4 : i32
      %sub3A_419 = arith.subi %add3A_405, %sub3A_418 : i32
      %mul3A_420 = arith.constant 16 : i32
      %mul3A_421 = arith.muli %sub3A_419, %mul3A_420 : i32
      %dma_wait3A_422 = tpu.memref_slice %arg8[%mul3A_421] : memref<10240xi32, #tpu.memory_space<vmem>> -> memref<16xi32, #tpu.memory_space<vmem>>
      %dma_wait3A_423 = arith.constant 0 : i32
      %dma_wait3A_424 = arith.constant 0 : i32
      %dma_wait3A_425 = tpu.memref_slice %arg17[%dma_wait3A_423, %dma_wait3A_424] : memref<5248x128xf32, #tpu.memory_space<vmem_shared>> -> memref<5248x128xf32, #tpu.memory_space<vmem_shared>>
      tpu.wait_indirect_dma semaphore(%arg29 : memref<!tpu.dma_semaphore, #tpu.memory_space<semaphore_mem>>) src(%arg12 : memref<16x128xf32, #tpu.memory_space<vmem>>) dst(%dma_wait3A_425 : memref<5248x128xf32, #tpu.memory_space<vmem_shared>>)
      %add3A_426 = arith.constant 4 : i32
      %add3A_427 = arith.addi %add3A_405, %add3A_426 : i32
      %lt3A_428 = arith.constant 640 : i32
      %lt3A_429 = arith.cmpi slt, %add3A_427, %lt3A_428 : i32
      %convert_element_type3A_430 = arith.extui %lt3A_429 : i1 to i32
      %cond3A_431 = arith.constant 0 : i32
      %cond3A_432 = arith.cmpi ne, %convert_element_type3A_430, %cond3A_431 : i32
      scf.if %cond3A_432 {
        %add3A_433 = arith.constant 4 : i32
        %add3A_434 = arith.addi %add3A_405, %add3A_433 : i32
        %mul3A_435 = arith.constant 16 : i32
        %mul3A_436 = arith.muli %add3A_434, %mul3A_435 : i32
        %dma_start3A_437 = tpu.memref_slice %arg7[%mul3A_436] : memref<10240xi32, #tpu.memory_space<vmem>> -> memref<16xi32, #tpu.memory_space<vmem>>
        %dma_start3A_438 = arith.constant 0 : i32
        %dma_start3A_439 = arith.constant 0 : i32
        %dma_start3A_440 = tpu.memref_slice %arg2[%dma_start3A_438, %dma_start3A_439] : memref<10000x128xf32, #tpu.memory_space<hbm>> -> memref<10000x128xf32, #tpu.memory_space<hbm>>
        tpu.enqueue_indirect_dma source(%dma_start3A_440 : memref<10000x128xf32, #tpu.memory_space<hbm>>) target(%arg12 : memref<16x128xf32, #tpu.memory_space<vmem>>) offsets(%dma_start3A_437 : memref<16xi32, #tpu.memory_space<vmem>>) semaphore(%arg21 : memref<!tpu.dma_semaphore, #tpu.memory_space<semaphore_mem>>)
      } else {
      }
    }
    %scan3A_163 = arith.constant 79 : i32
    %dma_wait3A_164 = arith.constant 10176 : i32
    %dma_wait3A_165 = tpu.memref_slice %arg8[%dma_wait3A_164] : memref<10240xi32, #tpu.memory_space<vmem>> -> memref<16xi32, #tpu.memory_space<vmem>>
    %dma_wait3A_166 = arith.constant 0 : i32
    %dma_wait3A_167 = arith.constant 0 : i32
    %dma_wait3A_168 = tpu.memref_slice %arg17[%dma_wait3A_166, %dma_wait3A_167] : memref<5248x128xf32, #tpu.memory_space<vmem_shared>> -> memref<5248x128xf32, #tpu.memory_space<vmem_shared>>
    tpu.wait_indirect_dma semaphore(%arg30 : memref<!tpu.dma_semaphore, #tpu.memory_space<semaphore_mem>>) src(%arg13 : memref<16x128xf32, #tpu.memory_space<vmem>>) dst(%dma_wait3A_168 : memref<5248x128xf32, #tpu.memory_space<vmem_shared>>)
    %dma_wait3A_169 = arith.constant 10192 : i32
    %dma_wait3A_170 = tpu.memref_slice %arg8[%dma_wait3A_169] : memref<10240xi32, #tpu.memory_space<vmem>> -> memref<16xi32, #tpu.memory_space<vmem>>
    %dma_wait3A_171 = arith.constant 0 : i32
    %dma_wait3A_172 = arith.constant 0 : i32
    %dma_wait3A_173 = tpu.memref_slice %arg17[%dma_wait3A_171, %dma_wait3A_172] : memref<5248x128xf32, #tpu.memory_space<vmem_shared>> -> memref<5248x128xf32, #tpu.memory_space<vmem_shared>>
    tpu.wait_indirect_dma semaphore(%arg31 : memref<!tpu.dma_semaphore, #tpu.memory_space<semaphore_mem>>) src(%arg14 : memref<16x128xf32, #tpu.memory_space<vmem>>) dst(%dma_wait3A_173 : memref<5248x128xf32, #tpu.memory_space<vmem_shared>>)
    %dma_wait3A_174 = arith.constant 10208 : i32
    %dma_wait3A_175 = tpu.memref_slice %arg8[%dma_wait3A_174] : memref<10240xi32, #tpu.memory_space<vmem>> -> memref<16xi32, #tpu.memory_space<vmem>>
    %dma_wait3A_176 = arith.constant 0 : i32
    %dma_wait3A_177 = arith.constant 0 : i32
    %dma_wait3A_178 = tpu.memref_slice %arg17[%dma_wait3A_176, %dma_wait3A_177] : memref<5248x128xf32, #tpu.memory_space<vmem_shared>> -> memref<5248x128xf32, #tpu.memory_space<vmem_shared>>
    tpu.wait_indirect_dma semaphore(%arg32 : memref<!tpu.dma_semaphore, #tpu.memory_space<semaphore_mem>>) src(%arg15 : memref<16x128xf32, #tpu.memory_space<vmem>>) dst(%dma_wait3A_178 : memref<5248x128xf32, #tpu.memory_space<vmem_shared>>)
    %dma_wait3A_179 = arith.constant 10224 : i32
    %dma_wait3A_180 = tpu.memref_slice %arg8[%dma_wait3A_179] : memref<10240xi32, #tpu.memory_space<vmem>> -> memref<16xi32, #tpu.memory_space<vmem>>
    %dma_wait3A_181 = arith.constant 0 : i32
    %dma_wait3A_182 = arith.constant 0 : i32
    %dma_wait3A_183 = tpu.memref_slice %arg17[%dma_wait3A_181, %dma_wait3A_182] : memref<5248x128xf32, #tpu.memory_space<vmem_shared>> -> memref<5248x128xf32, #tpu.memory_space<vmem_shared>>
    tpu.wait_indirect_dma semaphore(%arg33 : memref<!tpu.dma_semaphore, #tpu.memory_space<semaphore_mem>>) src(%arg16 : memref<16x128xf32, #tpu.memory_space<vmem>>) dst(%dma_wait3A_183 : memref<5248x128xf32, #tpu.memory_space<vmem_shared>>)
    %barrier3A_184 = arith.constant 0 : index
    tpu.barrier barrier_id(%barrier3A_184)
    %mul3A_185 = arith.constant 320 : i32
    %mul3A_186 = arith.muli %arg1, %mul3A_185 : i32
    %mul3A_187 = arith.constant 320 : i32
    %mul3A_188 = arith.muli %arg1, %mul3A_187 : i32
    "tpu.region"() ({
      %run_scoped3A = tpu.sem_alloc : memref<!tpu.dma_semaphore, #tpu.memory_space<semaphore_mem>>
      %dma_start3A_189 = arith.constant 0 : i32
      %dma_start3A_190 = tpu.memref_slice %arg6[%arg0, %mul3A_188, %dma_start3A_189] : memref<2x5120x128xf32, #tpu.memory_space<hbm>> -> memref<1x320x128xf32, #tpu.memory_space<hbm>>
      %dma_start3A_191 = tpu.memref_squeeze %dma_start3A_190 : memref<1x320x128xf32, #tpu.memory_space<hbm>> -> memref<320x128xf32, #tpu.memory_space<hbm>>
      %dma_start3A_192 = arith.constant 0 : i32
      %dma_start3A_193 = tpu.memref_slice %arg17[%mul3A_186, %dma_start3A_192] : memref<5248x128xf32, #tpu.memory_space<vmem_shared>> -> memref<320x128xf32, #tpu.memory_space<vmem_shared>>
      tpu.enqueue_dma source(%dma_start3A_193 : memref<320x128xf32, #tpu.memory_space<vmem_shared>>) target(%dma_start3A_191 : memref<320x128xf32, #tpu.memory_space<hbm>>) target_semaphore(%run_scoped3A : memref<!tpu.dma_semaphore, #tpu.memory_space<semaphore_mem>>)
      %dma_wait3A_194 = arith.constant 0 : i32
      %dma_wait3A_195 = tpu.memref_slice %arg6[%arg0, %mul3A_188, %dma_wait3A_194] : memref<2x5120x128xf32, #tpu.memory_space<hbm>> -> memref<1x320x128xf32, #tpu.memory_space<hbm>>
      %dma_wait3A_196 = tpu.memref_squeeze %dma_wait3A_195 : memref<1x320x128xf32, #tpu.memory_space<hbm>> -> memref<320x128xf32, #tpu.memory_space<hbm>>
      %dma_wait3A_197 = arith.constant 0 : i32
      %dma_wait3A_198 = tpu.memref_slice %arg17[%mul3A_186, %dma_wait3A_197] : memref<5248x128xf32, #tpu.memory_space<vmem_shared>> -> memref<320x128xf32, #tpu.memory_space<vmem_shared>>
      tpu.wait_dma2 semaphore(%run_scoped3A : memref<!tpu.dma_semaphore, #tpu.memory_space<semaphore_mem>>) src(%dma_wait3A_198 : memref<320x128xf32, #tpu.memory_space<vmem_shared>>) dst(%dma_wait3A_196 : memref<320x128xf32, #tpu.memory_space<hbm>>)
      tpu.yield
    }) : () -> ()
    return
  }
}

#map = affine_map<(d0, d1) -> (0, 0)>
#map1 = affine_map<(d0, d1) -> (0, 0, 0)>
module attributes {stable_mosaic.version = 14 : i64} {
  func.func @sc_gcn_scatter(%arg0: i32, %arg1: i32, %arg2: memref<10000x128xf32, #tpu.memory_space<hbm>>, %arg3: memref<2x16x10240xi32, #tpu.memory_space<hbm>>, %arg4: memref<2x16x10240xi32, #tpu.memory_space<hbm>>, %arg5: memref<328x128xf32, #tpu.memory_space<hbm>>, %arg6: memref<2x5120x128xf32, #tpu.memory_space<hbm>>, %arg7: memref<10240xi32, #tpu.memory_space<vmem>>, %arg8: memref<10240xi32, #tpu.memory_space<vmem>>, %arg9: memref<16x128xf32, #tpu.memory_space<vmem>>, %arg10: memref<16x128xf32, #tpu.memory_space<vmem>>, %arg11: memref<16x128xf32, #tpu.memory_space<vmem>>, %arg12: memref<16x128xf32, #tpu.memory_space<vmem>>, %arg13: memref<16x128xf32, #tpu.memory_space<vmem>>, %arg14: memref<16x128xf32, #tpu.memory_space<vmem>>, %arg15: memref<16x128xf32, #tpu.memory_space<vmem>>, %arg16: memref<16x128xf32, #tpu.memory_space<vmem>>, %arg17: memref<5248x128xf32, #tpu.memory_space<vmem_shared>>, %arg18: memref<!tpu.dma_semaphore, #tpu.memory_space<semaphore_mem>>, %arg19: memref<!tpu.dma_semaphore, #tpu.memory_space<semaphore_mem>>, %arg20: memref<!tpu.dma_semaphore, #tpu.memory_space<semaphore_mem>>, %arg21: memref<!tpu.dma_semaphore, #tpu.memory_space<semaphore_mem>>, %arg22: memref<!tpu.dma_semaphore, #tpu.memory_space<semaphore_mem>>, %arg23: memref<!tpu.dma_semaphore, #tpu.memory_space<semaphore_mem>>, %arg24: memref<!tpu.dma_semaphore, #tpu.memory_space<semaphore_mem>>, %arg25: memref<!tpu.dma_semaphore, #tpu.memory_space<semaphore_mem>>, %arg26: memref<!tpu.dma_semaphore, #tpu.memory_space<semaphore_mem>>, %arg27: memref<!tpu.dma_semaphore, #tpu.memory_space<semaphore_mem>>, %arg28: memref<!tpu.dma_semaphore, #tpu.memory_space<semaphore_mem>>, %arg29: memref<!tpu.dma_semaphore, #tpu.memory_space<semaphore_mem>>, %arg30: memref<!tpu.dma_semaphore, #tpu.memory_space<semaphore_mem>>, %arg31: memref<!tpu.dma_semaphore, #tpu.memory_space<semaphore_mem>>, %arg32: memref<!tpu.dma_semaphore, #tpu.memory_space<semaphore_mem>>, %arg33: memref<!tpu.dma_semaphore, #tpu.memory_space<semaphore_mem>>) attributes {dimension_semantics = [#tpu.dimension_semantics<core_parallel>, #tpu.dimension_semantics<subcore_parallel>], iteration_bounds = array<i64: 2, 16>, scalar_prefetch = 0 : i64, scratch_operands = 27 : i64, tpu.core_type = #tpu.core_type<sc_vector_subcore>, window_params = [{transform_indices = #map}, {transform_indices = #map1}, {transform_indices = #map1}, {transform_indices = #map}, {transform_indices = #map1}]} {
    "tpu.region"() ({
      %run_scoped3A = tpu.sem_alloc : memref<!tpu.dma_semaphore, #tpu.memory_space<semaphore_mem>>
      %dma_start3A_189 = arith.constant 0 : i32
      %dma_start3A_190 = tpu.memref_slice %arg3[%arg0, %arg1, %dma_start3A_189] : memref<2x16x10240xi32, #tpu.memory_space<hbm>> -> memref<1x1x10240xi32, #tpu.memory_space<hbm>>
      %dma_start3A_191 = tpu.memref_squeeze %dma_start3A_190 : memref<1x1x10240xi32, #tpu.memory_space<hbm>> -> memref<10240xi32, #tpu.memory_space<hbm>>
      %dma_start3A_192 = arith.constant 0 : i32
      %dma_start3A_193 = tpu.memref_slice %arg3[%arg0, %arg1, %dma_start3A_192] : memref<2x16x10240xi32, #tpu.memory_space<hbm>> -> memref<1x1x10240xi32, #tpu.memory_space<hbm>>
      %dma_start3A_194 = tpu.memref_squeeze %dma_start3A_193 : memref<1x1x10240xi32, #tpu.memory_space<hbm>> -> memref<10240xi32, #tpu.memory_space<hbm>>
      tpu.enqueue_dma source(%dma_start3A_194 : memref<10240xi32, #tpu.memory_space<hbm>>) target(%arg7 : memref<10240xi32, #tpu.memory_space<vmem>>) target_semaphore(%run_scoped3A : memref<!tpu.dma_semaphore, #tpu.memory_space<semaphore_mem>>)
      %dma_wait3A_195 = arith.constant 0 : i32
      %dma_wait3A_196 = tpu.memref_slice %arg3[%arg0, %arg1, %dma_wait3A_195] : memref<2x16x10240xi32, #tpu.memory_space<hbm>> -> memref<1x1x10240xi32, #tpu.memory_space<hbm>>
      %dma_wait3A_197 = tpu.memref_squeeze %dma_wait3A_196 : memref<1x1x10240xi32, #tpu.memory_space<hbm>> -> memref<10240xi32, #tpu.memory_space<hbm>>
      %dma_wait3A_198 = arith.constant 0 : i32
      %dma_wait3A_199 = tpu.memref_slice %arg3[%arg0, %arg1, %dma_wait3A_198] : memref<2x16x10240xi32, #tpu.memory_space<hbm>> -> memref<1x1x10240xi32, #tpu.memory_space<hbm>>
      %dma_wait3A_200 = tpu.memref_squeeze %dma_wait3A_199 : memref<1x1x10240xi32, #tpu.memory_space<hbm>> -> memref<10240xi32, #tpu.memory_space<hbm>>
      tpu.wait_dma2 semaphore(%run_scoped3A : memref<!tpu.dma_semaphore, #tpu.memory_space<semaphore_mem>>) src(%dma_wait3A_200 : memref<10240xi32, #tpu.memory_space<hbm>>) dst(%arg7 : memref<10240xi32, #tpu.memory_space<vmem>>)
      tpu.yield
    }) : () -> ()
    "tpu.region"() ({
      %run_scoped3A = tpu.sem_alloc : memref<!tpu.dma_semaphore, #tpu.memory_space<semaphore_mem>>
      %dma_start3A_189 = arith.constant 0 : i32
      %dma_start3A_190 = tpu.memref_slice %arg4[%arg0, %arg1, %dma_start3A_189] : memref<2x16x10240xi32, #tpu.memory_space<hbm>> -> memref<1x1x10240xi32, #tpu.memory_space<hbm>>
      %dma_start3A_191 = tpu.memref_squeeze %dma_start3A_190 : memref<1x1x10240xi32, #tpu.memory_space<hbm>> -> memref<10240xi32, #tpu.memory_space<hbm>>
      %dma_start3A_192 = arith.constant 0 : i32
      %dma_start3A_193 = tpu.memref_slice %arg4[%arg0, %arg1, %dma_start3A_192] : memref<2x16x10240xi32, #tpu.memory_space<hbm>> -> memref<1x1x10240xi32, #tpu.memory_space<hbm>>
      %dma_start3A_194 = tpu.memref_squeeze %dma_start3A_193 : memref<1x1x10240xi32, #tpu.memory_space<hbm>> -> memref<10240xi32, #tpu.memory_space<hbm>>
      tpu.enqueue_dma source(%dma_start3A_194 : memref<10240xi32, #tpu.memory_space<hbm>>) target(%arg8 : memref<10240xi32, #tpu.memory_space<vmem>>) target_semaphore(%run_scoped3A : memref<!tpu.dma_semaphore, #tpu.memory_space<semaphore_mem>>)
      %dma_wait3A_195 = arith.constant 0 : i32
      %dma_wait3A_196 = tpu.memref_slice %arg4[%arg0, %arg1, %dma_wait3A_195] : memref<2x16x10240xi32, #tpu.memory_space<hbm>> -> memref<1x1x10240xi32, #tpu.memory_space<hbm>>
      %dma_wait3A_197 = tpu.memref_squeeze %dma_wait3A_196 : memref<1x1x10240xi32, #tpu.memory_space<hbm>> -> memref<10240xi32, #tpu.memory_space<hbm>>
      %dma_wait3A_198 = arith.constant 0 : i32
      %dma_wait3A_199 = tpu.memref_slice %arg4[%arg0, %arg1, %dma_wait3A_198] : memref<2x16x10240xi32, #tpu.memory_space<hbm>> -> memref<1x1x10240xi32, #tpu.memory_space<hbm>>
      %dma_wait3A_200 = tpu.memref_squeeze %dma_wait3A_199 : memref<1x1x10240xi32, #tpu.memory_space<hbm>> -> memref<10240xi32, #tpu.memory_space<hbm>>
      tpu.wait_dma2 semaphore(%run_scoped3A : memref<!tpu.dma_semaphore, #tpu.memory_space<semaphore_mem>>) src(%dma_wait3A_200 : memref<10240xi32, #tpu.memory_space<hbm>>) dst(%arg8 : memref<10240xi32, #tpu.memory_space<vmem>>)
      tpu.yield
    }) : () -> ()
    %mul3A = arith.constant 328 : i32
    %mul3A_0 = arith.muli %arg1, %mul3A : i32
    "tpu.region"() ({
      %run_scoped3A = tpu.sem_alloc : memref<!tpu.dma_semaphore, #tpu.memory_space<semaphore_mem>>
      %dma_start3A_189 = arith.constant 0 : i32
      %dma_start3A_190 = tpu.memref_slice %arg17[%mul3A_0, %dma_start3A_189] : memref<5248x128xf32, #tpu.memory_space<vmem_shared>> -> memref<328x128xf32, #tpu.memory_space<vmem_shared>>
      tpu.enqueue_dma source(%arg5 : memref<328x128xf32, #tpu.memory_space<hbm>>) target(%dma_start3A_190 : memref<328x128xf32, #tpu.memory_space<vmem_shared>>) target_semaphore(%run_scoped3A : memref<!tpu.dma_semaphore, #tpu.memory_space<semaphore_mem>>)
      %dma_wait3A_191 = arith.constant 0 : i32
      %dma_wait3A_192 = tpu.memref_slice %arg17[%mul3A_0, %dma_wait3A_191] : memref<5248x128xf32, #tpu.memory_space<vmem_shared>> -> memref<328x128xf32, #tpu.memory_space<vmem_shared>>
      tpu.wait_dma2 semaphore(%run_scoped3A : memref<!tpu.dma_semaphore, #tpu.memory_space<semaphore_mem>>) src(%arg5 : memref<328x128xf32, #tpu.memory_space<hbm>>) dst(%dma_wait3A_192 : memref<328x128xf32, #tpu.memory_space<vmem_shared>>)
      tpu.yield
    }) : () -> ()
    %barrier3A = arith.constant 0 : index
    tpu.barrier barrier_id(%barrier3A)
    %dma_start3A = arith.constant 0 : i32
    %dma_start3A_1 = tpu.memref_slice %arg7[%dma_start3A] : memref<10240xi32, #tpu.memory_space<vmem>> -> memref<16xi32, #tpu.memory_space<vmem>>
    %dma_start3A_2 = arith.constant 0 : i32
    %dma_start3A_3 = arith.constant 0 : i32
    %dma_start3A_4 = tpu.memref_slice %arg2[%dma_start3A_2, %dma_start3A_3] : memref<10000x128xf32, #tpu.memory_space<hbm>> -> memref<10000x128xf32, #tpu.memory_space<hbm>>
    tpu.enqueue_indirect_dma source(%dma_start3A_4 : memref<10000x128xf32, #tpu.memory_space<hbm>>) target(%arg9 : memref<16x128xf32, #tpu.memory_space<vmem>>) offsets(%dma_start3A_1 : memref<16xi32, #tpu.memory_space<vmem>>) semaphore(%arg18 : memref<!tpu.dma_semaphore, #tpu.memory_space<semaphore_mem>>)
    %dma_start3A_5 = arith.constant 16 : i32
    %dma_start3A_6 = tpu.memref_slice %arg7[%dma_start3A_5] : memref<10240xi32, #tpu.memory_space<vmem>> -> memref<16xi32, #tpu.memory_space<vmem>>
    %dma_start3A_7 = arith.constant 0 : i32
    %dma_start3A_8 = arith.constant 0 : i32
    %dma_start3A_9 = tpu.memref_slice %arg2[%dma_start3A_7, %dma_start3A_8] : memref<10000x128xf32, #tpu.memory_space<hbm>> -> memref<10000x128xf32, #tpu.memory_space<hbm>>
    tpu.enqueue_indirect_dma source(%dma_start3A_9 : memref<10000x128xf32, #tpu.memory_space<hbm>>) target(%arg10 : memref<16x128xf32, #tpu.memory_space<vmem>>) offsets(%dma_start3A_6 : memref<16xi32, #tpu.memory_space<vmem>>) semaphore(%arg19 : memref<!tpu.dma_semaphore, #tpu.memory_space<semaphore_mem>>)
    %dma_start3A_10 = arith.constant 32 : i32
    %dma_start3A_11 = tpu.memref_slice %arg7[%dma_start3A_10] : memref<10240xi32, #tpu.memory_space<vmem>> -> memref<16xi32, #tpu.memory_space<vmem>>
    %dma_start3A_12 = arith.constant 0 : i32
    %dma_start3A_13 = arith.constant 0 : i32
    %dma_start3A_14 = tpu.memref_slice %arg2[%dma_start3A_12, %dma_start3A_13] : memref<10000x128xf32, #tpu.memory_space<hbm>> -> memref<10000x128xf32, #tpu.memory_space<hbm>>
    tpu.enqueue_indirect_dma source(%dma_start3A_14 : memref<10000x128xf32, #tpu.memory_space<hbm>>) target(%arg11 : memref<16x128xf32, #tpu.memory_space<vmem>>) offsets(%dma_start3A_11 : memref<16xi32, #tpu.memory_space<vmem>>) semaphore(%arg20 : memref<!tpu.dma_semaphore, #tpu.memory_space<semaphore_mem>>)
    %dma_start3A_15 = arith.constant 48 : i32
    %dma_start3A_16 = tpu.memref_slice %arg7[%dma_start3A_15] : memref<10240xi32, #tpu.memory_space<vmem>> -> memref<16xi32, #tpu.memory_space<vmem>>
    %dma_start3A_17 = arith.constant 0 : i32
    %dma_start3A_18 = arith.constant 0 : i32
    %dma_start3A_19 = tpu.memref_slice %arg2[%dma_start3A_17, %dma_start3A_18] : memref<10000x128xf32, #tpu.memory_space<hbm>> -> memref<10000x128xf32, #tpu.memory_space<hbm>>
    tpu.enqueue_indirect_dma source(%dma_start3A_19 : memref<10000x128xf32, #tpu.memory_space<hbm>>) target(%arg12 : memref<16x128xf32, #tpu.memory_space<vmem>>) offsets(%dma_start3A_16 : memref<16xi32, #tpu.memory_space<vmem>>) semaphore(%arg21 : memref<!tpu.dma_semaphore, #tpu.memory_space<semaphore_mem>>)
    %dma_wait3A = arith.constant 0 : i32
    %dma_wait3A_20 = tpu.memref_slice %arg7[%dma_wait3A] : memref<10240xi32, #tpu.memory_space<vmem>> -> memref<16xi32, #tpu.memory_space<vmem>>
    %dma_wait3A_21 = arith.constant 0 : i32
    %dma_wait3A_22 = arith.constant 0 : i32
    %dma_wait3A_23 = tpu.memref_slice %arg2[%dma_wait3A_21, %dma_wait3A_22] : memref<10000x128xf32, #tpu.memory_space<hbm>> -> memref<10000x128xf32, #tpu.memory_space<hbm>>
    tpu.wait_indirect_dma semaphore(%arg18 : memref<!tpu.dma_semaphore, #tpu.memory_space<semaphore_mem>>) src(%dma_wait3A_23 : memref<10000x128xf32, #tpu.memory_space<hbm>>) dst(%arg9 : memref<16x128xf32, #tpu.memory_space<vmem>>)
    %dma_start3A_24 = arith.constant 0 : i32
    %dma_start3A_25 = tpu.memref_slice %arg8[%dma_start3A_24] : memref<10240xi32, #tpu.memory_space<vmem>> -> memref<16xi32, #tpu.memory_space<vmem>>
    %dma_start3A_26 = arith.constant 0 : i32
    %dma_start3A_27 = arith.constant 0 : i32
    %dma_start3A_28 = tpu.memref_slice %arg17[%dma_start3A_26, %dma_start3A_27] : memref<5248x128xf32, #tpu.memory_space<vmem_shared>> -> memref<5248x128xf32, #tpu.memory_space<vmem_shared>>
    tpu.enqueue_indirect_dma source(%arg9 : memref<16x128xf32, #tpu.memory_space<vmem>>) target(%dma_start3A_28 : memref<5248x128xf32, #tpu.memory_space<vmem_shared>>) offsets(%dma_start3A_25 : memref<16xi32, #tpu.memory_space<vmem>>) semaphore(%arg26 : memref<!tpu.dma_semaphore, #tpu.memory_space<semaphore_mem>>) {add = true}
    %dma_start3A_29 = arith.constant 64 : i32
    %dma_start3A_30 = tpu.memref_slice %arg7[%dma_start3A_29] : memref<10240xi32, #tpu.memory_space<vmem>> -> memref<16xi32, #tpu.memory_space<vmem>>
    %dma_start3A_31 = arith.constant 0 : i32
    %dma_start3A_32 = arith.constant 0 : i32
    %dma_start3A_33 = tpu.memref_slice %arg2[%dma_start3A_31, %dma_start3A_32] : memref<10000x128xf32, #tpu.memory_space<hbm>> -> memref<10000x128xf32, #tpu.memory_space<hbm>>
    tpu.enqueue_indirect_dma source(%dma_start3A_33 : memref<10000x128xf32, #tpu.memory_space<hbm>>) target(%arg13 : memref<16x128xf32, #tpu.memory_space<vmem>>) offsets(%dma_start3A_30 : memref<16xi32, #tpu.memory_space<vmem>>) semaphore(%arg22 : memref<!tpu.dma_semaphore, #tpu.memory_space<semaphore_mem>>)
    %dma_wait3A_34 = arith.constant 16 : i32
    %dma_wait3A_35 = tpu.memref_slice %arg7[%dma_wait3A_34] : memref<10240xi32, #tpu.memory_space<vmem>> -> memref<16xi32, #tpu.memory_space<vmem>>
    %dma_wait3A_36 = arith.constant 0 : i32
    %dma_wait3A_37 = arith.constant 0 : i32
    %dma_wait3A_38 = tpu.memref_slice %arg2[%dma_wait3A_36, %dma_wait3A_37] : memref<10000x128xf32, #tpu.memory_space<hbm>> -> memref<10000x128xf32, #tpu.memory_space<hbm>>
    tpu.wait_indirect_dma semaphore(%arg19 : memref<!tpu.dma_semaphore, #tpu.memory_space<semaphore_mem>>) src(%dma_wait3A_38 : memref<10000x128xf32, #tpu.memory_space<hbm>>) dst(%arg10 : memref<16x128xf32, #tpu.memory_space<vmem>>)
    %dma_start3A_39 = arith.constant 16 : i32
    %dma_start3A_40 = tpu.memref_slice %arg8[%dma_start3A_39] : memref<10240xi32, #tpu.memory_space<vmem>> -> memref<16xi32, #tpu.memory_space<vmem>>
    %dma_start3A_41 = arith.constant 0 : i32
    %dma_start3A_42 = arith.constant 0 : i32
    %dma_start3A_43 = tpu.memref_slice %arg17[%dma_start3A_41, %dma_start3A_42] : memref<5248x128xf32, #tpu.memory_space<vmem_shared>> -> memref<5248x128xf32, #tpu.memory_space<vmem_shared>>
    tpu.enqueue_indirect_dma source(%arg10 : memref<16x128xf32, #tpu.memory_space<vmem>>) target(%dma_start3A_43 : memref<5248x128xf32, #tpu.memory_space<vmem_shared>>) offsets(%dma_start3A_40 : memref<16xi32, #tpu.memory_space<vmem>>) semaphore(%arg27 : memref<!tpu.dma_semaphore, #tpu.memory_space<semaphore_mem>>) {add = true}
    %dma_start3A_44 = arith.constant 80 : i32
    %dma_start3A_45 = tpu.memref_slice %arg7[%dma_start3A_44] : memref<10240xi32, #tpu.memory_space<vmem>> -> memref<16xi32, #tpu.memory_space<vmem>>
    %dma_start3A_46 = arith.constant 0 : i32
    %dma_start3A_47 = arith.constant 0 : i32
    %dma_start3A_48 = tpu.memref_slice %arg2[%dma_start3A_46, %dma_start3A_47] : memref<10000x128xf32, #tpu.memory_space<hbm>> -> memref<10000x128xf32, #tpu.memory_space<hbm>>
    tpu.enqueue_indirect_dma source(%dma_start3A_48 : memref<10000x128xf32, #tpu.memory_space<hbm>>) target(%arg14 : memref<16x128xf32, #tpu.memory_space<vmem>>) offsets(%dma_start3A_45 : memref<16xi32, #tpu.memory_space<vmem>>) semaphore(%arg23 : memref<!tpu.dma_semaphore, #tpu.memory_space<semaphore_mem>>)
    %dma_wait3A_49 = arith.constant 32 : i32
    %dma_wait3A_50 = tpu.memref_slice %arg7[%dma_wait3A_49] : memref<10240xi32, #tpu.memory_space<vmem>> -> memref<16xi32, #tpu.memory_space<vmem>>
    %dma_wait3A_51 = arith.constant 0 : i32
    %dma_wait3A_52 = arith.constant 0 : i32
    %dma_wait3A_53 = tpu.memref_slice %arg2[%dma_wait3A_51, %dma_wait3A_52] : memref<10000x128xf32, #tpu.memory_space<hbm>> -> memref<10000x128xf32, #tpu.memory_space<hbm>>
    tpu.wait_indirect_dma semaphore(%arg20 : memref<!tpu.dma_semaphore, #tpu.memory_space<semaphore_mem>>) src(%dma_wait3A_53 : memref<10000x128xf32, #tpu.memory_space<hbm>>) dst(%arg11 : memref<16x128xf32, #tpu.memory_space<vmem>>)
    %dma_start3A_54 = arith.constant 32 : i32
    %dma_start3A_55 = tpu.memref_slice %arg8[%dma_start3A_54] : memref<10240xi32, #tpu.memory_space<vmem>> -> memref<16xi32, #tpu.memory_space<vmem>>
    %dma_start3A_56 = arith.constant 0 : i32
    %dma_start3A_57 = arith.constant 0 : i32
    %dma_start3A_58 = tpu.memref_slice %arg17[%dma_start3A_56, %dma_start3A_57] : memref<5248x128xf32, #tpu.memory_space<vmem_shared>> -> memref<5248x128xf32, #tpu.memory_space<vmem_shared>>
    tpu.enqueue_indirect_dma source(%arg11 : memref<16x128xf32, #tpu.memory_space<vmem>>) target(%dma_start3A_58 : memref<5248x128xf32, #tpu.memory_space<vmem_shared>>) offsets(%dma_start3A_55 : memref<16xi32, #tpu.memory_space<vmem>>) semaphore(%arg28 : memref<!tpu.dma_semaphore, #tpu.memory_space<semaphore_mem>>) {add = true}
    %dma_start3A_59 = arith.constant 96 : i32
    %dma_start3A_60 = tpu.memref_slice %arg7[%dma_start3A_59] : memref<10240xi32, #tpu.memory_space<vmem>> -> memref<16xi32, #tpu.memory_space<vmem>>
    %dma_start3A_61 = arith.constant 0 : i32
    %dma_start3A_62 = arith.constant 0 : i32
    %dma_start3A_63 = tpu.memref_slice %arg2[%dma_start3A_61, %dma_start3A_62] : memref<10000x128xf32, #tpu.memory_space<hbm>> -> memref<10000x128xf32, #tpu.memory_space<hbm>>
    tpu.enqueue_indirect_dma source(%dma_start3A_63 : memref<10000x128xf32, #tpu.memory_space<hbm>>) target(%arg15 : memref<16x128xf32, #tpu.memory_space<vmem>>) offsets(%dma_start3A_60 : memref<16xi32, #tpu.memory_space<vmem>>) semaphore(%arg24 : memref<!tpu.dma_semaphore, #tpu.memory_space<semaphore_mem>>)
    %dma_wait3A_64 = arith.constant 48 : i32
    %dma_wait3A_65 = tpu.memref_slice %arg7[%dma_wait3A_64] : memref<10240xi32, #tpu.memory_space<vmem>> -> memref<16xi32, #tpu.memory_space<vmem>>
    %dma_wait3A_66 = arith.constant 0 : i32
    %dma_wait3A_67 = arith.constant 0 : i32
    %dma_wait3A_68 = tpu.memref_slice %arg2[%dma_wait3A_66, %dma_wait3A_67] : memref<10000x128xf32, #tpu.memory_space<hbm>> -> memref<10000x128xf32, #tpu.memory_space<hbm>>
    tpu.wait_indirect_dma semaphore(%arg21 : memref<!tpu.dma_semaphore, #tpu.memory_space<semaphore_mem>>) src(%dma_wait3A_68 : memref<10000x128xf32, #tpu.memory_space<hbm>>) dst(%arg12 : memref<16x128xf32, #tpu.memory_space<vmem>>)
    %dma_start3A_69 = arith.constant 48 : i32
    %dma_start3A_70 = tpu.memref_slice %arg8[%dma_start3A_69] : memref<10240xi32, #tpu.memory_space<vmem>> -> memref<16xi32, #tpu.memory_space<vmem>>
    %dma_start3A_71 = arith.constant 0 : i32
    %dma_start3A_72 = arith.constant 0 : i32
    %dma_start3A_73 = tpu.memref_slice %arg17[%dma_start3A_71, %dma_start3A_72] : memref<5248x128xf32, #tpu.memory_space<vmem_shared>> -> memref<5248x128xf32, #tpu.memory_space<vmem_shared>>
    tpu.enqueue_indirect_dma source(%arg12 : memref<16x128xf32, #tpu.memory_space<vmem>>) target(%dma_start3A_73 : memref<5248x128xf32, #tpu.memory_space<vmem_shared>>) offsets(%dma_start3A_70 : memref<16xi32, #tpu.memory_space<vmem>>) semaphore(%arg29 : memref<!tpu.dma_semaphore, #tpu.memory_space<semaphore_mem>>) {add = true}
    %dma_start3A_74 = arith.constant 112 : i32
    %dma_start3A_75 = tpu.memref_slice %arg7[%dma_start3A_74] : memref<10240xi32, #tpu.memory_space<vmem>> -> memref<16xi32, #tpu.memory_space<vmem>>
    %dma_start3A_76 = arith.constant 0 : i32
    %dma_start3A_77 = arith.constant 0 : i32
    %dma_start3A_78 = tpu.memref_slice %arg2[%dma_start3A_76, %dma_start3A_77] : memref<10000x128xf32, #tpu.memory_space<hbm>> -> memref<10000x128xf32, #tpu.memory_space<hbm>>
    tpu.enqueue_indirect_dma source(%dma_start3A_78 : memref<10000x128xf32, #tpu.memory_space<hbm>>) target(%arg16 : memref<16x128xf32, #tpu.memory_space<vmem>>) offsets(%dma_start3A_75 : memref<16xi32, #tpu.memory_space<vmem>>) semaphore(%arg25 : memref<!tpu.dma_semaphore, #tpu.memory_space<semaphore_mem>>)
    %dma_wait3A_79 = arith.constant 64 : i32
    %dma_wait3A_80 = tpu.memref_slice %arg7[%dma_wait3A_79] : memref<10240xi32, #tpu.memory_space<vmem>> -> memref<16xi32, #tpu.memory_space<vmem>>
    %dma_wait3A_81 = arith.constant 0 : i32
    %dma_wait3A_82 = arith.constant 0 : i32
    %dma_wait3A_83 = tpu.memref_slice %arg2[%dma_wait3A_81, %dma_wait3A_82] : memref<10000x128xf32, #tpu.memory_space<hbm>> -> memref<10000x128xf32, #tpu.memory_space<hbm>>
    tpu.wait_indirect_dma semaphore(%arg22 : memref<!tpu.dma_semaphore, #tpu.memory_space<semaphore_mem>>) src(%dma_wait3A_83 : memref<10000x128xf32, #tpu.memory_space<hbm>>) dst(%arg13 : memref<16x128xf32, #tpu.memory_space<vmem>>)
    %dma_start3A_84 = arith.constant 64 : i32
    %dma_start3A_85 = tpu.memref_slice %arg8[%dma_start3A_84] : memref<10240xi32, #tpu.memory_space<vmem>> -> memref<16xi32, #tpu.memory_space<vmem>>
    %dma_start3A_86 = arith.constant 0 : i32
    %dma_start3A_87 = arith.constant 0 : i32
    %dma_start3A_88 = tpu.memref_slice %arg17[%dma_start3A_86, %dma_start3A_87] : memref<5248x128xf32, #tpu.memory_space<vmem_shared>> -> memref<5248x128xf32, #tpu.memory_space<vmem_shared>>
    tpu.enqueue_indirect_dma source(%arg13 : memref<16x128xf32, #tpu.memory_space<vmem>>) target(%dma_start3A_88 : memref<5248x128xf32, #tpu.memory_space<vmem_shared>>) offsets(%dma_start3A_85 : memref<16xi32, #tpu.memory_space<vmem>>) semaphore(%arg30 : memref<!tpu.dma_semaphore, #tpu.memory_space<semaphore_mem>>) {add = true}
    %dma_wait3A_89 = arith.constant 0 : i32
    %dma_wait3A_90 = tpu.memref_slice %arg8[%dma_wait3A_89] : memref<10240xi32, #tpu.memory_space<vmem>> -> memref<16xi32, #tpu.memory_space<vmem>>
    %dma_wait3A_91 = arith.constant 0 : i32
    %dma_wait3A_92 = arith.constant 0 : i32
    %dma_wait3A_93 = tpu.memref_slice %arg17[%dma_wait3A_91, %dma_wait3A_92] : memref<5248x128xf32, #tpu.memory_space<vmem_shared>> -> memref<5248x128xf32, #tpu.memory_space<vmem_shared>>
    tpu.wait_indirect_dma semaphore(%arg26 : memref<!tpu.dma_semaphore, #tpu.memory_space<semaphore_mem>>) src(%arg9 : memref<16x128xf32, #tpu.memory_space<vmem>>) dst(%dma_wait3A_93 : memref<5248x128xf32, #tpu.memory_space<vmem_shared>>)
    %dma_start3A_94 = arith.constant 128 : i32
    %dma_start3A_95 = tpu.memref_slice %arg7[%dma_start3A_94] : memref<10240xi32, #tpu.memory_space<vmem>> -> memref<16xi32, #tpu.memory_space<vmem>>
    %dma_start3A_96 = arith.constant 0 : i32
    %dma_start3A_97 = arith.constant 0 : i32
    %dma_start3A_98 = tpu.memref_slice %arg2[%dma_start3A_96, %dma_start3A_97] : memref<10000x128xf32, #tpu.memory_space<hbm>> -> memref<10000x128xf32, #tpu.memory_space<hbm>>
    tpu.enqueue_indirect_dma source(%dma_start3A_98 : memref<10000x128xf32, #tpu.memory_space<hbm>>) target(%arg9 : memref<16x128xf32, #tpu.memory_space<vmem>>) offsets(%dma_start3A_95 : memref<16xi32, #tpu.memory_space<vmem>>) semaphore(%arg18 : memref<!tpu.dma_semaphore, #tpu.memory_space<semaphore_mem>>)
    %dma_wait3A_99 = arith.constant 80 : i32
    %dma_wait3A_100 = tpu.memref_slice %arg7[%dma_wait3A_99] : memref<10240xi32, #tpu.memory_space<vmem>> -> memref<16xi32, #tpu.memory_space<vmem>>
    %dma_wait3A_101 = arith.constant 0 : i32
    %dma_wait3A_102 = arith.constant 0 : i32
    %dma_wait3A_103 = tpu.memref_slice %arg2[%dma_wait3A_101, %dma_wait3A_102] : memref<10000x128xf32, #tpu.memory_space<hbm>> -> memref<10000x128xf32, #tpu.memory_space<hbm>>
    tpu.wait_indirect_dma semaphore(%arg23 : memref<!tpu.dma_semaphore, #tpu.memory_space<semaphore_mem>>) src(%dma_wait3A_103 : memref<10000x128xf32, #tpu.memory_space<hbm>>) dst(%arg14 : memref<16x128xf32, #tpu.memory_space<vmem>>)
    %dma_start3A_104 = arith.constant 80 : i32
    %dma_start3A_105 = tpu.memref_slice %arg8[%dma_start3A_104] : memref<10240xi32, #tpu.memory_space<vmem>> -> memref<16xi32, #tpu.memory_space<vmem>>
    %dma_start3A_106 = arith.constant 0 : i32
    %dma_start3A_107 = arith.constant 0 : i32
    %dma_start3A_108 = tpu.memref_slice %arg17[%dma_start3A_106, %dma_start3A_107] : memref<5248x128xf32, #tpu.memory_space<vmem_shared>> -> memref<5248x128xf32, #tpu.memory_space<vmem_shared>>
    tpu.enqueue_indirect_dma source(%arg14 : memref<16x128xf32, #tpu.memory_space<vmem>>) target(%dma_start3A_108 : memref<5248x128xf32, #tpu.memory_space<vmem_shared>>) offsets(%dma_start3A_105 : memref<16xi32, #tpu.memory_space<vmem>>) semaphore(%arg31 : memref<!tpu.dma_semaphore, #tpu.memory_space<semaphore_mem>>) {add = true}
    %dma_wait3A_109 = arith.constant 16 : i32
    %dma_wait3A_110 = tpu.memref_slice %arg8[%dma_wait3A_109] : memref<10240xi32, #tpu.memory_space<vmem>> -> memref<16xi32, #tpu.memory_space<vmem>>
    %dma_wait3A_111 = arith.constant 0 : i32
    %dma_wait3A_112 = arith.constant 0 : i32
    %dma_wait3A_113 = tpu.memref_slice %arg17[%dma_wait3A_111, %dma_wait3A_112] : memref<5248x128xf32, #tpu.memory_space<vmem_shared>> -> memref<5248x128xf32, #tpu.memory_space<vmem_shared>>
    tpu.wait_indirect_dma semaphore(%arg27 : memref<!tpu.dma_semaphore, #tpu.memory_space<semaphore_mem>>) src(%arg10 : memref<16x128xf32, #tpu.memory_space<vmem>>) dst(%dma_wait3A_113 : memref<5248x128xf32, #tpu.memory_space<vmem_shared>>)
    %dma_start3A_114 = arith.constant 144 : i32
    %dma_start3A_115 = tpu.memref_slice %arg7[%dma_start3A_114] : memref<10240xi32, #tpu.memory_space<vmem>> -> memref<16xi32, #tpu.memory_space<vmem>>
    %dma_start3A_116 = arith.constant 0 : i32
    %dma_start3A_117 = arith.constant 0 : i32
    %dma_start3A_118 = tpu.memref_slice %arg2[%dma_start3A_116, %dma_start3A_117] : memref<10000x128xf32, #tpu.memory_space<hbm>> -> memref<10000x128xf32, #tpu.memory_space<hbm>>
    tpu.enqueue_indirect_dma source(%dma_start3A_118 : memref<10000x128xf32, #tpu.memory_space<hbm>>) target(%arg10 : memref<16x128xf32, #tpu.memory_space<vmem>>) offsets(%dma_start3A_115 : memref<16xi32, #tpu.memory_space<vmem>>) semaphore(%arg19 : memref<!tpu.dma_semaphore, #tpu.memory_space<semaphore_mem>>)
    %dma_wait3A_119 = arith.constant 96 : i32
    %dma_wait3A_120 = tpu.memref_slice %arg7[%dma_wait3A_119] : memref<10240xi32, #tpu.memory_space<vmem>> -> memref<16xi32, #tpu.memory_space<vmem>>
    %dma_wait3A_121 = arith.constant 0 : i32
    %dma_wait3A_122 = arith.constant 0 : i32
    %dma_wait3A_123 = tpu.memref_slice %arg2[%dma_wait3A_121, %dma_wait3A_122] : memref<10000x128xf32, #tpu.memory_space<hbm>> -> memref<10000x128xf32, #tpu.memory_space<hbm>>
    tpu.wait_indirect_dma semaphore(%arg24 : memref<!tpu.dma_semaphore, #tpu.memory_space<semaphore_mem>>) src(%dma_wait3A_123 : memref<10000x128xf32, #tpu.memory_space<hbm>>) dst(%arg15 : memref<16x128xf32, #tpu.memory_space<vmem>>)
    %dma_start3A_124 = arith.constant 96 : i32
    %dma_start3A_125 = tpu.memref_slice %arg8[%dma_start3A_124] : memref<10240xi32, #tpu.memory_space<vmem>> -> memref<16xi32, #tpu.memory_space<vmem>>
    %dma_start3A_126 = arith.constant 0 : i32
    %dma_start3A_127 = arith.constant 0 : i32
    %dma_start3A_128 = tpu.memref_slice %arg17[%dma_start3A_126, %dma_start3A_127] : memref<5248x128xf32, #tpu.memory_space<vmem_shared>> -> memref<5248x128xf32, #tpu.memory_space<vmem_shared>>
    tpu.enqueue_indirect_dma source(%arg15 : memref<16x128xf32, #tpu.memory_space<vmem>>) target(%dma_start3A_128 : memref<5248x128xf32, #tpu.memory_space<vmem_shared>>) offsets(%dma_start3A_125 : memref<16xi32, #tpu.memory_space<vmem>>) semaphore(%arg32 : memref<!tpu.dma_semaphore, #tpu.memory_space<semaphore_mem>>) {add = true}
    %dma_wait3A_129 = arith.constant 32 : i32
    %dma_wait3A_130 = tpu.memref_slice %arg8[%dma_wait3A_129] : memref<10240xi32, #tpu.memory_space<vmem>> -> memref<16xi32, #tpu.memory_space<vmem>>
    %dma_wait3A_131 = arith.constant 0 : i32
    %dma_wait3A_132 = arith.constant 0 : i32
    %dma_wait3A_133 = tpu.memref_slice %arg17[%dma_wait3A_131, %dma_wait3A_132] : memref<5248x128xf32, #tpu.memory_space<vmem_shared>> -> memref<5248x128xf32, #tpu.memory_space<vmem_shared>>
    tpu.wait_indirect_dma semaphore(%arg28 : memref<!tpu.dma_semaphore, #tpu.memory_space<semaphore_mem>>) src(%arg11 : memref<16x128xf32, #tpu.memory_space<vmem>>) dst(%dma_wait3A_133 : memref<5248x128xf32, #tpu.memory_space<vmem_shared>>)
    %dma_start3A_134 = arith.constant 160 : i32
    %dma_start3A_135 = tpu.memref_slice %arg7[%dma_start3A_134] : memref<10240xi32, #tpu.memory_space<vmem>> -> memref<16xi32, #tpu.memory_space<vmem>>
    %dma_start3A_136 = arith.constant 0 : i32
    %dma_start3A_137 = arith.constant 0 : i32
    %dma_start3A_138 = tpu.memref_slice %arg2[%dma_start3A_136, %dma_start3A_137] : memref<10000x128xf32, #tpu.memory_space<hbm>> -> memref<10000x128xf32, #tpu.memory_space<hbm>>
    tpu.enqueue_indirect_dma source(%dma_start3A_138 : memref<10000x128xf32, #tpu.memory_space<hbm>>) target(%arg11 : memref<16x128xf32, #tpu.memory_space<vmem>>) offsets(%dma_start3A_135 : memref<16xi32, #tpu.memory_space<vmem>>) semaphore(%arg20 : memref<!tpu.dma_semaphore, #tpu.memory_space<semaphore_mem>>)
    %dma_wait3A_139 = arith.constant 112 : i32
    %dma_wait3A_140 = tpu.memref_slice %arg7[%dma_wait3A_139] : memref<10240xi32, #tpu.memory_space<vmem>> -> memref<16xi32, #tpu.memory_space<vmem>>
    %dma_wait3A_141 = arith.constant 0 : i32
    %dma_wait3A_142 = arith.constant 0 : i32
    %dma_wait3A_143 = tpu.memref_slice %arg2[%dma_wait3A_141, %dma_wait3A_142] : memref<10000x128xf32, #tpu.memory_space<hbm>> -> memref<10000x128xf32, #tpu.memory_space<hbm>>
    tpu.wait_indirect_dma semaphore(%arg25 : memref<!tpu.dma_semaphore, #tpu.memory_space<semaphore_mem>>) src(%dma_wait3A_143 : memref<10000x128xf32, #tpu.memory_space<hbm>>) dst(%arg16 : memref<16x128xf32, #tpu.memory_space<vmem>>)
    %dma_start3A_144 = arith.constant 112 : i32
    %dma_start3A_145 = tpu.memref_slice %arg8[%dma_start3A_144] : memref<10240xi32, #tpu.memory_space<vmem>> -> memref<16xi32, #tpu.memory_space<vmem>>
    %dma_start3A_146 = arith.constant 0 : i32
    %dma_start3A_147 = arith.constant 0 : i32
    %dma_start3A_148 = tpu.memref_slice %arg17[%dma_start3A_146, %dma_start3A_147] : memref<5248x128xf32, #tpu.memory_space<vmem_shared>> -> memref<5248x128xf32, #tpu.memory_space<vmem_shared>>
    tpu.enqueue_indirect_dma source(%arg16 : memref<16x128xf32, #tpu.memory_space<vmem>>) target(%dma_start3A_148 : memref<5248x128xf32, #tpu.memory_space<vmem_shared>>) offsets(%dma_start3A_145 : memref<16xi32, #tpu.memory_space<vmem>>) semaphore(%arg33 : memref<!tpu.dma_semaphore, #tpu.memory_space<semaphore_mem>>) {add = true}
    %dma_wait3A_149 = arith.constant 48 : i32
    %dma_wait3A_150 = tpu.memref_slice %arg8[%dma_wait3A_149] : memref<10240xi32, #tpu.memory_space<vmem>> -> memref<16xi32, #tpu.memory_space<vmem>>
    %dma_wait3A_151 = arith.constant 0 : i32
    %dma_wait3A_152 = arith.constant 0 : i32
    %dma_wait3A_153 = tpu.memref_slice %arg17[%dma_wait3A_151, %dma_wait3A_152] : memref<5248x128xf32, #tpu.memory_space<vmem_shared>> -> memref<5248x128xf32, #tpu.memory_space<vmem_shared>>
    tpu.wait_indirect_dma semaphore(%arg29 : memref<!tpu.dma_semaphore, #tpu.memory_space<semaphore_mem>>) src(%arg12 : memref<16x128xf32, #tpu.memory_space<vmem>>) dst(%dma_wait3A_153 : memref<5248x128xf32, #tpu.memory_space<vmem_shared>>)
    %dma_start3A_154 = arith.constant 176 : i32
    %dma_start3A_155 = tpu.memref_slice %arg7[%dma_start3A_154] : memref<10240xi32, #tpu.memory_space<vmem>> -> memref<16xi32, #tpu.memory_space<vmem>>
    %dma_start3A_156 = arith.constant 0 : i32
    %dma_start3A_157 = arith.constant 0 : i32
    %dma_start3A_158 = tpu.memref_slice %arg2[%dma_start3A_156, %dma_start3A_157] : memref<10000x128xf32, #tpu.memory_space<hbm>> -> memref<10000x128xf32, #tpu.memory_space<hbm>>
    tpu.enqueue_indirect_dma source(%dma_start3A_158 : memref<10000x128xf32, #tpu.memory_space<hbm>>) target(%arg12 : memref<16x128xf32, #tpu.memory_space<vmem>>) offsets(%dma_start3A_155 : memref<16xi32, #tpu.memory_space<vmem>>) semaphore(%arg21 : memref<!tpu.dma_semaphore, #tpu.memory_space<semaphore_mem>>)
    %scan3A = arith.constant 0 : i32
    %scan3A_159 = arith.constant 1 : i32
    %scan3A_160 = arith.constant 79 : i32
    %scan3A_161 = arith.addi %scan3A_159, %scan3A_160 : i32
    %scan3A_162 = arith.constant 1 : i32
    scf.for %scan3A_189 = %scan3A_159 to %scan3A_161 step %scan3A_162  : i32 {
      %mul3A_190 = arith.constant 8 : i32
      %mul3A_191 = arith.muli %mul3A_190, %scan3A_189 : i32
      %add3A = arith.constant 0 : i32
      %add3A_192 = arith.addi %mul3A_191, %add3A : i32
      %mul3A_193 = arith.constant 16 : i32
      %mul3A_194 = arith.muli %add3A_192, %mul3A_193 : i32
      %dma_wait3A_195 = tpu.memref_slice %arg7[%mul3A_194] : memref<10240xi32, #tpu.memory_space<vmem>> -> memref<16xi32, #tpu.memory_space<vmem>>
      %dma_wait3A_196 = arith.constant 0 : i32
      %dma_wait3A_197 = arith.constant 0 : i32
      %dma_wait3A_198 = tpu.memref_slice %arg2[%dma_wait3A_196, %dma_wait3A_197] : memref<10000x128xf32, #tpu.memory_space<hbm>> -> memref<10000x128xf32, #tpu.memory_space<hbm>>
      tpu.wait_indirect_dma semaphore(%arg18 : memref<!tpu.dma_semaphore, #tpu.memory_space<semaphore_mem>>) src(%dma_wait3A_198 : memref<10000x128xf32, #tpu.memory_space<hbm>>) dst(%arg9 : memref<16x128xf32, #tpu.memory_space<vmem>>)
      %mul3A_199 = arith.constant 16 : i32
      %mul3A_200 = arith.muli %add3A_192, %mul3A_199 : i32
      %dma_start3A_201 = tpu.memref_slice %arg8[%mul3A_200] : memref<10240xi32, #tpu.memory_space<vmem>> -> memref<16xi32, #tpu.memory_space<vmem>>
      %dma_start3A_202 = arith.constant 0 : i32
      %dma_start3A_203 = arith.constant 0 : i32
      %dma_start3A_204 = tpu.memref_slice %arg17[%dma_start3A_202, %dma_start3A_203] : memref<5248x128xf32, #tpu.memory_space<vmem_shared>> -> memref<5248x128xf32, #tpu.memory_space<vmem_shared>>
      tpu.enqueue_indirect_dma source(%arg9 : memref<16x128xf32, #tpu.memory_space<vmem>>) target(%dma_start3A_204 : memref<5248x128xf32, #tpu.memory_space<vmem_shared>>) offsets(%dma_start3A_201 : memref<16xi32, #tpu.memory_space<vmem>>) semaphore(%arg26 : memref<!tpu.dma_semaphore, #tpu.memory_space<semaphore_mem>>) {add = true}
      %sub3A = arith.constant 4 : i32
      %sub3A_205 = arith.subi %add3A_192, %sub3A : i32
      %mul3A_206 = arith.constant 16 : i32
      %mul3A_207 = arith.muli %sub3A_205, %mul3A_206 : i32
      %dma_wait3A_208 = tpu.memref_slice %arg8[%mul3A_207] : memref<10240xi32, #tpu.memory_space<vmem>> -> memref<16xi32, #tpu.memory_space<vmem>>
      %dma_wait3A_209 = arith.constant 0 : i32
      %dma_wait3A_210 = arith.constant 0 : i32
      %dma_wait3A_211 = tpu.memref_slice %arg17[%dma_wait3A_209, %dma_wait3A_210] : memref<5248x128xf32, #tpu.memory_space<vmem_shared>> -> memref<5248x128xf32, #tpu.memory_space<vmem_shared>>
      tpu.wait_indirect_dma semaphore(%arg30 : memref<!tpu.dma_semaphore, #tpu.memory_space<semaphore_mem>>) src(%arg13 : memref<16x128xf32, #tpu.memory_space<vmem>>) dst(%dma_wait3A_211 : memref<5248x128xf32, #tpu.memory_space<vmem_shared>>)
      %add3A_212 = arith.constant 4 : i32
      %add3A_213 = arith.addi %add3A_192, %add3A_212 : i32
      %lt3A = arith.constant 640 : i32
      %lt3A_214 = arith.cmpi slt, %add3A_213, %lt3A : i32
      %convert_element_type3A = arith.extui %lt3A_214 : i1 to i32
      %cond3A = arith.constant 0 : i32
      %cond3A_215 = arith.cmpi ne, %convert_element_type3A, %cond3A : i32
      scf.if %cond3A_215 {
        %add3A_433 = arith.constant 4 : i32
        %add3A_434 = arith.addi %add3A_192, %add3A_433 : i32
        %mul3A_435 = arith.constant 16 : i32
        %mul3A_436 = arith.muli %add3A_434, %mul3A_435 : i32
        %dma_start3A_437 = tpu.memref_slice %arg7[%mul3A_436] : memref<10240xi32, #tpu.memory_space<vmem>> -> memref<16xi32, #tpu.memory_space<vmem>>
        %dma_start3A_438 = arith.constant 0 : i32
        %dma_start3A_439 = arith.constant 0 : i32
        %dma_start3A_440 = tpu.memref_slice %arg2[%dma_start3A_438, %dma_start3A_439] : memref<10000x128xf32, #tpu.memory_space<hbm>> -> memref<10000x128xf32, #tpu.memory_space<hbm>>
        tpu.enqueue_indirect_dma source(%dma_start3A_440 : memref<10000x128xf32, #tpu.memory_space<hbm>>) target(%arg13 : memref<16x128xf32, #tpu.memory_space<vmem>>) offsets(%dma_start3A_437 : memref<16xi32, #tpu.memory_space<vmem>>) semaphore(%arg22 : memref<!tpu.dma_semaphore, #tpu.memory_space<semaphore_mem>>)
      } else {
      }
      %mul3A_216 = arith.constant 8 : i32
      %mul3A_217 = arith.muli %mul3A_216, %scan3A_189 : i32
      %add3A_218 = arith.constant 1 : i32
      %add3A_219 = arith.addi %mul3A_217, %add3A_218 : i32
      %mul3A_220 = arith.constant 16 : i32
      %mul3A_221 = arith.muli %add3A_219, %mul3A_220 : i32
      %dma_wait3A_222 = tpu.memref_slice %arg7[%mul3A_221] : memref<10240xi32, #tpu.memory_space<vmem>> -> memref<16xi32, #tpu.memory_space<vmem>>
      %dma_wait3A_223 = arith.constant 0 : i32
      %dma_wait3A_224 = arith.constant 0 : i32
      %dma_wait3A_225 = tpu.memref_slice %arg2[%dma_wait3A_223, %dma_wait3A_224] : memref<10000x128xf32, #tpu.memory_space<hbm>> -> memref<10000x128xf32, #tpu.memory_space<hbm>>
      tpu.wait_indirect_dma semaphore(%arg19 : memref<!tpu.dma_semaphore, #tpu.memory_space<semaphore_mem>>) src(%dma_wait3A_225 : memref<10000x128xf32, #tpu.memory_space<hbm>>) dst(%arg10 : memref<16x128xf32, #tpu.memory_space<vmem>>)
      %mul3A_226 = arith.constant 16 : i32
      %mul3A_227 = arith.muli %add3A_219, %mul3A_226 : i32
      %dma_start3A_228 = tpu.memref_slice %arg8[%mul3A_227] : memref<10240xi32, #tpu.memory_space<vmem>> -> memref<16xi32, #tpu.memory_space<vmem>>
      %dma_start3A_229 = arith.constant 0 : i32
      %dma_start3A_230 = arith.constant 0 : i32
      %dma_start3A_231 = tpu.memref_slice %arg17[%dma_start3A_229, %dma_start3A_230] : memref<5248x128xf32, #tpu.memory_space<vmem_shared>> -> memref<5248x128xf32, #tpu.memory_space<vmem_shared>>
      tpu.enqueue_indirect_dma source(%arg10 : memref<16x128xf32, #tpu.memory_space<vmem>>) target(%dma_start3A_231 : memref<5248x128xf32, #tpu.memory_space<vmem_shared>>) offsets(%dma_start3A_228 : memref<16xi32, #tpu.memory_space<vmem>>) semaphore(%arg27 : memref<!tpu.dma_semaphore, #tpu.memory_space<semaphore_mem>>) {add = true}
      %sub3A_232 = arith.constant 4 : i32
      %sub3A_233 = arith.subi %add3A_219, %sub3A_232 : i32
      %mul3A_234 = arith.constant 16 : i32
      %mul3A_235 = arith.muli %sub3A_233, %mul3A_234 : i32
      %dma_wait3A_236 = tpu.memref_slice %arg8[%mul3A_235] : memref<10240xi32, #tpu.memory_space<vmem>> -> memref<16xi32, #tpu.memory_space<vmem>>
      %dma_wait3A_237 = arith.constant 0 : i32
      %dma_wait3A_238 = arith.constant 0 : i32
      %dma_wait3A_239 = tpu.memref_slice %arg17[%dma_wait3A_237, %dma_wait3A_238] : memref<5248x128xf32, #tpu.memory_space<vmem_shared>> -> memref<5248x128xf32, #tpu.memory_space<vmem_shared>>
      tpu.wait_indirect_dma semaphore(%arg31 : memref<!tpu.dma_semaphore, #tpu.memory_space<semaphore_mem>>) src(%arg14 : memref<16x128xf32, #tpu.memory_space<vmem>>) dst(%dma_wait3A_239 : memref<5248x128xf32, #tpu.memory_space<vmem_shared>>)
      %add3A_240 = arith.constant 4 : i32
      %add3A_241 = arith.addi %add3A_219, %add3A_240 : i32
      %lt3A_242 = arith.constant 640 : i32
      %lt3A_243 = arith.cmpi slt, %add3A_241, %lt3A_242 : i32
      %convert_element_type3A_244 = arith.extui %lt3A_243 : i1 to i32
      %cond3A_245 = arith.constant 0 : i32
      %cond3A_246 = arith.cmpi ne, %convert_element_type3A_244, %cond3A_245 : i32
      scf.if %cond3A_246 {
        %add3A_433 = arith.constant 4 : i32
        %add3A_434 = arith.addi %add3A_219, %add3A_433 : i32
        %mul3A_435 = arith.constant 16 : i32
        %mul3A_436 = arith.muli %add3A_434, %mul3A_435 : i32
        %dma_start3A_437 = tpu.memref_slice %arg7[%mul3A_436] : memref<10240xi32, #tpu.memory_space<vmem>> -> memref<16xi32, #tpu.memory_space<vmem>>
        %dma_start3A_438 = arith.constant 0 : i32
        %dma_start3A_439 = arith.constant 0 : i32
        %dma_start3A_440 = tpu.memref_slice %arg2[%dma_start3A_438, %dma_start3A_439] : memref<10000x128xf32, #tpu.memory_space<hbm>> -> memref<10000x128xf32, #tpu.memory_space<hbm>>
        tpu.enqueue_indirect_dma source(%dma_start3A_440 : memref<10000x128xf32, #tpu.memory_space<hbm>>) target(%arg14 : memref<16x128xf32, #tpu.memory_space<vmem>>) offsets(%dma_start3A_437 : memref<16xi32, #tpu.memory_space<vmem>>) semaphore(%arg23 : memref<!tpu.dma_semaphore, #tpu.memory_space<semaphore_mem>>)
      } else {
      }
      %mul3A_247 = arith.constant 8 : i32
      %mul3A_248 = arith.muli %mul3A_247, %scan3A_189 : i32
      %add3A_249 = arith.constant 2 : i32
      %add3A_250 = arith.addi %mul3A_248, %add3A_249 : i32
      %mul3A_251 = arith.constant 16 : i32
      %mul3A_252 = arith.muli %add3A_250, %mul3A_251 : i32
      %dma_wait3A_253 = tpu.memref_slice %arg7[%mul3A_252] : memref<10240xi32, #tpu.memory_space<vmem>> -> memref<16xi32, #tpu.memory_space<vmem>>
      %dma_wait3A_254 = arith.constant 0 : i32
      %dma_wait3A_255 = arith.constant 0 : i32
      %dma_wait3A_256 = tpu.memref_slice %arg2[%dma_wait3A_254, %dma_wait3A_255] : memref<10000x128xf32, #tpu.memory_space<hbm>> -> memref<10000x128xf32, #tpu.memory_space<hbm>>
      tpu.wait_indirect_dma semaphore(%arg20 : memref<!tpu.dma_semaphore, #tpu.memory_space<semaphore_mem>>) src(%dma_wait3A_256 : memref<10000x128xf32, #tpu.memory_space<hbm>>) dst(%arg11 : memref<16x128xf32, #tpu.memory_space<vmem>>)
      %mul3A_257 = arith.constant 16 : i32
      %mul3A_258 = arith.muli %add3A_250, %mul3A_257 : i32
      %dma_start3A_259 = tpu.memref_slice %arg8[%mul3A_258] : memref<10240xi32, #tpu.memory_space<vmem>> -> memref<16xi32, #tpu.memory_space<vmem>>
      %dma_start3A_260 = arith.constant 0 : i32
      %dma_start3A_261 = arith.constant 0 : i32
      %dma_start3A_262 = tpu.memref_slice %arg17[%dma_start3A_260, %dma_start3A_261] : memref<5248x128xf32, #tpu.memory_space<vmem_shared>> -> memref<5248x128xf32, #tpu.memory_space<vmem_shared>>
      tpu.enqueue_indirect_dma source(%arg11 : memref<16x128xf32, #tpu.memory_space<vmem>>) target(%dma_start3A_262 : memref<5248x128xf32, #tpu.memory_space<vmem_shared>>) offsets(%dma_start3A_259 : memref<16xi32, #tpu.memory_space<vmem>>) semaphore(%arg28 : memref<!tpu.dma_semaphore, #tpu.memory_space<semaphore_mem>>) {add = true}
      %sub3A_263 = arith.constant 4 : i32
      %sub3A_264 = arith.subi %add3A_250, %sub3A_263 : i32
      %mul3A_265 = arith.constant 16 : i32
      %mul3A_266 = arith.muli %sub3A_264, %mul3A_265 : i32
      %dma_wait3A_267 = tpu.memref_slice %arg8[%mul3A_266] : memref<10240xi32, #tpu.memory_space<vmem>> -> memref<16xi32, #tpu.memory_space<vmem>>
      %dma_wait3A_268 = arith.constant 0 : i32
      %dma_wait3A_269 = arith.constant 0 : i32
      %dma_wait3A_270 = tpu.memref_slice %arg17[%dma_wait3A_268, %dma_wait3A_269] : memref<5248x128xf32, #tpu.memory_space<vmem_shared>> -> memref<5248x128xf32, #tpu.memory_space<vmem_shared>>
      tpu.wait_indirect_dma semaphore(%arg32 : memref<!tpu.dma_semaphore, #tpu.memory_space<semaphore_mem>>) src(%arg15 : memref<16x128xf32, #tpu.memory_space<vmem>>) dst(%dma_wait3A_270 : memref<5248x128xf32, #tpu.memory_space<vmem_shared>>)
      %add3A_271 = arith.constant 4 : i32
      %add3A_272 = arith.addi %add3A_250, %add3A_271 : i32
      %lt3A_273 = arith.constant 640 : i32
      %lt3A_274 = arith.cmpi slt, %add3A_272, %lt3A_273 : i32
      %convert_element_type3A_275 = arith.extui %lt3A_274 : i1 to i32
      %cond3A_276 = arith.constant 0 : i32
      %cond3A_277 = arith.cmpi ne, %convert_element_type3A_275, %cond3A_276 : i32
      scf.if %cond3A_277 {
        %add3A_433 = arith.constant 4 : i32
        %add3A_434 = arith.addi %add3A_250, %add3A_433 : i32
        %mul3A_435 = arith.constant 16 : i32
        %mul3A_436 = arith.muli %add3A_434, %mul3A_435 : i32
        %dma_start3A_437 = tpu.memref_slice %arg7[%mul3A_436] : memref<10240xi32, #tpu.memory_space<vmem>> -> memref<16xi32, #tpu.memory_space<vmem>>
        %dma_start3A_438 = arith.constant 0 : i32
        %dma_start3A_439 = arith.constant 0 : i32
        %dma_start3A_440 = tpu.memref_slice %arg2[%dma_start3A_438, %dma_start3A_439] : memref<10000x128xf32, #tpu.memory_space<hbm>> -> memref<10000x128xf32, #tpu.memory_space<hbm>>
        tpu.enqueue_indirect_dma source(%dma_start3A_440 : memref<10000x128xf32, #tpu.memory_space<hbm>>) target(%arg15 : memref<16x128xf32, #tpu.memory_space<vmem>>) offsets(%dma_start3A_437 : memref<16xi32, #tpu.memory_space<vmem>>) semaphore(%arg24 : memref<!tpu.dma_semaphore, #tpu.memory_space<semaphore_mem>>)
      } else {
      }
      %mul3A_278 = arith.constant 8 : i32
      %mul3A_279 = arith.muli %mul3A_278, %scan3A_189 : i32
      %add3A_280 = arith.constant 3 : i32
      %add3A_281 = arith.addi %mul3A_279, %add3A_280 : i32
      %mul3A_282 = arith.constant 16 : i32
      %mul3A_283 = arith.muli %add3A_281, %mul3A_282 : i32
      %dma_wait3A_284 = tpu.memref_slice %arg7[%mul3A_283] : memref<10240xi32, #tpu.memory_space<vmem>> -> memref<16xi32, #tpu.memory_space<vmem>>
      %dma_wait3A_285 = arith.constant 0 : i32
      %dma_wait3A_286 = arith.constant 0 : i32
      %dma_wait3A_287 = tpu.memref_slice %arg2[%dma_wait3A_285, %dma_wait3A_286] : memref<10000x128xf32, #tpu.memory_space<hbm>> -> memref<10000x128xf32, #tpu.memory_space<hbm>>
      tpu.wait_indirect_dma semaphore(%arg21 : memref<!tpu.dma_semaphore, #tpu.memory_space<semaphore_mem>>) src(%dma_wait3A_287 : memref<10000x128xf32, #tpu.memory_space<hbm>>) dst(%arg12 : memref<16x128xf32, #tpu.memory_space<vmem>>)
      %mul3A_288 = arith.constant 16 : i32
      %mul3A_289 = arith.muli %add3A_281, %mul3A_288 : i32
      %dma_start3A_290 = tpu.memref_slice %arg8[%mul3A_289] : memref<10240xi32, #tpu.memory_space<vmem>> -> memref<16xi32, #tpu.memory_space<vmem>>
      %dma_start3A_291 = arith.constant 0 : i32
      %dma_start3A_292 = arith.constant 0 : i32
      %dma_start3A_293 = tpu.memref_slice %arg17[%dma_start3A_291, %dma_start3A_292] : memref<5248x128xf32, #tpu.memory_space<vmem_shared>> -> memref<5248x128xf32, #tpu.memory_space<vmem_shared>>
      tpu.enqueue_indirect_dma source(%arg12 : memref<16x128xf32, #tpu.memory_space<vmem>>) target(%dma_start3A_293 : memref<5248x128xf32, #tpu.memory_space<vmem_shared>>) offsets(%dma_start3A_290 : memref<16xi32, #tpu.memory_space<vmem>>) semaphore(%arg29 : memref<!tpu.dma_semaphore, #tpu.memory_space<semaphore_mem>>) {add = true}
      %sub3A_294 = arith.constant 4 : i32
      %sub3A_295 = arith.subi %add3A_281, %sub3A_294 : i32
      %mul3A_296 = arith.constant 16 : i32
      %mul3A_297 = arith.muli %sub3A_295, %mul3A_296 : i32
      %dma_wait3A_298 = tpu.memref_slice %arg8[%mul3A_297] : memref<10240xi32, #tpu.memory_space<vmem>> -> memref<16xi32, #tpu.memory_space<vmem>>
      %dma_wait3A_299 = arith.constant 0 : i32
      %dma_wait3A_300 = arith.constant 0 : i32
      %dma_wait3A_301 = tpu.memref_slice %arg17[%dma_wait3A_299, %dma_wait3A_300] : memref<5248x128xf32, #tpu.memory_space<vmem_shared>> -> memref<5248x128xf32, #tpu.memory_space<vmem_shared>>
      tpu.wait_indirect_dma semaphore(%arg33 : memref<!tpu.dma_semaphore, #tpu.memory_space<semaphore_mem>>) src(%arg16 : memref<16x128xf32, #tpu.memory_space<vmem>>) dst(%dma_wait3A_301 : memref<5248x128xf32, #tpu.memory_space<vmem_shared>>)
      %add3A_302 = arith.constant 4 : i32
      %add3A_303 = arith.addi %add3A_281, %add3A_302 : i32
      %lt3A_304 = arith.constant 640 : i32
      %lt3A_305 = arith.cmpi slt, %add3A_303, %lt3A_304 : i32
      %convert_element_type3A_306 = arith.extui %lt3A_305 : i1 to i32
      %cond3A_307 = arith.constant 0 : i32
      %cond3A_308 = arith.cmpi ne, %convert_element_type3A_306, %cond3A_307 : i32
      scf.if %cond3A_308 {
        %add3A_433 = arith.constant 4 : i32
        %add3A_434 = arith.addi %add3A_281, %add3A_433 : i32
        %mul3A_435 = arith.constant 16 : i32
        %mul3A_436 = arith.muli %add3A_434, %mul3A_435 : i32
        %dma_start3A_437 = tpu.memref_slice %arg7[%mul3A_436] : memref<10240xi32, #tpu.memory_space<vmem>> -> memref<16xi32, #tpu.memory_space<vmem>>
        %dma_start3A_438 = arith.constant 0 : i32
        %dma_start3A_439 = arith.constant 0 : i32
        %dma_start3A_440 = tpu.memref_slice %arg2[%dma_start3A_438, %dma_start3A_439] : memref<10000x128xf32, #tpu.memory_space<hbm>> -> memref<10000x128xf32, #tpu.memory_space<hbm>>
        tpu.enqueue_indirect_dma source(%dma_start3A_440 : memref<10000x128xf32, #tpu.memory_space<hbm>>) target(%arg16 : memref<16x128xf32, #tpu.memory_space<vmem>>) offsets(%dma_start3A_437 : memref<16xi32, #tpu.memory_space<vmem>>) semaphore(%arg25 : memref<!tpu.dma_semaphore, #tpu.memory_space<semaphore_mem>>)
      } else {
      }
      %mul3A_309 = arith.constant 8 : i32
      %mul3A_310 = arith.muli %mul3A_309, %scan3A_189 : i32
      %add3A_311 = arith.constant 4 : i32
      %add3A_312 = arith.addi %mul3A_310, %add3A_311 : i32
      %mul3A_313 = arith.constant 16 : i32
      %mul3A_314 = arith.muli %add3A_312, %mul3A_313 : i32
      %dma_wait3A_315 = tpu.memref_slice %arg7[%mul3A_314] : memref<10240xi32, #tpu.memory_space<vmem>> -> memref<16xi32, #tpu.memory_space<vmem>>
      %dma_wait3A_316 = arith.constant 0 : i32
      %dma_wait3A_317 = arith.constant 0 : i32
      %dma_wait3A_318 = tpu.memref_slice %arg2[%dma_wait3A_316, %dma_wait3A_317] : memref<10000x128xf32, #tpu.memory_space<hbm>> -> memref<10000x128xf32, #tpu.memory_space<hbm>>
      tpu.wait_indirect_dma semaphore(%arg22 : memref<!tpu.dma_semaphore, #tpu.memory_space<semaphore_mem>>) src(%dma_wait3A_318 : memref<10000x128xf32, #tpu.memory_space<hbm>>) dst(%arg13 : memref<16x128xf32, #tpu.memory_space<vmem>>)
      %mul3A_319 = arith.constant 16 : i32
      %mul3A_320 = arith.muli %add3A_312, %mul3A_319 : i32
      %dma_start3A_321 = tpu.memref_slice %arg8[%mul3A_320] : memref<10240xi32, #tpu.memory_space<vmem>> -> memref<16xi32, #tpu.memory_space<vmem>>
      %dma_start3A_322 = arith.constant 0 : i32
      %dma_start3A_323 = arith.constant 0 : i32
      %dma_start3A_324 = tpu.memref_slice %arg17[%dma_start3A_322, %dma_start3A_323] : memref<5248x128xf32, #tpu.memory_space<vmem_shared>> -> memref<5248x128xf32, #tpu.memory_space<vmem_shared>>
      tpu.enqueue_indirect_dma source(%arg13 : memref<16x128xf32, #tpu.memory_space<vmem>>) target(%dma_start3A_324 : memref<5248x128xf32, #tpu.memory_space<vmem_shared>>) offsets(%dma_start3A_321 : memref<16xi32, #tpu.memory_space<vmem>>) semaphore(%arg30 : memref<!tpu.dma_semaphore, #tpu.memory_space<semaphore_mem>>) {add = true}
      %sub3A_325 = arith.constant 4 : i32
      %sub3A_326 = arith.subi %add3A_312, %sub3A_325 : i32
      %mul3A_327 = arith.constant 16 : i32
      %mul3A_328 = arith.muli %sub3A_326, %mul3A_327 : i32
      %dma_wait3A_329 = tpu.memref_slice %arg8[%mul3A_328] : memref<10240xi32, #tpu.memory_space<vmem>> -> memref<16xi32, #tpu.memory_space<vmem>>
      %dma_wait3A_330 = arith.constant 0 : i32
      %dma_wait3A_331 = arith.constant 0 : i32
      %dma_wait3A_332 = tpu.memref_slice %arg17[%dma_wait3A_330, %dma_wait3A_331] : memref<5248x128xf32, #tpu.memory_space<vmem_shared>> -> memref<5248x128xf32, #tpu.memory_space<vmem_shared>>
      tpu.wait_indirect_dma semaphore(%arg26 : memref<!tpu.dma_semaphore, #tpu.memory_space<semaphore_mem>>) src(%arg9 : memref<16x128xf32, #tpu.memory_space<vmem>>) dst(%dma_wait3A_332 : memref<5248x128xf32, #tpu.memory_space<vmem_shared>>)
      %add3A_333 = arith.constant 4 : i32
      %add3A_334 = arith.addi %add3A_312, %add3A_333 : i32
      %lt3A_335 = arith.constant 640 : i32
      %lt3A_336 = arith.cmpi slt, %add3A_334, %lt3A_335 : i32
      %convert_element_type3A_337 = arith.extui %lt3A_336 : i1 to i32
      %cond3A_338 = arith.constant 0 : i32
      %cond3A_339 = arith.cmpi ne, %convert_element_type3A_337, %cond3A_338 : i32
      scf.if %cond3A_339 {
        %add3A_433 = arith.constant 4 : i32
        %add3A_434 = arith.addi %add3A_312, %add3A_433 : i32
        %mul3A_435 = arith.constant 16 : i32
        %mul3A_436 = arith.muli %add3A_434, %mul3A_435 : i32
        %dma_start3A_437 = tpu.memref_slice %arg7[%mul3A_436] : memref<10240xi32, #tpu.memory_space<vmem>> -> memref<16xi32, #tpu.memory_space<vmem>>
        %dma_start3A_438 = arith.constant 0 : i32
        %dma_start3A_439 = arith.constant 0 : i32
        %dma_start3A_440 = tpu.memref_slice %arg2[%dma_start3A_438, %dma_start3A_439] : memref<10000x128xf32, #tpu.memory_space<hbm>> -> memref<10000x128xf32, #tpu.memory_space<hbm>>
        tpu.enqueue_indirect_dma source(%dma_start3A_440 : memref<10000x128xf32, #tpu.memory_space<hbm>>) target(%arg9 : memref<16x128xf32, #tpu.memory_space<vmem>>) offsets(%dma_start3A_437 : memref<16xi32, #tpu.memory_space<vmem>>) semaphore(%arg18 : memref<!tpu.dma_semaphore, #tpu.memory_space<semaphore_mem>>)
      } else {
      }
      %mul3A_340 = arith.constant 8 : i32
      %mul3A_341 = arith.muli %mul3A_340, %scan3A_189 : i32
      %add3A_342 = arith.constant 5 : i32
      %add3A_343 = arith.addi %mul3A_341, %add3A_342 : i32
      %mul3A_344 = arith.constant 16 : i32
      %mul3A_345 = arith.muli %add3A_343, %mul3A_344 : i32
      %dma_wait3A_346 = tpu.memref_slice %arg7[%mul3A_345] : memref<10240xi32, #tpu.memory_space<vmem>> -> memref<16xi32, #tpu.memory_space<vmem>>
      %dma_wait3A_347 = arith.constant 0 : i32
      %dma_wait3A_348 = arith.constant 0 : i32
      %dma_wait3A_349 = tpu.memref_slice %arg2[%dma_wait3A_347, %dma_wait3A_348] : memref<10000x128xf32, #tpu.memory_space<hbm>> -> memref<10000x128xf32, #tpu.memory_space<hbm>>
      tpu.wait_indirect_dma semaphore(%arg23 : memref<!tpu.dma_semaphore, #tpu.memory_space<semaphore_mem>>) src(%dma_wait3A_349 : memref<10000x128xf32, #tpu.memory_space<hbm>>) dst(%arg14 : memref<16x128xf32, #tpu.memory_space<vmem>>)
      %mul3A_350 = arith.constant 16 : i32
      %mul3A_351 = arith.muli %add3A_343, %mul3A_350 : i32
      %dma_start3A_352 = tpu.memref_slice %arg8[%mul3A_351] : memref<10240xi32, #tpu.memory_space<vmem>> -> memref<16xi32, #tpu.memory_space<vmem>>
      %dma_start3A_353 = arith.constant 0 : i32
      %dma_start3A_354 = arith.constant 0 : i32
      %dma_start3A_355 = tpu.memref_slice %arg17[%dma_start3A_353, %dma_start3A_354] : memref<5248x128xf32, #tpu.memory_space<vmem_shared>> -> memref<5248x128xf32, #tpu.memory_space<vmem_shared>>
      tpu.enqueue_indirect_dma source(%arg14 : memref<16x128xf32, #tpu.memory_space<vmem>>) target(%dma_start3A_355 : memref<5248x128xf32, #tpu.memory_space<vmem_shared>>) offsets(%dma_start3A_352 : memref<16xi32, #tpu.memory_space<vmem>>) semaphore(%arg31 : memref<!tpu.dma_semaphore, #tpu.memory_space<semaphore_mem>>) {add = true}
      %sub3A_356 = arith.constant 4 : i32
      %sub3A_357 = arith.subi %add3A_343, %sub3A_356 : i32
      %mul3A_358 = arith.constant 16 : i32
      %mul3A_359 = arith.muli %sub3A_357, %mul3A_358 : i32
      %dma_wait3A_360 = tpu.memref_slice %arg8[%mul3A_359] : memref<10240xi32, #tpu.memory_space<vmem>> -> memref<16xi32, #tpu.memory_space<vmem>>
      %dma_wait3A_361 = arith.constant 0 : i32
      %dma_wait3A_362 = arith.constant 0 : i32
      %dma_wait3A_363 = tpu.memref_slice %arg17[%dma_wait3A_361, %dma_wait3A_362] : memref<5248x128xf32, #tpu.memory_space<vmem_shared>> -> memref<5248x128xf32, #tpu.memory_space<vmem_shared>>
      tpu.wait_indirect_dma semaphore(%arg27 : memref<!tpu.dma_semaphore, #tpu.memory_space<semaphore_mem>>) src(%arg10 : memref<16x128xf32, #tpu.memory_space<vmem>>) dst(%dma_wait3A_363 : memref<5248x128xf32, #tpu.memory_space<vmem_shared>>)
      %add3A_364 = arith.constant 4 : i32
      %add3A_365 = arith.addi %add3A_343, %add3A_364 : i32
      %lt3A_366 = arith.constant 640 : i32
      %lt3A_367 = arith.cmpi slt, %add3A_365, %lt3A_366 : i32
      %convert_element_type3A_368 = arith.extui %lt3A_367 : i1 to i32
      %cond3A_369 = arith.constant 0 : i32
      %cond3A_370 = arith.cmpi ne, %convert_element_type3A_368, %cond3A_369 : i32
      scf.if %cond3A_370 {
        %add3A_433 = arith.constant 4 : i32
        %add3A_434 = arith.addi %add3A_343, %add3A_433 : i32
        %mul3A_435 = arith.constant 16 : i32
        %mul3A_436 = arith.muli %add3A_434, %mul3A_435 : i32
        %dma_start3A_437 = tpu.memref_slice %arg7[%mul3A_436] : memref<10240xi32, #tpu.memory_space<vmem>> -> memref<16xi32, #tpu.memory_space<vmem>>
        %dma_start3A_438 = arith.constant 0 : i32
        %dma_start3A_439 = arith.constant 0 : i32
        %dma_start3A_440 = tpu.memref_slice %arg2[%dma_start3A_438, %dma_start3A_439] : memref<10000x128xf32, #tpu.memory_space<hbm>> -> memref<10000x128xf32, #tpu.memory_space<hbm>>
        tpu.enqueue_indirect_dma source(%dma_start3A_440 : memref<10000x128xf32, #tpu.memory_space<hbm>>) target(%arg10 : memref<16x128xf32, #tpu.memory_space<vmem>>) offsets(%dma_start3A_437 : memref<16xi32, #tpu.memory_space<vmem>>) semaphore(%arg19 : memref<!tpu.dma_semaphore, #tpu.memory_space<semaphore_mem>>)
      } else {
      }
      %mul3A_371 = arith.constant 8 : i32
      %mul3A_372 = arith.muli %mul3A_371, %scan3A_189 : i32
      %add3A_373 = arith.constant 6 : i32
      %add3A_374 = arith.addi %mul3A_372, %add3A_373 : i32
      %mul3A_375 = arith.constant 16 : i32
      %mul3A_376 = arith.muli %add3A_374, %mul3A_375 : i32
      %dma_wait3A_377 = tpu.memref_slice %arg7[%mul3A_376] : memref<10240xi32, #tpu.memory_space<vmem>> -> memref<16xi32, #tpu.memory_space<vmem>>
      %dma_wait3A_378 = arith.constant 0 : i32
      %dma_wait3A_379 = arith.constant 0 : i32
      %dma_wait3A_380 = tpu.memref_slice %arg2[%dma_wait3A_378, %dma_wait3A_379] : memref<10000x128xf32, #tpu.memory_space<hbm>> -> memref<10000x128xf32, #tpu.memory_space<hbm>>
      tpu.wait_indirect_dma semaphore(%arg24 : memref<!tpu.dma_semaphore, #tpu.memory_space<semaphore_mem>>) src(%dma_wait3A_380 : memref<10000x128xf32, #tpu.memory_space<hbm>>) dst(%arg15 : memref<16x128xf32, #tpu.memory_space<vmem>>)
      %mul3A_381 = arith.constant 16 : i32
      %mul3A_382 = arith.muli %add3A_374, %mul3A_381 : i32
      %dma_start3A_383 = tpu.memref_slice %arg8[%mul3A_382] : memref<10240xi32, #tpu.memory_space<vmem>> -> memref<16xi32, #tpu.memory_space<vmem>>
      %dma_start3A_384 = arith.constant 0 : i32
      %dma_start3A_385 = arith.constant 0 : i32
      %dma_start3A_386 = tpu.memref_slice %arg17[%dma_start3A_384, %dma_start3A_385] : memref<5248x128xf32, #tpu.memory_space<vmem_shared>> -> memref<5248x128xf32, #tpu.memory_space<vmem_shared>>
      tpu.enqueue_indirect_dma source(%arg15 : memref<16x128xf32, #tpu.memory_space<vmem>>) target(%dma_start3A_386 : memref<5248x128xf32, #tpu.memory_space<vmem_shared>>) offsets(%dma_start3A_383 : memref<16xi32, #tpu.memory_space<vmem>>) semaphore(%arg32 : memref<!tpu.dma_semaphore, #tpu.memory_space<semaphore_mem>>) {add = true}
      %sub3A_387 = arith.constant 4 : i32
      %sub3A_388 = arith.subi %add3A_374, %sub3A_387 : i32
      %mul3A_389 = arith.constant 16 : i32
      %mul3A_390 = arith.muli %sub3A_388, %mul3A_389 : i32
      %dma_wait3A_391 = tpu.memref_slice %arg8[%mul3A_390] : memref<10240xi32, #tpu.memory_space<vmem>> -> memref<16xi32, #tpu.memory_space<vmem>>
      %dma_wait3A_392 = arith.constant 0 : i32
      %dma_wait3A_393 = arith.constant 0 : i32
      %dma_wait3A_394 = tpu.memref_slice %arg17[%dma_wait3A_392, %dma_wait3A_393] : memref<5248x128xf32, #tpu.memory_space<vmem_shared>> -> memref<5248x128xf32, #tpu.memory_space<vmem_shared>>
      tpu.wait_indirect_dma semaphore(%arg28 : memref<!tpu.dma_semaphore, #tpu.memory_space<semaphore_mem>>) src(%arg11 : memref<16x128xf32, #tpu.memory_space<vmem>>) dst(%dma_wait3A_394 : memref<5248x128xf32, #tpu.memory_space<vmem_shared>>)
      %add3A_395 = arith.constant 4 : i32
      %add3A_396 = arith.addi %add3A_374, %add3A_395 : i32
      %lt3A_397 = arith.constant 640 : i32
      %lt3A_398 = arith.cmpi slt, %add3A_396, %lt3A_397 : i32
      %convert_element_type3A_399 = arith.extui %lt3A_398 : i1 to i32
      %cond3A_400 = arith.constant 0 : i32
      %cond3A_401 = arith.cmpi ne, %convert_element_type3A_399, %cond3A_400 : i32
      scf.if %cond3A_401 {
        %add3A_433 = arith.constant 4 : i32
        %add3A_434 = arith.addi %add3A_374, %add3A_433 : i32
        %mul3A_435 = arith.constant 16 : i32
        %mul3A_436 = arith.muli %add3A_434, %mul3A_435 : i32
        %dma_start3A_437 = tpu.memref_slice %arg7[%mul3A_436] : memref<10240xi32, #tpu.memory_space<vmem>> -> memref<16xi32, #tpu.memory_space<vmem>>
        %dma_start3A_438 = arith.constant 0 : i32
        %dma_start3A_439 = arith.constant 0 : i32
        %dma_start3A_440 = tpu.memref_slice %arg2[%dma_start3A_438, %dma_start3A_439] : memref<10000x128xf32, #tpu.memory_space<hbm>> -> memref<10000x128xf32, #tpu.memory_space<hbm>>
        tpu.enqueue_indirect_dma source(%dma_start3A_440 : memref<10000x128xf32, #tpu.memory_space<hbm>>) target(%arg11 : memref<16x128xf32, #tpu.memory_space<vmem>>) offsets(%dma_start3A_437 : memref<16xi32, #tpu.memory_space<vmem>>) semaphore(%arg20 : memref<!tpu.dma_semaphore, #tpu.memory_space<semaphore_mem>>)
      } else {
      }
      %mul3A_402 = arith.constant 8 : i32
      %mul3A_403 = arith.muli %mul3A_402, %scan3A_189 : i32
      %add3A_404 = arith.constant 7 : i32
      %add3A_405 = arith.addi %mul3A_403, %add3A_404 : i32
      %mul3A_406 = arith.constant 16 : i32
      %mul3A_407 = arith.muli %add3A_405, %mul3A_406 : i32
      %dma_wait3A_408 = tpu.memref_slice %arg7[%mul3A_407] : memref<10240xi32, #tpu.memory_space<vmem>> -> memref<16xi32, #tpu.memory_space<vmem>>
      %dma_wait3A_409 = arith.constant 0 : i32
      %dma_wait3A_410 = arith.constant 0 : i32
      %dma_wait3A_411 = tpu.memref_slice %arg2[%dma_wait3A_409, %dma_wait3A_410] : memref<10000x128xf32, #tpu.memory_space<hbm>> -> memref<10000x128xf32, #tpu.memory_space<hbm>>
      tpu.wait_indirect_dma semaphore(%arg25 : memref<!tpu.dma_semaphore, #tpu.memory_space<semaphore_mem>>) src(%dma_wait3A_411 : memref<10000x128xf32, #tpu.memory_space<hbm>>) dst(%arg16 : memref<16x128xf32, #tpu.memory_space<vmem>>)
      %mul3A_412 = arith.constant 16 : i32
      %mul3A_413 = arith.muli %add3A_405, %mul3A_412 : i32
      %dma_start3A_414 = tpu.memref_slice %arg8[%mul3A_413] : memref<10240xi32, #tpu.memory_space<vmem>> -> memref<16xi32, #tpu.memory_space<vmem>>
      %dma_start3A_415 = arith.constant 0 : i32
      %dma_start3A_416 = arith.constant 0 : i32
      %dma_start3A_417 = tpu.memref_slice %arg17[%dma_start3A_415, %dma_start3A_416] : memref<5248x128xf32, #tpu.memory_space<vmem_shared>> -> memref<5248x128xf32, #tpu.memory_space<vmem_shared>>
      tpu.enqueue_indirect_dma source(%arg16 : memref<16x128xf32, #tpu.memory_space<vmem>>) target(%dma_start3A_417 : memref<5248x128xf32, #tpu.memory_space<vmem_shared>>) offsets(%dma_start3A_414 : memref<16xi32, #tpu.memory_space<vmem>>) semaphore(%arg33 : memref<!tpu.dma_semaphore, #tpu.memory_space<semaphore_mem>>) {add = true}
      %sub3A_418 = arith.constant 4 : i32
      %sub3A_419 = arith.subi %add3A_405, %sub3A_418 : i32
      %mul3A_420 = arith.constant 16 : i32
      %mul3A_421 = arith.muli %sub3A_419, %mul3A_420 : i32
      %dma_wait3A_422 = tpu.memref_slice %arg8[%mul3A_421] : memref<10240xi32, #tpu.memory_space<vmem>> -> memref<16xi32, #tpu.memory_space<vmem>>
      %dma_wait3A_423 = arith.constant 0 : i32
      %dma_wait3A_424 = arith.constant 0 : i32
      %dma_wait3A_425 = tpu.memref_slice %arg17[%dma_wait3A_423, %dma_wait3A_424] : memref<5248x128xf32, #tpu.memory_space<vmem_shared>> -> memref<5248x128xf32, #tpu.memory_space<vmem_shared>>
      tpu.wait_indirect_dma semaphore(%arg29 : memref<!tpu.dma_semaphore, #tpu.memory_space<semaphore_mem>>) src(%arg12 : memref<16x128xf32, #tpu.memory_space<vmem>>) dst(%dma_wait3A_425 : memref<5248x128xf32, #tpu.memory_space<vmem_shared>>)
      %add3A_426 = arith.constant 4 : i32
      %add3A_427 = arith.addi %add3A_405, %add3A_426 : i32
      %lt3A_428 = arith.constant 640 : i32
      %lt3A_429 = arith.cmpi slt, %add3A_427, %lt3A_428 : i32
      %convert_element_type3A_430 = arith.extui %lt3A_429 : i1 to i32
      %cond3A_431 = arith.constant 0 : i32
      %cond3A_432 = arith.cmpi ne, %convert_element_type3A_430, %cond3A_431 : i32
      scf.if %cond3A_432 {
        %add3A_433 = arith.constant 4 : i32
        %add3A_434 = arith.addi %add3A_405, %add3A_433 : i32
        %mul3A_435 = arith.constant 16 : i32
        %mul3A_436 = arith.muli %add3A_434, %mul3A_435 : i32
        %dma_start3A_437 = tpu.memref_slice %arg7[%mul3A_436] : memref<10240xi32, #tpu.memory_space<vmem>> -> memref<16xi32, #tpu.memory_space<vmem>>
        %dma_start3A_438 = arith.constant 0 : i32
        %dma_start3A_439 = arith.constant 0 : i32
        %dma_start3A_440 = tpu.memref_slice %arg2[%dma_start3A_438, %dma_start3A_439] : memref<10000x128xf32, #tpu.memory_space<hbm>> -> memref<10000x128xf32, #tpu.memory_space<hbm>>
        tpu.enqueue_indirect_dma source(%dma_start3A_440 : memref<10000x128xf32, #tpu.memory_space<hbm>>) target(%arg12 : memref<16x128xf32, #tpu.memory_space<vmem>>) offsets(%dma_start3A_437 : memref<16xi32, #tpu.memory_space<vmem>>) semaphore(%arg21 : memref<!tpu.dma_semaphore, #tpu.memory_space<semaphore_mem>>)
      } else {
      }
    }
    %scan3A_163 = arith.constant 79 : i32
    %dma_wait3A_164 = arith.constant 10176 : i32
    %dma_wait3A_165 = tpu.memref_slice %arg8[%dma_wait3A_164] : memref<10240xi32, #tpu.memory_space<vmem>> -> memref<16xi32, #tpu.memory_space<vmem>>
    %dma_wait3A_166 = arith.constant 0 : i32
    %dma_wait3A_167 = arith.constant 0 : i32
    %dma_wait3A_168 = tpu.memref_slice %arg17[%dma_wait3A_166, %dma_wait3A_167] : memref<5248x128xf32, #tpu.memory_space<vmem_shared>> -> memref<5248x128xf32, #tpu.memory_space<vmem_shared>>
    tpu.wait_indirect_dma semaphore(%arg30 : memref<!tpu.dma_semaphore, #tpu.memory_space<semaphore_mem>>) src(%arg13 : memref<16x128xf32, #tpu.memory_space<vmem>>) dst(%dma_wait3A_168 : memref<5248x128xf32, #tpu.memory_space<vmem_shared>>)
    %dma_wait3A_169 = arith.constant 10192 : i32
    %dma_wait3A_170 = tpu.memref_slice %arg8[%dma_wait3A_169] : memref<10240xi32, #tpu.memory_space<vmem>> -> memref<16xi32, #tpu.memory_space<vmem>>
    %dma_wait3A_171 = arith.constant 0 : i32
    %dma_wait3A_172 = arith.constant 0 : i32
    %dma_wait3A_173 = tpu.memref_slice %arg17[%dma_wait3A_171, %dma_wait3A_172] : memref<5248x128xf32, #tpu.memory_space<vmem_shared>> -> memref<5248x128xf32, #tpu.memory_space<vmem_shared>>
    tpu.wait_indirect_dma semaphore(%arg31 : memref<!tpu.dma_semaphore, #tpu.memory_space<semaphore_mem>>) src(%arg14 : memref<16x128xf32, #tpu.memory_space<vmem>>) dst(%dma_wait3A_173 : memref<5248x128xf32, #tpu.memory_space<vmem_shared>>)
    %dma_wait3A_174 = arith.constant 10208 : i32
    %dma_wait3A_175 = tpu.memref_slice %arg8[%dma_wait3A_174] : memref<10240xi32, #tpu.memory_space<vmem>> -> memref<16xi32, #tpu.memory_space<vmem>>
    %dma_wait3A_176 = arith.constant 0 : i32
    %dma_wait3A_177 = arith.constant 0 : i32
    %dma_wait3A_178 = tpu.memref_slice %arg17[%dma_wait3A_176, %dma_wait3A_177] : memref<5248x128xf32, #tpu.memory_space<vmem_shared>> -> memref<5248x128xf32, #tpu.memory_space<vmem_shared>>
    tpu.wait_indirect_dma semaphore(%arg32 : memref<!tpu.dma_semaphore, #tpu.memory_space<semaphore_mem>>) src(%arg15 : memref<16x128xf32, #tpu.memory_space<vmem>>) dst(%dma_wait3A_178 : memref<5248x128xf32, #tpu.memory_space<vmem_shared>>)
    %dma_wait3A_179 = arith.constant 10224 : i32
    %dma_wait3A_180 = tpu.memref_slice %arg8[%dma_wait3A_179] : memref<10240xi32, #tpu.memory_space<vmem>> -> memref<16xi32, #tpu.memory_space<vmem>>
    %dma_wait3A_181 = arith.constant 0 : i32
    %dma_wait3A_182 = arith.constant 0 : i32
    %dma_wait3A_183 = tpu.memref_slice %arg17[%dma_wait3A_181, %dma_wait3A_182] : memref<5248x128xf32, #tpu.memory_space<vmem_shared>> -> memref<5248x128xf32, #tpu.memory_space<vmem_shared>>
    tpu.wait_indirect_dma semaphore(%arg33 : memref<!tpu.dma_semaphore, #tpu.memory_space<semaphore_mem>>) src(%arg16 : memref<16x128xf32, #tpu.memory_space<vmem>>) dst(%dma_wait3A_183 : memref<5248x128xf32, #tpu.memory_space<vmem_shared>>)
    %barrier3A_184 = arith.constant 0 : index
    tpu.barrier barrier_id(%barrier3A_184)
    %mul3A_185 = arith.constant 320 : i32
    %mul3A_186 = arith.muli %arg1, %mul3A_185 : i32
    %mul3A_187 = arith.constant 320 : i32
    %mul3A_188 = arith.muli %arg1, %mul3A_187 : i32
    "tpu.region"() ({
      %run_scoped3A = tpu.sem_alloc : memref<!tpu.dma_semaphore, #tpu.memory_space<semaphore_mem>>
      %dma_start3A_189 = arith.constant 0 : i32
      %dma_start3A_190 = tpu.memref_slice %arg6[%arg0, %mul3A_188, %dma_start3A_189] : memref<2x5120x128xf32, #tpu.memory_space<hbm>> -> memref<1x320x128xf32, #tpu.memory_space<hbm>>
      %dma_start3A_191 = tpu.memref_squeeze %dma_start3A_190 : memref<1x320x128xf32, #tpu.memory_space<hbm>> -> memref<320x128xf32, #tpu.memory_space<hbm>>
      %dma_start3A_192 = arith.constant 0 : i32
      %dma_start3A_193 = tpu.memref_slice %arg17[%mul3A_186, %dma_start3A_192] : memref<5248x128xf32, #tpu.memory_space<vmem_shared>> -> memref<320x128xf32, #tpu.memory_space<vmem_shared>>
      tpu.enqueue_dma source(%dma_start3A_193 : memref<320x128xf32, #tpu.memory_space<vmem_shared>>) target(%dma_start3A_191 : memref<320x128xf32, #tpu.memory_space<hbm>>) target_semaphore(%run_scoped3A : memref<!tpu.dma_semaphore, #tpu.memory_space<semaphore_mem>>)
      %dma_wait3A_194 = arith.constant 0 : i32
      %dma_wait3A_195 = tpu.memref_slice %arg6[%arg0, %mul3A_188, %dma_wait3A_194] : memref<2x5120x128xf32, #tpu.memory_space<hbm>> -> memref<1x320x128xf32, #tpu.memory_space<hbm>>
      %dma_wait3A_196 = tpu.memref_squeeze %dma_wait3A_195 : memref<1x320x128xf32, #tpu.memory_space<hbm>> -> memref<320x128xf32, #tpu.memory_space<hbm>>
      %dma_wait3A_197 = arith.constant 0 : i32
      %dma_wait3A_198 = tpu.memref_slice %arg17[%mul3A_186, %dma_wait3A_197] : memref<5248x128xf32, #tpu.memory_space<vmem_shared>> -> memref<320x128xf32, #tpu.memory_space<vmem_shared>>
      tpu.wait_dma2 semaphore(%run_scoped3A : memref<!tpu.dma_semaphore, #tpu.memory_space<semaphore_mem>>) src(%dma_wait3A_198 : memref<320x128xf32, #tpu.memory_space<vmem_shared>>) dst(%dma_wait3A_196 : memref<320x128xf32, #tpu.memory_space<hbm>>)
      tpu.yield
    }) : () -> ()
    return
  }
}

#map = affine_map<(d0, d1) -> (0, 0, 0, 0)>
#map1 = affine_map<(d0, d1) -> (0)>
#map2 = affine_map<(d0, d1) -> (0, 0)>
module attributes {stable_mosaic.version = 14 : i64} {
  func.func @sc_gcn_deg(%arg0: i32, %arg1: i32, %arg2: memref<2x16x80x125xi32, #tpu.memory_space<hbm>>, %arg3: memref<125xf32, #tpu.memory_space<hbm>>, %arg4: memref<640xf32, #tpu.memory_space<hbm>>, %arg5: memref<2x10240xf32, #tpu.memory_space<hbm>>, %arg6: memref<80x125xi32, #tpu.memory_space<vmem>>, %arg7: memref<125xf32, #tpu.memory_space<vmem>>, %arg8: memref<10240xf32, #tpu.memory_space<vmem_shared>>, %arg9: memref<!tpu.dma_semaphore, #tpu.memory_space<semaphore_mem>>, %arg10: memref<!tpu.dma_semaphore, #tpu.memory_space<semaphore_mem>>, %arg11: memref<!tpu.dma_semaphore, #tpu.memory_space<semaphore_mem>>, %arg12: memref<!tpu.dma_semaphore, #tpu.memory_space<semaphore_mem>>) attributes {dimension_semantics = [#tpu.dimension_semantics<core_parallel>, #tpu.dimension_semantics<subcore_parallel>], iteration_bounds = array<i64: 2, 16>, scalar_prefetch = 0 : i64, scratch_operands = 7 : i64, tpu.core_type = #tpu.core_type<sc_vector_subcore>, window_params = [{transform_indices = #map}, {transform_indices = #map1}, {transform_indices = #map1}, {transform_indices = #map2}]} {
    "tpu.region"() ({
      %run_scoped3A = tpu.sem_alloc : memref<!tpu.dma_semaphore, #tpu.memory_space<semaphore_mem>>
      %dma_start3A_57 = arith.constant 0 : i32
      %dma_start3A_58 = arith.constant 0 : i32
      %dma_start3A_59 = tpu.memref_slice %arg2[%arg0, %arg1, %dma_start3A_57, %dma_start3A_58] : memref<2x16x80x125xi32, #tpu.memory_space<hbm>> -> memref<1x1x80x125xi32, #tpu.memory_space<hbm>>
      %dma_start3A_60 = tpu.memref_squeeze %dma_start3A_59 : memref<1x1x80x125xi32, #tpu.memory_space<hbm>> -> memref<80x125xi32, #tpu.memory_space<hbm>>
      %dma_start3A_61 = arith.constant 0 : i32
      %dma_start3A_62 = arith.constant 0 : i32
      %dma_start3A_63 = tpu.memref_slice %arg2[%arg0, %arg1, %dma_start3A_61, %dma_start3A_62] : memref<2x16x80x125xi32, #tpu.memory_space<hbm>> -> memref<1x1x80x125xi32, #tpu.memory_space<hbm>>
      %dma_start3A_64 = tpu.memref_squeeze %dma_start3A_63 : memref<1x1x80x125xi32, #tpu.memory_space<hbm>> -> memref<80x125xi32, #tpu.memory_space<hbm>>
      tpu.enqueue_dma source(%dma_start3A_64 : memref<80x125xi32, #tpu.memory_space<hbm>>) target(%arg6 : memref<80x125xi32, #tpu.memory_space<vmem>>) target_semaphore(%run_scoped3A : memref<!tpu.dma_semaphore, #tpu.memory_space<semaphore_mem>>)
      %dma_wait3A_65 = arith.constant 0 : i32
      %dma_wait3A_66 = arith.constant 0 : i32
      %dma_wait3A_67 = tpu.memref_slice %arg2[%arg0, %arg1, %dma_wait3A_65, %dma_wait3A_66] : memref<2x16x80x125xi32, #tpu.memory_space<hbm>> -> memref<1x1x80x125xi32, #tpu.memory_space<hbm>>
      %dma_wait3A_68 = tpu.memref_squeeze %dma_wait3A_67 : memref<1x1x80x125xi32, #tpu.memory_space<hbm>> -> memref<80x125xi32, #tpu.memory_space<hbm>>
      %dma_wait3A_69 = arith.constant 0 : i32
      %dma_wait3A_70 = arith.constant 0 : i32
      %dma_wait3A_71 = tpu.memref_slice %arg2[%arg0, %arg1, %dma_wait3A_69, %dma_wait3A_70] : memref<2x16x80x125xi32, #tpu.memory_space<hbm>> -> memref<1x1x80x125xi32, #tpu.memory_space<hbm>>
      %dma_wait3A_72 = tpu.memref_squeeze %dma_wait3A_71 : memref<1x1x80x125xi32, #tpu.memory_space<hbm>> -> memref<80x125xi32, #tpu.memory_space<hbm>>
      tpu.wait_dma2 semaphore(%run_scoped3A : memref<!tpu.dma_semaphore, #tpu.memory_space<semaphore_mem>>) src(%dma_wait3A_72 : memref<80x125xi32, #tpu.memory_space<hbm>>) dst(%arg6 : memref<80x125xi32, #tpu.memory_space<vmem>>)
      tpu.yield
    }) : () -> ()
    "tpu.region"() ({
      %run_scoped3A = tpu.sem_alloc : memref<!tpu.dma_semaphore, #tpu.memory_space<semaphore_mem>>
      tpu.enqueue_dma source(%arg3 : memref<125xf32, #tpu.memory_space<hbm>>) target(%arg7 : memref<125xf32, #tpu.memory_space<vmem>>) target_semaphore(%run_scoped3A : memref<!tpu.dma_semaphore, #tpu.memory_space<semaphore_mem>>)
      tpu.wait_dma2 semaphore(%run_scoped3A : memref<!tpu.dma_semaphore, #tpu.memory_space<semaphore_mem>>) src(%arg3 : memref<125xf32, #tpu.memory_space<hbm>>) dst(%arg7 : memref<125xf32, #tpu.memory_space<vmem>>)
      tpu.yield
    }) : () -> ()
    %mul3A = arith.constant 640 : i32
    %mul3A_0 = arith.muli %arg1, %mul3A : i32
    "tpu.region"() ({
      %run_scoped3A = tpu.sem_alloc : memref<!tpu.dma_semaphore, #tpu.memory_space<semaphore_mem>>
      %dma_start3A_57 = tpu.memref_slice %arg8[%mul3A_0] : memref<10240xf32, #tpu.memory_space<vmem_shared>> -> memref<640xf32, #tpu.memory_space<vmem_shared>>
      tpu.enqueue_dma source(%arg4 : memref<640xf32, #tpu.memory_space<hbm>>) target(%dma_start3A_57 : memref<640xf32, #tpu.memory_space<vmem_shared>>) target_semaphore(%run_scoped3A : memref<!tpu.dma_semaphore, #tpu.memory_space<semaphore_mem>>)
      %dma_wait3A_58 = tpu.memref_slice %arg8[%mul3A_0] : memref<10240xf32, #tpu.memory_space<vmem_shared>> -> memref<640xf32, #tpu.memory_space<vmem_shared>>
      tpu.wait_dma2 semaphore(%run_scoped3A : memref<!tpu.dma_semaphore, #tpu.memory_space<semaphore_mem>>) src(%arg4 : memref<640xf32, #tpu.memory_space<hbm>>) dst(%dma_wait3A_58 : memref<640xf32, #tpu.memory_space<vmem_shared>>)
      tpu.yield
    }) : () -> ()
    %barrier3A = arith.constant 0 : index
    tpu.barrier barrier_id(%barrier3A)
    %dma_start3A = arith.constant 0 : i32
    %dma_start3A_1 = arith.constant 0 : i32
    %dma_start3A_2 = tpu.memref_slice %arg6[%dma_start3A, %dma_start3A_1] : memref<80x125xi32, #tpu.memory_space<vmem>> -> memref<1x125xi32, #tpu.memory_space<vmem>>
    %dma_start3A_3 = tpu.memref_squeeze %dma_start3A_2 : memref<1x125xi32, #tpu.memory_space<vmem>> -> memref<125xi32, #tpu.memory_space<vmem>>
    %dma_start3A_4 = arith.constant 0 : i32
    %dma_start3A_5 = tpu.memref_slice %arg8[%dma_start3A_4] : memref<10240xf32, #tpu.memory_space<vmem_shared>> -> memref<10240xf32, #tpu.memory_space<vmem_shared>>
    tpu.enqueue_indirect_dma source(%arg7 : memref<125xf32, #tpu.memory_space<vmem>>) target(%dma_start3A_5 : memref<10240xf32, #tpu.memory_space<vmem_shared>>) offsets(%dma_start3A_3 : memref<125xi32, #tpu.memory_space<vmem>>) semaphore(%arg9 : memref<!tpu.dma_semaphore, #tpu.memory_space<semaphore_mem>>) {add = true}
    %dma_start3A_6 = arith.constant 1 : i32
    %dma_start3A_7 = arith.constant 0 : i32
    %dma_start3A_8 = tpu.memref_slice %arg6[%dma_start3A_6, %dma_start3A_7] : memref<80x125xi32, #tpu.memory_space<vmem>> -> memref<1x125xi32, #tpu.memory_space<vmem>>
    %dma_start3A_9 = tpu.memref_squeeze %dma_start3A_8 : memref<1x125xi32, #tpu.memory_space<vmem>> -> memref<125xi32, #tpu.memory_space<vmem>>
    %dma_start3A_10 = arith.constant 0 : i32
    %dma_start3A_11 = tpu.memref_slice %arg8[%dma_start3A_10] : memref<10240xf32, #tpu.memory_space<vmem_shared>> -> memref<10240xf32, #tpu.memory_space<vmem_shared>>
    tpu.enqueue_indirect_dma source(%arg7 : memref<125xf32, #tpu.memory_space<vmem>>) target(%dma_start3A_11 : memref<10240xf32, #tpu.memory_space<vmem_shared>>) offsets(%dma_start3A_9 : memref<125xi32, #tpu.memory_space<vmem>>) semaphore(%arg10 : memref<!tpu.dma_semaphore, #tpu.memory_space<semaphore_mem>>) {add = true}
    %dma_start3A_12 = arith.constant 2 : i32
    %dma_start3A_13 = arith.constant 0 : i32
    %dma_start3A_14 = tpu.memref_slice %arg6[%dma_start3A_12, %dma_start3A_13] : memref<80x125xi32, #tpu.memory_space<vmem>> -> memref<1x125xi32, #tpu.memory_space<vmem>>
    %dma_start3A_15 = tpu.memref_squeeze %dma_start3A_14 : memref<1x125xi32, #tpu.memory_space<vmem>> -> memref<125xi32, #tpu.memory_space<vmem>>
    %dma_start3A_16 = arith.constant 0 : i32
    %dma_start3A_17 = tpu.memref_slice %arg8[%dma_start3A_16] : memref<10240xf32, #tpu.memory_space<vmem_shared>> -> memref<10240xf32, #tpu.memory_space<vmem_shared>>
    tpu.enqueue_indirect_dma source(%arg7 : memref<125xf32, #tpu.memory_space<vmem>>) target(%dma_start3A_17 : memref<10240xf32, #tpu.memory_space<vmem_shared>>) offsets(%dma_start3A_15 : memref<125xi32, #tpu.memory_space<vmem>>) semaphore(%arg11 : memref<!tpu.dma_semaphore, #tpu.memory_space<semaphore_mem>>) {add = true}
    %dma_start3A_18 = arith.constant 3 : i32
    %dma_start3A_19 = arith.constant 0 : i32
    %dma_start3A_20 = tpu.memref_slice %arg6[%dma_start3A_18, %dma_start3A_19] : memref<80x125xi32, #tpu.memory_space<vmem>> -> memref<1x125xi32, #tpu.memory_space<vmem>>
    %dma_start3A_21 = tpu.memref_squeeze %dma_start3A_20 : memref<1x125xi32, #tpu.memory_space<vmem>> -> memref<125xi32, #tpu.memory_space<vmem>>
    %dma_start3A_22 = arith.constant 0 : i32
    %dma_start3A_23 = tpu.memref_slice %arg8[%dma_start3A_22] : memref<10240xf32, #tpu.memory_space<vmem_shared>> -> memref<10240xf32, #tpu.memory_space<vmem_shared>>
    tpu.enqueue_indirect_dma source(%arg7 : memref<125xf32, #tpu.memory_space<vmem>>) target(%dma_start3A_23 : memref<10240xf32, #tpu.memory_space<vmem_shared>>) offsets(%dma_start3A_21 : memref<125xi32, #tpu.memory_space<vmem>>) semaphore(%arg12 : memref<!tpu.dma_semaphore, #tpu.memory_space<semaphore_mem>>) {add = true}
    %scan3A = arith.constant 0 : i32
    %scan3A_24 = arith.constant 1 : i32
    %scan3A_25 = arith.constant 19 : i32
    %scan3A_26 = arith.addi %scan3A_24, %scan3A_25 : i32
    %scan3A_27 = arith.constant 1 : i32
    scf.for %scan3A_57 = %scan3A_24 to %scan3A_26 step %scan3A_27  : i32 {
      %mul3A_58 = arith.constant 4 : i32
      %mul3A_59 = arith.muli %mul3A_58, %scan3A_57 : i32
      %add3A = arith.constant 0 : i32
      %add3A_60 = arith.addi %mul3A_59, %add3A : i32
      %sub3A = arith.constant 4 : i32
      %sub3A_61 = arith.subi %add3A_60, %sub3A : i32
      %dma_wait3A_62 = arith.constant 0 : i32
      %dma_wait3A_63 = tpu.memref_slice %arg6[%sub3A_61, %dma_wait3A_62] : memref<80x125xi32, #tpu.memory_space<vmem>> -> memref<1x125xi32, #tpu.memory_space<vmem>>
      %dma_wait3A_64 = tpu.memref_squeeze %dma_wait3A_63 : memref<1x125xi32, #tpu.memory_space<vmem>> -> memref<125xi32, #tpu.memory_space<vmem>>
      %dma_wait3A_65 = arith.constant 0 : i32
      %dma_wait3A_66 = tpu.memref_slice %arg8[%dma_wait3A_65] : memref<10240xf32, #tpu.memory_space<vmem_shared>> -> memref<10240xf32, #tpu.memory_space<vmem_shared>>
      tpu.wait_indirect_dma semaphore(%arg9 : memref<!tpu.dma_semaphore, #tpu.memory_space<semaphore_mem>>) src(%arg7 : memref<125xf32, #tpu.memory_space<vmem>>) dst(%dma_wait3A_66 : memref<10240xf32, #tpu.memory_space<vmem_shared>>)
      %dma_start3A_67 = arith.constant 0 : i32
      %dma_start3A_68 = tpu.memref_slice %arg6[%add3A_60, %dma_start3A_67] : memref<80x125xi32, #tpu.memory_space<vmem>> -> memref<1x125xi32, #tpu.memory_space<vmem>>
      %dma_start3A_69 = tpu.memref_squeeze %dma_start3A_68 : memref<1x125xi32, #tpu.memory_space<vmem>> -> memref<125xi32, #tpu.memory_space<vmem>>
      %dma_start3A_70 = arith.constant 0 : i32
      %dma_start3A_71 = tpu.memref_slice %arg8[%dma_start3A_70] : memref<10240xf32, #tpu.memory_space<vmem_shared>> -> memref<10240xf32, #tpu.memory_space<vmem_shared>>
      tpu.enqueue_indirect_dma source(%arg7 : memref<125xf32, #tpu.memory_space<vmem>>) target(%dma_start3A_71 : memref<10240xf32, #tpu.memory_space<vmem_shared>>) offsets(%dma_start3A_69 : memref<125xi32, #tpu.memory_space<vmem>>) semaphore(%arg9 : memref<!tpu.dma_semaphore, #tpu.memory_space<semaphore_mem>>) {add = true}
      %mul3A_72 = arith.constant 4 : i32
      %mul3A_73 = arith.muli %mul3A_72, %scan3A_57 : i32
      %add3A_74 = arith.constant 1 : i32
      %add3A_75 = arith.addi %mul3A_73, %add3A_74 : i32
      %sub3A_76 = arith.constant 4 : i32
      %sub3A_77 = arith.subi %add3A_75, %sub3A_76 : i32
      %dma_wait3A_78 = arith.constant 0 : i32
      %dma_wait3A_79 = tpu.memref_slice %arg6[%sub3A_77, %dma_wait3A_78] : memref<80x125xi32, #tpu.memory_space<vmem>> -> memref<1x125xi32, #tpu.memory_space<vmem>>
      %dma_wait3A_80 = tpu.memref_squeeze %dma_wait3A_79 : memref<1x125xi32, #tpu.memory_space<vmem>> -> memref<125xi32, #tpu.memory_space<vmem>>
      %dma_wait3A_81 = arith.constant 0 : i32
      %dma_wait3A_82 = tpu.memref_slice %arg8[%dma_wait3A_81] : memref<10240xf32, #tpu.memory_space<vmem_shared>> -> memref<10240xf32, #tpu.memory_space<vmem_shared>>
      tpu.wait_indirect_dma semaphore(%arg10 : memref<!tpu.dma_semaphore, #tpu.memory_space<semaphore_mem>>) src(%arg7 : memref<125xf32, #tpu.memory_space<vmem>>) dst(%dma_wait3A_82 : memref<10240xf32, #tpu.memory_space<vmem_shared>>)
      %dma_start3A_83 = arith.constant 0 : i32
      %dma_start3A_84 = tpu.memref_slice %arg6[%add3A_75, %dma_start3A_83] : memref<80x125xi32, #tpu.memory_space<vmem>> -> memref<1x125xi32, #tpu.memory_space<vmem>>
      %dma_start3A_85 = tpu.memref_squeeze %dma_start3A_84 : memref<1x125xi32, #tpu.memory_space<vmem>> -> memref<125xi32, #tpu.memory_space<vmem>>
      %dma_start3A_86 = arith.constant 0 : i32
      %dma_start3A_87 = tpu.memref_slice %arg8[%dma_start3A_86] : memref<10240xf32, #tpu.memory_space<vmem_shared>> -> memref<10240xf32, #tpu.memory_space<vmem_shared>>
      tpu.enqueue_indirect_dma source(%arg7 : memref<125xf32, #tpu.memory_space<vmem>>) target(%dma_start3A_87 : memref<10240xf32, #tpu.memory_space<vmem_shared>>) offsets(%dma_start3A_85 : memref<125xi32, #tpu.memory_space<vmem>>) semaphore(%arg10 : memref<!tpu.dma_semaphore, #tpu.memory_space<semaphore_mem>>) {add = true}
      %mul3A_88 = arith.constant 4 : i32
      %mul3A_89 = arith.muli %mul3A_88, %scan3A_57 : i32
      %add3A_90 = arith.constant 2 : i32
      %add3A_91 = arith.addi %mul3A_89, %add3A_90 : i32
      %sub3A_92 = arith.constant 4 : i32
      %sub3A_93 = arith.subi %add3A_91, %sub3A_92 : i32
      %dma_wait3A_94 = arith.constant 0 : i32
      %dma_wait3A_95 = tpu.memref_slice %arg6[%sub3A_93, %dma_wait3A_94] : memref<80x125xi32, #tpu.memory_space<vmem>> -> memref<1x125xi32, #tpu.memory_space<vmem>>
      %dma_wait3A_96 = tpu.memref_squeeze %dma_wait3A_95 : memref<1x125xi32, #tpu.memory_space<vmem>> -> memref<125xi32, #tpu.memory_space<vmem>>
      %dma_wait3A_97 = arith.constant 0 : i32
      %dma_wait3A_98 = tpu.memref_slice %arg8[%dma_wait3A_97] : memref<10240xf32, #tpu.memory_space<vmem_shared>> -> memref<10240xf32, #tpu.memory_space<vmem_shared>>
      tpu.wait_indirect_dma semaphore(%arg11 : memref<!tpu.dma_semaphore, #tpu.memory_space<semaphore_mem>>) src(%arg7 : memref<125xf32, #tpu.memory_space<vmem>>) dst(%dma_wait3A_98 : memref<10240xf32, #tpu.memory_space<vmem_shared>>)
      %dma_start3A_99 = arith.constant 0 : i32
      %dma_start3A_100 = tpu.memref_slice %arg6[%add3A_91, %dma_start3A_99] : memref<80x125xi32, #tpu.memory_space<vmem>> -> memref<1x125xi32, #tpu.memory_space<vmem>>
      %dma_start3A_101 = tpu.memref_squeeze %dma_start3A_100 : memref<1x125xi32, #tpu.memory_space<vmem>> -> memref<125xi32, #tpu.memory_space<vmem>>
      %dma_start3A_102 = arith.constant 0 : i32
      %dma_start3A_103 = tpu.memref_slice %arg8[%dma_start3A_102] : memref<10240xf32, #tpu.memory_space<vmem_shared>> -> memref<10240xf32, #tpu.memory_space<vmem_shared>>
      tpu.enqueue_indirect_dma source(%arg7 : memref<125xf32, #tpu.memory_space<vmem>>) target(%dma_start3A_103 : memref<10240xf32, #tpu.memory_space<vmem_shared>>) offsets(%dma_start3A_101 : memref<125xi32, #tpu.memory_space<vmem>>) semaphore(%arg11 : memref<!tpu.dma_semaphore, #tpu.memory_space<semaphore_mem>>) {add = true}
      %mul3A_104 = arith.constant 4 : i32
      %mul3A_105 = arith.muli %mul3A_104, %scan3A_57 : i32
      %add3A_106 = arith.constant 3 : i32
      %add3A_107 = arith.addi %mul3A_105, %add3A_106 : i32
      %sub3A_108 = arith.constant 4 : i32
      %sub3A_109 = arith.subi %add3A_107, %sub3A_108 : i32
      %dma_wait3A_110 = arith.constant 0 : i32
      %dma_wait3A_111 = tpu.memref_slice %arg6[%sub3A_109, %dma_wait3A_110] : memref<80x125xi32, #tpu.memory_space<vmem>> -> memref<1x125xi32, #tpu.memory_space<vmem>>
      %dma_wait3A_112 = tpu.memref_squeeze %dma_wait3A_111 : memref<1x125xi32, #tpu.memory_space<vmem>> -> memref<125xi32, #tpu.memory_space<vmem>>
      %dma_wait3A_113 = arith.constant 0 : i32
      %dma_wait3A_114 = tpu.memref_slice %arg8[%dma_wait3A_113] : memref<10240xf32, #tpu.memory_space<vmem_shared>> -> memref<10240xf32, #tpu.memory_space<vmem_shared>>
      tpu.wait_indirect_dma semaphore(%arg12 : memref<!tpu.dma_semaphore, #tpu.memory_space<semaphore_mem>>) src(%arg7 : memref<125xf32, #tpu.memory_space<vmem>>) dst(%dma_wait3A_114 : memref<10240xf32, #tpu.memory_space<vmem_shared>>)
      %dma_start3A_115 = arith.constant 0 : i32
      %dma_start3A_116 = tpu.memref_slice %arg6[%add3A_107, %dma_start3A_115] : memref<80x125xi32, #tpu.memory_space<vmem>> -> memref<1x125xi32, #tpu.memory_space<vmem>>
      %dma_start3A_117 = tpu.memref_squeeze %dma_start3A_116 : memref<1x125xi32, #tpu.memory_space<vmem>> -> memref<125xi32, #tpu.memory_space<vmem>>
      %dma_start3A_118 = arith.constant 0 : i32
      %dma_start3A_119 = tpu.memref_slice %arg8[%dma_start3A_118] : memref<10240xf32, #tpu.memory_space<vmem_shared>> -> memref<10240xf32, #tpu.memory_space<vmem_shared>>
      tpu.enqueue_indirect_dma source(%arg7 : memref<125xf32, #tpu.memory_space<vmem>>) target(%dma_start3A_119 : memref<10240xf32, #tpu.memory_space<vmem_shared>>) offsets(%dma_start3A_117 : memref<125xi32, #tpu.memory_space<vmem>>) semaphore(%arg12 : memref<!tpu.dma_semaphore, #tpu.memory_space<semaphore_mem>>) {add = true}
    }
    %scan3A_28 = arith.constant 19 : i32
    %dma_wait3A = arith.constant 76 : i32
    %dma_wait3A_29 = arith.constant 0 : i32
    %dma_wait3A_30 = tpu.memref_slice %arg6[%dma_wait3A, %dma_wait3A_29] : memref<80x125xi32, #tpu.memory_space<vmem>> -> memref<1x125xi32, #tpu.memory_space<vmem>>
    %dma_wait3A_31 = tpu.memref_squeeze %dma_wait3A_30 : memref<1x125xi32, #tpu.memory_space<vmem>> -> memref<125xi32, #tpu.memory_space<vmem>>
    %dma_wait3A_32 = arith.constant 0 : i32
    %dma_wait3A_33 = tpu.memref_slice %arg8[%dma_wait3A_32] : memref<10240xf32, #tpu.memory_space<vmem_shared>> -> memref<10240xf32, #tpu.memory_space<vmem_shared>>
    tpu.wait_indirect_dma semaphore(%arg9 : memref<!tpu.dma_semaphore, #tpu.memory_space<semaphore_mem>>) src(%arg7 : memref<125xf32, #tpu.memory_space<vmem>>) dst(%dma_wait3A_33 : memref<10240xf32, #tpu.memory_space<vmem_shared>>)
    %dma_wait3A_34 = arith.constant 77 : i32
    %dma_wait3A_35 = arith.constant 0 : i32
    %dma_wait3A_36 = tpu.memref_slice %arg6[%dma_wait3A_34, %dma_wait3A_35] : memref<80x125xi32, #tpu.memory_space<vmem>> -> memref<1x125xi32, #tpu.memory_space<vmem>>
    %dma_wait3A_37 = tpu.memref_squeeze %dma_wait3A_36 : memref<1x125xi32, #tpu.memory_space<vmem>> -> memref<125xi32, #tpu.memory_space<vmem>>
    %dma_wait3A_38 = arith.constant 0 : i32
    %dma_wait3A_39 = tpu.memref_slice %arg8[%dma_wait3A_38] : memref<10240xf32, #tpu.memory_space<vmem_shared>> -> memref<10240xf32, #tpu.memory_space<vmem_shared>>
    tpu.wait_indirect_dma semaphore(%arg10 : memref<!tpu.dma_semaphore, #tpu.memory_space<semaphore_mem>>) src(%arg7 : memref<125xf32, #tpu.memory_space<vmem>>) dst(%dma_wait3A_39 : memref<10240xf32, #tpu.memory_space<vmem_shared>>)
    %dma_wait3A_40 = arith.constant 78 : i32
    %dma_wait3A_41 = arith.constant 0 : i32
    %dma_wait3A_42 = tpu.memref_slice %arg6[%dma_wait3A_40, %dma_wait3A_41] : memref<80x125xi32, #tpu.memory_space<vmem>> -> memref<1x125xi32, #tpu.memory_space<vmem>>
    %dma_wait3A_43 = tpu.memref_squeeze %dma_wait3A_42 : memref<1x125xi32, #tpu.memory_space<vmem>> -> memref<125xi32, #tpu.memory_space<vmem>>
    %dma_wait3A_44 = arith.constant 0 : i32
    %dma_wait3A_45 = tpu.memref_slice %arg8[%dma_wait3A_44] : memref<10240xf32, #tpu.memory_space<vmem_shared>> -> memref<10240xf32, #tpu.memory_space<vmem_shared>>
    tpu.wait_indirect_dma semaphore(%arg11 : memref<!tpu.dma_semaphore, #tpu.memory_space<semaphore_mem>>) src(%arg7 : memref<125xf32, #tpu.memory_space<vmem>>) dst(%dma_wait3A_45 : memref<10240xf32, #tpu.memory_space<vmem_shared>>)
    %dma_wait3A_46 = arith.constant 79 : i32
    %dma_wait3A_47 = arith.constant 0 : i32
    %dma_wait3A_48 = tpu.memref_slice %arg6[%dma_wait3A_46, %dma_wait3A_47] : memref<80x125xi32, #tpu.memory_space<vmem>> -> memref<1x125xi32, #tpu.memory_space<vmem>>
    %dma_wait3A_49 = tpu.memref_squeeze %dma_wait3A_48 : memref<1x125xi32, #tpu.memory_space<vmem>> -> memref<125xi32, #tpu.memory_space<vmem>>
    %dma_wait3A_50 = arith.constant 0 : i32
    %dma_wait3A_51 = tpu.memref_slice %arg8[%dma_wait3A_50] : memref<10240xf32, #tpu.memory_space<vmem_shared>> -> memref<10240xf32, #tpu.memory_space<vmem_shared>>
    tpu.wait_indirect_dma semaphore(%arg12 : memref<!tpu.dma_semaphore, #tpu.memory_space<semaphore_mem>>) src(%arg7 : memref<125xf32, #tpu.memory_space<vmem>>) dst(%dma_wait3A_51 : memref<10240xf32, #tpu.memory_space<vmem_shared>>)
    %barrier3A_52 = arith.constant 0 : index
    tpu.barrier barrier_id(%barrier3A_52)
    %mul3A_53 = arith.constant 640 : i32
    %mul3A_54 = arith.muli %arg1, %mul3A_53 : i32
    %mul3A_55 = arith.constant 640 : i32
    %mul3A_56 = arith.muli %arg1, %mul3A_55 : i32
    "tpu.region"() ({
      %run_scoped3A = tpu.sem_alloc : memref<!tpu.dma_semaphore, #tpu.memory_space<semaphore_mem>>
      %dma_start3A_57 = tpu.memref_slice %arg5[%arg0, %mul3A_56] : memref<2x10240xf32, #tpu.memory_space<hbm>> -> memref<1x640xf32, #tpu.memory_space<hbm>>
      %dma_start3A_58 = tpu.memref_squeeze %dma_start3A_57 : memref<1x640xf32, #tpu.memory_space<hbm>> -> memref<640xf32, #tpu.memory_space<hbm>>
      %dma_start3A_59 = tpu.memref_slice %arg8[%mul3A_54] : memref<10240xf32, #tpu.memory_space<vmem_shared>> -> memref<640xf32, #tpu.memory_space<vmem_shared>>
      tpu.enqueue_dma source(%dma_start3A_59 : memref<640xf32, #tpu.memory_space<vmem_shared>>) target(%dma_start3A_58 : memref<640xf32, #tpu.memory_space<hbm>>) target_semaphore(%run_scoped3A : memref<!tpu.dma_semaphore, #tpu.memory_space<semaphore_mem>>)
      %dma_wait3A_60 = tpu.memref_slice %arg5[%arg0, %mul3A_56] : memref<2x10240xf32, #tpu.memory_space<hbm>> -> memref<1x640xf32, #tpu.memory_space<hbm>>
      %dma_wait3A_61 = tpu.memref_squeeze %dma_wait3A_60 : memref<1x640xf32, #tpu.memory_space<hbm>> -> memref<640xf32, #tpu.memory_space<hbm>>
      %dma_wait3A_62 = tpu.memref_slice %arg8[%mul3A_54] : memref<10240xf32, #tpu.memory_space<vmem_shared>> -> memref<640xf32, #tpu.memory_space<vmem_shared>>
      tpu.wait_dma2 semaphore(%run_scoped3A : memref<!tpu.dma_semaphore, #tpu.memory_space<semaphore_mem>>) src(%dma_wait3A_62 : memref<640xf32, #tpu.memory_space<vmem_shared>>) dst(%dma_wait3A_61 : memref<640xf32, #tpu.memory_space<hbm>>)
      tpu.yield
    }) : () -> ()
    return
  }
}

#map = affine_map<(d0, d1) -> (0, 0)>
#map1 = affine_map<(d0, d1) -> (0, 0, 0)>
module attributes {stable_mosaic.version = 14 : i64} {
  func.func @sc_gcn_scatter(%arg0: i32, %arg1: i32, %arg2: memref<10000x128xf32, #tpu.memory_space<hbm>>, %arg3: memref<2x16x10240xi32, #tpu.memory_space<hbm>>, %arg4: memref<2x16x10240xi32, #tpu.memory_space<hbm>>, %arg5: memref<328x128xf32, #tpu.memory_space<hbm>>, %arg6: memref<2x5120x128xf32, #tpu.memory_space<hbm>>, %arg7: memref<10240xi32, #tpu.memory_space<vmem>>, %arg8: memref<10240xi32, #tpu.memory_space<vmem>>, %arg9: memref<16x128xf32, #tpu.memory_space<vmem>>, %arg10: memref<16x128xf32, #tpu.memory_space<vmem>>, %arg11: memref<16x128xf32, #tpu.memory_space<vmem>>, %arg12: memref<16x128xf32, #tpu.memory_space<vmem>>, %arg13: memref<16x128xf32, #tpu.memory_space<vmem>>, %arg14: memref<16x128xf32, #tpu.memory_space<vmem>>, %arg15: memref<16x128xf32, #tpu.memory_space<vmem>>, %arg16: memref<16x128xf32, #tpu.memory_space<vmem>>, %arg17: memref<5248x128xf32, #tpu.memory_space<vmem_shared>>, %arg18: memref<!tpu.dma_semaphore, #tpu.memory_space<semaphore_mem>>, %arg19: memref<!tpu.dma_semaphore, #tpu.memory_space<semaphore_mem>>, %arg20: memref<!tpu.dma_semaphore, #tpu.memory_space<semaphore_mem>>, %arg21: memref<!tpu.dma_semaphore, #tpu.memory_space<semaphore_mem>>, %arg22: memref<!tpu.dma_semaphore, #tpu.memory_space<semaphore_mem>>, %arg23: memref<!tpu.dma_semaphore, #tpu.memory_space<semaphore_mem>>, %arg24: memref<!tpu.dma_semaphore, #tpu.memory_space<semaphore_mem>>, %arg25: memref<!tpu.dma_semaphore, #tpu.memory_space<semaphore_mem>>, %arg26: memref<!tpu.dma_semaphore, #tpu.memory_space<semaphore_mem>>, %arg27: memref<!tpu.dma_semaphore, #tpu.memory_space<semaphore_mem>>, %arg28: memref<!tpu.dma_semaphore, #tpu.memory_space<semaphore_mem>>, %arg29: memref<!tpu.dma_semaphore, #tpu.memory_space<semaphore_mem>>, %arg30: memref<!tpu.dma_semaphore, #tpu.memory_space<semaphore_mem>>, %arg31: memref<!tpu.dma_semaphore, #tpu.memory_space<semaphore_mem>>, %arg32: memref<!tpu.dma_semaphore, #tpu.memory_space<semaphore_mem>>, %arg33: memref<!tpu.dma_semaphore, #tpu.memory_space<semaphore_mem>>) attributes {dimension_semantics = [#tpu.dimension_semantics<core_parallel>, #tpu.dimension_semantics<subcore_parallel>], iteration_bounds = array<i64: 2, 16>, scalar_prefetch = 0 : i64, scratch_operands = 27 : i64, tpu.core_type = #tpu.core_type<sc_vector_subcore>, window_params = [{transform_indices = #map}, {transform_indices = #map1}, {transform_indices = #map1}, {transform_indices = #map}, {transform_indices = #map1}]} {
    "tpu.region"() ({
      %run_scoped3A = tpu.sem_alloc : memref<!tpu.dma_semaphore, #tpu.memory_space<semaphore_mem>>
      %dma_start3A_189 = arith.constant 0 : i32
      %dma_start3A_190 = tpu.memref_slice %arg3[%arg0, %arg1, %dma_start3A_189] : memref<2x16x10240xi32, #tpu.memory_space<hbm>> -> memref<1x1x10240xi32, #tpu.memory_space<hbm>>
      %dma_start3A_191 = tpu.memref_squeeze %dma_start3A_190 : memref<1x1x10240xi32, #tpu.memory_space<hbm>> -> memref<10240xi32, #tpu.memory_space<hbm>>
      %dma_start3A_192 = arith.constant 0 : i32
      %dma_start3A_193 = tpu.memref_slice %arg3[%arg0, %arg1, %dma_start3A_192] : memref<2x16x10240xi32, #tpu.memory_space<hbm>> -> memref<1x1x10240xi32, #tpu.memory_space<hbm>>
      %dma_start3A_194 = tpu.memref_squeeze %dma_start3A_193 : memref<1x1x10240xi32, #tpu.memory_space<hbm>> -> memref<10240xi32, #tpu.memory_space<hbm>>
      tpu.enqueue_dma source(%dma_start3A_194 : memref<10240xi32, #tpu.memory_space<hbm>>) target(%arg7 : memref<10240xi32, #tpu.memory_space<vmem>>) target_semaphore(%run_scoped3A : memref<!tpu.dma_semaphore, #tpu.memory_space<semaphore_mem>>)
      %dma_wait3A_195 = arith.constant 0 : i32
      %dma_wait3A_196 = tpu.memref_slice %arg3[%arg0, %arg1, %dma_wait3A_195] : memref<2x16x10240xi32, #tpu.memory_space<hbm>> -> memref<1x1x10240xi32, #tpu.memory_space<hbm>>
      %dma_wait3A_197 = tpu.memref_squeeze %dma_wait3A_196 : memref<1x1x10240xi32, #tpu.memory_space<hbm>> -> memref<10240xi32, #tpu.memory_space<hbm>>
      %dma_wait3A_198 = arith.constant 0 : i32
      %dma_wait3A_199 = tpu.memref_slice %arg3[%arg0, %arg1, %dma_wait3A_198] : memref<2x16x10240xi32, #tpu.memory_space<hbm>> -> memref<1x1x10240xi32, #tpu.memory_space<hbm>>
      %dma_wait3A_200 = tpu.memref_squeeze %dma_wait3A_199 : memref<1x1x10240xi32, #tpu.memory_space<hbm>> -> memref<10240xi32, #tpu.memory_space<hbm>>
      tpu.wait_dma2 semaphore(%run_scoped3A : memref<!tpu.dma_semaphore, #tpu.memory_space<semaphore_mem>>) src(%dma_wait3A_200 : memref<10240xi32, #tpu.memory_space<hbm>>) dst(%arg7 : memref<10240xi32, #tpu.memory_space<vmem>>)
      tpu.yield
    }) : () -> ()
    "tpu.region"() ({
      %run_scoped3A = tpu.sem_alloc : memref<!tpu.dma_semaphore, #tpu.memory_space<semaphore_mem>>
      %dma_start3A_189 = arith.constant 0 : i32
      %dma_start3A_190 = tpu.memref_slice %arg4[%arg0, %arg1, %dma_start3A_189] : memref<2x16x10240xi32, #tpu.memory_space<hbm>> -> memref<1x1x10240xi32, #tpu.memory_space<hbm>>
      %dma_start3A_191 = tpu.memref_squeeze %dma_start3A_190 : memref<1x1x10240xi32, #tpu.memory_space<hbm>> -> memref<10240xi32, #tpu.memory_space<hbm>>
      %dma_start3A_192 = arith.constant 0 : i32
      %dma_start3A_193 = tpu.memref_slice %arg4[%arg0, %arg1, %dma_start3A_192] : memref<2x16x10240xi32, #tpu.memory_space<hbm>> -> memref<1x1x10240xi32, #tpu.memory_space<hbm>>
      %dma_start3A_194 = tpu.memref_squeeze %dma_start3A_193 : memref<1x1x10240xi32, #tpu.memory_space<hbm>> -> memref<10240xi32, #tpu.memory_space<hbm>>
      tpu.enqueue_dma source(%dma_start3A_194 : memref<10240xi32, #tpu.memory_space<hbm>>) target(%arg8 : memref<10240xi32, #tpu.memory_space<vmem>>) target_semaphore(%run_scoped3A : memref<!tpu.dma_semaphore, #tpu.memory_space<semaphore_mem>>)
      %dma_wait3A_195 = arith.constant 0 : i32
      %dma_wait3A_196 = tpu.memref_slice %arg4[%arg0, %arg1, %dma_wait3A_195] : memref<2x16x10240xi32, #tpu.memory_space<hbm>> -> memref<1x1x10240xi32, #tpu.memory_space<hbm>>
      %dma_wait3A_197 = tpu.memref_squeeze %dma_wait3A_196 : memref<1x1x10240xi32, #tpu.memory_space<hbm>> -> memref<10240xi32, #tpu.memory_space<hbm>>
      %dma_wait3A_198 = arith.constant 0 : i32
      %dma_wait3A_199 = tpu.memref_slice %arg4[%arg0, %arg1, %dma_wait3A_198] : memref<2x16x10240xi32, #tpu.memory_space<hbm>> -> memref<1x1x10240xi32, #tpu.memory_space<hbm>>
      %dma_wait3A_200 = tpu.memref_squeeze %dma_wait3A_199 : memref<1x1x10240xi32, #tpu.memory_space<hbm>> -> memref<10240xi32, #tpu.memory_space<hbm>>
      tpu.wait_dma2 semaphore(%run_scoped3A : memref<!tpu.dma_semaphore, #tpu.memory_space<semaphore_mem>>) src(%dma_wait3A_200 : memref<10240xi32, #tpu.memory_space<hbm>>) dst(%arg8 : memref<10240xi32, #tpu.memory_space<vmem>>)
      tpu.yield
    }) : () -> ()
    %mul3A = arith.constant 328 : i32
    %mul3A_0 = arith.muli %arg1, %mul3A : i32
    "tpu.region"() ({
      %run_scoped3A = tpu.sem_alloc : memref<!tpu.dma_semaphore, #tpu.memory_space<semaphore_mem>>
      %dma_start3A_189 = arith.constant 0 : i32
      %dma_start3A_190 = tpu.memref_slice %arg17[%mul3A_0, %dma_start3A_189] : memref<5248x128xf32, #tpu.memory_space<vmem_shared>> -> memref<328x128xf32, #tpu.memory_space<vmem_shared>>
      tpu.enqueue_dma source(%arg5 : memref<328x128xf32, #tpu.memory_space<hbm>>) target(%dma_start3A_190 : memref<328x128xf32, #tpu.memory_space<vmem_shared>>) target_semaphore(%run_scoped3A : memref<!tpu.dma_semaphore, #tpu.memory_space<semaphore_mem>>)
      %dma_wait3A_191 = arith.constant 0 : i32
      %dma_wait3A_192 = tpu.memref_slice %arg17[%mul3A_0, %dma_wait3A_191] : memref<5248x128xf32, #tpu.memory_space<vmem_shared>> -> memref<328x128xf32, #tpu.memory_space<vmem_shared>>
      tpu.wait_dma2 semaphore(%run_scoped3A : memref<!tpu.dma_semaphore, #tpu.memory_space<semaphore_mem>>) src(%arg5 : memref<328x128xf32, #tpu.memory_space<hbm>>) dst(%dma_wait3A_192 : memref<328x128xf32, #tpu.memory_space<vmem_shared>>)
      tpu.yield
    }) : () -> ()
    %barrier3A = arith.constant 0 : index
    tpu.barrier barrier_id(%barrier3A)
    %dma_start3A = arith.constant 0 : i32
    %dma_start3A_1 = tpu.memref_slice %arg7[%dma_start3A] : memref<10240xi32, #tpu.memory_space<vmem>> -> memref<16xi32, #tpu.memory_space<vmem>>
    %dma_start3A_2 = arith.constant 0 : i32
    %dma_start3A_3 = arith.constant 0 : i32
    %dma_start3A_4 = tpu.memref_slice %arg2[%dma_start3A_2, %dma_start3A_3] : memref<10000x128xf32, #tpu.memory_space<hbm>> -> memref<10000x128xf32, #tpu.memory_space<hbm>>
    tpu.enqueue_indirect_dma source(%dma_start3A_4 : memref<10000x128xf32, #tpu.memory_space<hbm>>) target(%arg9 : memref<16x128xf32, #tpu.memory_space<vmem>>) offsets(%dma_start3A_1 : memref<16xi32, #tpu.memory_space<vmem>>) semaphore(%arg18 : memref<!tpu.dma_semaphore, #tpu.memory_space<semaphore_mem>>)
    %dma_start3A_5 = arith.constant 16 : i32
    %dma_start3A_6 = tpu.memref_slice %arg7[%dma_start3A_5] : memref<10240xi32, #tpu.memory_space<vmem>> -> memref<16xi32, #tpu.memory_space<vmem>>
    %dma_start3A_7 = arith.constant 0 : i32
    %dma_start3A_8 = arith.constant 0 : i32
    %dma_start3A_9 = tpu.memref_slice %arg2[%dma_start3A_7, %dma_start3A_8] : memref<10000x128xf32, #tpu.memory_space<hbm>> -> memref<10000x128xf32, #tpu.memory_space<hbm>>
    tpu.enqueue_indirect_dma source(%dma_start3A_9 : memref<10000x128xf32, #tpu.memory_space<hbm>>) target(%arg10 : memref<16x128xf32, #tpu.memory_space<vmem>>) offsets(%dma_start3A_6 : memref<16xi32, #tpu.memory_space<vmem>>) semaphore(%arg19 : memref<!tpu.dma_semaphore, #tpu.memory_space<semaphore_mem>>)
    %dma_start3A_10 = arith.constant 32 : i32
    %dma_start3A_11 = tpu.memref_slice %arg7[%dma_start3A_10] : memref<10240xi32, #tpu.memory_space<vmem>> -> memref<16xi32, #tpu.memory_space<vmem>>
    %dma_start3A_12 = arith.constant 0 : i32
    %dma_start3A_13 = arith.constant 0 : i32
    %dma_start3A_14 = tpu.memref_slice %arg2[%dma_start3A_12, %dma_start3A_13] : memref<10000x128xf32, #tpu.memory_space<hbm>> -> memref<10000x128xf32, #tpu.memory_space<hbm>>
    tpu.enqueue_indirect_dma source(%dma_start3A_14 : memref<10000x128xf32, #tpu.memory_space<hbm>>) target(%arg11 : memref<16x128xf32, #tpu.memory_space<vmem>>) offsets(%dma_start3A_11 : memref<16xi32, #tpu.memory_space<vmem>>) semaphore(%arg20 : memref<!tpu.dma_semaphore, #tpu.memory_space<semaphore_mem>>)
    %dma_start3A_15 = arith.constant 48 : i32
    %dma_start3A_16 = tpu.memref_slice %arg7[%dma_start3A_15] : memref<10240xi32, #tpu.memory_space<vmem>> -> memref<16xi32, #tpu.memory_space<vmem>>
    %dma_start3A_17 = arith.constant 0 : i32
    %dma_start3A_18 = arith.constant 0 : i32
    %dma_start3A_19 = tpu.memref_slice %arg2[%dma_start3A_17, %dma_start3A_18] : memref<10000x128xf32, #tpu.memory_space<hbm>> -> memref<10000x128xf32, #tpu.memory_space<hbm>>
    tpu.enqueue_indirect_dma source(%dma_start3A_19 : memref<10000x128xf32, #tpu.memory_space<hbm>>) target(%arg12 : memref<16x128xf32, #tpu.memory_space<vmem>>) offsets(%dma_start3A_16 : memref<16xi32, #tpu.memory_space<vmem>>) semaphore(%arg21 : memref<!tpu.dma_semaphore, #tpu.memory_space<semaphore_mem>>)
    %dma_wait3A = arith.constant 0 : i32
    %dma_wait3A_20 = tpu.memref_slice %arg7[%dma_wait3A] : memref<10240xi32, #tpu.memory_space<vmem>> -> memref<16xi32, #tpu.memory_space<vmem>>
    %dma_wait3A_21 = arith.constant 0 : i32
    %dma_wait3A_22 = arith.constant 0 : i32
    %dma_wait3A_23 = tpu.memref_slice %arg2[%dma_wait3A_21, %dma_wait3A_22] : memref<10000x128xf32, #tpu.memory_space<hbm>> -> memref<10000x128xf32, #tpu.memory_space<hbm>>
    tpu.wait_indirect_dma semaphore(%arg18 : memref<!tpu.dma_semaphore, #tpu.memory_space<semaphore_mem>>) src(%dma_wait3A_23 : memref<10000x128xf32, #tpu.memory_space<hbm>>) dst(%arg9 : memref<16x128xf32, #tpu.memory_space<vmem>>)
    %dma_start3A_24 = arith.constant 0 : i32
    %dma_start3A_25 = tpu.memref_slice %arg8[%dma_start3A_24] : memref<10240xi32, #tpu.memory_space<vmem>> -> memref<16xi32, #tpu.memory_space<vmem>>
    %dma_start3A_26 = arith.constant 0 : i32
    %dma_start3A_27 = arith.constant 0 : i32
    %dma_start3A_28 = tpu.memref_slice %arg17[%dma_start3A_26, %dma_start3A_27] : memref<5248x128xf32, #tpu.memory_space<vmem_shared>> -> memref<5248x128xf32, #tpu.memory_space<vmem_shared>>
    tpu.enqueue_indirect_dma source(%arg9 : memref<16x128xf32, #tpu.memory_space<vmem>>) target(%dma_start3A_28 : memref<5248x128xf32, #tpu.memory_space<vmem_shared>>) offsets(%dma_start3A_25 : memref<16xi32, #tpu.memory_space<vmem>>) semaphore(%arg26 : memref<!tpu.dma_semaphore, #tpu.memory_space<semaphore_mem>>) {add = true}
    %dma_start3A_29 = arith.constant 64 : i32
    %dma_start3A_30 = tpu.memref_slice %arg7[%dma_start3A_29] : memref<10240xi32, #tpu.memory_space<vmem>> -> memref<16xi32, #tpu.memory_space<vmem>>
    %dma_start3A_31 = arith.constant 0 : i32
    %dma_start3A_32 = arith.constant 0 : i32
    %dma_start3A_33 = tpu.memref_slice %arg2[%dma_start3A_31, %dma_start3A_32] : memref<10000x128xf32, #tpu.memory_space<hbm>> -> memref<10000x128xf32, #tpu.memory_space<hbm>>
    tpu.enqueue_indirect_dma source(%dma_start3A_33 : memref<10000x128xf32, #tpu.memory_space<hbm>>) target(%arg13 : memref<16x128xf32, #tpu.memory_space<vmem>>) offsets(%dma_start3A_30 : memref<16xi32, #tpu.memory_space<vmem>>) semaphore(%arg22 : memref<!tpu.dma_semaphore, #tpu.memory_space<semaphore_mem>>)
    %dma_wait3A_34 = arith.constant 16 : i32
    %dma_wait3A_35 = tpu.memref_slice %arg7[%dma_wait3A_34] : memref<10240xi32, #tpu.memory_space<vmem>> -> memref<16xi32, #tpu.memory_space<vmem>>
    %dma_wait3A_36 = arith.constant 0 : i32
    %dma_wait3A_37 = arith.constant 0 : i32
    %dma_wait3A_38 = tpu.memref_slice %arg2[%dma_wait3A_36, %dma_wait3A_37] : memref<10000x128xf32, #tpu.memory_space<hbm>> -> memref<10000x128xf32, #tpu.memory_space<hbm>>
    tpu.wait_indirect_dma semaphore(%arg19 : memref<!tpu.dma_semaphore, #tpu.memory_space<semaphore_mem>>) src(%dma_wait3A_38 : memref<10000x128xf32, #tpu.memory_space<hbm>>) dst(%arg10 : memref<16x128xf32, #tpu.memory_space<vmem>>)
    %dma_start3A_39 = arith.constant 16 : i32
    %dma_start3A_40 = tpu.memref_slice %arg8[%dma_start3A_39] : memref<10240xi32, #tpu.memory_space<vmem>> -> memref<16xi32, #tpu.memory_space<vmem>>
    %dma_start3A_41 = arith.constant 0 : i32
    %dma_start3A_42 = arith.constant 0 : i32
    %dma_start3A_43 = tpu.memref_slice %arg17[%dma_start3A_41, %dma_start3A_42] : memref<5248x128xf32, #tpu.memory_space<vmem_shared>> -> memref<5248x128xf32, #tpu.memory_space<vmem_shared>>
    tpu.enqueue_indirect_dma source(%arg10 : memref<16x128xf32, #tpu.memory_space<vmem>>) target(%dma_start3A_43 : memref<5248x128xf32, #tpu.memory_space<vmem_shared>>) offsets(%dma_start3A_40 : memref<16xi32, #tpu.memory_space<vmem>>) semaphore(%arg27 : memref<!tpu.dma_semaphore, #tpu.memory_space<semaphore_mem>>) {add = true}
    %dma_start3A_44 = arith.constant 80 : i32
    %dma_start3A_45 = tpu.memref_slice %arg7[%dma_start3A_44] : memref<10240xi32, #tpu.memory_space<vmem>> -> memref<16xi32, #tpu.memory_space<vmem>>
    %dma_start3A_46 = arith.constant 0 : i32
    %dma_start3A_47 = arith.constant 0 : i32
    %dma_start3A_48 = tpu.memref_slice %arg2[%dma_start3A_46, %dma_start3A_47] : memref<10000x128xf32, #tpu.memory_space<hbm>> -> memref<10000x128xf32, #tpu.memory_space<hbm>>
    tpu.enqueue_indirect_dma source(%dma_start3A_48 : memref<10000x128xf32, #tpu.memory_space<hbm>>) target(%arg14 : memref<16x128xf32, #tpu.memory_space<vmem>>) offsets(%dma_start3A_45 : memref<16xi32, #tpu.memory_space<vmem>>) semaphore(%arg23 : memref<!tpu.dma_semaphore, #tpu.memory_space<semaphore_mem>>)
    %dma_wait3A_49 = arith.constant 32 : i32
    %dma_wait3A_50 = tpu.memref_slice %arg7[%dma_wait3A_49] : memref<10240xi32, #tpu.memory_space<vmem>> -> memref<16xi32, #tpu.memory_space<vmem>>
    %dma_wait3A_51 = arith.constant 0 : i32
    %dma_wait3A_52 = arith.constant 0 : i32
    %dma_wait3A_53 = tpu.memref_slice %arg2[%dma_wait3A_51, %dma_wait3A_52] : memref<10000x128xf32, #tpu.memory_space<hbm>> -> memref<10000x128xf32, #tpu.memory_space<hbm>>
    tpu.wait_indirect_dma semaphore(%arg20 : memref<!tpu.dma_semaphore, #tpu.memory_space<semaphore_mem>>) src(%dma_wait3A_53 : memref<10000x128xf32, #tpu.memory_space<hbm>>) dst(%arg11 : memref<16x128xf32, #tpu.memory_space<vmem>>)
    %dma_start3A_54 = arith.constant 32 : i32
    %dma_start3A_55 = tpu.memref_slice %arg8[%dma_start3A_54] : memref<10240xi32, #tpu.memory_space<vmem>> -> memref<16xi32, #tpu.memory_space<vmem>>
    %dma_start3A_56 = arith.constant 0 : i32
    %dma_start3A_57 = arith.constant 0 : i32
    %dma_start3A_58 = tpu.memref_slice %arg17[%dma_start3A_56, %dma_start3A_57] : memref<5248x128xf32, #tpu.memory_space<vmem_shared>> -> memref<5248x128xf32, #tpu.memory_space<vmem_shared>>
    tpu.enqueue_indirect_dma source(%arg11 : memref<16x128xf32, #tpu.memory_space<vmem>>) target(%dma_start3A_58 : memref<5248x128xf32, #tpu.memory_space<vmem_shared>>) offsets(%dma_start3A_55 : memref<16xi32, #tpu.memory_space<vmem>>) semaphore(%arg28 : memref<!tpu.dma_semaphore, #tpu.memory_space<semaphore_mem>>) {add = true}
    %dma_start3A_59 = arith.constant 96 : i32
    %dma_start3A_60 = tpu.memref_slice %arg7[%dma_start3A_59] : memref<10240xi32, #tpu.memory_space<vmem>> -> memref<16xi32, #tpu.memory_space<vmem>>
    %dma_start3A_61 = arith.constant 0 : i32
    %dma_start3A_62 = arith.constant 0 : i32
    %dma_start3A_63 = tpu.memref_slice %arg2[%dma_start3A_61, %dma_start3A_62] : memref<10000x128xf32, #tpu.memory_space<hbm>> -> memref<10000x128xf32, #tpu.memory_space<hbm>>
    tpu.enqueue_indirect_dma source(%dma_start3A_63 : memref<10000x128xf32, #tpu.memory_space<hbm>>) target(%arg15 : memref<16x128xf32, #tpu.memory_space<vmem>>) offsets(%dma_start3A_60 : memref<16xi32, #tpu.memory_space<vmem>>) semaphore(%arg24 : memref<!tpu.dma_semaphore, #tpu.memory_space<semaphore_mem>>)
    %dma_wait3A_64 = arith.constant 48 : i32
    %dma_wait3A_65 = tpu.memref_slice %arg7[%dma_wait3A_64] : memref<10240xi32, #tpu.memory_space<vmem>> -> memref<16xi32, #tpu.memory_space<vmem>>
    %dma_wait3A_66 = arith.constant 0 : i32
    %dma_wait3A_67 = arith.constant 0 : i32
    %dma_wait3A_68 = tpu.memref_slice %arg2[%dma_wait3A_66, %dma_wait3A_67] : memref<10000x128xf32, #tpu.memory_space<hbm>> -> memref<10000x128xf32, #tpu.memory_space<hbm>>
    tpu.wait_indirect_dma semaphore(%arg21 : memref<!tpu.dma_semaphore, #tpu.memory_space<semaphore_mem>>) src(%dma_wait3A_68 : memref<10000x128xf32, #tpu.memory_space<hbm>>) dst(%arg12 : memref<16x128xf32, #tpu.memory_space<vmem>>)
    %dma_start3A_69 = arith.constant 48 : i32
    %dma_start3A_70 = tpu.memref_slice %arg8[%dma_start3A_69] : memref<10240xi32, #tpu.memory_space<vmem>> -> memref<16xi32, #tpu.memory_space<vmem>>
    %dma_start3A_71 = arith.constant 0 : i32
    %dma_start3A_72 = arith.constant 0 : i32
    %dma_start3A_73 = tpu.memref_slice %arg17[%dma_start3A_71, %dma_start3A_72] : memref<5248x128xf32, #tpu.memory_space<vmem_shared>> -> memref<5248x128xf32, #tpu.memory_space<vmem_shared>>
    tpu.enqueue_indirect_dma source(%arg12 : memref<16x128xf32, #tpu.memory_space<vmem>>) target(%dma_start3A_73 : memref<5248x128xf32, #tpu.memory_space<vmem_shared>>) offsets(%dma_start3A_70 : memref<16xi32, #tpu.memory_space<vmem>>) semaphore(%arg29 : memref<!tpu.dma_semaphore, #tpu.memory_space<semaphore_mem>>) {add = true}
    %dma_start3A_74 = arith.constant 112 : i32
    %dma_start3A_75 = tpu.memref_slice %arg7[%dma_start3A_74] : memref<10240xi32, #tpu.memory_space<vmem>> -> memref<16xi32, #tpu.memory_space<vmem>>
    %dma_start3A_76 = arith.constant 0 : i32
    %dma_start3A_77 = arith.constant 0 : i32
    %dma_start3A_78 = tpu.memref_slice %arg2[%dma_start3A_76, %dma_start3A_77] : memref<10000x128xf32, #tpu.memory_space<hbm>> -> memref<10000x128xf32, #tpu.memory_space<hbm>>
    tpu.enqueue_indirect_dma source(%dma_start3A_78 : memref<10000x128xf32, #tpu.memory_space<hbm>>) target(%arg16 : memref<16x128xf32, #tpu.memory_space<vmem>>) offsets(%dma_start3A_75 : memref<16xi32, #tpu.memory_space<vmem>>) semaphore(%arg25 : memref<!tpu.dma_semaphore, #tpu.memory_space<semaphore_mem>>)
    %dma_wait3A_79 = arith.constant 64 : i32
    %dma_wait3A_80 = tpu.memref_slice %arg7[%dma_wait3A_79] : memref<10240xi32, #tpu.memory_space<vmem>> -> memref<16xi32, #tpu.memory_space<vmem>>
    %dma_wait3A_81 = arith.constant 0 : i32
    %dma_wait3A_82 = arith.constant 0 : i32
    %dma_wait3A_83 = tpu.memref_slice %arg2[%dma_wait3A_81, %dma_wait3A_82] : memref<10000x128xf32, #tpu.memory_space<hbm>> -> memref<10000x128xf32, #tpu.memory_space<hbm>>
    tpu.wait_indirect_dma semaphore(%arg22 : memref<!tpu.dma_semaphore, #tpu.memory_space<semaphore_mem>>) src(%dma_wait3A_83 : memref<10000x128xf32, #tpu.memory_space<hbm>>) dst(%arg13 : memref<16x128xf32, #tpu.memory_space<vmem>>)
    %dma_start3A_84 = arith.constant 64 : i32
    %dma_start3A_85 = tpu.memref_slice %arg8[%dma_start3A_84] : memref<10240xi32, #tpu.memory_space<vmem>> -> memref<16xi32, #tpu.memory_space<vmem>>
    %dma_start3A_86 = arith.constant 0 : i32
    %dma_start3A_87 = arith.constant 0 : i32
    %dma_start3A_88 = tpu.memref_slice %arg17[%dma_start3A_86, %dma_start3A_87] : memref<5248x128xf32, #tpu.memory_space<vmem_shared>> -> memref<5248x128xf32, #tpu.memory_space<vmem_shared>>
    tpu.enqueue_indirect_dma source(%arg13 : memref<16x128xf32, #tpu.memory_space<vmem>>) target(%dma_start3A_88 : memref<5248x128xf32, #tpu.memory_space<vmem_shared>>) offsets(%dma_start3A_85 : memref<16xi32, #tpu.memory_space<vmem>>) semaphore(%arg30 : memref<!tpu.dma_semaphore, #tpu.memory_space<semaphore_mem>>) {add = true}
    %dma_wait3A_89 = arith.constant 0 : i32
    %dma_wait3A_90 = tpu.memref_slice %arg8[%dma_wait3A_89] : memref<10240xi32, #tpu.memory_space<vmem>> -> memref<16xi32, #tpu.memory_space<vmem>>
    %dma_wait3A_91 = arith.constant 0 : i32
    %dma_wait3A_92 = arith.constant 0 : i32
    %dma_wait3A_93 = tpu.memref_slice %arg17[%dma_wait3A_91, %dma_wait3A_92] : memref<5248x128xf32, #tpu.memory_space<vmem_shared>> -> memref<5248x128xf32, #tpu.memory_space<vmem_shared>>
    tpu.wait_indirect_dma semaphore(%arg26 : memref<!tpu.dma_semaphore, #tpu.memory_space<semaphore_mem>>) src(%arg9 : memref<16x128xf32, #tpu.memory_space<vmem>>) dst(%dma_wait3A_93 : memref<5248x128xf32, #tpu.memory_space<vmem_shared>>)
    %dma_start3A_94 = arith.constant 128 : i32
    %dma_start3A_95 = tpu.memref_slice %arg7[%dma_start3A_94] : memref<10240xi32, #tpu.memory_space<vmem>> -> memref<16xi32, #tpu.memory_space<vmem>>
    %dma_start3A_96 = arith.constant 0 : i32
    %dma_start3A_97 = arith.constant 0 : i32
    %dma_start3A_98 = tpu.memref_slice %arg2[%dma_start3A_96, %dma_start3A_97] : memref<10000x128xf32, #tpu.memory_space<hbm>> -> memref<10000x128xf32, #tpu.memory_space<hbm>>
    tpu.enqueue_indirect_dma source(%dma_start3A_98 : memref<10000x128xf32, #tpu.memory_space<hbm>>) target(%arg9 : memref<16x128xf32, #tpu.memory_space<vmem>>) offsets(%dma_start3A_95 : memref<16xi32, #tpu.memory_space<vmem>>) semaphore(%arg18 : memref<!tpu.dma_semaphore, #tpu.memory_space<semaphore_mem>>)
    %dma_wait3A_99 = arith.constant 80 : i32
    %dma_wait3A_100 = tpu.memref_slice %arg7[%dma_wait3A_99] : memref<10240xi32, #tpu.memory_space<vmem>> -> memref<16xi32, #tpu.memory_space<vmem>>
    %dma_wait3A_101 = arith.constant 0 : i32
    %dma_wait3A_102 = arith.constant 0 : i32
    %dma_wait3A_103 = tpu.memref_slice %arg2[%dma_wait3A_101, %dma_wait3A_102] : memref<10000x128xf32, #tpu.memory_space<hbm>> -> memref<10000x128xf32, #tpu.memory_space<hbm>>
    tpu.wait_indirect_dma semaphore(%arg23 : memref<!tpu.dma_semaphore, #tpu.memory_space<semaphore_mem>>) src(%dma_wait3A_103 : memref<10000x128xf32, #tpu.memory_space<hbm>>) dst(%arg14 : memref<16x128xf32, #tpu.memory_space<vmem>>)
    %dma_start3A_104 = arith.constant 80 : i32
    %dma_start3A_105 = tpu.memref_slice %arg8[%dma_start3A_104] : memref<10240xi32, #tpu.memory_space<vmem>> -> memref<16xi32, #tpu.memory_space<vmem>>
    %dma_start3A_106 = arith.constant 0 : i32
    %dma_start3A_107 = arith.constant 0 : i32
    %dma_start3A_108 = tpu.memref_slice %arg17[%dma_start3A_106, %dma_start3A_107] : memref<5248x128xf32, #tpu.memory_space<vmem_shared>> -> memref<5248x128xf32, #tpu.memory_space<vmem_shared>>
    tpu.enqueue_indirect_dma source(%arg14 : memref<16x128xf32, #tpu.memory_space<vmem>>) target(%dma_start3A_108 : memref<5248x128xf32, #tpu.memory_space<vmem_shared>>) offsets(%dma_start3A_105 : memref<16xi32, #tpu.memory_space<vmem>>) semaphore(%arg31 : memref<!tpu.dma_semaphore, #tpu.memory_space<semaphore_mem>>) {add = true}
    %dma_wait3A_109 = arith.constant 16 : i32
    %dma_wait3A_110 = tpu.memref_slice %arg8[%dma_wait3A_109] : memref<10240xi32, #tpu.memory_space<vmem>> -> memref<16xi32, #tpu.memory_space<vmem>>
    %dma_wait3A_111 = arith.constant 0 : i32
    %dma_wait3A_112 = arith.constant 0 : i32
    %dma_wait3A_113 = tpu.memref_slice %arg17[%dma_wait3A_111, %dma_wait3A_112] : memref<5248x128xf32, #tpu.memory_space<vmem_shared>> -> memref<5248x128xf32, #tpu.memory_space<vmem_shared>>
    tpu.wait_indirect_dma semaphore(%arg27 : memref<!tpu.dma_semaphore, #tpu.memory_space<semaphore_mem>>) src(%arg10 : memref<16x128xf32, #tpu.memory_space<vmem>>) dst(%dma_wait3A_113 : memref<5248x128xf32, #tpu.memory_space<vmem_shared>>)
    %dma_start3A_114 = arith.constant 144 : i32
    %dma_start3A_115 = tpu.memref_slice %arg7[%dma_start3A_114] : memref<10240xi32, #tpu.memory_space<vmem>> -> memref<16xi32, #tpu.memory_space<vmem>>
    %dma_start3A_116 = arith.constant 0 : i32
    %dma_start3A_117 = arith.constant 0 : i32
    %dma_start3A_118 = tpu.memref_slice %arg2[%dma_start3A_116, %dma_start3A_117] : memref<10000x128xf32, #tpu.memory_space<hbm>> -> memref<10000x128xf32, #tpu.memory_space<hbm>>
    tpu.enqueue_indirect_dma source(%dma_start3A_118 : memref<10000x128xf32, #tpu.memory_space<hbm>>) target(%arg10 : memref<16x128xf32, #tpu.memory_space<vmem>>) offsets(%dma_start3A_115 : memref<16xi32, #tpu.memory_space<vmem>>) semaphore(%arg19 : memref<!tpu.dma_semaphore, #tpu.memory_space<semaphore_mem>>)
    %dma_wait3A_119 = arith.constant 96 : i32
    %dma_wait3A_120 = tpu.memref_slice %arg7[%dma_wait3A_119] : memref<10240xi32, #tpu.memory_space<vmem>> -> memref<16xi32, #tpu.memory_space<vmem>>
    %dma_wait3A_121 = arith.constant 0 : i32
    %dma_wait3A_122 = arith.constant 0 : i32
    %dma_wait3A_123 = tpu.memref_slice %arg2[%dma_wait3A_121, %dma_wait3A_122] : memref<10000x128xf32, #tpu.memory_space<hbm>> -> memref<10000x128xf32, #tpu.memory_space<hbm>>
    tpu.wait_indirect_dma semaphore(%arg24 : memref<!tpu.dma_semaphore, #tpu.memory_space<semaphore_mem>>) src(%dma_wait3A_123 : memref<10000x128xf32, #tpu.memory_space<hbm>>) dst(%arg15 : memref<16x128xf32, #tpu.memory_space<vmem>>)
    %dma_start3A_124 = arith.constant 96 : i32
    %dma_start3A_125 = tpu.memref_slice %arg8[%dma_start3A_124] : memref<10240xi32, #tpu.memory_space<vmem>> -> memref<16xi32, #tpu.memory_space<vmem>>
    %dma_start3A_126 = arith.constant 0 : i32
    %dma_start3A_127 = arith.constant 0 : i32
    %dma_start3A_128 = tpu.memref_slice %arg17[%dma_start3A_126, %dma_start3A_127] : memref<5248x128xf32, #tpu.memory_space<vmem_shared>> -> memref<5248x128xf32, #tpu.memory_space<vmem_shared>>
    tpu.enqueue_indirect_dma source(%arg15 : memref<16x128xf32, #tpu.memory_space<vmem>>) target(%dma_start3A_128 : memref<5248x128xf32, #tpu.memory_space<vmem_shared>>) offsets(%dma_start3A_125 : memref<16xi32, #tpu.memory_space<vmem>>) semaphore(%arg32 : memref<!tpu.dma_semaphore, #tpu.memory_space<semaphore_mem>>) {add = true}
    %dma_wait3A_129 = arith.constant 32 : i32
    %dma_wait3A_130 = tpu.memref_slice %arg8[%dma_wait3A_129] : memref<10240xi32, #tpu.memory_space<vmem>> -> memref<16xi32, #tpu.memory_space<vmem>>
    %dma_wait3A_131 = arith.constant 0 : i32
    %dma_wait3A_132 = arith.constant 0 : i32
    %dma_wait3A_133 = tpu.memref_slice %arg17[%dma_wait3A_131, %dma_wait3A_132] : memref<5248x128xf32, #tpu.memory_space<vmem_shared>> -> memref<5248x128xf32, #tpu.memory_space<vmem_shared>>
    tpu.wait_indirect_dma semaphore(%arg28 : memref<!tpu.dma_semaphore, #tpu.memory_space<semaphore_mem>>) src(%arg11 : memref<16x128xf32, #tpu.memory_space<vmem>>) dst(%dma_wait3A_133 : memref<5248x128xf32, #tpu.memory_space<vmem_shared>>)
    %dma_start3A_134 = arith.constant 160 : i32
    %dma_start3A_135 = tpu.memref_slice %arg7[%dma_start3A_134] : memref<10240xi32, #tpu.memory_space<vmem>> -> memref<16xi32, #tpu.memory_space<vmem>>
    %dma_start3A_136 = arith.constant 0 : i32
    %dma_start3A_137 = arith.constant 0 : i32
    %dma_start3A_138 = tpu.memref_slice %arg2[%dma_start3A_136, %dma_start3A_137] : memref<10000x128xf32, #tpu.memory_space<hbm>> -> memref<10000x128xf32, #tpu.memory_space<hbm>>
    tpu.enqueue_indirect_dma source(%dma_start3A_138 : memref<10000x128xf32, #tpu.memory_space<hbm>>) target(%arg11 : memref<16x128xf32, #tpu.memory_space<vmem>>) offsets(%dma_start3A_135 : memref<16xi32, #tpu.memory_space<vmem>>) semaphore(%arg20 : memref<!tpu.dma_semaphore, #tpu.memory_space<semaphore_mem>>)
    %dma_wait3A_139 = arith.constant 112 : i32
    %dma_wait3A_140 = tpu.memref_slice %arg7[%dma_wait3A_139] : memref<10240xi32, #tpu.memory_space<vmem>> -> memref<16xi32, #tpu.memory_space<vmem>>
    %dma_wait3A_141 = arith.constant 0 : i32
    %dma_wait3A_142 = arith.constant 0 : i32
    %dma_wait3A_143 = tpu.memref_slice %arg2[%dma_wait3A_141, %dma_wait3A_142] : memref<10000x128xf32, #tpu.memory_space<hbm>> -> memref<10000x128xf32, #tpu.memory_space<hbm>>
    tpu.wait_indirect_dma semaphore(%arg25 : memref<!tpu.dma_semaphore, #tpu.memory_space<semaphore_mem>>) src(%dma_wait3A_143 : memref<10000x128xf32, #tpu.memory_space<hbm>>) dst(%arg16 : memref<16x128xf32, #tpu.memory_space<vmem>>)
    %dma_start3A_144 = arith.constant 112 : i32
    %dma_start3A_145 = tpu.memref_slice %arg8[%dma_start3A_144] : memref<10240xi32, #tpu.memory_space<vmem>> -> memref<16xi32, #tpu.memory_space<vmem>>
    %dma_start3A_146 = arith.constant 0 : i32
    %dma_start3A_147 = arith.constant 0 : i32
    %dma_start3A_148 = tpu.memref_slice %arg17[%dma_start3A_146, %dma_start3A_147] : memref<5248x128xf32, #tpu.memory_space<vmem_shared>> -> memref<5248x128xf32, #tpu.memory_space<vmem_shared>>
    tpu.enqueue_indirect_dma source(%arg16 : memref<16x128xf32, #tpu.memory_space<vmem>>) target(%dma_start3A_148 : memref<5248x128xf32, #tpu.memory_space<vmem_shared>>) offsets(%dma_start3A_145 : memref<16xi32, #tpu.memory_space<vmem>>) semaphore(%arg33 : memref<!tpu.dma_semaphore, #tpu.memory_space<semaphore_mem>>) {add = true}
    %dma_wait3A_149 = arith.constant 48 : i32
    %dma_wait3A_150 = tpu.memref_slice %arg8[%dma_wait3A_149] : memref<10240xi32, #tpu.memory_space<vmem>> -> memref<16xi32, #tpu.memory_space<vmem>>
    %dma_wait3A_151 = arith.constant 0 : i32
    %dma_wait3A_152 = arith.constant 0 : i32
    %dma_wait3A_153 = tpu.memref_slice %arg17[%dma_wait3A_151, %dma_wait3A_152] : memref<5248x128xf32, #tpu.memory_space<vmem_shared>> -> memref<5248x128xf32, #tpu.memory_space<vmem_shared>>
    tpu.wait_indirect_dma semaphore(%arg29 : memref<!tpu.dma_semaphore, #tpu.memory_space<semaphore_mem>>) src(%arg12 : memref<16x128xf32, #tpu.memory_space<vmem>>) dst(%dma_wait3A_153 : memref<5248x128xf32, #tpu.memory_space<vmem_shared>>)
    %dma_start3A_154 = arith.constant 176 : i32
    %dma_start3A_155 = tpu.memref_slice %arg7[%dma_start3A_154] : memref<10240xi32, #tpu.memory_space<vmem>> -> memref<16xi32, #tpu.memory_space<vmem>>
    %dma_start3A_156 = arith.constant 0 : i32
    %dma_start3A_157 = arith.constant 0 : i32
    %dma_start3A_158 = tpu.memref_slice %arg2[%dma_start3A_156, %dma_start3A_157] : memref<10000x128xf32, #tpu.memory_space<hbm>> -> memref<10000x128xf32, #tpu.memory_space<hbm>>
    tpu.enqueue_indirect_dma source(%dma_start3A_158 : memref<10000x128xf32, #tpu.memory_space<hbm>>) target(%arg12 : memref<16x128xf32, #tpu.memory_space<vmem>>) offsets(%dma_start3A_155 : memref<16xi32, #tpu.memory_space<vmem>>) semaphore(%arg21 : memref<!tpu.dma_semaphore, #tpu.memory_space<semaphore_mem>>)
    %scan3A = arith.constant 0 : i32
    %scan3A_159 = arith.constant 1 : i32
    %scan3A_160 = arith.constant 79 : i32
    %scan3A_161 = arith.addi %scan3A_159, %scan3A_160 : i32
    %scan3A_162 = arith.constant 1 : i32
    scf.for %scan3A_189 = %scan3A_159 to %scan3A_161 step %scan3A_162  : i32 {
      %mul3A_190 = arith.constant 8 : i32
      %mul3A_191 = arith.muli %mul3A_190, %scan3A_189 : i32
      %add3A = arith.constant 0 : i32
      %add3A_192 = arith.addi %mul3A_191, %add3A : i32
      %mul3A_193 = arith.constant 16 : i32
      %mul3A_194 = arith.muli %add3A_192, %mul3A_193 : i32
      %dma_wait3A_195 = tpu.memref_slice %arg7[%mul3A_194] : memref<10240xi32, #tpu.memory_space<vmem>> -> memref<16xi32, #tpu.memory_space<vmem>>
      %dma_wait3A_196 = arith.constant 0 : i32
      %dma_wait3A_197 = arith.constant 0 : i32
      %dma_wait3A_198 = tpu.memref_slice %arg2[%dma_wait3A_196, %dma_wait3A_197] : memref<10000x128xf32, #tpu.memory_space<hbm>> -> memref<10000x128xf32, #tpu.memory_space<hbm>>
      tpu.wait_indirect_dma semaphore(%arg18 : memref<!tpu.dma_semaphore, #tpu.memory_space<semaphore_mem>>) src(%dma_wait3A_198 : memref<10000x128xf32, #tpu.memory_space<hbm>>) dst(%arg9 : memref<16x128xf32, #tpu.memory_space<vmem>>)
      %mul3A_199 = arith.constant 16 : i32
      %mul3A_200 = arith.muli %add3A_192, %mul3A_199 : i32
      %dma_start3A_201 = tpu.memref_slice %arg8[%mul3A_200] : memref<10240xi32, #tpu.memory_space<vmem>> -> memref<16xi32, #tpu.memory_space<vmem>>
      %dma_start3A_202 = arith.constant 0 : i32
      %dma_start3A_203 = arith.constant 0 : i32
      %dma_start3A_204 = tpu.memref_slice %arg17[%dma_start3A_202, %dma_start3A_203] : memref<5248x128xf32, #tpu.memory_space<vmem_shared>> -> memref<5248x128xf32, #tpu.memory_space<vmem_shared>>
      tpu.enqueue_indirect_dma source(%arg9 : memref<16x128xf32, #tpu.memory_space<vmem>>) target(%dma_start3A_204 : memref<5248x128xf32, #tpu.memory_space<vmem_shared>>) offsets(%dma_start3A_201 : memref<16xi32, #tpu.memory_space<vmem>>) semaphore(%arg26 : memref<!tpu.dma_semaphore, #tpu.memory_space<semaphore_mem>>) {add = true}
      %sub3A = arith.constant 4 : i32
      %sub3A_205 = arith.subi %add3A_192, %sub3A : i32
      %mul3A_206 = arith.constant 16 : i32
      %mul3A_207 = arith.muli %sub3A_205, %mul3A_206 : i32
      %dma_wait3A_208 = tpu.memref_slice %arg8[%mul3A_207] : memref<10240xi32, #tpu.memory_space<vmem>> -> memref<16xi32, #tpu.memory_space<vmem>>
      %dma_wait3A_209 = arith.constant 0 : i32
      %dma_wait3A_210 = arith.constant 0 : i32
      %dma_wait3A_211 = tpu.memref_slice %arg17[%dma_wait3A_209, %dma_wait3A_210] : memref<5248x128xf32, #tpu.memory_space<vmem_shared>> -> memref<5248x128xf32, #tpu.memory_space<vmem_shared>>
      tpu.wait_indirect_dma semaphore(%arg30 : memref<!tpu.dma_semaphore, #tpu.memory_space<semaphore_mem>>) src(%arg13 : memref<16x128xf32, #tpu.memory_space<vmem>>) dst(%dma_wait3A_211 : memref<5248x128xf32, #tpu.memory_space<vmem_shared>>)
      %add3A_212 = arith.constant 4 : i32
      %add3A_213 = arith.addi %add3A_192, %add3A_212 : i32
      %lt3A = arith.constant 640 : i32
      %lt3A_214 = arith.cmpi slt, %add3A_213, %lt3A : i32
      %convert_element_type3A = arith.extui %lt3A_214 : i1 to i32
      %cond3A = arith.constant 0 : i32
      %cond3A_215 = arith.cmpi ne, %convert_element_type3A, %cond3A : i32
      scf.if %cond3A_215 {
        %add3A_433 = arith.constant 4 : i32
        %add3A_434 = arith.addi %add3A_192, %add3A_433 : i32
        %mul3A_435 = arith.constant 16 : i32
        %mul3A_436 = arith.muli %add3A_434, %mul3A_435 : i32
        %dma_start3A_437 = tpu.memref_slice %arg7[%mul3A_436] : memref<10240xi32, #tpu.memory_space<vmem>> -> memref<16xi32, #tpu.memory_space<vmem>>
        %dma_start3A_438 = arith.constant 0 : i32
        %dma_start3A_439 = arith.constant 0 : i32
        %dma_start3A_440 = tpu.memref_slice %arg2[%dma_start3A_438, %dma_start3A_439] : memref<10000x128xf32, #tpu.memory_space<hbm>> -> memref<10000x128xf32, #tpu.memory_space<hbm>>
        tpu.enqueue_indirect_dma source(%dma_start3A_440 : memref<10000x128xf32, #tpu.memory_space<hbm>>) target(%arg13 : memref<16x128xf32, #tpu.memory_space<vmem>>) offsets(%dma_start3A_437 : memref<16xi32, #tpu.memory_space<vmem>>) semaphore(%arg22 : memref<!tpu.dma_semaphore, #tpu.memory_space<semaphore_mem>>)
      } else {
      }
      %mul3A_216 = arith.constant 8 : i32
      %mul3A_217 = arith.muli %mul3A_216, %scan3A_189 : i32
      %add3A_218 = arith.constant 1 : i32
      %add3A_219 = arith.addi %mul3A_217, %add3A_218 : i32
      %mul3A_220 = arith.constant 16 : i32
      %mul3A_221 = arith.muli %add3A_219, %mul3A_220 : i32
      %dma_wait3A_222 = tpu.memref_slice %arg7[%mul3A_221] : memref<10240xi32, #tpu.memory_space<vmem>> -> memref<16xi32, #tpu.memory_space<vmem>>
      %dma_wait3A_223 = arith.constant 0 : i32
      %dma_wait3A_224 = arith.constant 0 : i32
      %dma_wait3A_225 = tpu.memref_slice %arg2[%dma_wait3A_223, %dma_wait3A_224] : memref<10000x128xf32, #tpu.memory_space<hbm>> -> memref<10000x128xf32, #tpu.memory_space<hbm>>
      tpu.wait_indirect_dma semaphore(%arg19 : memref<!tpu.dma_semaphore, #tpu.memory_space<semaphore_mem>>) src(%dma_wait3A_225 : memref<10000x128xf32, #tpu.memory_space<hbm>>) dst(%arg10 : memref<16x128xf32, #tpu.memory_space<vmem>>)
      %mul3A_226 = arith.constant 16 : i32
      %mul3A_227 = arith.muli %add3A_219, %mul3A_226 : i32
      %dma_start3A_228 = tpu.memref_slice %arg8[%mul3A_227] : memref<10240xi32, #tpu.memory_space<vmem>> -> memref<16xi32, #tpu.memory_space<vmem>>
      %dma_start3A_229 = arith.constant 0 : i32
      %dma_start3A_230 = arith.constant 0 : i32
      %dma_start3A_231 = tpu.memref_slice %arg17[%dma_start3A_229, %dma_start3A_230] : memref<5248x128xf32, #tpu.memory_space<vmem_shared>> -> memref<5248x128xf32, #tpu.memory_space<vmem_shared>>
      tpu.enqueue_indirect_dma source(%arg10 : memref<16x128xf32, #tpu.memory_space<vmem>>) target(%dma_start3A_231 : memref<5248x128xf32, #tpu.memory_space<vmem_shared>>) offsets(%dma_start3A_228 : memref<16xi32, #tpu.memory_space<vmem>>) semaphore(%arg27 : memref<!tpu.dma_semaphore, #tpu.memory_space<semaphore_mem>>) {add = true}
      %sub3A_232 = arith.constant 4 : i32
      %sub3A_233 = arith.subi %add3A_219, %sub3A_232 : i32
      %mul3A_234 = arith.constant 16 : i32
      %mul3A_235 = arith.muli %sub3A_233, %mul3A_234 : i32
      %dma_wait3A_236 = tpu.memref_slice %arg8[%mul3A_235] : memref<10240xi32, #tpu.memory_space<vmem>> -> memref<16xi32, #tpu.memory_space<vmem>>
      %dma_wait3A_237 = arith.constant 0 : i32
      %dma_wait3A_238 = arith.constant 0 : i32
      %dma_wait3A_239 = tpu.memref_slice %arg17[%dma_wait3A_237, %dma_wait3A_238] : memref<5248x128xf32, #tpu.memory_space<vmem_shared>> -> memref<5248x128xf32, #tpu.memory_space<vmem_shared>>
      tpu.wait_indirect_dma semaphore(%arg31 : memref<!tpu.dma_semaphore, #tpu.memory_space<semaphore_mem>>) src(%arg14 : memref<16x128xf32, #tpu.memory_space<vmem>>) dst(%dma_wait3A_239 : memref<5248x128xf32, #tpu.memory_space<vmem_shared>>)
      %add3A_240 = arith.constant 4 : i32
      %add3A_241 = arith.addi %add3A_219, %add3A_240 : i32
      %lt3A_242 = arith.constant 640 : i32
      %lt3A_243 = arith.cmpi slt, %add3A_241, %lt3A_242 : i32
      %convert_element_type3A_244 = arith.extui %lt3A_243 : i1 to i32
      %cond3A_245 = arith.constant 0 : i32
      %cond3A_246 = arith.cmpi ne, %convert_element_type3A_244, %cond3A_245 : i32
      scf.if %cond3A_246 {
        %add3A_433 = arith.constant 4 : i32
        %add3A_434 = arith.addi %add3A_219, %add3A_433 : i32
        %mul3A_435 = arith.constant 16 : i32
        %mul3A_436 = arith.muli %add3A_434, %mul3A_435 : i32
        %dma_start3A_437 = tpu.memref_slice %arg7[%mul3A_436] : memref<10240xi32, #tpu.memory_space<vmem>> -> memref<16xi32, #tpu.memory_space<vmem>>
        %dma_start3A_438 = arith.constant 0 : i32
        %dma_start3A_439 = arith.constant 0 : i32
        %dma_start3A_440 = tpu.memref_slice %arg2[%dma_start3A_438, %dma_start3A_439] : memref<10000x128xf32, #tpu.memory_space<hbm>> -> memref<10000x128xf32, #tpu.memory_space<hbm>>
        tpu.enqueue_indirect_dma source(%dma_start3A_440 : memref<10000x128xf32, #tpu.memory_space<hbm>>) target(%arg14 : memref<16x128xf32, #tpu.memory_space<vmem>>) offsets(%dma_start3A_437 : memref<16xi32, #tpu.memory_space<vmem>>) semaphore(%arg23 : memref<!tpu.dma_semaphore, #tpu.memory_space<semaphore_mem>>)
      } else {
      }
      %mul3A_247 = arith.constant 8 : i32
      %mul3A_248 = arith.muli %mul3A_247, %scan3A_189 : i32
      %add3A_249 = arith.constant 2 : i32
      %add3A_250 = arith.addi %mul3A_248, %add3A_249 : i32
      %mul3A_251 = arith.constant 16 : i32
      %mul3A_252 = arith.muli %add3A_250, %mul3A_251 : i32
      %dma_wait3A_253 = tpu.memref_slice %arg7[%mul3A_252] : memref<10240xi32, #tpu.memory_space<vmem>> -> memref<16xi32, #tpu.memory_space<vmem>>
      %dma_wait3A_254 = arith.constant 0 : i32
      %dma_wait3A_255 = arith.constant 0 : i32
      %dma_wait3A_256 = tpu.memref_slice %arg2[%dma_wait3A_254, %dma_wait3A_255] : memref<10000x128xf32, #tpu.memory_space<hbm>> -> memref<10000x128xf32, #tpu.memory_space<hbm>>
      tpu.wait_indirect_dma semaphore(%arg20 : memref<!tpu.dma_semaphore, #tpu.memory_space<semaphore_mem>>) src(%dma_wait3A_256 : memref<10000x128xf32, #tpu.memory_space<hbm>>) dst(%arg11 : memref<16x128xf32, #tpu.memory_space<vmem>>)
      %mul3A_257 = arith.constant 16 : i32
      %mul3A_258 = arith.muli %add3A_250, %mul3A_257 : i32
      %dma_start3A_259 = tpu.memref_slice %arg8[%mul3A_258] : memref<10240xi32, #tpu.memory_space<vmem>> -> memref<16xi32, #tpu.memory_space<vmem>>
      %dma_start3A_260 = arith.constant 0 : i32
      %dma_start3A_261 = arith.constant 0 : i32
      %dma_start3A_262 = tpu.memref_slice %arg17[%dma_start3A_260, %dma_start3A_261] : memref<5248x128xf32, #tpu.memory_space<vmem_shared>> -> memref<5248x128xf32, #tpu.memory_space<vmem_shared>>
      tpu.enqueue_indirect_dma source(%arg11 : memref<16x128xf32, #tpu.memory_space<vmem>>) target(%dma_start3A_262 : memref<5248x128xf32, #tpu.memory_space<vmem_shared>>) offsets(%dma_start3A_259 : memref<16xi32, #tpu.memory_space<vmem>>) semaphore(%arg28 : memref<!tpu.dma_semaphore, #tpu.memory_space<semaphore_mem>>) {add = true}
      %sub3A_263 = arith.constant 4 : i32
      %sub3A_264 = arith.subi %add3A_250, %sub3A_263 : i32
      %mul3A_265 = arith.constant 16 : i32
      %mul3A_266 = arith.muli %sub3A_264, %mul3A_265 : i32
      %dma_wait3A_267 = tpu.memref_slice %arg8[%mul3A_266] : memref<10240xi32, #tpu.memory_space<vmem>> -> memref<16xi32, #tpu.memory_space<vmem>>
      %dma_wait3A_268 = arith.constant 0 : i32
      %dma_wait3A_269 = arith.constant 0 : i32
      %dma_wait3A_270 = tpu.memref_slice %arg17[%dma_wait3A_268, %dma_wait3A_269] : memref<5248x128xf32, #tpu.memory_space<vmem_shared>> -> memref<5248x128xf32, #tpu.memory_space<vmem_shared>>
      tpu.wait_indirect_dma semaphore(%arg32 : memref<!tpu.dma_semaphore, #tpu.memory_space<semaphore_mem>>) src(%arg15 : memref<16x128xf32, #tpu.memory_space<vmem>>) dst(%dma_wait3A_270 : memref<5248x128xf32, #tpu.memory_space<vmem_shared>>)
      %add3A_271 = arith.constant 4 : i32
      %add3A_272 = arith.addi %add3A_250, %add3A_271 : i32
      %lt3A_273 = arith.constant 640 : i32
      %lt3A_274 = arith.cmpi slt, %add3A_272, %lt3A_273 : i32
      %convert_element_type3A_275 = arith.extui %lt3A_274 : i1 to i32
      %cond3A_276 = arith.constant 0 : i32
      %cond3A_277 = arith.cmpi ne, %convert_element_type3A_275, %cond3A_276 : i32
      scf.if %cond3A_277 {
        %add3A_433 = arith.constant 4 : i32
        %add3A_434 = arith.addi %add3A_250, %add3A_433 : i32
        %mul3A_435 = arith.constant 16 : i32
        %mul3A_436 = arith.muli %add3A_434, %mul3A_435 : i32
        %dma_start3A_437 = tpu.memref_slice %arg7[%mul3A_436] : memref<10240xi32, #tpu.memory_space<vmem>> -> memref<16xi32, #tpu.memory_space<vmem>>
        %dma_start3A_438 = arith.constant 0 : i32
        %dma_start3A_439 = arith.constant 0 : i32
        %dma_start3A_440 = tpu.memref_slice %arg2[%dma_start3A_438, %dma_start3A_439] : memref<10000x128xf32, #tpu.memory_space<hbm>> -> memref<10000x128xf32, #tpu.memory_space<hbm>>
        tpu.enqueue_indirect_dma source(%dma_start3A_440 : memref<10000x128xf32, #tpu.memory_space<hbm>>) target(%arg15 : memref<16x128xf32, #tpu.memory_space<vmem>>) offsets(%dma_start3A_437 : memref<16xi32, #tpu.memory_space<vmem>>) semaphore(%arg24 : memref<!tpu.dma_semaphore, #tpu.memory_space<semaphore_mem>>)
      } else {
      }
      %mul3A_278 = arith.constant 8 : i32
      %mul3A_279 = arith.muli %mul3A_278, %scan3A_189 : i32
      %add3A_280 = arith.constant 3 : i32
      %add3A_281 = arith.addi %mul3A_279, %add3A_280 : i32
      %mul3A_282 = arith.constant 16 : i32
      %mul3A_283 = arith.muli %add3A_281, %mul3A_282 : i32
      %dma_wait3A_284 = tpu.memref_slice %arg7[%mul3A_283] : memref<10240xi32, #tpu.memory_space<vmem>> -> memref<16xi32, #tpu.memory_space<vmem>>
      %dma_wait3A_285 = arith.constant 0 : i32
      %dma_wait3A_286 = arith.constant 0 : i32
      %dma_wait3A_287 = tpu.memref_slice %arg2[%dma_wait3A_285, %dma_wait3A_286] : memref<10000x128xf32, #tpu.memory_space<hbm>> -> memref<10000x128xf32, #tpu.memory_space<hbm>>
      tpu.wait_indirect_dma semaphore(%arg21 : memref<!tpu.dma_semaphore, #tpu.memory_space<semaphore_mem>>) src(%dma_wait3A_287 : memref<10000x128xf32, #tpu.memory_space<hbm>>) dst(%arg12 : memref<16x128xf32, #tpu.memory_space<vmem>>)
      %mul3A_288 = arith.constant 16 : i32
      %mul3A_289 = arith.muli %add3A_281, %mul3A_288 : i32
      %dma_start3A_290 = tpu.memref_slice %arg8[%mul3A_289] : memref<10240xi32, #tpu.memory_space<vmem>> -> memref<16xi32, #tpu.memory_space<vmem>>
      %dma_start3A_291 = arith.constant 0 : i32
      %dma_start3A_292 = arith.constant 0 : i32
      %dma_start3A_293 = tpu.memref_slice %arg17[%dma_start3A_291, %dma_start3A_292] : memref<5248x128xf32, #tpu.memory_space<vmem_shared>> -> memref<5248x128xf32, #tpu.memory_space<vmem_shared>>
      tpu.enqueue_indirect_dma source(%arg12 : memref<16x128xf32, #tpu.memory_space<vmem>>) target(%dma_start3A_293 : memref<5248x128xf32, #tpu.memory_space<vmem_shared>>) offsets(%dma_start3A_290 : memref<16xi32, #tpu.memory_space<vmem>>) semaphore(%arg29 : memref<!tpu.dma_semaphore, #tpu.memory_space<semaphore_mem>>) {add = true}
      %sub3A_294 = arith.constant 4 : i32
      %sub3A_295 = arith.subi %add3A_281, %sub3A_294 : i32
      %mul3A_296 = arith.constant 16 : i32
      %mul3A_297 = arith.muli %sub3A_295, %mul3A_296 : i32
      %dma_wait3A_298 = tpu.memref_slice %arg8[%mul3A_297] : memref<10240xi32, #tpu.memory_space<vmem>> -> memref<16xi32, #tpu.memory_space<vmem>>
      %dma_wait3A_299 = arith.constant 0 : i32
      %dma_wait3A_300 = arith.constant 0 : i32
      %dma_wait3A_301 = tpu.memref_slice %arg17[%dma_wait3A_299, %dma_wait3A_300] : memref<5248x128xf32, #tpu.memory_space<vmem_shared>> -> memref<5248x128xf32, #tpu.memory_space<vmem_shared>>
      tpu.wait_indirect_dma semaphore(%arg33 : memref<!tpu.dma_semaphore, #tpu.memory_space<semaphore_mem>>) src(%arg16 : memref<16x128xf32, #tpu.memory_space<vmem>>) dst(%dma_wait3A_301 : memref<5248x128xf32, #tpu.memory_space<vmem_shared>>)
      %add3A_302 = arith.constant 4 : i32
      %add3A_303 = arith.addi %add3A_281, %add3A_302 : i32
      %lt3A_304 = arith.constant 640 : i32
      %lt3A_305 = arith.cmpi slt, %add3A_303, %lt3A_304 : i32
      %convert_element_type3A_306 = arith.extui %lt3A_305 : i1 to i32
      %cond3A_307 = arith.constant 0 : i32
      %cond3A_308 = arith.cmpi ne, %convert_element_type3A_306, %cond3A_307 : i32
      scf.if %cond3A_308 {
        %add3A_433 = arith.constant 4 : i32
        %add3A_434 = arith.addi %add3A_281, %add3A_433 : i32
        %mul3A_435 = arith.constant 16 : i32
        %mul3A_436 = arith.muli %add3A_434, %mul3A_435 : i32
        %dma_start3A_437 = tpu.memref_slice %arg7[%mul3A_436] : memref<10240xi32, #tpu.memory_space<vmem>> -> memref<16xi32, #tpu.memory_space<vmem>>
        %dma_start3A_438 = arith.constant 0 : i32
        %dma_start3A_439 = arith.constant 0 : i32
        %dma_start3A_440 = tpu.memref_slice %arg2[%dma_start3A_438, %dma_start3A_439] : memref<10000x128xf32, #tpu.memory_space<hbm>> -> memref<10000x128xf32, #tpu.memory_space<hbm>>
        tpu.enqueue_indirect_dma source(%dma_start3A_440 : memref<10000x128xf32, #tpu.memory_space<hbm>>) target(%arg16 : memref<16x128xf32, #tpu.memory_space<vmem>>) offsets(%dma_start3A_437 : memref<16xi32, #tpu.memory_space<vmem>>) semaphore(%arg25 : memref<!tpu.dma_semaphore, #tpu.memory_space<semaphore_mem>>)
      } else {
      }
      %mul3A_309 = arith.constant 8 : i32
      %mul3A_310 = arith.muli %mul3A_309, %scan3A_189 : i32
      %add3A_311 = arith.constant 4 : i32
      %add3A_312 = arith.addi %mul3A_310, %add3A_311 : i32
      %mul3A_313 = arith.constant 16 : i32
      %mul3A_314 = arith.muli %add3A_312, %mul3A_313 : i32
      %dma_wait3A_315 = tpu.memref_slice %arg7[%mul3A_314] : memref<10240xi32, #tpu.memory_space<vmem>> -> memref<16xi32, #tpu.memory_space<vmem>>
      %dma_wait3A_316 = arith.constant 0 : i32
      %dma_wait3A_317 = arith.constant 0 : i32
      %dma_wait3A_318 = tpu.memref_slice %arg2[%dma_wait3A_316, %dma_wait3A_317] : memref<10000x128xf32, #tpu.memory_space<hbm>> -> memref<10000x128xf32, #tpu.memory_space<hbm>>
      tpu.wait_indirect_dma semaphore(%arg22 : memref<!tpu.dma_semaphore, #tpu.memory_space<semaphore_mem>>) src(%dma_wait3A_318 : memref<10000x128xf32, #tpu.memory_space<hbm>>) dst(%arg13 : memref<16x128xf32, #tpu.memory_space<vmem>>)
      %mul3A_319 = arith.constant 16 : i32
      %mul3A_320 = arith.muli %add3A_312, %mul3A_319 : i32
      %dma_start3A_321 = tpu.memref_slice %arg8[%mul3A_320] : memref<10240xi32, #tpu.memory_space<vmem>> -> memref<16xi32, #tpu.memory_space<vmem>>
      %dma_start3A_322 = arith.constant 0 : i32
      %dma_start3A_323 = arith.constant 0 : i32
      %dma_start3A_324 = tpu.memref_slice %arg17[%dma_start3A_322, %dma_start3A_323] : memref<5248x128xf32, #tpu.memory_space<vmem_shared>> -> memref<5248x128xf32, #tpu.memory_space<vmem_shared>>
      tpu.enqueue_indirect_dma source(%arg13 : memref<16x128xf32, #tpu.memory_space<vmem>>) target(%dma_start3A_324 : memref<5248x128xf32, #tpu.memory_space<vmem_shared>>) offsets(%dma_start3A_321 : memref<16xi32, #tpu.memory_space<vmem>>) semaphore(%arg30 : memref<!tpu.dma_semaphore, #tpu.memory_space<semaphore_mem>>) {add = true}
      %sub3A_325 = arith.constant 4 : i32
      %sub3A_326 = arith.subi %add3A_312, %sub3A_325 : i32
      %mul3A_327 = arith.constant 16 : i32
      %mul3A_328 = arith.muli %sub3A_326, %mul3A_327 : i32
      %dma_wait3A_329 = tpu.memref_slice %arg8[%mul3A_328] : memref<10240xi32, #tpu.memory_space<vmem>> -> memref<16xi32, #tpu.memory_space<vmem>>
      %dma_wait3A_330 = arith.constant 0 : i32
      %dma_wait3A_331 = arith.constant 0 : i32
      %dma_wait3A_332 = tpu.memref_slice %arg17[%dma_wait3A_330, %dma_wait3A_331] : memref<5248x128xf32, #tpu.memory_space<vmem_shared>> -> memref<5248x128xf32, #tpu.memory_space<vmem_shared>>
      tpu.wait_indirect_dma semaphore(%arg26 : memref<!tpu.dma_semaphore, #tpu.memory_space<semaphore_mem>>) src(%arg9 : memref<16x128xf32, #tpu.memory_space<vmem>>) dst(%dma_wait3A_332 : memref<5248x128xf32, #tpu.memory_space<vmem_shared>>)
      %add3A_333 = arith.constant 4 : i32
      %add3A_334 = arith.addi %add3A_312, %add3A_333 : i32
      %lt3A_335 = arith.constant 640 : i32
      %lt3A_336 = arith.cmpi slt, %add3A_334, %lt3A_335 : i32
      %convert_element_type3A_337 = arith.extui %lt3A_336 : i1 to i32
      %cond3A_338 = arith.constant 0 : i32
      %cond3A_339 = arith.cmpi ne, %convert_element_type3A_337, %cond3A_338 : i32
      scf.if %cond3A_339 {
        %add3A_433 = arith.constant 4 : i32
        %add3A_434 = arith.addi %add3A_312, %add3A_433 : i32
        %mul3A_435 = arith.constant 16 : i32
        %mul3A_436 = arith.muli %add3A_434, %mul3A_435 : i32
        %dma_start3A_437 = tpu.memref_slice %arg7[%mul3A_436] : memref<10240xi32, #tpu.memory_space<vmem>> -> memref<16xi32, #tpu.memory_space<vmem>>
        %dma_start3A_438 = arith.constant 0 : i32
        %dma_start3A_439 = arith.constant 0 : i32
        %dma_start3A_440 = tpu.memref_slice %arg2[%dma_start3A_438, %dma_start3A_439] : memref<10000x128xf32, #tpu.memory_space<hbm>> -> memref<10000x128xf32, #tpu.memory_space<hbm>>
        tpu.enqueue_indirect_dma source(%dma_start3A_440 : memref<10000x128xf32, #tpu.memory_space<hbm>>) target(%arg9 : memref<16x128xf32, #tpu.memory_space<vmem>>) offsets(%dma_start3A_437 : memref<16xi32, #tpu.memory_space<vmem>>) semaphore(%arg18 : memref<!tpu.dma_semaphore, #tpu.memory_space<semaphore_mem>>)
      } else {
      }
      %mul3A_340 = arith.constant 8 : i32
      %mul3A_341 = arith.muli %mul3A_340, %scan3A_189 : i32
      %add3A_342 = arith.constant 5 : i32
      %add3A_343 = arith.addi %mul3A_341, %add3A_342 : i32
      %mul3A_344 = arith.constant 16 : i32
      %mul3A_345 = arith.muli %add3A_343, %mul3A_344 : i32
      %dma_wait3A_346 = tpu.memref_slice %arg7[%mul3A_345] : memref<10240xi32, #tpu.memory_space<vmem>> -> memref<16xi32, #tpu.memory_space<vmem>>
      %dma_wait3A_347 = arith.constant 0 : i32
      %dma_wait3A_348 = arith.constant 0 : i32
      %dma_wait3A_349 = tpu.memref_slice %arg2[%dma_wait3A_347, %dma_wait3A_348] : memref<10000x128xf32, #tpu.memory_space<hbm>> -> memref<10000x128xf32, #tpu.memory_space<hbm>>
      tpu.wait_indirect_dma semaphore(%arg23 : memref<!tpu.dma_semaphore, #tpu.memory_space<semaphore_mem>>) src(%dma_wait3A_349 : memref<10000x128xf32, #tpu.memory_space<hbm>>) dst(%arg14 : memref<16x128xf32, #tpu.memory_space<vmem>>)
      %mul3A_350 = arith.constant 16 : i32
      %mul3A_351 = arith.muli %add3A_343, %mul3A_350 : i32
      %dma_start3A_352 = tpu.memref_slice %arg8[%mul3A_351] : memref<10240xi32, #tpu.memory_space<vmem>> -> memref<16xi32, #tpu.memory_space<vmem>>
      %dma_start3A_353 = arith.constant 0 : i32
      %dma_start3A_354 = arith.constant 0 : i32
      %dma_start3A_355 = tpu.memref_slice %arg17[%dma_start3A_353, %dma_start3A_354] : memref<5248x128xf32, #tpu.memory_space<vmem_shared>> -> memref<5248x128xf32, #tpu.memory_space<vmem_shared>>
      tpu.enqueue_indirect_dma source(%arg14 : memref<16x128xf32, #tpu.memory_space<vmem>>) target(%dma_start3A_355 : memref<5248x128xf32, #tpu.memory_space<vmem_shared>>) offsets(%dma_start3A_352 : memref<16xi32, #tpu.memory_space<vmem>>) semaphore(%arg31 : memref<!tpu.dma_semaphore, #tpu.memory_space<semaphore_mem>>) {add = true}
      %sub3A_356 = arith.constant 4 : i32
      %sub3A_357 = arith.subi %add3A_343, %sub3A_356 : i32
      %mul3A_358 = arith.constant 16 : i32
      %mul3A_359 = arith.muli %sub3A_357, %mul3A_358 : i32
      %dma_wait3A_360 = tpu.memref_slice %arg8[%mul3A_359] : memref<10240xi32, #tpu.memory_space<vmem>> -> memref<16xi32, #tpu.memory_space<vmem>>
      %dma_wait3A_361 = arith.constant 0 : i32
      %dma_wait3A_362 = arith.constant 0 : i32
      %dma_wait3A_363 = tpu.memref_slice %arg17[%dma_wait3A_361, %dma_wait3A_362] : memref<5248x128xf32, #tpu.memory_space<vmem_shared>> -> memref<5248x128xf32, #tpu.memory_space<vmem_shared>>
      tpu.wait_indirect_dma semaphore(%arg27 : memref<!tpu.dma_semaphore, #tpu.memory_space<semaphore_mem>>) src(%arg10 : memref<16x128xf32, #tpu.memory_space<vmem>>) dst(%dma_wait3A_363 : memref<5248x128xf32, #tpu.memory_space<vmem_shared>>)
      %add3A_364 = arith.constant 4 : i32
      %add3A_365 = arith.addi %add3A_343, %add3A_364 : i32
      %lt3A_366 = arith.constant 640 : i32
      %lt3A_367 = arith.cmpi slt, %add3A_365, %lt3A_366 : i32
      %convert_element_type3A_368 = arith.extui %lt3A_367 : i1 to i32
      %cond3A_369 = arith.constant 0 : i32
      %cond3A_370 = arith.cmpi ne, %convert_element_type3A_368, %cond3A_369 : i32
      scf.if %cond3A_370 {
        %add3A_433 = arith.constant 4 : i32
        %add3A_434 = arith.addi %add3A_343, %add3A_433 : i32
        %mul3A_435 = arith.constant 16 : i32
        %mul3A_436 = arith.muli %add3A_434, %mul3A_435 : i32
        %dma_start3A_437 = tpu.memref_slice %arg7[%mul3A_436] : memref<10240xi32, #tpu.memory_space<vmem>> -> memref<16xi32, #tpu.memory_space<vmem>>
        %dma_start3A_438 = arith.constant 0 : i32
        %dma_start3A_439 = arith.constant 0 : i32
        %dma_start3A_440 = tpu.memref_slice %arg2[%dma_start3A_438, %dma_start3A_439] : memref<10000x128xf32, #tpu.memory_space<hbm>> -> memref<10000x128xf32, #tpu.memory_space<hbm>>
        tpu.enqueue_indirect_dma source(%dma_start3A_440 : memref<10000x128xf32, #tpu.memory_space<hbm>>) target(%arg10 : memref<16x128xf32, #tpu.memory_space<vmem>>) offsets(%dma_start3A_437 : memref<16xi32, #tpu.memory_space<vmem>>) semaphore(%arg19 : memref<!tpu.dma_semaphore, #tpu.memory_space<semaphore_mem>>)
      } else {
      }
      %mul3A_371 = arith.constant 8 : i32
      %mul3A_372 = arith.muli %mul3A_371, %scan3A_189 : i32
      %add3A_373 = arith.constant 6 : i32
      %add3A_374 = arith.addi %mul3A_372, %add3A_373 : i32
      %mul3A_375 = arith.constant 16 : i32
      %mul3A_376 = arith.muli %add3A_374, %mul3A_375 : i32
      %dma_wait3A_377 = tpu.memref_slice %arg7[%mul3A_376] : memref<10240xi32, #tpu.memory_space<vmem>> -> memref<16xi32, #tpu.memory_space<vmem>>
      %dma_wait3A_378 = arith.constant 0 : i32
      %dma_wait3A_379 = arith.constant 0 : i32
      %dma_wait3A_380 = tpu.memref_slice %arg2[%dma_wait3A_378, %dma_wait3A_379] : memref<10000x128xf32, #tpu.memory_space<hbm>> -> memref<10000x128xf32, #tpu.memory_space<hbm>>
      tpu.wait_indirect_dma semaphore(%arg24 : memref<!tpu.dma_semaphore, #tpu.memory_space<semaphore_mem>>) src(%dma_wait3A_380 : memref<10000x128xf32, #tpu.memory_space<hbm>>) dst(%arg15 : memref<16x128xf32, #tpu.memory_space<vmem>>)
      %mul3A_381 = arith.constant 16 : i32
      %mul3A_382 = arith.muli %add3A_374, %mul3A_381 : i32
      %dma_start3A_383 = tpu.memref_slice %arg8[%mul3A_382] : memref<10240xi32, #tpu.memory_space<vmem>> -> memref<16xi32, #tpu.memory_space<vmem>>
      %dma_start3A_384 = arith.constant 0 : i32
      %dma_start3A_385 = arith.constant 0 : i32
      %dma_start3A_386 = tpu.memref_slice %arg17[%dma_start3A_384, %dma_start3A_385] : memref<5248x128xf32, #tpu.memory_space<vmem_shared>> -> memref<5248x128xf32, #tpu.memory_space<vmem_shared>>
      tpu.enqueue_indirect_dma source(%arg15 : memref<16x128xf32, #tpu.memory_space<vmem>>) target(%dma_start3A_386 : memref<5248x128xf32, #tpu.memory_space<vmem_shared>>) offsets(%dma_start3A_383 : memref<16xi32, #tpu.memory_space<vmem>>) semaphore(%arg32 : memref<!tpu.dma_semaphore, #tpu.memory_space<semaphore_mem>>) {add = true}
      %sub3A_387 = arith.constant 4 : i32
      %sub3A_388 = arith.subi %add3A_374, %sub3A_387 : i32
      %mul3A_389 = arith.constant 16 : i32
      %mul3A_390 = arith.muli %sub3A_388, %mul3A_389 : i32
      %dma_wait3A_391 = tpu.memref_slice %arg8[%mul3A_390] : memref<10240xi32, #tpu.memory_space<vmem>> -> memref<16xi32, #tpu.memory_space<vmem>>
      %dma_wait3A_392 = arith.constant 0 : i32
      %dma_wait3A_393 = arith.constant 0 : i32
      %dma_wait3A_394 = tpu.memref_slice %arg17[%dma_wait3A_392, %dma_wait3A_393] : memref<5248x128xf32, #tpu.memory_space<vmem_shared>> -> memref<5248x128xf32, #tpu.memory_space<vmem_shared>>
      tpu.wait_indirect_dma semaphore(%arg28 : memref<!tpu.dma_semaphore, #tpu.memory_space<semaphore_mem>>) src(%arg11 : memref<16x128xf32, #tpu.memory_space<vmem>>) dst(%dma_wait3A_394 : memref<5248x128xf32, #tpu.memory_space<vmem_shared>>)
      %add3A_395 = arith.constant 4 : i32
      %add3A_396 = arith.addi %add3A_374, %add3A_395 : i32
      %lt3A_397 = arith.constant 640 : i32
      %lt3A_398 = arith.cmpi slt, %add3A_396, %lt3A_397 : i32
      %convert_element_type3A_399 = arith.extui %lt3A_398 : i1 to i32
      %cond3A_400 = arith.constant 0 : i32
      %cond3A_401 = arith.cmpi ne, %convert_element_type3A_399, %cond3A_400 : i32
      scf.if %cond3A_401 {
        %add3A_433 = arith.constant 4 : i32
        %add3A_434 = arith.addi %add3A_374, %add3A_433 : i32
        %mul3A_435 = arith.constant 16 : i32
        %mul3A_436 = arith.muli %add3A_434, %mul3A_435 : i32
        %dma_start3A_437 = tpu.memref_slice %arg7[%mul3A_436] : memref<10240xi32, #tpu.memory_space<vmem>> -> memref<16xi32, #tpu.memory_space<vmem>>
        %dma_start3A_438 = arith.constant 0 : i32
        %dma_start3A_439 = arith.constant 0 : i32
        %dma_start3A_440 = tpu.memref_slice %arg2[%dma_start3A_438, %dma_start3A_439] : memref<10000x128xf32, #tpu.memory_space<hbm>> -> memref<10000x128xf32, #tpu.memory_space<hbm>>
        tpu.enqueue_indirect_dma source(%dma_start3A_440 : memref<10000x128xf32, #tpu.memory_space<hbm>>) target(%arg11 : memref<16x128xf32, #tpu.memory_space<vmem>>) offsets(%dma_start3A_437 : memref<16xi32, #tpu.memory_space<vmem>>) semaphore(%arg20 : memref<!tpu.dma_semaphore, #tpu.memory_space<semaphore_mem>>)
      } else {
      }
      %mul3A_402 = arith.constant 8 : i32
      %mul3A_403 = arith.muli %mul3A_402, %scan3A_189 : i32
      %add3A_404 = arith.constant 7 : i32
      %add3A_405 = arith.addi %mul3A_403, %add3A_404 : i32
      %mul3A_406 = arith.constant 16 : i32
      %mul3A_407 = arith.muli %add3A_405, %mul3A_406 : i32
      %dma_wait3A_408 = tpu.memref_slice %arg7[%mul3A_407] : memref<10240xi32, #tpu.memory_space<vmem>> -> memref<16xi32, #tpu.memory_space<vmem>>
      %dma_wait3A_409 = arith.constant 0 : i32
      %dma_wait3A_410 = arith.constant 0 : i32
      %dma_wait3A_411 = tpu.memref_slice %arg2[%dma_wait3A_409, %dma_wait3A_410] : memref<10000x128xf32, #tpu.memory_space<hbm>> -> memref<10000x128xf32, #tpu.memory_space<hbm>>
      tpu.wait_indirect_dma semaphore(%arg25 : memref<!tpu.dma_semaphore, #tpu.memory_space<semaphore_mem>>) src(%dma_wait3A_411 : memref<10000x128xf32, #tpu.memory_space<hbm>>) dst(%arg16 : memref<16x128xf32, #tpu.memory_space<vmem>>)
      %mul3A_412 = arith.constant 16 : i32
      %mul3A_413 = arith.muli %add3A_405, %mul3A_412 : i32
      %dma_start3A_414 = tpu.memref_slice %arg8[%mul3A_413] : memref<10240xi32, #tpu.memory_space<vmem>> -> memref<16xi32, #tpu.memory_space<vmem>>
      %dma_start3A_415 = arith.constant 0 : i32
      %dma_start3A_416 = arith.constant 0 : i32
      %dma_start3A_417 = tpu.memref_slice %arg17[%dma_start3A_415, %dma_start3A_416] : memref<5248x128xf32, #tpu.memory_space<vmem_shared>> -> memref<5248x128xf32, #tpu.memory_space<vmem_shared>>
      tpu.enqueue_indirect_dma source(%arg16 : memref<16x128xf32, #tpu.memory_space<vmem>>) target(%dma_start3A_417 : memref<5248x128xf32, #tpu.memory_space<vmem_shared>>) offsets(%dma_start3A_414 : memref<16xi32, #tpu.memory_space<vmem>>) semaphore(%arg33 : memref<!tpu.dma_semaphore, #tpu.memory_space<semaphore_mem>>) {add = true}
      %sub3A_418 = arith.constant 4 : i32
      %sub3A_419 = arith.subi %add3A_405, %sub3A_418 : i32
      %mul3A_420 = arith.constant 16 : i32
      %mul3A_421 = arith.muli %sub3A_419, %mul3A_420 : i32
      %dma_wait3A_422 = tpu.memref_slice %arg8[%mul3A_421] : memref<10240xi32, #tpu.memory_space<vmem>> -> memref<16xi32, #tpu.memory_space<vmem>>
      %dma_wait3A_423 = arith.constant 0 : i32
      %dma_wait3A_424 = arith.constant 0 : i32
      %dma_wait3A_425 = tpu.memref_slice %arg17[%dma_wait3A_423, %dma_wait3A_424] : memref<5248x128xf32, #tpu.memory_space<vmem_shared>> -> memref<5248x128xf32, #tpu.memory_space<vmem_shared>>
      tpu.wait_indirect_dma semaphore(%arg29 : memref<!tpu.dma_semaphore, #tpu.memory_space<semaphore_mem>>) src(%arg12 : memref<16x128xf32, #tpu.memory_space<vmem>>) dst(%dma_wait3A_425 : memref<5248x128xf32, #tpu.memory_space<vmem_shared>>)
      %add3A_426 = arith.constant 4 : i32
      %add3A_427 = arith.addi %add3A_405, %add3A_426 : i32
      %lt3A_428 = arith.constant 640 : i32
      %lt3A_429 = arith.cmpi slt, %add3A_427, %lt3A_428 : i32
      %convert_element_type3A_430 = arith.extui %lt3A_429 : i1 to i32
      %cond3A_431 = arith.constant 0 : i32
      %cond3A_432 = arith.cmpi ne, %convert_element_type3A_430, %cond3A_431 : i32
      scf.if %cond3A_432 {
        %add3A_433 = arith.constant 4 : i32
        %add3A_434 = arith.addi %add3A_405, %add3A_433 : i32
        %mul3A_435 = arith.constant 16 : i32
        %mul3A_436 = arith.muli %add3A_434, %mul3A_435 : i32
        %dma_start3A_437 = tpu.memref_slice %arg7[%mul3A_436] : memref<10240xi32, #tpu.memory_space<vmem>> -> memref<16xi32, #tpu.memory_space<vmem>>
        %dma_start3A_438 = arith.constant 0 : i32
        %dma_start3A_439 = arith.constant 0 : i32
        %dma_start3A_440 = tpu.memref_slice %arg2[%dma_start3A_438, %dma_start3A_439] : memref<10000x128xf32, #tpu.memory_space<hbm>> -> memref<10000x128xf32, #tpu.memory_space<hbm>>
        tpu.enqueue_indirect_dma source(%dma_start3A_440 : memref<10000x128xf32, #tpu.memory_space<hbm>>) target(%arg12 : memref<16x128xf32, #tpu.memory_space<vmem>>) offsets(%dma_start3A_437 : memref<16xi32, #tpu.memory_space<vmem>>) semaphore(%arg21 : memref<!tpu.dma_semaphore, #tpu.memory_space<semaphore_mem>>)
      } else {
      }
    }
    %scan3A_163 = arith.constant 79 : i32
    %dma_wait3A_164 = arith.constant 10176 : i32
    %dma_wait3A_165 = tpu.memref_slice %arg8[%dma_wait3A_164] : memref<10240xi32, #tpu.memory_space<vmem>> -> memref<16xi32, #tpu.memory_space<vmem>>
    %dma_wait3A_166 = arith.constant 0 : i32
    %dma_wait3A_167 = arith.constant 0 : i32
    %dma_wait3A_168 = tpu.memref_slice %arg17[%dma_wait3A_166, %dma_wait3A_167] : memref<5248x128xf32, #tpu.memory_space<vmem_shared>> -> memref<5248x128xf32, #tpu.memory_space<vmem_shared>>
    tpu.wait_indirect_dma semaphore(%arg30 : memref<!tpu.dma_semaphore, #tpu.memory_space<semaphore_mem>>) src(%arg13 : memref<16x128xf32, #tpu.memory_space<vmem>>) dst(%dma_wait3A_168 : memref<5248x128xf32, #tpu.memory_space<vmem_shared>>)
    %dma_wait3A_169 = arith.constant 10192 : i32
    %dma_wait3A_170 = tpu.memref_slice %arg8[%dma_wait3A_169] : memref<10240xi32, #tpu.memory_space<vmem>> -> memref<16xi32, #tpu.memory_space<vmem>>
    %dma_wait3A_171 = arith.constant 0 : i32
    %dma_wait3A_172 = arith.constant 0 : i32
    %dma_wait3A_173 = tpu.memref_slice %arg17[%dma_wait3A_171, %dma_wait3A_172] : memref<5248x128xf32, #tpu.memory_space<vmem_shared>> -> memref<5248x128xf32, #tpu.memory_space<vmem_shared>>
    tpu.wait_indirect_dma semaphore(%arg31 : memref<!tpu.dma_semaphore, #tpu.memory_space<semaphore_mem>>) src(%arg14 : memref<16x128xf32, #tpu.memory_space<vmem>>) dst(%dma_wait3A_173 : memref<5248x128xf32, #tpu.memory_space<vmem_shared>>)
    %dma_wait3A_174 = arith.constant 10208 : i32
    %dma_wait3A_175 = tpu.memref_slice %arg8[%dma_wait3A_174] : memref<10240xi32, #tpu.memory_space<vmem>> -> memref<16xi32, #tpu.memory_space<vmem>>
    %dma_wait3A_176 = arith.constant 0 : i32
    %dma_wait3A_177 = arith.constant 0 : i32
    %dma_wait3A_178 = tpu.memref_slice %arg17[%dma_wait3A_176, %dma_wait3A_177] : memref<5248x128xf32, #tpu.memory_space<vmem_shared>> -> memref<5248x128xf32, #tpu.memory_space<vmem_shared>>
    tpu.wait_indirect_dma semaphore(%arg32 : memref<!tpu.dma_semaphore, #tpu.memory_space<semaphore_mem>>) src(%arg15 : memref<16x128xf32, #tpu.memory_space<vmem>>) dst(%dma_wait3A_178 : memref<5248x128xf32, #tpu.memory_space<vmem_shared>>)
    %dma_wait3A_179 = arith.constant 10224 : i32
    %dma_wait3A_180 = tpu.memref_slice %arg8[%dma_wait3A_179] : memref<10240xi32, #tpu.memory_space<vmem>> -> memref<16xi32, #tpu.memory_space<vmem>>
    %dma_wait3A_181 = arith.constant 0 : i32
    %dma_wait3A_182 = arith.constant 0 : i32
    %dma_wait3A_183 = tpu.memref_slice %arg17[%dma_wait3A_181, %dma_wait3A_182] : memref<5248x128xf32, #tpu.memory_space<vmem_shared>> -> memref<5248x128xf32, #tpu.memory_space<vmem_shared>>
    tpu.wait_indirect_dma semaphore(%arg33 : memref<!tpu.dma_semaphore, #tpu.memory_space<semaphore_mem>>) src(%arg16 : memref<16x128xf32, #tpu.memory_space<vmem>>) dst(%dma_wait3A_183 : memref<5248x128xf32, #tpu.memory_space<vmem_shared>>)
    %barrier3A_184 = arith.constant 0 : index
    tpu.barrier barrier_id(%barrier3A_184)
    %mul3A_185 = arith.constant 320 : i32
    %mul3A_186 = arith.muli %arg1, %mul3A_185 : i32
    %mul3A_187 = arith.constant 320 : i32
    %mul3A_188 = arith.muli %arg1, %mul3A_187 : i32
    "tpu.region"() ({
      %run_scoped3A = tpu.sem_alloc : memref<!tpu.dma_semaphore, #tpu.memory_space<semaphore_mem>>
      %dma_start3A_189 = arith.constant 0 : i32
      %dma_start3A_190 = tpu.memref_slice %arg6[%arg0, %mul3A_188, %dma_start3A_189] : memref<2x5120x128xf32, #tpu.memory_space<hbm>> -> memref<1x320x128xf32, #tpu.memory_space<hbm>>
      %dma_start3A_191 = tpu.memref_squeeze %dma_start3A_190 : memref<1x320x128xf32, #tpu.memory_space<hbm>> -> memref<320x128xf32, #tpu.memory_space<hbm>>
      %dma_start3A_192 = arith.constant 0 : i32
      %dma_start3A_193 = tpu.memref_slice %arg17[%mul3A_186, %dma_start3A_192] : memref<5248x128xf32, #tpu.memory_space<vmem_shared>> -> memref<320x128xf32, #tpu.memory_space<vmem_shared>>
      tpu.enqueue_dma source(%dma_start3A_193 : memref<320x128xf32, #tpu.memory_space<vmem_shared>>) target(%dma_start3A_191 : memref<320x128xf32, #tpu.memory_space<hbm>>) target_semaphore(%run_scoped3A : memref<!tpu.dma_semaphore, #tpu.memory_space<semaphore_mem>>)
      %dma_wait3A_194 = arith.constant 0 : i32
      %dma_wait3A_195 = tpu.memref_slice %arg6[%arg0, %mul3A_188, %dma_wait3A_194] : memref<2x5120x128xf32, #tpu.memory_space<hbm>> -> memref<1x320x128xf32, #tpu.memory_space<hbm>>
      %dma_wait3A_196 = tpu.memref_squeeze %dma_wait3A_195 : memref<1x320x128xf32, #tpu.memory_space<hbm>> -> memref<320x128xf32, #tpu.memory_space<hbm>>
      %dma_wait3A_197 = arith.constant 0 : i32
      %dma_wait3A_198 = tpu.memref_slice %arg17[%mul3A_186, %dma_wait3A_197] : memref<5248x128xf32, #tpu.memory_space<vmem_shared>> -> memref<320x128xf32, #tpu.memory_space<vmem_shared>>
      tpu.wait_dma2 semaphore(%run_scoped3A : memref<!tpu.dma_semaphore, #tpu.memory_space<semaphore_mem>>) src(%dma_wait3A_198 : memref<320x128xf32, #tpu.memory_space<vmem_shared>>) dst(%dma_wait3A_196 : memref<320x128xf32, #tpu.memory_space<hbm>>)
      tpu.yield
    }) : () -> ()
    return
  }
}

#map = affine_map<(d0, d1) -> (0, 0)>
#map1 = affine_map<(d0, d1) -> (0, 0, 0)>
module attributes {stable_mosaic.version = 14 : i64} {
  func.func @sc_gcn_scatter(%arg0: i32, %arg1: i32, %arg2: memref<10000x128xf32, #tpu.memory_space<hbm>>, %arg3: memref<2x16x10240xi32, #tpu.memory_space<hbm>>, %arg4: memref<2x16x10240xi32, #tpu.memory_space<hbm>>, %arg5: memref<328x128xf32, #tpu.memory_space<hbm>>, %arg6: memref<2x5120x128xf32, #tpu.memory_space<hbm>>, %arg7: memref<10240xi32, #tpu.memory_space<vmem>>, %arg8: memref<10240xi32, #tpu.memory_space<vmem>>, %arg9: memref<16x128xf32, #tpu.memory_space<vmem>>, %arg10: memref<16x128xf32, #tpu.memory_space<vmem>>, %arg11: memref<16x128xf32, #tpu.memory_space<vmem>>, %arg12: memref<16x128xf32, #tpu.memory_space<vmem>>, %arg13: memref<16x128xf32, #tpu.memory_space<vmem>>, %arg14: memref<16x128xf32, #tpu.memory_space<vmem>>, %arg15: memref<16x128xf32, #tpu.memory_space<vmem>>, %arg16: memref<16x128xf32, #tpu.memory_space<vmem>>, %arg17: memref<5248x128xf32, #tpu.memory_space<vmem_shared>>, %arg18: memref<!tpu.dma_semaphore, #tpu.memory_space<semaphore_mem>>, %arg19: memref<!tpu.dma_semaphore, #tpu.memory_space<semaphore_mem>>, %arg20: memref<!tpu.dma_semaphore, #tpu.memory_space<semaphore_mem>>, %arg21: memref<!tpu.dma_semaphore, #tpu.memory_space<semaphore_mem>>, %arg22: memref<!tpu.dma_semaphore, #tpu.memory_space<semaphore_mem>>, %arg23: memref<!tpu.dma_semaphore, #tpu.memory_space<semaphore_mem>>, %arg24: memref<!tpu.dma_semaphore, #tpu.memory_space<semaphore_mem>>, %arg25: memref<!tpu.dma_semaphore, #tpu.memory_space<semaphore_mem>>, %arg26: memref<!tpu.dma_semaphore, #tpu.memory_space<semaphore_mem>>, %arg27: memref<!tpu.dma_semaphore, #tpu.memory_space<semaphore_mem>>, %arg28: memref<!tpu.dma_semaphore, #tpu.memory_space<semaphore_mem>>, %arg29: memref<!tpu.dma_semaphore, #tpu.memory_space<semaphore_mem>>, %arg30: memref<!tpu.dma_semaphore, #tpu.memory_space<semaphore_mem>>, %arg31: memref<!tpu.dma_semaphore, #tpu.memory_space<semaphore_mem>>, %arg32: memref<!tpu.dma_semaphore, #tpu.memory_space<semaphore_mem>>, %arg33: memref<!tpu.dma_semaphore, #tpu.memory_space<semaphore_mem>>) attributes {dimension_semantics = [#tpu.dimension_semantics<core_parallel>, #tpu.dimension_semantics<subcore_parallel>], iteration_bounds = array<i64: 2, 16>, scalar_prefetch = 0 : i64, scratch_operands = 27 : i64, tpu.core_type = #tpu.core_type<sc_vector_subcore>, window_params = [{transform_indices = #map}, {transform_indices = #map1}, {transform_indices = #map1}, {transform_indices = #map}, {transform_indices = #map1}]} {
    "tpu.region"() ({
      %run_scoped3A = tpu.sem_alloc : memref<!tpu.dma_semaphore, #tpu.memory_space<semaphore_mem>>
      %dma_start3A_189 = arith.constant 0 : i32
      %dma_start3A_190 = tpu.memref_slice %arg3[%arg0, %arg1, %dma_start3A_189] : memref<2x16x10240xi32, #tpu.memory_space<hbm>> -> memref<1x1x10240xi32, #tpu.memory_space<hbm>>
      %dma_start3A_191 = tpu.memref_squeeze %dma_start3A_190 : memref<1x1x10240xi32, #tpu.memory_space<hbm>> -> memref<10240xi32, #tpu.memory_space<hbm>>
      %dma_start3A_192 = arith.constant 0 : i32
      %dma_start3A_193 = tpu.memref_slice %arg3[%arg0, %arg1, %dma_start3A_192] : memref<2x16x10240xi32, #tpu.memory_space<hbm>> -> memref<1x1x10240xi32, #tpu.memory_space<hbm>>
      %dma_start3A_194 = tpu.memref_squeeze %dma_start3A_193 : memref<1x1x10240xi32, #tpu.memory_space<hbm>> -> memref<10240xi32, #tpu.memory_space<hbm>>
      tpu.enqueue_dma source(%dma_start3A_194 : memref<10240xi32, #tpu.memory_space<hbm>>) target(%arg7 : memref<10240xi32, #tpu.memory_space<vmem>>) target_semaphore(%run_scoped3A : memref<!tpu.dma_semaphore, #tpu.memory_space<semaphore_mem>>)
      %dma_wait3A_195 = arith.constant 0 : i32
      %dma_wait3A_196 = tpu.memref_slice %arg3[%arg0, %arg1, %dma_wait3A_195] : memref<2x16x10240xi32, #tpu.memory_space<hbm>> -> memref<1x1x10240xi32, #tpu.memory_space<hbm>>
      %dma_wait3A_197 = tpu.memref_squeeze %dma_wait3A_196 : memref<1x1x10240xi32, #tpu.memory_space<hbm>> -> memref<10240xi32, #tpu.memory_space<hbm>>
      %dma_wait3A_198 = arith.constant 0 : i32
      %dma_wait3A_199 = tpu.memref_slice %arg3[%arg0, %arg1, %dma_wait3A_198] : memref<2x16x10240xi32, #tpu.memory_space<hbm>> -> memref<1x1x10240xi32, #tpu.memory_space<hbm>>
      %dma_wait3A_200 = tpu.memref_squeeze %dma_wait3A_199 : memref<1x1x10240xi32, #tpu.memory_space<hbm>> -> memref<10240xi32, #tpu.memory_space<hbm>>
      tpu.wait_dma2 semaphore(%run_scoped3A : memref<!tpu.dma_semaphore, #tpu.memory_space<semaphore_mem>>) src(%dma_wait3A_200 : memref<10240xi32, #tpu.memory_space<hbm>>) dst(%arg7 : memref<10240xi32, #tpu.memory_space<vmem>>)
      tpu.yield
    }) : () -> ()
    "tpu.region"() ({
      %run_scoped3A = tpu.sem_alloc : memref<!tpu.dma_semaphore, #tpu.memory_space<semaphore_mem>>
      %dma_start3A_189 = arith.constant 0 : i32
      %dma_start3A_190 = tpu.memref_slice %arg4[%arg0, %arg1, %dma_start3A_189] : memref<2x16x10240xi32, #tpu.memory_space<hbm>> -> memref<1x1x10240xi32, #tpu.memory_space<hbm>>
      %dma_start3A_191 = tpu.memref_squeeze %dma_start3A_190 : memref<1x1x10240xi32, #tpu.memory_space<hbm>> -> memref<10240xi32, #tpu.memory_space<hbm>>
      %dma_start3A_192 = arith.constant 0 : i32
      %dma_start3A_193 = tpu.memref_slice %arg4[%arg0, %arg1, %dma_start3A_192] : memref<2x16x10240xi32, #tpu.memory_space<hbm>> -> memref<1x1x10240xi32, #tpu.memory_space<hbm>>
      %dma_start3A_194 = tpu.memref_squeeze %dma_start3A_193 : memref<1x1x10240xi32, #tpu.memory_space<hbm>> -> memref<10240xi32, #tpu.memory_space<hbm>>
      tpu.enqueue_dma source(%dma_start3A_194 : memref<10240xi32, #tpu.memory_space<hbm>>) target(%arg8 : memref<10240xi32, #tpu.memory_space<vmem>>) target_semaphore(%run_scoped3A : memref<!tpu.dma_semaphore, #tpu.memory_space<semaphore_mem>>)
      %dma_wait3A_195 = arith.constant 0 : i32
      %dma_wait3A_196 = tpu.memref_slice %arg4[%arg0, %arg1, %dma_wait3A_195] : memref<2x16x10240xi32, #tpu.memory_space<hbm>> -> memref<1x1x10240xi32, #tpu.memory_space<hbm>>
      %dma_wait3A_197 = tpu.memref_squeeze %dma_wait3A_196 : memref<1x1x10240xi32, #tpu.memory_space<hbm>> -> memref<10240xi32, #tpu.memory_space<hbm>>
      %dma_wait3A_198 = arith.constant 0 : i32
      %dma_wait3A_199 = tpu.memref_slice %arg4[%arg0, %arg1, %dma_wait3A_198] : memref<2x16x10240xi32, #tpu.memory_space<hbm>> -> memref<1x1x10240xi32, #tpu.memory_space<hbm>>
      %dma_wait3A_200 = tpu.memref_squeeze %dma_wait3A_199 : memref<1x1x10240xi32, #tpu.memory_space<hbm>> -> memref<10240xi32, #tpu.memory_space<hbm>>
      tpu.wait_dma2 semaphore(%run_scoped3A : memref<!tpu.dma_semaphore, #tpu.memory_space<semaphore_mem>>) src(%dma_wait3A_200 : memref<10240xi32, #tpu.memory_space<hbm>>) dst(%arg8 : memref<10240xi32, #tpu.memory_space<vmem>>)
      tpu.yield
    }) : () -> ()
    %mul3A = arith.constant 328 : i32
    %mul3A_0 = arith.muli %arg1, %mul3A : i32
    "tpu.region"() ({
      %run_scoped3A = tpu.sem_alloc : memref<!tpu.dma_semaphore, #tpu.memory_space<semaphore_mem>>
      %dma_start3A_189 = arith.constant 0 : i32
      %dma_start3A_190 = tpu.memref_slice %arg17[%mul3A_0, %dma_start3A_189] : memref<5248x128xf32, #tpu.memory_space<vmem_shared>> -> memref<328x128xf32, #tpu.memory_space<vmem_shared>>
      tpu.enqueue_dma source(%arg5 : memref<328x128xf32, #tpu.memory_space<hbm>>) target(%dma_start3A_190 : memref<328x128xf32, #tpu.memory_space<vmem_shared>>) target_semaphore(%run_scoped3A : memref<!tpu.dma_semaphore, #tpu.memory_space<semaphore_mem>>)
      %dma_wait3A_191 = arith.constant 0 : i32
      %dma_wait3A_192 = tpu.memref_slice %arg17[%mul3A_0, %dma_wait3A_191] : memref<5248x128xf32, #tpu.memory_space<vmem_shared>> -> memref<328x128xf32, #tpu.memory_space<vmem_shared>>
      tpu.wait_dma2 semaphore(%run_scoped3A : memref<!tpu.dma_semaphore, #tpu.memory_space<semaphore_mem>>) src(%arg5 : memref<328x128xf32, #tpu.memory_space<hbm>>) dst(%dma_wait3A_192 : memref<328x128xf32, #tpu.memory_space<vmem_shared>>)
      tpu.yield
    }) : () -> ()
    %barrier3A = arith.constant 0 : index
    tpu.barrier barrier_id(%barrier3A)
    %dma_start3A = arith.constant 0 : i32
    %dma_start3A_1 = tpu.memref_slice %arg7[%dma_start3A] : memref<10240xi32, #tpu.memory_space<vmem>> -> memref<16xi32, #tpu.memory_space<vmem>>
    %dma_start3A_2 = arith.constant 0 : i32
    %dma_start3A_3 = arith.constant 0 : i32
    %dma_start3A_4 = tpu.memref_slice %arg2[%dma_start3A_2, %dma_start3A_3] : memref<10000x128xf32, #tpu.memory_space<hbm>> -> memref<10000x128xf32, #tpu.memory_space<hbm>>
    tpu.enqueue_indirect_dma source(%dma_start3A_4 : memref<10000x128xf32, #tpu.memory_space<hbm>>) target(%arg9 : memref<16x128xf32, #tpu.memory_space<vmem>>) offsets(%dma_start3A_1 : memref<16xi32, #tpu.memory_space<vmem>>) semaphore(%arg18 : memref<!tpu.dma_semaphore, #tpu.memory_space<semaphore_mem>>)
    %dma_start3A_5 = arith.constant 16 : i32
    %dma_start3A_6 = tpu.memref_slice %arg7[%dma_start3A_5] : memref<10240xi32, #tpu.memory_space<vmem>> -> memref<16xi32, #tpu.memory_space<vmem>>
    %dma_start3A_7 = arith.constant 0 : i32
    %dma_start3A_8 = arith.constant 0 : i32
    %dma_start3A_9 = tpu.memref_slice %arg2[%dma_start3A_7, %dma_start3A_8] : memref<10000x128xf32, #tpu.memory_space<hbm>> -> memref<10000x128xf32, #tpu.memory_space<hbm>>
    tpu.enqueue_indirect_dma source(%dma_start3A_9 : memref<10000x128xf32, #tpu.memory_space<hbm>>) target(%arg10 : memref<16x128xf32, #tpu.memory_space<vmem>>) offsets(%dma_start3A_6 : memref<16xi32, #tpu.memory_space<vmem>>) semaphore(%arg19 : memref<!tpu.dma_semaphore, #tpu.memory_space<semaphore_mem>>)
    %dma_start3A_10 = arith.constant 32 : i32
    %dma_start3A_11 = tpu.memref_slice %arg7[%dma_start3A_10] : memref<10240xi32, #tpu.memory_space<vmem>> -> memref<16xi32, #tpu.memory_space<vmem>>
    %dma_start3A_12 = arith.constant 0 : i32
    %dma_start3A_13 = arith.constant 0 : i32
    %dma_start3A_14 = tpu.memref_slice %arg2[%dma_start3A_12, %dma_start3A_13] : memref<10000x128xf32, #tpu.memory_space<hbm>> -> memref<10000x128xf32, #tpu.memory_space<hbm>>
    tpu.enqueue_indirect_dma source(%dma_start3A_14 : memref<10000x128xf32, #tpu.memory_space<hbm>>) target(%arg11 : memref<16x128xf32, #tpu.memory_space<vmem>>) offsets(%dma_start3A_11 : memref<16xi32, #tpu.memory_space<vmem>>) semaphore(%arg20 : memref<!tpu.dma_semaphore, #tpu.memory_space<semaphore_mem>>)
    %dma_start3A_15 = arith.constant 48 : i32
    %dma_start3A_16 = tpu.memref_slice %arg7[%dma_start3A_15] : memref<10240xi32, #tpu.memory_space<vmem>> -> memref<16xi32, #tpu.memory_space<vmem>>
    %dma_start3A_17 = arith.constant 0 : i32
    %dma_start3A_18 = arith.constant 0 : i32
    %dma_start3A_19 = tpu.memref_slice %arg2[%dma_start3A_17, %dma_start3A_18] : memref<10000x128xf32, #tpu.memory_space<hbm>> -> memref<10000x128xf32, #tpu.memory_space<hbm>>
    tpu.enqueue_indirect_dma source(%dma_start3A_19 : memref<10000x128xf32, #tpu.memory_space<hbm>>) target(%arg12 : memref<16x128xf32, #tpu.memory_space<vmem>>) offsets(%dma_start3A_16 : memref<16xi32, #tpu.memory_space<vmem>>) semaphore(%arg21 : memref<!tpu.dma_semaphore, #tpu.memory_space<semaphore_mem>>)
    %dma_wait3A = arith.constant 0 : i32
    %dma_wait3A_20 = tpu.memref_slice %arg7[%dma_wait3A] : memref<10240xi32, #tpu.memory_space<vmem>> -> memref<16xi32, #tpu.memory_space<vmem>>
    %dma_wait3A_21 = arith.constant 0 : i32
    %dma_wait3A_22 = arith.constant 0 : i32
    %dma_wait3A_23 = tpu.memref_slice %arg2[%dma_wait3A_21, %dma_wait3A_22] : memref<10000x128xf32, #tpu.memory_space<hbm>> -> memref<10000x128xf32, #tpu.memory_space<hbm>>
    tpu.wait_indirect_dma semaphore(%arg18 : memref<!tpu.dma_semaphore, #tpu.memory_space<semaphore_mem>>) src(%dma_wait3A_23 : memref<10000x128xf32, #tpu.memory_space<hbm>>) dst(%arg9 : memref<16x128xf32, #tpu.memory_space<vmem>>)
    %dma_start3A_24 = arith.constant 0 : i32
    %dma_start3A_25 = tpu.memref_slice %arg8[%dma_start3A_24] : memref<10240xi32, #tpu.memory_space<vmem>> -> memref<16xi32, #tpu.memory_space<vmem>>
    %dma_start3A_26 = arith.constant 0 : i32
    %dma_start3A_27 = arith.constant 0 : i32
    %dma_start3A_28 = tpu.memref_slice %arg17[%dma_start3A_26, %dma_start3A_27] : memref<5248x128xf32, #tpu.memory_space<vmem_shared>> -> memref<5248x128xf32, #tpu.memory_space<vmem_shared>>
    tpu.enqueue_indirect_dma source(%arg9 : memref<16x128xf32, #tpu.memory_space<vmem>>) target(%dma_start3A_28 : memref<5248x128xf32, #tpu.memory_space<vmem_shared>>) offsets(%dma_start3A_25 : memref<16xi32, #tpu.memory_space<vmem>>) semaphore(%arg26 : memref<!tpu.dma_semaphore, #tpu.memory_space<semaphore_mem>>) {add = true}
    %dma_start3A_29 = arith.constant 64 : i32
    %dma_start3A_30 = tpu.memref_slice %arg7[%dma_start3A_29] : memref<10240xi32, #tpu.memory_space<vmem>> -> memref<16xi32, #tpu.memory_space<vmem>>
    %dma_start3A_31 = arith.constant 0 : i32
    %dma_start3A_32 = arith.constant 0 : i32
    %dma_start3A_33 = tpu.memref_slice %arg2[%dma_start3A_31, %dma_start3A_32] : memref<10000x128xf32, #tpu.memory_space<hbm>> -> memref<10000x128xf32, #tpu.memory_space<hbm>>
    tpu.enqueue_indirect_dma source(%dma_start3A_33 : memref<10000x128xf32, #tpu.memory_space<hbm>>) target(%arg13 : memref<16x128xf32, #tpu.memory_space<vmem>>) offsets(%dma_start3A_30 : memref<16xi32, #tpu.memory_space<vmem>>) semaphore(%arg22 : memref<!tpu.dma_semaphore, #tpu.memory_space<semaphore_mem>>)
    %dma_wait3A_34 = arith.constant 16 : i32
    %dma_wait3A_35 = tpu.memref_slice %arg7[%dma_wait3A_34] : memref<10240xi32, #tpu.memory_space<vmem>> -> memref<16xi32, #tpu.memory_space<vmem>>
    %dma_wait3A_36 = arith.constant 0 : i32
    %dma_wait3A_37 = arith.constant 0 : i32
    %dma_wait3A_38 = tpu.memref_slice %arg2[%dma_wait3A_36, %dma_wait3A_37] : memref<10000x128xf32, #tpu.memory_space<hbm>> -> memref<10000x128xf32, #tpu.memory_space<hbm>>
    tpu.wait_indirect_dma semaphore(%arg19 : memref<!tpu.dma_semaphore, #tpu.memory_space<semaphore_mem>>) src(%dma_wait3A_38 : memref<10000x128xf32, #tpu.memory_space<hbm>>) dst(%arg10 : memref<16x128xf32, #tpu.memory_space<vmem>>)
    %dma_start3A_39 = arith.constant 16 : i32
    %dma_start3A_40 = tpu.memref_slice %arg8[%dma_start3A_39] : memref<10240xi32, #tpu.memory_space<vmem>> -> memref<16xi32, #tpu.memory_space<vmem>>
    %dma_start3A_41 = arith.constant 0 : i32
    %dma_start3A_42 = arith.constant 0 : i32
    %dma_start3A_43 = tpu.memref_slice %arg17[%dma_start3A_41, %dma_start3A_42] : memref<5248x128xf32, #tpu.memory_space<vmem_shared>> -> memref<5248x128xf32, #tpu.memory_space<vmem_shared>>
    tpu.enqueue_indirect_dma source(%arg10 : memref<16x128xf32, #tpu.memory_space<vmem>>) target(%dma_start3A_43 : memref<5248x128xf32, #tpu.memory_space<vmem_shared>>) offsets(%dma_start3A_40 : memref<16xi32, #tpu.memory_space<vmem>>) semaphore(%arg27 : memref<!tpu.dma_semaphore, #tpu.memory_space<semaphore_mem>>) {add = true}
    %dma_start3A_44 = arith.constant 80 : i32
    %dma_start3A_45 = tpu.memref_slice %arg7[%dma_start3A_44] : memref<10240xi32, #tpu.memory_space<vmem>> -> memref<16xi32, #tpu.memory_space<vmem>>
    %dma_start3A_46 = arith.constant 0 : i32
    %dma_start3A_47 = arith.constant 0 : i32
    %dma_start3A_48 = tpu.memref_slice %arg2[%dma_start3A_46, %dma_start3A_47] : memref<10000x128xf32, #tpu.memory_space<hbm>> -> memref<10000x128xf32, #tpu.memory_space<hbm>>
    tpu.enqueue_indirect_dma source(%dma_start3A_48 : memref<10000x128xf32, #tpu.memory_space<hbm>>) target(%arg14 : memref<16x128xf32, #tpu.memory_space<vmem>>) offsets(%dma_start3A_45 : memref<16xi32, #tpu.memory_space<vmem>>) semaphore(%arg23 : memref<!tpu.dma_semaphore, #tpu.memory_space<semaphore_mem>>)
    %dma_wait3A_49 = arith.constant 32 : i32
    %dma_wait3A_50 = tpu.memref_slice %arg7[%dma_wait3A_49] : memref<10240xi32, #tpu.memory_space<vmem>> -> memref<16xi32, #tpu.memory_space<vmem>>
    %dma_wait3A_51 = arith.constant 0 : i32
    %dma_wait3A_52 = arith.constant 0 : i32
    %dma_wait3A_53 = tpu.memref_slice %arg2[%dma_wait3A_51, %dma_wait3A_52] : memref<10000x128xf32, #tpu.memory_space<hbm>> -> memref<10000x128xf32, #tpu.memory_space<hbm>>
    tpu.wait_indirect_dma semaphore(%arg20 : memref<!tpu.dma_semaphore, #tpu.memory_space<semaphore_mem>>) src(%dma_wait3A_53 : memref<10000x128xf32, #tpu.memory_space<hbm>>) dst(%arg11 : memref<16x128xf32, #tpu.memory_space<vmem>>)
    %dma_start3A_54 = arith.constant 32 : i32
    %dma_start3A_55 = tpu.memref_slice %arg8[%dma_start3A_54] : memref<10240xi32, #tpu.memory_space<vmem>> -> memref<16xi32, #tpu.memory_space<vmem>>
    %dma_start3A_56 = arith.constant 0 : i32
    %dma_start3A_57 = arith.constant 0 : i32
    %dma_start3A_58 = tpu.memref_slice %arg17[%dma_start3A_56, %dma_start3A_57] : memref<5248x128xf32, #tpu.memory_space<vmem_shared>> -> memref<5248x128xf32, #tpu.memory_space<vmem_shared>>
    tpu.enqueue_indirect_dma source(%arg11 : memref<16x128xf32, #tpu.memory_space<vmem>>) target(%dma_start3A_58 : memref<5248x128xf32, #tpu.memory_space<vmem_shared>>) offsets(%dma_start3A_55 : memref<16xi32, #tpu.memory_space<vmem>>) semaphore(%arg28 : memref<!tpu.dma_semaphore, #tpu.memory_space<semaphore_mem>>) {add = true}
    %dma_start3A_59 = arith.constant 96 : i32
    %dma_start3A_60 = tpu.memref_slice %arg7[%dma_start3A_59] : memref<10240xi32, #tpu.memory_space<vmem>> -> memref<16xi32, #tpu.memory_space<vmem>>
    %dma_start3A_61 = arith.constant 0 : i32
    %dma_start3A_62 = arith.constant 0 : i32
    %dma_start3A_63 = tpu.memref_slice %arg2[%dma_start3A_61, %dma_start3A_62] : memref<10000x128xf32, #tpu.memory_space<hbm>> -> memref<10000x128xf32, #tpu.memory_space<hbm>>
    tpu.enqueue_indirect_dma source(%dma_start3A_63 : memref<10000x128xf32, #tpu.memory_space<hbm>>) target(%arg15 : memref<16x128xf32, #tpu.memory_space<vmem>>) offsets(%dma_start3A_60 : memref<16xi32, #tpu.memory_space<vmem>>) semaphore(%arg24 : memref<!tpu.dma_semaphore, #tpu.memory_space<semaphore_mem>>)
    %dma_wait3A_64 = arith.constant 48 : i32
    %dma_wait3A_65 = tpu.memref_slice %arg7[%dma_wait3A_64] : memref<10240xi32, #tpu.memory_space<vmem>> -> memref<16xi32, #tpu.memory_space<vmem>>
    %dma_wait3A_66 = arith.constant 0 : i32
    %dma_wait3A_67 = arith.constant 0 : i32
    %dma_wait3A_68 = tpu.memref_slice %arg2[%dma_wait3A_66, %dma_wait3A_67] : memref<10000x128xf32, #tpu.memory_space<hbm>> -> memref<10000x128xf32, #tpu.memory_space<hbm>>
    tpu.wait_indirect_dma semaphore(%arg21 : memref<!tpu.dma_semaphore, #tpu.memory_space<semaphore_mem>>) src(%dma_wait3A_68 : memref<10000x128xf32, #tpu.memory_space<hbm>>) dst(%arg12 : memref<16x128xf32, #tpu.memory_space<vmem>>)
    %dma_start3A_69 = arith.constant 48 : i32
    %dma_start3A_70 = tpu.memref_slice %arg8[%dma_start3A_69] : memref<10240xi32, #tpu.memory_space<vmem>> -> memref<16xi32, #tpu.memory_space<vmem>>
    %dma_start3A_71 = arith.constant 0 : i32
    %dma_start3A_72 = arith.constant 0 : i32
    %dma_start3A_73 = tpu.memref_slice %arg17[%dma_start3A_71, %dma_start3A_72] : memref<5248x128xf32, #tpu.memory_space<vmem_shared>> -> memref<5248x128xf32, #tpu.memory_space<vmem_shared>>
    tpu.enqueue_indirect_dma source(%arg12 : memref<16x128xf32, #tpu.memory_space<vmem>>) target(%dma_start3A_73 : memref<5248x128xf32, #tpu.memory_space<vmem_shared>>) offsets(%dma_start3A_70 : memref<16xi32, #tpu.memory_space<vmem>>) semaphore(%arg29 : memref<!tpu.dma_semaphore, #tpu.memory_space<semaphore_mem>>) {add = true}
    %dma_start3A_74 = arith.constant 112 : i32
    %dma_start3A_75 = tpu.memref_slice %arg7[%dma_start3A_74] : memref<10240xi32, #tpu.memory_space<vmem>> -> memref<16xi32, #tpu.memory_space<vmem>>
    %dma_start3A_76 = arith.constant 0 : i32
    %dma_start3A_77 = arith.constant 0 : i32
    %dma_start3A_78 = tpu.memref_slice %arg2[%dma_start3A_76, %dma_start3A_77] : memref<10000x128xf32, #tpu.memory_space<hbm>> -> memref<10000x128xf32, #tpu.memory_space<hbm>>
    tpu.enqueue_indirect_dma source(%dma_start3A_78 : memref<10000x128xf32, #tpu.memory_space<hbm>>) target(%arg16 : memref<16x128xf32, #tpu.memory_space<vmem>>) offsets(%dma_start3A_75 : memref<16xi32, #tpu.memory_space<vmem>>) semaphore(%arg25 : memref<!tpu.dma_semaphore, #tpu.memory_space<semaphore_mem>>)
    %dma_wait3A_79 = arith.constant 64 : i32
    %dma_wait3A_80 = tpu.memref_slice %arg7[%dma_wait3A_79] : memref<10240xi32, #tpu.memory_space<vmem>> -> memref<16xi32, #tpu.memory_space<vmem>>
    %dma_wait3A_81 = arith.constant 0 : i32
    %dma_wait3A_82 = arith.constant 0 : i32
    %dma_wait3A_83 = tpu.memref_slice %arg2[%dma_wait3A_81, %dma_wait3A_82] : memref<10000x128xf32, #tpu.memory_space<hbm>> -> memref<10000x128xf32, #tpu.memory_space<hbm>>
    tpu.wait_indirect_dma semaphore(%arg22 : memref<!tpu.dma_semaphore, #tpu.memory_space<semaphore_mem>>) src(%dma_wait3A_83 : memref<10000x128xf32, #tpu.memory_space<hbm>>) dst(%arg13 : memref<16x128xf32, #tpu.memory_space<vmem>>)
    %dma_start3A_84 = arith.constant 64 : i32
    %dma_start3A_85 = tpu.memref_slice %arg8[%dma_start3A_84] : memref<10240xi32, #tpu.memory_space<vmem>> -> memref<16xi32, #tpu.memory_space<vmem>>
    %dma_start3A_86 = arith.constant 0 : i32
    %dma_start3A_87 = arith.constant 0 : i32
    %dma_start3A_88 = tpu.memref_slice %arg17[%dma_start3A_86, %dma_start3A_87] : memref<5248x128xf32, #tpu.memory_space<vmem_shared>> -> memref<5248x128xf32, #tpu.memory_space<vmem_shared>>
    tpu.enqueue_indirect_dma source(%arg13 : memref<16x128xf32, #tpu.memory_space<vmem>>) target(%dma_start3A_88 : memref<5248x128xf32, #tpu.memory_space<vmem_shared>>) offsets(%dma_start3A_85 : memref<16xi32, #tpu.memory_space<vmem>>) semaphore(%arg30 : memref<!tpu.dma_semaphore, #tpu.memory_space<semaphore_mem>>) {add = true}
    %dma_wait3A_89 = arith.constant 0 : i32
    %dma_wait3A_90 = tpu.memref_slice %arg8[%dma_wait3A_89] : memref<10240xi32, #tpu.memory_space<vmem>> -> memref<16xi32, #tpu.memory_space<vmem>>
    %dma_wait3A_91 = arith.constant 0 : i32
    %dma_wait3A_92 = arith.constant 0 : i32
    %dma_wait3A_93 = tpu.memref_slice %arg17[%dma_wait3A_91, %dma_wait3A_92] : memref<5248x128xf32, #tpu.memory_space<vmem_shared>> -> memref<5248x128xf32, #tpu.memory_space<vmem_shared>>
    tpu.wait_indirect_dma semaphore(%arg26 : memref<!tpu.dma_semaphore, #tpu.memory_space<semaphore_mem>>) src(%arg9 : memref<16x128xf32, #tpu.memory_space<vmem>>) dst(%dma_wait3A_93 : memref<5248x128xf32, #tpu.memory_space<vmem_shared>>)
    %dma_start3A_94 = arith.constant 128 : i32
    %dma_start3A_95 = tpu.memref_slice %arg7[%dma_start3A_94] : memref<10240xi32, #tpu.memory_space<vmem>> -> memref<16xi32, #tpu.memory_space<vmem>>
    %dma_start3A_96 = arith.constant 0 : i32
    %dma_start3A_97 = arith.constant 0 : i32
    %dma_start3A_98 = tpu.memref_slice %arg2[%dma_start3A_96, %dma_start3A_97] : memref<10000x128xf32, #tpu.memory_space<hbm>> -> memref<10000x128xf32, #tpu.memory_space<hbm>>
    tpu.enqueue_indirect_dma source(%dma_start3A_98 : memref<10000x128xf32, #tpu.memory_space<hbm>>) target(%arg9 : memref<16x128xf32, #tpu.memory_space<vmem>>) offsets(%dma_start3A_95 : memref<16xi32, #tpu.memory_space<vmem>>) semaphore(%arg18 : memref<!tpu.dma_semaphore, #tpu.memory_space<semaphore_mem>>)
    %dma_wait3A_99 = arith.constant 80 : i32
    %dma_wait3A_100 = tpu.memref_slice %arg7[%dma_wait3A_99] : memref<10240xi32, #tpu.memory_space<vmem>> -> memref<16xi32, #tpu.memory_space<vmem>>
    %dma_wait3A_101 = arith.constant 0 : i32
    %dma_wait3A_102 = arith.constant 0 : i32
    %dma_wait3A_103 = tpu.memref_slice %arg2[%dma_wait3A_101, %dma_wait3A_102] : memref<10000x128xf32, #tpu.memory_space<hbm>> -> memref<10000x128xf32, #tpu.memory_space<hbm>>
    tpu.wait_indirect_dma semaphore(%arg23 : memref<!tpu.dma_semaphore, #tpu.memory_space<semaphore_mem>>) src(%dma_wait3A_103 : memref<10000x128xf32, #tpu.memory_space<hbm>>) dst(%arg14 : memref<16x128xf32, #tpu.memory_space<vmem>>)
    %dma_start3A_104 = arith.constant 80 : i32
    %dma_start3A_105 = tpu.memref_slice %arg8[%dma_start3A_104] : memref<10240xi32, #tpu.memory_space<vmem>> -> memref<16xi32, #tpu.memory_space<vmem>>
    %dma_start3A_106 = arith.constant 0 : i32
    %dma_start3A_107 = arith.constant 0 : i32
    %dma_start3A_108 = tpu.memref_slice %arg17[%dma_start3A_106, %dma_start3A_107] : memref<5248x128xf32, #tpu.memory_space<vmem_shared>> -> memref<5248x128xf32, #tpu.memory_space<vmem_shared>>
    tpu.enqueue_indirect_dma source(%arg14 : memref<16x128xf32, #tpu.memory_space<vmem>>) target(%dma_start3A_108 : memref<5248x128xf32, #tpu.memory_space<vmem_shared>>) offsets(%dma_start3A_105 : memref<16xi32, #tpu.memory_space<vmem>>) semaphore(%arg31 : memref<!tpu.dma_semaphore, #tpu.memory_space<semaphore_mem>>) {add = true}
    %dma_wait3A_109 = arith.constant 16 : i32
    %dma_wait3A_110 = tpu.memref_slice %arg8[%dma_wait3A_109] : memref<10240xi32, #tpu.memory_space<vmem>> -> memref<16xi32, #tpu.memory_space<vmem>>
    %dma_wait3A_111 = arith.constant 0 : i32
    %dma_wait3A_112 = arith.constant 0 : i32
    %dma_wait3A_113 = tpu.memref_slice %arg17[%dma_wait3A_111, %dma_wait3A_112] : memref<5248x128xf32, #tpu.memory_space<vmem_shared>> -> memref<5248x128xf32, #tpu.memory_space<vmem_shared>>
    tpu.wait_indirect_dma semaphore(%arg27 : memref<!tpu.dma_semaphore, #tpu.memory_space<semaphore_mem>>) src(%arg10 : memref<16x128xf32, #tpu.memory_space<vmem>>) dst(%dma_wait3A_113 : memref<5248x128xf32, #tpu.memory_space<vmem_shared>>)
    %dma_start3A_114 = arith.constant 144 : i32
    %dma_start3A_115 = tpu.memref_slice %arg7[%dma_start3A_114] : memref<10240xi32, #tpu.memory_space<vmem>> -> memref<16xi32, #tpu.memory_space<vmem>>
    %dma_start3A_116 = arith.constant 0 : i32
    %dma_start3A_117 = arith.constant 0 : i32
    %dma_start3A_118 = tpu.memref_slice %arg2[%dma_start3A_116, %dma_start3A_117] : memref<10000x128xf32, #tpu.memory_space<hbm>> -> memref<10000x128xf32, #tpu.memory_space<hbm>>
    tpu.enqueue_indirect_dma source(%dma_start3A_118 : memref<10000x128xf32, #tpu.memory_space<hbm>>) target(%arg10 : memref<16x128xf32, #tpu.memory_space<vmem>>) offsets(%dma_start3A_115 : memref<16xi32, #tpu.memory_space<vmem>>) semaphore(%arg19 : memref<!tpu.dma_semaphore, #tpu.memory_space<semaphore_mem>>)
    %dma_wait3A_119 = arith.constant 96 : i32
    %dma_wait3A_120 = tpu.memref_slice %arg7[%dma_wait3A_119] : memref<10240xi32, #tpu.memory_space<vmem>> -> memref<16xi32, #tpu.memory_space<vmem>>
    %dma_wait3A_121 = arith.constant 0 : i32
    %dma_wait3A_122 = arith.constant 0 : i32
    %dma_wait3A_123 = tpu.memref_slice %arg2[%dma_wait3A_121, %dma_wait3A_122] : memref<10000x128xf32, #tpu.memory_space<hbm>> -> memref<10000x128xf32, #tpu.memory_space<hbm>>
    tpu.wait_indirect_dma semaphore(%arg24 : memref<!tpu.dma_semaphore, #tpu.memory_space<semaphore_mem>>) src(%dma_wait3A_123 : memref<10000x128xf32, #tpu.memory_space<hbm>>) dst(%arg15 : memref<16x128xf32, #tpu.memory_space<vmem>>)
    %dma_start3A_124 = arith.constant 96 : i32
    %dma_start3A_125 = tpu.memref_slice %arg8[%dma_start3A_124] : memref<10240xi32, #tpu.memory_space<vmem>> -> memref<16xi32, #tpu.memory_space<vmem>>
    %dma_start3A_126 = arith.constant 0 : i32
    %dma_start3A_127 = arith.constant 0 : i32
    %dma_start3A_128 = tpu.memref_slice %arg17[%dma_start3A_126, %dma_start3A_127] : memref<5248x128xf32, #tpu.memory_space<vmem_shared>> -> memref<5248x128xf32, #tpu.memory_space<vmem_shared>>
    tpu.enqueue_indirect_dma source(%arg15 : memref<16x128xf32, #tpu.memory_space<vmem>>) target(%dma_start3A_128 : memref<5248x128xf32, #tpu.memory_space<vmem_shared>>) offsets(%dma_start3A_125 : memref<16xi32, #tpu.memory_space<vmem>>) semaphore(%arg32 : memref<!tpu.dma_semaphore, #tpu.memory_space<semaphore_mem>>) {add = true}
    %dma_wait3A_129 = arith.constant 32 : i32
    %dma_wait3A_130 = tpu.memref_slice %arg8[%dma_wait3A_129] : memref<10240xi32, #tpu.memory_space<vmem>> -> memref<16xi32, #tpu.memory_space<vmem>>
    %dma_wait3A_131 = arith.constant 0 : i32
    %dma_wait3A_132 = arith.constant 0 : i32
    %dma_wait3A_133 = tpu.memref_slice %arg17[%dma_wait3A_131, %dma_wait3A_132] : memref<5248x128xf32, #tpu.memory_space<vmem_shared>> -> memref<5248x128xf32, #tpu.memory_space<vmem_shared>>
    tpu.wait_indirect_dma semaphore(%arg28 : memref<!tpu.dma_semaphore, #tpu.memory_space<semaphore_mem>>) src(%arg11 : memref<16x128xf32, #tpu.memory_space<vmem>>) dst(%dma_wait3A_133 : memref<5248x128xf32, #tpu.memory_space<vmem_shared>>)
    %dma_start3A_134 = arith.constant 160 : i32
    %dma_start3A_135 = tpu.memref_slice %arg7[%dma_start3A_134] : memref<10240xi32, #tpu.memory_space<vmem>> -> memref<16xi32, #tpu.memory_space<vmem>>
    %dma_start3A_136 = arith.constant 0 : i32
    %dma_start3A_137 = arith.constant 0 : i32
    %dma_start3A_138 = tpu.memref_slice %arg2[%dma_start3A_136, %dma_start3A_137] : memref<10000x128xf32, #tpu.memory_space<hbm>> -> memref<10000x128xf32, #tpu.memory_space<hbm>>
    tpu.enqueue_indirect_dma source(%dma_start3A_138 : memref<10000x128xf32, #tpu.memory_space<hbm>>) target(%arg11 : memref<16x128xf32, #tpu.memory_space<vmem>>) offsets(%dma_start3A_135 : memref<16xi32, #tpu.memory_space<vmem>>) semaphore(%arg20 : memref<!tpu.dma_semaphore, #tpu.memory_space<semaphore_mem>>)
    %dma_wait3A_139 = arith.constant 112 : i32
    %dma_wait3A_140 = tpu.memref_slice %arg7[%dma_wait3A_139] : memref<10240xi32, #tpu.memory_space<vmem>> -> memref<16xi32, #tpu.memory_space<vmem>>
    %dma_wait3A_141 = arith.constant 0 : i32
    %dma_wait3A_142 = arith.constant 0 : i32
    %dma_wait3A_143 = tpu.memref_slice %arg2[%dma_wait3A_141, %dma_wait3A_142] : memref<10000x128xf32, #tpu.memory_space<hbm>> -> memref<10000x128xf32, #tpu.memory_space<hbm>>
    tpu.wait_indirect_dma semaphore(%arg25 : memref<!tpu.dma_semaphore, #tpu.memory_space<semaphore_mem>>) src(%dma_wait3A_143 : memref<10000x128xf32, #tpu.memory_space<hbm>>) dst(%arg16 : memref<16x128xf32, #tpu.memory_space<vmem>>)
    %dma_start3A_144 = arith.constant 112 : i32
    %dma_start3A_145 = tpu.memref_slice %arg8[%dma_start3A_144] : memref<10240xi32, #tpu.memory_space<vmem>> -> memref<16xi32, #tpu.memory_space<vmem>>
    %dma_start3A_146 = arith.constant 0 : i32
    %dma_start3A_147 = arith.constant 0 : i32
    %dma_start3A_148 = tpu.memref_slice %arg17[%dma_start3A_146, %dma_start3A_147] : memref<5248x128xf32, #tpu.memory_space<vmem_shared>> -> memref<5248x128xf32, #tpu.memory_space<vmem_shared>>
    tpu.enqueue_indirect_dma source(%arg16 : memref<16x128xf32, #tpu.memory_space<vmem>>) target(%dma_start3A_148 : memref<5248x128xf32, #tpu.memory_space<vmem_shared>>) offsets(%dma_start3A_145 : memref<16xi32, #tpu.memory_space<vmem>>) semaphore(%arg33 : memref<!tpu.dma_semaphore, #tpu.memory_space<semaphore_mem>>) {add = true}
    %dma_wait3A_149 = arith.constant 48 : i32
    %dma_wait3A_150 = tpu.memref_slice %arg8[%dma_wait3A_149] : memref<10240xi32, #tpu.memory_space<vmem>> -> memref<16xi32, #tpu.memory_space<vmem>>
    %dma_wait3A_151 = arith.constant 0 : i32
    %dma_wait3A_152 = arith.constant 0 : i32
    %dma_wait3A_153 = tpu.memref_slice %arg17[%dma_wait3A_151, %dma_wait3A_152] : memref<5248x128xf32, #tpu.memory_space<vmem_shared>> -> memref<5248x128xf32, #tpu.memory_space<vmem_shared>>
    tpu.wait_indirect_dma semaphore(%arg29 : memref<!tpu.dma_semaphore, #tpu.memory_space<semaphore_mem>>) src(%arg12 : memref<16x128xf32, #tpu.memory_space<vmem>>) dst(%dma_wait3A_153 : memref<5248x128xf32, #tpu.memory_space<vmem_shared>>)
    %dma_start3A_154 = arith.constant 176 : i32
    %dma_start3A_155 = tpu.memref_slice %arg7[%dma_start3A_154] : memref<10240xi32, #tpu.memory_space<vmem>> -> memref<16xi32, #tpu.memory_space<vmem>>
    %dma_start3A_156 = arith.constant 0 : i32
    %dma_start3A_157 = arith.constant 0 : i32
    %dma_start3A_158 = tpu.memref_slice %arg2[%dma_start3A_156, %dma_start3A_157] : memref<10000x128xf32, #tpu.memory_space<hbm>> -> memref<10000x128xf32, #tpu.memory_space<hbm>>
    tpu.enqueue_indirect_dma source(%dma_start3A_158 : memref<10000x128xf32, #tpu.memory_space<hbm>>) target(%arg12 : memref<16x128xf32, #tpu.memory_space<vmem>>) offsets(%dma_start3A_155 : memref<16xi32, #tpu.memory_space<vmem>>) semaphore(%arg21 : memref<!tpu.dma_semaphore, #tpu.memory_space<semaphore_mem>>)
    %scan3A = arith.constant 0 : i32
    %scan3A_159 = arith.constant 1 : i32
    %scan3A_160 = arith.constant 79 : i32
    %scan3A_161 = arith.addi %scan3A_159, %scan3A_160 : i32
    %scan3A_162 = arith.constant 1 : i32
    scf.for %scan3A_189 = %scan3A_159 to %scan3A_161 step %scan3A_162  : i32 {
      %mul3A_190 = arith.constant 8 : i32
      %mul3A_191 = arith.muli %mul3A_190, %scan3A_189 : i32
      %add3A = arith.constant 0 : i32
      %add3A_192 = arith.addi %mul3A_191, %add3A : i32
      %mul3A_193 = arith.constant 16 : i32
      %mul3A_194 = arith.muli %add3A_192, %mul3A_193 : i32
      %dma_wait3A_195 = tpu.memref_slice %arg7[%mul3A_194] : memref<10240xi32, #tpu.memory_space<vmem>> -> memref<16xi32, #tpu.memory_space<vmem>>
      %dma_wait3A_196 = arith.constant 0 : i32
      %dma_wait3A_197 = arith.constant 0 : i32
      %dma_wait3A_198 = tpu.memref_slice %arg2[%dma_wait3A_196, %dma_wait3A_197] : memref<10000x128xf32, #tpu.memory_space<hbm>> -> memref<10000x128xf32, #tpu.memory_space<hbm>>
      tpu.wait_indirect_dma semaphore(%arg18 : memref<!tpu.dma_semaphore, #tpu.memory_space<semaphore_mem>>) src(%dma_wait3A_198 : memref<10000x128xf32, #tpu.memory_space<hbm>>) dst(%arg9 : memref<16x128xf32, #tpu.memory_space<vmem>>)
      %mul3A_199 = arith.constant 16 : i32
      %mul3A_200 = arith.muli %add3A_192, %mul3A_199 : i32
      %dma_start3A_201 = tpu.memref_slice %arg8[%mul3A_200] : memref<10240xi32, #tpu.memory_space<vmem>> -> memref<16xi32, #tpu.memory_space<vmem>>
      %dma_start3A_202 = arith.constant 0 : i32
      %dma_start3A_203 = arith.constant 0 : i32
      %dma_start3A_204 = tpu.memref_slice %arg17[%dma_start3A_202, %dma_start3A_203] : memref<5248x128xf32, #tpu.memory_space<vmem_shared>> -> memref<5248x128xf32, #tpu.memory_space<vmem_shared>>
      tpu.enqueue_indirect_dma source(%arg9 : memref<16x128xf32, #tpu.memory_space<vmem>>) target(%dma_start3A_204 : memref<5248x128xf32, #tpu.memory_space<vmem_shared>>) offsets(%dma_start3A_201 : memref<16xi32, #tpu.memory_space<vmem>>) semaphore(%arg26 : memref<!tpu.dma_semaphore, #tpu.memory_space<semaphore_mem>>) {add = true}
      %sub3A = arith.constant 4 : i32
      %sub3A_205 = arith.subi %add3A_192, %sub3A : i32
      %mul3A_206 = arith.constant 16 : i32
      %mul3A_207 = arith.muli %sub3A_205, %mul3A_206 : i32
      %dma_wait3A_208 = tpu.memref_slice %arg8[%mul3A_207] : memref<10240xi32, #tpu.memory_space<vmem>> -> memref<16xi32, #tpu.memory_space<vmem>>
      %dma_wait3A_209 = arith.constant 0 : i32
      %dma_wait3A_210 = arith.constant 0 : i32
      %dma_wait3A_211 = tpu.memref_slice %arg17[%dma_wait3A_209, %dma_wait3A_210] : memref<5248x128xf32, #tpu.memory_space<vmem_shared>> -> memref<5248x128xf32, #tpu.memory_space<vmem_shared>>
      tpu.wait_indirect_dma semaphore(%arg30 : memref<!tpu.dma_semaphore, #tpu.memory_space<semaphore_mem>>) src(%arg13 : memref<16x128xf32, #tpu.memory_space<vmem>>) dst(%dma_wait3A_211 : memref<5248x128xf32, #tpu.memory_space<vmem_shared>>)
      %add3A_212 = arith.constant 4 : i32
      %add3A_213 = arith.addi %add3A_192, %add3A_212 : i32
      %lt3A = arith.constant 640 : i32
      %lt3A_214 = arith.cmpi slt, %add3A_213, %lt3A : i32
      %convert_element_type3A = arith.extui %lt3A_214 : i1 to i32
      %cond3A = arith.constant 0 : i32
      %cond3A_215 = arith.cmpi ne, %convert_element_type3A, %cond3A : i32
      scf.if %cond3A_215 {
        %add3A_433 = arith.constant 4 : i32
        %add3A_434 = arith.addi %add3A_192, %add3A_433 : i32
        %mul3A_435 = arith.constant 16 : i32
        %mul3A_436 = arith.muli %add3A_434, %mul3A_435 : i32
        %dma_start3A_437 = tpu.memref_slice %arg7[%mul3A_436] : memref<10240xi32, #tpu.memory_space<vmem>> -> memref<16xi32, #tpu.memory_space<vmem>>
        %dma_start3A_438 = arith.constant 0 : i32
        %dma_start3A_439 = arith.constant 0 : i32
        %dma_start3A_440 = tpu.memref_slice %arg2[%dma_start3A_438, %dma_start3A_439] : memref<10000x128xf32, #tpu.memory_space<hbm>> -> memref<10000x128xf32, #tpu.memory_space<hbm>>
        tpu.enqueue_indirect_dma source(%dma_start3A_440 : memref<10000x128xf32, #tpu.memory_space<hbm>>) target(%arg13 : memref<16x128xf32, #tpu.memory_space<vmem>>) offsets(%dma_start3A_437 : memref<16xi32, #tpu.memory_space<vmem>>) semaphore(%arg22 : memref<!tpu.dma_semaphore, #tpu.memory_space<semaphore_mem>>)
      } else {
      }
      %mul3A_216 = arith.constant 8 : i32
      %mul3A_217 = arith.muli %mul3A_216, %scan3A_189 : i32
      %add3A_218 = arith.constant 1 : i32
      %add3A_219 = arith.addi %mul3A_217, %add3A_218 : i32
      %mul3A_220 = arith.constant 16 : i32
      %mul3A_221 = arith.muli %add3A_219, %mul3A_220 : i32
      %dma_wait3A_222 = tpu.memref_slice %arg7[%mul3A_221] : memref<10240xi32, #tpu.memory_space<vmem>> -> memref<16xi32, #tpu.memory_space<vmem>>
      %dma_wait3A_223 = arith.constant 0 : i32
      %dma_wait3A_224 = arith.constant 0 : i32
      %dma_wait3A_225 = tpu.memref_slice %arg2[%dma_wait3A_223, %dma_wait3A_224] : memref<10000x128xf32, #tpu.memory_space<hbm>> -> memref<10000x128xf32, #tpu.memory_space<hbm>>
      tpu.wait_indirect_dma semaphore(%arg19 : memref<!tpu.dma_semaphore, #tpu.memory_space<semaphore_mem>>) src(%dma_wait3A_225 : memref<10000x128xf32, #tpu.memory_space<hbm>>) dst(%arg10 : memref<16x128xf32, #tpu.memory_space<vmem>>)
      %mul3A_226 = arith.constant 16 : i32
      %mul3A_227 = arith.muli %add3A_219, %mul3A_226 : i32
      %dma_start3A_228 = tpu.memref_slice %arg8[%mul3A_227] : memref<10240xi32, #tpu.memory_space<vmem>> -> memref<16xi32, #tpu.memory_space<vmem>>
      %dma_start3A_229 = arith.constant 0 : i32
      %dma_start3A_230 = arith.constant 0 : i32
      %dma_start3A_231 = tpu.memref_slice %arg17[%dma_start3A_229, %dma_start3A_230] : memref<5248x128xf32, #tpu.memory_space<vmem_shared>> -> memref<5248x128xf32, #tpu.memory_space<vmem_shared>>
      tpu.enqueue_indirect_dma source(%arg10 : memref<16x128xf32, #tpu.memory_space<vmem>>) target(%dma_start3A_231 : memref<5248x128xf32, #tpu.memory_space<vmem_shared>>) offsets(%dma_start3A_228 : memref<16xi32, #tpu.memory_space<vmem>>) semaphore(%arg27 : memref<!tpu.dma_semaphore, #tpu.memory_space<semaphore_mem>>) {add = true}
      %sub3A_232 = arith.constant 4 : i32
      %sub3A_233 = arith.subi %add3A_219, %sub3A_232 : i32
      %mul3A_234 = arith.constant 16 : i32
      %mul3A_235 = arith.muli %sub3A_233, %mul3A_234 : i32
      %dma_wait3A_236 = tpu.memref_slice %arg8[%mul3A_235] : memref<10240xi32, #tpu.memory_space<vmem>> -> memref<16xi32, #tpu.memory_space<vmem>>
      %dma_wait3A_237 = arith.constant 0 : i32
      %dma_wait3A_238 = arith.constant 0 : i32
      %dma_wait3A_239 = tpu.memref_slice %arg17[%dma_wait3A_237, %dma_wait3A_238] : memref<5248x128xf32, #tpu.memory_space<vmem_shared>> -> memref<5248x128xf32, #tpu.memory_space<vmem_shared>>
      tpu.wait_indirect_dma semaphore(%arg31 : memref<!tpu.dma_semaphore, #tpu.memory_space<semaphore_mem>>) src(%arg14 : memref<16x128xf32, #tpu.memory_space<vmem>>) dst(%dma_wait3A_239 : memref<5248x128xf32, #tpu.memory_space<vmem_shared>>)
      %add3A_240 = arith.constant 4 : i32
      %add3A_241 = arith.addi %add3A_219, %add3A_240 : i32
      %lt3A_242 = arith.constant 640 : i32
      %lt3A_243 = arith.cmpi slt, %add3A_241, %lt3A_242 : i32
      %convert_element_type3A_244 = arith.extui %lt3A_243 : i1 to i32
      %cond3A_245 = arith.constant 0 : i32
      %cond3A_246 = arith.cmpi ne, %convert_element_type3A_244, %cond3A_245 : i32
      scf.if %cond3A_246 {
        %add3A_433 = arith.constant 4 : i32
        %add3A_434 = arith.addi %add3A_219, %add3A_433 : i32
        %mul3A_435 = arith.constant 16 : i32
        %mul3A_436 = arith.muli %add3A_434, %mul3A_435 : i32
        %dma_start3A_437 = tpu.memref_slice %arg7[%mul3A_436] : memref<10240xi32, #tpu.memory_space<vmem>> -> memref<16xi32, #tpu.memory_space<vmem>>
        %dma_start3A_438 = arith.constant 0 : i32
        %dma_start3A_439 = arith.constant 0 : i32
        %dma_start3A_440 = tpu.memref_slice %arg2[%dma_start3A_438, %dma_start3A_439] : memref<10000x128xf32, #tpu.memory_space<hbm>> -> memref<10000x128xf32, #tpu.memory_space<hbm>>
        tpu.enqueue_indirect_dma source(%dma_start3A_440 : memref<10000x128xf32, #tpu.memory_space<hbm>>) target(%arg14 : memref<16x128xf32, #tpu.memory_space<vmem>>) offsets(%dma_start3A_437 : memref<16xi32, #tpu.memory_space<vmem>>) semaphore(%arg23 : memref<!tpu.dma_semaphore, #tpu.memory_space<semaphore_mem>>)
      } else {
      }
      %mul3A_247 = arith.constant 8 : i32
      %mul3A_248 = arith.muli %mul3A_247, %scan3A_189 : i32
      %add3A_249 = arith.constant 2 : i32
      %add3A_250 = arith.addi %mul3A_248, %add3A_249 : i32
      %mul3A_251 = arith.constant 16 : i32
      %mul3A_252 = arith.muli %add3A_250, %mul3A_251 : i32
      %dma_wait3A_253 = tpu.memref_slice %arg7[%mul3A_252] : memref<10240xi32, #tpu.memory_space<vmem>> -> memref<16xi32, #tpu.memory_space<vmem>>
      %dma_wait3A_254 = arith.constant 0 : i32
      %dma_wait3A_255 = arith.constant 0 : i32
      %dma_wait3A_256 = tpu.memref_slice %arg2[%dma_wait3A_254, %dma_wait3A_255] : memref<10000x128xf32, #tpu.memory_space<hbm>> -> memref<10000x128xf32, #tpu.memory_space<hbm>>
      tpu.wait_indirect_dma semaphore(%arg20 : memref<!tpu.dma_semaphore, #tpu.memory_space<semaphore_mem>>) src(%dma_wait3A_256 : memref<10000x128xf32, #tpu.memory_space<hbm>>) dst(%arg11 : memref<16x128xf32, #tpu.memory_space<vmem>>)
      %mul3A_257 = arith.constant 16 : i32
      %mul3A_258 = arith.muli %add3A_250, %mul3A_257 : i32
      %dma_start3A_259 = tpu.memref_slice %arg8[%mul3A_258] : memref<10240xi32, #tpu.memory_space<vmem>> -> memref<16xi32, #tpu.memory_space<vmem>>
      %dma_start3A_260 = arith.constant 0 : i32
      %dma_start3A_261 = arith.constant 0 : i32
      %dma_start3A_262 = tpu.memref_slice %arg17[%dma_start3A_260, %dma_start3A_261] : memref<5248x128xf32, #tpu.memory_space<vmem_shared>> -> memref<5248x128xf32, #tpu.memory_space<vmem_shared>>
      tpu.enqueue_indirect_dma source(%arg11 : memref<16x128xf32, #tpu.memory_space<vmem>>) target(%dma_start3A_262 : memref<5248x128xf32, #tpu.memory_space<vmem_shared>>) offsets(%dma_start3A_259 : memref<16xi32, #tpu.memory_space<vmem>>) semaphore(%arg28 : memref<!tpu.dma_semaphore, #tpu.memory_space<semaphore_mem>>) {add = true}
      %sub3A_263 = arith.constant 4 : i32
      %sub3A_264 = arith.subi %add3A_250, %sub3A_263 : i32
      %mul3A_265 = arith.constant 16 : i32
      %mul3A_266 = arith.muli %sub3A_264, %mul3A_265 : i32
      %dma_wait3A_267 = tpu.memref_slice %arg8[%mul3A_266] : memref<10240xi32, #tpu.memory_space<vmem>> -> memref<16xi32, #tpu.memory_space<vmem>>
      %dma_wait3A_268 = arith.constant 0 : i32
      %dma_wait3A_269 = arith.constant 0 : i32
      %dma_wait3A_270 = tpu.memref_slice %arg17[%dma_wait3A_268, %dma_wait3A_269] : memref<5248x128xf32, #tpu.memory_space<vmem_shared>> -> memref<5248x128xf32, #tpu.memory_space<vmem_shared>>
      tpu.wait_indirect_dma semaphore(%arg32 : memref<!tpu.dma_semaphore, #tpu.memory_space<semaphore_mem>>) src(%arg15 : memref<16x128xf32, #tpu.memory_space<vmem>>) dst(%dma_wait3A_270 : memref<5248x128xf32, #tpu.memory_space<vmem_shared>>)
      %add3A_271 = arith.constant 4 : i32
      %add3A_272 = arith.addi %add3A_250, %add3A_271 : i32
      %lt3A_273 = arith.constant 640 : i32
      %lt3A_274 = arith.cmpi slt, %add3A_272, %lt3A_273 : i32
      %convert_element_type3A_275 = arith.extui %lt3A_274 : i1 to i32
      %cond3A_276 = arith.constant 0 : i32
      %cond3A_277 = arith.cmpi ne, %convert_element_type3A_275, %cond3A_276 : i32
      scf.if %cond3A_277 {
        %add3A_433 = arith.constant 4 : i32
        %add3A_434 = arith.addi %add3A_250, %add3A_433 : i32
        %mul3A_435 = arith.constant 16 : i32
        %mul3A_436 = arith.muli %add3A_434, %mul3A_435 : i32
        %dma_start3A_437 = tpu.memref_slice %arg7[%mul3A_436] : memref<10240xi32, #tpu.memory_space<vmem>> -> memref<16xi32, #tpu.memory_space<vmem>>
        %dma_start3A_438 = arith.constant 0 : i32
        %dma_start3A_439 = arith.constant 0 : i32
        %dma_start3A_440 = tpu.memref_slice %arg2[%dma_start3A_438, %dma_start3A_439] : memref<10000x128xf32, #tpu.memory_space<hbm>> -> memref<10000x128xf32, #tpu.memory_space<hbm>>
        tpu.enqueue_indirect_dma source(%dma_start3A_440 : memref<10000x128xf32, #tpu.memory_space<hbm>>) target(%arg15 : memref<16x128xf32, #tpu.memory_space<vmem>>) offsets(%dma_start3A_437 : memref<16xi32, #tpu.memory_space<vmem>>) semaphore(%arg24 : memref<!tpu.dma_semaphore, #tpu.memory_space<semaphore_mem>>)
      } else {
      }
      %mul3A_278 = arith.constant 8 : i32
      %mul3A_279 = arith.muli %mul3A_278, %scan3A_189 : i32
      %add3A_280 = arith.constant 3 : i32
      %add3A_281 = arith.addi %mul3A_279, %add3A_280 : i32
      %mul3A_282 = arith.constant 16 : i32
      %mul3A_283 = arith.muli %add3A_281, %mul3A_282 : i32
      %dma_wait3A_284 = tpu.memref_slice %arg7[%mul3A_283] : memref<10240xi32, #tpu.memory_space<vmem>> -> memref<16xi32, #tpu.memory_space<vmem>>
      %dma_wait3A_285 = arith.constant 0 : i32
      %dma_wait3A_286 = arith.constant 0 : i32
      %dma_wait3A_287 = tpu.memref_slice %arg2[%dma_wait3A_285, %dma_wait3A_286] : memref<10000x128xf32, #tpu.memory_space<hbm>> -> memref<10000x128xf32, #tpu.memory_space<hbm>>
      tpu.wait_indirect_dma semaphore(%arg21 : memref<!tpu.dma_semaphore, #tpu.memory_space<semaphore_mem>>) src(%dma_wait3A_287 : memref<10000x128xf32, #tpu.memory_space<hbm>>) dst(%arg12 : memref<16x128xf32, #tpu.memory_space<vmem>>)
      %mul3A_288 = arith.constant 16 : i32
      %mul3A_289 = arith.muli %add3A_281, %mul3A_288 : i32
      %dma_start3A_290 = tpu.memref_slice %arg8[%mul3A_289] : memref<10240xi32, #tpu.memory_space<vmem>> -> memref<16xi32, #tpu.memory_space<vmem>>
      %dma_start3A_291 = arith.constant 0 : i32
      %dma_start3A_292 = arith.constant 0 : i32
      %dma_start3A_293 = tpu.memref_slice %arg17[%dma_start3A_291, %dma_start3A_292] : memref<5248x128xf32, #tpu.memory_space<vmem_shared>> -> memref<5248x128xf32, #tpu.memory_space<vmem_shared>>
      tpu.enqueue_indirect_dma source(%arg12 : memref<16x128xf32, #tpu.memory_space<vmem>>) target(%dma_start3A_293 : memref<5248x128xf32, #tpu.memory_space<vmem_shared>>) offsets(%dma_start3A_290 : memref<16xi32, #tpu.memory_space<vmem>>) semaphore(%arg29 : memref<!tpu.dma_semaphore, #tpu.memory_space<semaphore_mem>>) {add = true}
      %sub3A_294 = arith.constant 4 : i32
      %sub3A_295 = arith.subi %add3A_281, %sub3A_294 : i32
      %mul3A_296 = arith.constant 16 : i32
      %mul3A_297 = arith.muli %sub3A_295, %mul3A_296 : i32
      %dma_wait3A_298 = tpu.memref_slice %arg8[%mul3A_297] : memref<10240xi32, #tpu.memory_space<vmem>> -> memref<16xi32, #tpu.memory_space<vmem>>
      %dma_wait3A_299 = arith.constant 0 : i32
      %dma_wait3A_300 = arith.constant 0 : i32
      %dma_wait3A_301 = tpu.memref_slice %arg17[%dma_wait3A_299, %dma_wait3A_300] : memref<5248x128xf32, #tpu.memory_space<vmem_shared>> -> memref<5248x128xf32, #tpu.memory_space<vmem_shared>>
      tpu.wait_indirect_dma semaphore(%arg33 : memref<!tpu.dma_semaphore, #tpu.memory_space<semaphore_mem>>) src(%arg16 : memref<16x128xf32, #tpu.memory_space<vmem>>) dst(%dma_wait3A_301 : memref<5248x128xf32, #tpu.memory_space<vmem_shared>>)
      %add3A_302 = arith.constant 4 : i32
      %add3A_303 = arith.addi %add3A_281, %add3A_302 : i32
      %lt3A_304 = arith.constant 640 : i32
      %lt3A_305 = arith.cmpi slt, %add3A_303, %lt3A_304 : i32
      %convert_element_type3A_306 = arith.extui %lt3A_305 : i1 to i32
      %cond3A_307 = arith.constant 0 : i32
      %cond3A_308 = arith.cmpi ne, %convert_element_type3A_306, %cond3A_307 : i32
      scf.if %cond3A_308 {
        %add3A_433 = arith.constant 4 : i32
        %add3A_434 = arith.addi %add3A_281, %add3A_433 : i32
        %mul3A_435 = arith.constant 16 : i32
        %mul3A_436 = arith.muli %add3A_434, %mul3A_435 : i32
        %dma_start3A_437 = tpu.memref_slice %arg7[%mul3A_436] : memref<10240xi32, #tpu.memory_space<vmem>> -> memref<16xi32, #tpu.memory_space<vmem>>
        %dma_start3A_438 = arith.constant 0 : i32
        %dma_start3A_439 = arith.constant 0 : i32
        %dma_start3A_440 = tpu.memref_slice %arg2[%dma_start3A_438, %dma_start3A_439] : memref<10000x128xf32, #tpu.memory_space<hbm>> -> memref<10000x128xf32, #tpu.memory_space<hbm>>
        tpu.enqueue_indirect_dma source(%dma_start3A_440 : memref<10000x128xf32, #tpu.memory_space<hbm>>) target(%arg16 : memref<16x128xf32, #tpu.memory_space<vmem>>) offsets(%dma_start3A_437 : memref<16xi32, #tpu.memory_space<vmem>>) semaphore(%arg25 : memref<!tpu.dma_semaphore, #tpu.memory_space<semaphore_mem>>)
      } else {
      }
      %mul3A_309 = arith.constant 8 : i32
      %mul3A_310 = arith.muli %mul3A_309, %scan3A_189 : i32
      %add3A_311 = arith.constant 4 : i32
      %add3A_312 = arith.addi %mul3A_310, %add3A_311 : i32
      %mul3A_313 = arith.constant 16 : i32
      %mul3A_314 = arith.muli %add3A_312, %mul3A_313 : i32
      %dma_wait3A_315 = tpu.memref_slice %arg7[%mul3A_314] : memref<10240xi32, #tpu.memory_space<vmem>> -> memref<16xi32, #tpu.memory_space<vmem>>
      %dma_wait3A_316 = arith.constant 0 : i32
      %dma_wait3A_317 = arith.constant 0 : i32
      %dma_wait3A_318 = tpu.memref_slice %arg2[%dma_wait3A_316, %dma_wait3A_317] : memref<10000x128xf32, #tpu.memory_space<hbm>> -> memref<10000x128xf32, #tpu.memory_space<hbm>>
      tpu.wait_indirect_dma semaphore(%arg22 : memref<!tpu.dma_semaphore, #tpu.memory_space<semaphore_mem>>) src(%dma_wait3A_318 : memref<10000x128xf32, #tpu.memory_space<hbm>>) dst(%arg13 : memref<16x128xf32, #tpu.memory_space<vmem>>)
      %mul3A_319 = arith.constant 16 : i32
      %mul3A_320 = arith.muli %add3A_312, %mul3A_319 : i32
      %dma_start3A_321 = tpu.memref_slice %arg8[%mul3A_320] : memref<10240xi32, #tpu.memory_space<vmem>> -> memref<16xi32, #tpu.memory_space<vmem>>
      %dma_start3A_322 = arith.constant 0 : i32
      %dma_start3A_323 = arith.constant 0 : i32
      %dma_start3A_324 = tpu.memref_slice %arg17[%dma_start3A_322, %dma_start3A_323] : memref<5248x128xf32, #tpu.memory_space<vmem_shared>> -> memref<5248x128xf32, #tpu.memory_space<vmem_shared>>
      tpu.enqueue_indirect_dma source(%arg13 : memref<16x128xf32, #tpu.memory_space<vmem>>) target(%dma_start3A_324 : memref<5248x128xf32, #tpu.memory_space<vmem_shared>>) offsets(%dma_start3A_321 : memref<16xi32, #tpu.memory_space<vmem>>) semaphore(%arg30 : memref<!tpu.dma_semaphore, #tpu.memory_space<semaphore_mem>>) {add = true}
      %sub3A_325 = arith.constant 4 : i32
      %sub3A_326 = arith.subi %add3A_312, %sub3A_325 : i32
      %mul3A_327 = arith.constant 16 : i32
      %mul3A_328 = arith.muli %sub3A_326, %mul3A_327 : i32
      %dma_wait3A_329 = tpu.memref_slice %arg8[%mul3A_328] : memref<10240xi32, #tpu.memory_space<vmem>> -> memref<16xi32, #tpu.memory_space<vmem>>
      %dma_wait3A_330 = arith.constant 0 : i32
      %dma_wait3A_331 = arith.constant 0 : i32
      %dma_wait3A_332 = tpu.memref_slice %arg17[%dma_wait3A_330, %dma_wait3A_331] : memref<5248x128xf32, #tpu.memory_space<vmem_shared>> -> memref<5248x128xf32, #tpu.memory_space<vmem_shared>>
      tpu.wait_indirect_dma semaphore(%arg26 : memref<!tpu.dma_semaphore, #tpu.memory_space<semaphore_mem>>) src(%arg9 : memref<16x128xf32, #tpu.memory_space<vmem>>) dst(%dma_wait3A_332 : memref<5248x128xf32, #tpu.memory_space<vmem_shared>>)
      %add3A_333 = arith.constant 4 : i32
      %add3A_334 = arith.addi %add3A_312, %add3A_333 : i32
      %lt3A_335 = arith.constant 640 : i32
      %lt3A_336 = arith.cmpi slt, %add3A_334, %lt3A_335 : i32
      %convert_element_type3A_337 = arith.extui %lt3A_336 : i1 to i32
      %cond3A_338 = arith.constant 0 : i32
      %cond3A_339 = arith.cmpi ne, %convert_element_type3A_337, %cond3A_338 : i32
      scf.if %cond3A_339 {
        %add3A_433 = arith.constant 4 : i32
        %add3A_434 = arith.addi %add3A_312, %add3A_433 : i32
        %mul3A_435 = arith.constant 16 : i32
        %mul3A_436 = arith.muli %add3A_434, %mul3A_435 : i32
        %dma_start3A_437 = tpu.memref_slice %arg7[%mul3A_436] : memref<10240xi32, #tpu.memory_space<vmem>> -> memref<16xi32, #tpu.memory_space<vmem>>
        %dma_start3A_438 = arith.constant 0 : i32
        %dma_start3A_439 = arith.constant 0 : i32
        %dma_start3A_440 = tpu.memref_slice %arg2[%dma_start3A_438, %dma_start3A_439] : memref<10000x128xf32, #tpu.memory_space<hbm>> -> memref<10000x128xf32, #tpu.memory_space<hbm>>
        tpu.enqueue_indirect_dma source(%dma_start3A_440 : memref<10000x128xf32, #tpu.memory_space<hbm>>) target(%arg9 : memref<16x128xf32, #tpu.memory_space<vmem>>) offsets(%dma_start3A_437 : memref<16xi32, #tpu.memory_space<vmem>>) semaphore(%arg18 : memref<!tpu.dma_semaphore, #tpu.memory_space<semaphore_mem>>)
      } else {
      }
      %mul3A_340 = arith.constant 8 : i32
      %mul3A_341 = arith.muli %mul3A_340, %scan3A_189 : i32
      %add3A_342 = arith.constant 5 : i32
      %add3A_343 = arith.addi %mul3A_341, %add3A_342 : i32
      %mul3A_344 = arith.constant 16 : i32
      %mul3A_345 = arith.muli %add3A_343, %mul3A_344 : i32
      %dma_wait3A_346 = tpu.memref_slice %arg7[%mul3A_345] : memref<10240xi32, #tpu.memory_space<vmem>> -> memref<16xi32, #tpu.memory_space<vmem>>
      %dma_wait3A_347 = arith.constant 0 : i32
      %dma_wait3A_348 = arith.constant 0 : i32
      %dma_wait3A_349 = tpu.memref_slice %arg2[%dma_wait3A_347, %dma_wait3A_348] : memref<10000x128xf32, #tpu.memory_space<hbm>> -> memref<10000x128xf32, #tpu.memory_space<hbm>>
      tpu.wait_indirect_dma semaphore(%arg23 : memref<!tpu.dma_semaphore, #tpu.memory_space<semaphore_mem>>) src(%dma_wait3A_349 : memref<10000x128xf32, #tpu.memory_space<hbm>>) dst(%arg14 : memref<16x128xf32, #tpu.memory_space<vmem>>)
      %mul3A_350 = arith.constant 16 : i32
      %mul3A_351 = arith.muli %add3A_343, %mul3A_350 : i32
      %dma_start3A_352 = tpu.memref_slice %arg8[%mul3A_351] : memref<10240xi32, #tpu.memory_space<vmem>> -> memref<16xi32, #tpu.memory_space<vmem>>
      %dma_start3A_353 = arith.constant 0 : i32
      %dma_start3A_354 = arith.constant 0 : i32
      %dma_start3A_355 = tpu.memref_slice %arg17[%dma_start3A_353, %dma_start3A_354] : memref<5248x128xf32, #tpu.memory_space<vmem_shared>> -> memref<5248x128xf32, #tpu.memory_space<vmem_shared>>
      tpu.enqueue_indirect_dma source(%arg14 : memref<16x128xf32, #tpu.memory_space<vmem>>) target(%dma_start3A_355 : memref<5248x128xf32, #tpu.memory_space<vmem_shared>>) offsets(%dma_start3A_352 : memref<16xi32, #tpu.memory_space<vmem>>) semaphore(%arg31 : memref<!tpu.dma_semaphore, #tpu.memory_space<semaphore_mem>>) {add = true}
      %sub3A_356 = arith.constant 4 : i32
      %sub3A_357 = arith.subi %add3A_343, %sub3A_356 : i32
      %mul3A_358 = arith.constant 16 : i32
      %mul3A_359 = arith.muli %sub3A_357, %mul3A_358 : i32
      %dma_wait3A_360 = tpu.memref_slice %arg8[%mul3A_359] : memref<10240xi32, #tpu.memory_space<vmem>> -> memref<16xi32, #tpu.memory_space<vmem>>
      %dma_wait3A_361 = arith.constant 0 : i32
      %dma_wait3A_362 = arith.constant 0 : i32
      %dma_wait3A_363 = tpu.memref_slice %arg17[%dma_wait3A_361, %dma_wait3A_362] : memref<5248x128xf32, #tpu.memory_space<vmem_shared>> -> memref<5248x128xf32, #tpu.memory_space<vmem_shared>>
      tpu.wait_indirect_dma semaphore(%arg27 : memref<!tpu.dma_semaphore, #tpu.memory_space<semaphore_mem>>) src(%arg10 : memref<16x128xf32, #tpu.memory_space<vmem>>) dst(%dma_wait3A_363 : memref<5248x128xf32, #tpu.memory_space<vmem_shared>>)
      %add3A_364 = arith.constant 4 : i32
      %add3A_365 = arith.addi %add3A_343, %add3A_364 : i32
      %lt3A_366 = arith.constant 640 : i32
      %lt3A_367 = arith.cmpi slt, %add3A_365, %lt3A_366 : i32
      %convert_element_type3A_368 = arith.extui %lt3A_367 : i1 to i32
      %cond3A_369 = arith.constant 0 : i32
      %cond3A_370 = arith.cmpi ne, %convert_element_type3A_368, %cond3A_369 : i32
      scf.if %cond3A_370 {
        %add3A_433 = arith.constant 4 : i32
        %add3A_434 = arith.addi %add3A_343, %add3A_433 : i32
        %mul3A_435 = arith.constant 16 : i32
        %mul3A_436 = arith.muli %add3A_434, %mul3A_435 : i32
        %dma_start3A_437 = tpu.memref_slice %arg7[%mul3A_436] : memref<10240xi32, #tpu.memory_space<vmem>> -> memref<16xi32, #tpu.memory_space<vmem>>
        %dma_start3A_438 = arith.constant 0 : i32
        %dma_start3A_439 = arith.constant 0 : i32
        %dma_start3A_440 = tpu.memref_slice %arg2[%dma_start3A_438, %dma_start3A_439] : memref<10000x128xf32, #tpu.memory_space<hbm>> -> memref<10000x128xf32, #tpu.memory_space<hbm>>
        tpu.enqueue_indirect_dma source(%dma_start3A_440 : memref<10000x128xf32, #tpu.memory_space<hbm>>) target(%arg10 : memref<16x128xf32, #tpu.memory_space<vmem>>) offsets(%dma_start3A_437 : memref<16xi32, #tpu.memory_space<vmem>>) semaphore(%arg19 : memref<!tpu.dma_semaphore, #tpu.memory_space<semaphore_mem>>)
      } else {
      }
      %mul3A_371 = arith.constant 8 : i32
      %mul3A_372 = arith.muli %mul3A_371, %scan3A_189 : i32
      %add3A_373 = arith.constant 6 : i32
      %add3A_374 = arith.addi %mul3A_372, %add3A_373 : i32
      %mul3A_375 = arith.constant 16 : i32
      %mul3A_376 = arith.muli %add3A_374, %mul3A_375 : i32
      %dma_wait3A_377 = tpu.memref_slice %arg7[%mul3A_376] : memref<10240xi32, #tpu.memory_space<vmem>> -> memref<16xi32, #tpu.memory_space<vmem>>
      %dma_wait3A_378 = arith.constant 0 : i32
      %dma_wait3A_379 = arith.constant 0 : i32
      %dma_wait3A_380 = tpu.memref_slice %arg2[%dma_wait3A_378, %dma_wait3A_379] : memref<10000x128xf32, #tpu.memory_space<hbm>> -> memref<10000x128xf32, #tpu.memory_space<hbm>>
      tpu.wait_indirect_dma semaphore(%arg24 : memref<!tpu.dma_semaphore, #tpu.memory_space<semaphore_mem>>) src(%dma_wait3A_380 : memref<10000x128xf32, #tpu.memory_space<hbm>>) dst(%arg15 : memref<16x128xf32, #tpu.memory_space<vmem>>)
      %mul3A_381 = arith.constant 16 : i32
      %mul3A_382 = arith.muli %add3A_374, %mul3A_381 : i32
      %dma_start3A_383 = tpu.memref_slice %arg8[%mul3A_382] : memref<10240xi32, #tpu.memory_space<vmem>> -> memref<16xi32, #tpu.memory_space<vmem>>
      %dma_start3A_384 = arith.constant 0 : i32
      %dma_start3A_385 = arith.constant 0 : i32
      %dma_start3A_386 = tpu.memref_slice %arg17[%dma_start3A_384, %dma_start3A_385] : memref<5248x128xf32, #tpu.memory_space<vmem_shared>> -> memref<5248x128xf32, #tpu.memory_space<vmem_shared>>
      tpu.enqueue_indirect_dma source(%arg15 : memref<16x128xf32, #tpu.memory_space<vmem>>) target(%dma_start3A_386 : memref<5248x128xf32, #tpu.memory_space<vmem_shared>>) offsets(%dma_start3A_383 : memref<16xi32, #tpu.memory_space<vmem>>) semaphore(%arg32 : memref<!tpu.dma_semaphore, #tpu.memory_space<semaphore_mem>>) {add = true}
      %sub3A_387 = arith.constant 4 : i32
      %sub3A_388 = arith.subi %add3A_374, %sub3A_387 : i32
      %mul3A_389 = arith.constant 16 : i32
      %mul3A_390 = arith.muli %sub3A_388, %mul3A_389 : i32
      %dma_wait3A_391 = tpu.memref_slice %arg8[%mul3A_390] : memref<10240xi32, #tpu.memory_space<vmem>> -> memref<16xi32, #tpu.memory_space<vmem>>
      %dma_wait3A_392 = arith.constant 0 : i32
      %dma_wait3A_393 = arith.constant 0 : i32
      %dma_wait3A_394 = tpu.memref_slice %arg17[%dma_wait3A_392, %dma_wait3A_393] : memref<5248x128xf32, #tpu.memory_space<vmem_shared>> -> memref<5248x128xf32, #tpu.memory_space<vmem_shared>>
      tpu.wait_indirect_dma semaphore(%arg28 : memref<!tpu.dma_semaphore, #tpu.memory_space<semaphore_mem>>) src(%arg11 : memref<16x128xf32, #tpu.memory_space<vmem>>) dst(%dma_wait3A_394 : memref<5248x128xf32, #tpu.memory_space<vmem_shared>>)
      %add3A_395 = arith.constant 4 : i32
      %add3A_396 = arith.addi %add3A_374, %add3A_395 : i32
      %lt3A_397 = arith.constant 640 : i32
      %lt3A_398 = arith.cmpi slt, %add3A_396, %lt3A_397 : i32
      %convert_element_type3A_399 = arith.extui %lt3A_398 : i1 to i32
      %cond3A_400 = arith.constant 0 : i32
      %cond3A_401 = arith.cmpi ne, %convert_element_type3A_399, %cond3A_400 : i32
      scf.if %cond3A_401 {
        %add3A_433 = arith.constant 4 : i32
        %add3A_434 = arith.addi %add3A_374, %add3A_433 : i32
        %mul3A_435 = arith.constant 16 : i32
        %mul3A_436 = arith.muli %add3A_434, %mul3A_435 : i32
        %dma_start3A_437 = tpu.memref_slice %arg7[%mul3A_436] : memref<10240xi32, #tpu.memory_space<vmem>> -> memref<16xi32, #tpu.memory_space<vmem>>
        %dma_start3A_438 = arith.constant 0 : i32
        %dma_start3A_439 = arith.constant 0 : i32
        %dma_start3A_440 = tpu.memref_slice %arg2[%dma_start3A_438, %dma_start3A_439] : memref<10000x128xf32, #tpu.memory_space<hbm>> -> memref<10000x128xf32, #tpu.memory_space<hbm>>
        tpu.enqueue_indirect_dma source(%dma_start3A_440 : memref<10000x128xf32, #tpu.memory_space<hbm>>) target(%arg11 : memref<16x128xf32, #tpu.memory_space<vmem>>) offsets(%dma_start3A_437 : memref<16xi32, #tpu.memory_space<vmem>>) semaphore(%arg20 : memref<!tpu.dma_semaphore, #tpu.memory_space<semaphore_mem>>)
      } else {
      }
      %mul3A_402 = arith.constant 8 : i32
      %mul3A_403 = arith.muli %mul3A_402, %scan3A_189 : i32
      %add3A_404 = arith.constant 7 : i32
      %add3A_405 = arith.addi %mul3A_403, %add3A_404 : i32
      %mul3A_406 = arith.constant 16 : i32
      %mul3A_407 = arith.muli %add3A_405, %mul3A_406 : i32
      %dma_wait3A_408 = tpu.memref_slice %arg7[%mul3A_407] : memref<10240xi32, #tpu.memory_space<vmem>> -> memref<16xi32, #tpu.memory_space<vmem>>
      %dma_wait3A_409 = arith.constant 0 : i32
      %dma_wait3A_410 = arith.constant 0 : i32
      %dma_wait3A_411 = tpu.memref_slice %arg2[%dma_wait3A_409, %dma_wait3A_410] : memref<10000x128xf32, #tpu.memory_space<hbm>> -> memref<10000x128xf32, #tpu.memory_space<hbm>>
      tpu.wait_indirect_dma semaphore(%arg25 : memref<!tpu.dma_semaphore, #tpu.memory_space<semaphore_mem>>) src(%dma_wait3A_411 : memref<10000x128xf32, #tpu.memory_space<hbm>>) dst(%arg16 : memref<16x128xf32, #tpu.memory_space<vmem>>)
      %mul3A_412 = arith.constant 16 : i32
      %mul3A_413 = arith.muli %add3A_405, %mul3A_412 : i32
      %dma_start3A_414 = tpu.memref_slice %arg8[%mul3A_413] : memref<10240xi32, #tpu.memory_space<vmem>> -> memref<16xi32, #tpu.memory_space<vmem>>
      %dma_start3A_415 = arith.constant 0 : i32
      %dma_start3A_416 = arith.constant 0 : i32
      %dma_start3A_417 = tpu.memref_slice %arg17[%dma_start3A_415, %dma_start3A_416] : memref<5248x128xf32, #tpu.memory_space<vmem_shared>> -> memref<5248x128xf32, #tpu.memory_space<vmem_shared>>
      tpu.enqueue_indirect_dma source(%arg16 : memref<16x128xf32, #tpu.memory_space<vmem>>) target(%dma_start3A_417 : memref<5248x128xf32, #tpu.memory_space<vmem_shared>>) offsets(%dma_start3A_414 : memref<16xi32, #tpu.memory_space<vmem>>) semaphore(%arg33 : memref<!tpu.dma_semaphore, #tpu.memory_space<semaphore_mem>>) {add = true}
      %sub3A_418 = arith.constant 4 : i32
      %sub3A_419 = arith.subi %add3A_405, %sub3A_418 : i32
      %mul3A_420 = arith.constant 16 : i32
      %mul3A_421 = arith.muli %sub3A_419, %mul3A_420 : i32
      %dma_wait3A_422 = tpu.memref_slice %arg8[%mul3A_421] : memref<10240xi32, #tpu.memory_space<vmem>> -> memref<16xi32, #tpu.memory_space<vmem>>
      %dma_wait3A_423 = arith.constant 0 : i32
      %dma_wait3A_424 = arith.constant 0 : i32
      %dma_wait3A_425 = tpu.memref_slice %arg17[%dma_wait3A_423, %dma_wait3A_424] : memref<5248x128xf32, #tpu.memory_space<vmem_shared>> -> memref<5248x128xf32, #tpu.memory_space<vmem_shared>>
      tpu.wait_indirect_dma semaphore(%arg29 : memref<!tpu.dma_semaphore, #tpu.memory_space<semaphore_mem>>) src(%arg12 : memref<16x128xf32, #tpu.memory_space<vmem>>) dst(%dma_wait3A_425 : memref<5248x128xf32, #tpu.memory_space<vmem_shared>>)
      %add3A_426 = arith.constant 4 : i32
      %add3A_427 = arith.addi %add3A_405, %add3A_426 : i32
      %lt3A_428 = arith.constant 640 : i32
      %lt3A_429 = arith.cmpi slt, %add3A_427, %lt3A_428 : i32
      %convert_element_type3A_430 = arith.extui %lt3A_429 : i1 to i32
      %cond3A_431 = arith.constant 0 : i32
      %cond3A_432 = arith.cmpi ne, %convert_element_type3A_430, %cond3A_431 : i32
      scf.if %cond3A_432 {
        %add3A_433 = arith.constant 4 : i32
        %add3A_434 = arith.addi %add3A_405, %add3A_433 : i32
        %mul3A_435 = arith.constant 16 : i32
        %mul3A_436 = arith.muli %add3A_434, %mul3A_435 : i32
        %dma_start3A_437 = tpu.memref_slice %arg7[%mul3A_436] : memref<10240xi32, #tpu.memory_space<vmem>> -> memref<16xi32, #tpu.memory_space<vmem>>
        %dma_start3A_438 = arith.constant 0 : i32
        %dma_start3A_439 = arith.constant 0 : i32
        %dma_start3A_440 = tpu.memref_slice %arg2[%dma_start3A_438, %dma_start3A_439] : memref<10000x128xf32, #tpu.memory_space<hbm>> -> memref<10000x128xf32, #tpu.memory_space<hbm>>
        tpu.enqueue_indirect_dma source(%dma_start3A_440 : memref<10000x128xf32, #tpu.memory_space<hbm>>) target(%arg12 : memref<16x128xf32, #tpu.memory_space<vmem>>) offsets(%dma_start3A_437 : memref<16xi32, #tpu.memory_space<vmem>>) semaphore(%arg21 : memref<!tpu.dma_semaphore, #tpu.memory_space<semaphore_mem>>)
      } else {
      }
    }
    %scan3A_163 = arith.constant 79 : i32
    %dma_wait3A_164 = arith.constant 10176 : i32
    %dma_wait3A_165 = tpu.memref_slice %arg8[%dma_wait3A_164] : memref<10240xi32, #tpu.memory_space<vmem>> -> memref<16xi32, #tpu.memory_space<vmem>>
    %dma_wait3A_166 = arith.constant 0 : i32
    %dma_wait3A_167 = arith.constant 0 : i32
    %dma_wait3A_168 = tpu.memref_slice %arg17[%dma_wait3A_166, %dma_wait3A_167] : memref<5248x128xf32, #tpu.memory_space<vmem_shared>> -> memref<5248x128xf32, #tpu.memory_space<vmem_shared>>
    tpu.wait_indirect_dma semaphore(%arg30 : memref<!tpu.dma_semaphore, #tpu.memory_space<semaphore_mem>>) src(%arg13 : memref<16x128xf32, #tpu.memory_space<vmem>>) dst(%dma_wait3A_168 : memref<5248x128xf32, #tpu.memory_space<vmem_shared>>)
    %dma_wait3A_169 = arith.constant 10192 : i32
    %dma_wait3A_170 = tpu.memref_slice %arg8[%dma_wait3A_169] : memref<10240xi32, #tpu.memory_space<vmem>> -> memref<16xi32, #tpu.memory_space<vmem>>
    %dma_wait3A_171 = arith.constant 0 : i32
    %dma_wait3A_172 = arith.constant 0 : i32
    %dma_wait3A_173 = tpu.memref_slice %arg17[%dma_wait3A_171, %dma_wait3A_172] : memref<5248x128xf32, #tpu.memory_space<vmem_shared>> -> memref<5248x128xf32, #tpu.memory_space<vmem_shared>>
    tpu.wait_indirect_dma semaphore(%arg31 : memref<!tpu.dma_semaphore, #tpu.memory_space<semaphore_mem>>) src(%arg14 : memref<16x128xf32, #tpu.memory_space<vmem>>) dst(%dma_wait3A_173 : memref<5248x128xf32, #tpu.memory_space<vmem_shared>>)
    %dma_wait3A_174 = arith.constant 10208 : i32
    %dma_wait3A_175 = tpu.memref_slice %arg8[%dma_wait3A_174] : memref<10240xi32, #tpu.memory_space<vmem>> -> memref<16xi32, #tpu.memory_space<vmem>>
    %dma_wait3A_176 = arith.constant 0 : i32
    %dma_wait3A_177 = arith.constant 0 : i32
    %dma_wait3A_178 = tpu.memref_slice %arg17[%dma_wait3A_176, %dma_wait3A_177] : memref<5248x128xf32, #tpu.memory_space<vmem_shared>> -> memref<5248x128xf32, #tpu.memory_space<vmem_shared>>
    tpu.wait_indirect_dma semaphore(%arg32 : memref<!tpu.dma_semaphore, #tpu.memory_space<semaphore_mem>>) src(%arg15 : memref<16x128xf32, #tpu.memory_space<vmem>>) dst(%dma_wait3A_178 : memref<5248x128xf32, #tpu.memory_space<vmem_shared>>)
    %dma_wait3A_179 = arith.constant 10224 : i32
    %dma_wait3A_180 = tpu.memref_slice %arg8[%dma_wait3A_179] : memref<10240xi32, #tpu.memory_space<vmem>> -> memref<16xi32, #tpu.memory_space<vmem>>
    %dma_wait3A_181 = arith.constant 0 : i32
    %dma_wait3A_182 = arith.constant 0 : i32
    %dma_wait3A_183 = tpu.memref_slice %arg17[%dma_wait3A_181, %dma_wait3A_182] : memref<5248x128xf32, #tpu.memory_space<vmem_shared>> -> memref<5248x128xf32, #tpu.memory_space<vmem_shared>>
    tpu.wait_indirect_dma semaphore(%arg33 : memref<!tpu.dma_semaphore, #tpu.memory_space<semaphore_mem>>) src(%arg16 : memref<16x128xf32, #tpu.memory_space<vmem>>) dst(%dma_wait3A_183 : memref<5248x128xf32, #tpu.memory_space<vmem_shared>>)
    %barrier3A_184 = arith.constant 0 : index
    tpu.barrier barrier_id(%barrier3A_184)
    %mul3A_185 = arith.constant 320 : i32
    %mul3A_186 = arith.muli %arg1, %mul3A_185 : i32
    %mul3A_187 = arith.constant 320 : i32
    %mul3A_188 = arith.muli %arg1, %mul3A_187 : i32
    "tpu.region"() ({
      %run_scoped3A = tpu.sem_alloc : memref<!tpu.dma_semaphore, #tpu.memory_space<semaphore_mem>>
      %dma_start3A_189 = arith.constant 0 : i32
      %dma_start3A_190 = tpu.memref_slice %arg6[%arg0, %mul3A_188, %dma_start3A_189] : memref<2x5120x128xf32, #tpu.memory_space<hbm>> -> memref<1x320x128xf32, #tpu.memory_space<hbm>>
      %dma_start3A_191 = tpu.memref_squeeze %dma_start3A_190 : memref<1x320x128xf32, #tpu.memory_space<hbm>> -> memref<320x128xf32, #tpu.memory_space<hbm>>
      %dma_start3A_192 = arith.constant 0 : i32
      %dma_start3A_193 = tpu.memref_slice %arg17[%mul3A_186, %dma_start3A_192] : memref<5248x128xf32, #tpu.memory_space<vmem_shared>> -> memref<320x128xf32, #tpu.memory_space<vmem_shared>>
      tpu.enqueue_dma source(%dma_start3A_193 : memref<320x128xf32, #tpu.memory_space<vmem_shared>>) target(%dma_start3A_191 : memref<320x128xf32, #tpu.memory_space<hbm>>) target_semaphore(%run_scoped3A : memref<!tpu.dma_semaphore, #tpu.memory_space<semaphore_mem>>)
      %dma_wait3A_194 = arith.constant 0 : i32
      %dma_wait3A_195 = tpu.memref_slice %arg6[%arg0, %mul3A_188, %dma_wait3A_194] : memref<2x5120x128xf32, #tpu.memory_space<hbm>> -> memref<1x320x128xf32, #tpu.memory_space<hbm>>
      %dma_wait3A_196 = tpu.memref_squeeze %dma_wait3A_195 : memref<1x320x128xf32, #tpu.memory_space<hbm>> -> memref<320x128xf32, #tpu.memory_space<hbm>>
      %dma_wait3A_197 = arith.constant 0 : i32
      %dma_wait3A_198 = tpu.memref_slice %arg17[%mul3A_186, %dma_wait3A_197] : memref<5248x128xf32, #tpu.memory_space<vmem_shared>> -> memref<320x128xf32, #tpu.memory_space<vmem_shared>>
      tpu.wait_dma2 semaphore(%run_scoped3A : memref<!tpu.dma_semaphore, #tpu.memory_space<semaphore_mem>>) src(%dma_wait3A_198 : memref<320x128xf32, #tpu.memory_space<vmem_shared>>) dst(%dma_wait3A_196 : memref<320x128xf32, #tpu.memory_space<hbm>>)
      tpu.yield
    }) : () -> ()
    return
  }
}

module attributes {stable_mosaic.version = 14 : i64} {
  func.func @_tc_prep_body(%arg0: i32, %arg1: memref<1000x128xf32, #tpu.memory_space<vmem>>, %arg2: memref<1000x1xf32, #tpu.memory_space<vmem>>, %arg3: memref<1000x1xf32, #tpu.memory_space<vmem>>, %arg4: memref<1000x128xf32, #tpu.memory_space<vmem>>, %arg5: memref<1000x1xf32, #tpu.memory_space<vmem>>) attributes {dimension_semantics = [#tpu.dimension_semantics<arbitrary>], iteration_bounds = array<i64: 10>, scalar_prefetch = 0 : i64, scratch_operands = 0 : i64, tpu.core_type = #tpu.core_type<tc>, window_params = [{transform_indices = @transform_0, window_bounds = array<i64: 1000, 128>}, {transform_indices = @transform_1, window_bounds = array<i64: 1000, 1>}, {transform_indices = @transform_2, window_bounds = array<i64: 1000, 1>}, {transform_indices = @transform_3, window_bounds = array<i64: 1000, 128>}, {transform_indices = @transform_4, window_bounds = array<i64: 1000, 1>}]} {
    %get3A = arith.constant 0 : index
    %get3A_0 = arith.constant 0 : index
    %get3A_1 = vector.load %arg2[%get3A, %get3A_0] : memref<1000x1xf32, #tpu.memory_space<vmem>>, vector<1000x1xf32>
    %get3A_2 = arith.constant 0 : index
    %get3A_3 = arith.constant 0 : index
    %get3A_4 = vector.load %arg3[%get3A_2, %get3A_3] : memref<1000x1xf32, #tpu.memory_space<vmem>>, vector<1000x1xf32>
    %add3A = arith.addf %get3A_1, %get3A_4 : vector<1000x1xf32>
    %add3A_5 = arith.constant 1.000000e+00 : f32
    %add3A_6 = vector.broadcast %add3A_5 : f32 to vector<1000x1xf32>
    %add3A_7 = arith.addf %add3A, %add3A_6 : vector<1000x1xf32>
    %rsqrt3A = math.rsqrt %add3A_7 : vector<1000x1xf32>
    %get3A_8 = arith.constant 0 : index
    %get3A_9 = arith.constant 0 : index
    %get3A_10 = vector.load %arg1[%get3A_8, %get3A_9] : memref<1000x128xf32, #tpu.memory_space<vmem>>, vector<1000x128xf32>
    %mul3A = vector.broadcast %rsqrt3A : vector<1000x1xf32> to vector<1000x128xf32>
    %mul3A_11 = arith.mulf %get3A_10, %mul3A : vector<1000x128xf32>
    %swap3A = arith.constant 0 : index
    %swap3A_12 = arith.constant 0 : index
    %swap3A_13 = vector.load %arg4[%swap3A, %swap3A_12] : memref<1000x128xf32, #tpu.memory_space<vmem>>, vector<1000x128xf32>
    tpu.vector_store %arg4[%swap3A, %swap3A_12], %mul3A_11 {strides = array<i32>} : memref<1000x128xf32, #tpu.memory_space<vmem>>, vector<1000x128xf32>,
    %swap3A_14 = arith.constant 0 : index
    %swap3A_15 = arith.constant 0 : index
    %swap3A_16 = vector.load %arg5[%swap3A_14, %swap3A_15] : memref<1000x1xf32, #tpu.memory_space<vmem>>, vector<1000x1xf32>
    tpu.vector_store %arg5[%swap3A_14, %swap3A_15], %rsqrt3A {strides = array<i32>} : memref<1000x1xf32, #tpu.memory_space<vmem>>, vector<1000x1xf32>,
    return
  }
  func.func @transform_0(%arg0: i32) -> (i32, i32) {
    %c0_i32 = arith.constant 0 : i32
    %c0_i32_0 = arith.constant 0 : i32
    return %arg0, %c0_i32 : i32, i32
  }
  func.func @transform_1(%arg0: i32) -> (i32, i32) {
    %c0_i32 = arith.constant 0 : i32
    %c0_i32_0 = arith.constant 0 : i32
    return %arg0, %c0_i32 : i32, i32
  }
  func.func @transform_2(%arg0: i32) -> (i32, i32) {
    %c0_i32 = arith.constant 0 : i32
    %c0_i32_0 = arith.constant 0 : i32
    return %arg0, %c0_i32 : i32, i32
  }
  func.func @transform_3(%arg0: i32) -> (i32, i32) {
    %c0_i32 = arith.constant 0 : i32
    %c0_i32_0 = arith.constant 0 : i32
    return %arg0, %c0_i32 : i32, i32
  }
  func.func @transform_4(%arg0: i32) -> (i32, i32) {
    %c0_i32 = arith.constant 0 : i32
    %c0_i32_0 = arith.constant 0 : i32
    return %arg0, %c0_i32 : i32, i32
  }
}

module attributes {stable_mosaic.version = 14 : i64} {
  func.func @_tc_mid_body(%arg0: i32, %arg1: memref<2x1000x128xf32, #tpu.memory_space<vmem>>, %arg2: memref<1000x128xf32, #tpu.memory_space<vmem>>, %arg3: memref<1000x1xf32, #tpu.memory_space<vmem>>, %arg4: memref<1x32xf32, #tpu.memory_space<vmem>>, %arg5: memref<128x32xf32, #tpu.memory_space<vmem>>, %arg6: memref<32x128xf32, #tpu.memory_space<vmem>>, %arg7: memref<1000x128xf32, #tpu.memory_space<vmem>>) attributes {dimension_semantics = [#tpu.dimension_semantics<arbitrary>], iteration_bounds = array<i64: 10>, scalar_prefetch = 0 : i64, scratch_operands = 0 : i64, tpu.core_type = #tpu.core_type<tc>, window_params = [{transform_indices = @transform_0, window_bounds = array<i64: 2, 1000, 128>}, {transform_indices = @transform_1, window_bounds = array<i64: 1000, 128>}, {transform_indices = @transform_2, window_bounds = array<i64: 1000, 1>}, {pipeline_mode = #tpu.pipeline_mode<synchronous>, transform_indices = @transform_3, window_bounds = array<i64: 1, 32>}, {pipeline_mode = #tpu.pipeline_mode<synchronous>, transform_indices = @transform_4, window_bounds = array<i64: 128, 32>}, {pipeline_mode = #tpu.pipeline_mode<synchronous>, transform_indices = @transform_5, window_bounds = array<i64: 32, 128>}, {transform_indices = @transform_6, window_bounds = array<i64: 1000, 128>}]} {
    %get3A = arith.constant 0 : index
    %get3A_0 = arith.constant 0 : index
    %get3A_1 = vector.load %arg3[%get3A, %get3A_0] : memref<1000x1xf32, #tpu.memory_space<vmem>>, vector<1000x1xf32>
    %get3A_2 = arith.constant 0 : index
    %get3A_3 = arith.constant 0 : index
    %get3A_4 = arith.constant 0 : index
    %get3A_5 = vector.load %arg1[%get3A_2, %get3A_3, %get3A_4] : memref<2x1000x128xf32, #tpu.memory_space<vmem>>, vector<1x1000x128xf32>
    %get3A_6 = vector.shape_cast %get3A_5 : vector<1x1000x128xf32> to vector<1000x128xf32>
    %get3A_7 = arith.constant 1 : index
    %get3A_8 = arith.constant 0 : index
    %get3A_9 = arith.constant 0 : index
    %get3A_10 = vector.load %arg1[%get3A_7, %get3A_8, %get3A_9] : memref<2x1000x128xf32, #tpu.memory_space<vmem>>, vector<1x1000x128xf32>
    %get3A_11 = vector.shape_cast %get3A_10 : vector<1x1000x128xf32> to vector<1000x128xf32>
    %add3A = arith.addf %get3A_6, %get3A_11 : vector<1000x128xf32>
    %get3A_12 = arith.constant 0 : index
    %get3A_13 = arith.constant 0 : index
    %get3A_14 = vector.load %arg2[%get3A_12, %get3A_13] : memref<1000x128xf32, #tpu.memory_space<vmem>>, vector<1000x128xf32>
    %add3A_15 = arith.addf %add3A, %get3A_14 : vector<1000x128xf32>
    %get3A_16 = arith.constant 0 : index
    %get3A_17 = arith.constant 0 : index
    %get3A_18 = vector.load %arg5[%get3A_16, %get3A_17] : memref<128x32xf32, #tpu.memory_space<vmem>>, vector<128x32xf32>
    %dot_general3A = arith.constant dense<0.000000e+00> : vector<1000x32xf32>
    %dot_general3A_19 = tpu.matmul %add3A_15, %get3A_18, %dot_general3A {dimension_numbers = #tpu.dot_dimension_numbers<[1], [0], [0], [1], [0, 0, 1, 1], [], []>, transpose_lhs_hint = false} : vector<1000x128xf32>, vector<128x32xf32>, vector<1000x32xf32> -> vector<1000x32xf32>
    %mul3A = vector.broadcast %get3A_1 : vector<1000x1xf32> to vector<1000x32xf32>
    %mul3A_20 = arith.mulf %dot_general3A_19, %mul3A : vector<1000x32xf32>
    %get3A_21 = arith.constant 0 : index
    %get3A_22 = arith.constant 0 : index
    %get3A_23 = vector.load %arg4[%get3A_21, %get3A_22] : memref<1x32xf32, #tpu.memory_space<vmem>>, vector<1x32xf32>
    %add3A_24 = vector.broadcast %get3A_23 : vector<1x32xf32> to vector<1000x32xf32>
    %add3A_25 = arith.addf %mul3A_20, %add3A_24 : vector<1000x32xf32>
    %max3A = arith.constant 0.000000e+00 : f32
    %max3A_26 = vector.broadcast %max3A : f32 to vector<1000x32xf32>
    %max3A_27 = arith.maximumf %add3A_25, %max3A_26 : vector<1000x32xf32>
    %get3A_28 = arith.constant 0 : index
    %get3A_29 = arith.constant 0 : index
    %get3A_30 = vector.load %arg6[%get3A_28, %get3A_29] : memref<32x128xf32, #tpu.memory_space<vmem>>, vector<32x128xf32>
    %dot_general3A_31 = arith.constant dense<0.000000e+00> : vector<1000x128xf32>
    %dot_general3A_32 = tpu.matmul %max3A_27, %get3A_30, %dot_general3A_31 {dimension_numbers = #tpu.dot_dimension_numbers<[1], [0], [0], [1], [0, 0, 1, 1], [], []>, transpose_lhs_hint = false} : vector<1000x32xf32>, vector<32x128xf32>, vector<1000x128xf32> -> vector<1000x128xf32>
    %mul3A_33 = vector.broadcast %get3A_1 : vector<1000x1xf32> to vector<1000x128xf32>
    %mul3A_34 = arith.mulf %dot_general3A_32, %mul3A_33 : vector<1000x128xf32>
    %swap3A = arith.constant 0 : index
    %swap3A_35 = arith.constant 0 : index
    %swap3A_36 = vector.load %arg7[%swap3A, %swap3A_35] : memref<1000x128xf32, #tpu.memory_space<vmem>>, vector<1000x128xf32>
    tpu.vector_store %arg7[%swap3A, %swap3A_35], %mul3A_34 {strides = array<i32>} : memref<1000x128xf32, #tpu.memory_space<vmem>>, vector<1000x128xf32>,
    return
  }
  func.func @transform_0(%arg0: i32) -> (i32, i32, i32) {
    %c0_i32 = arith.constant 0 : i32
    %c0_i32_0 = arith.constant 0 : i32
    %c0_i32_1 = arith.constant 0 : i32
    return %c0_i32, %arg0, %c0_i32_0 : i32, i32, i32
  }
  func.func @transform_1(%arg0: i32) -> (i32, i32) {
    %c0_i32 = arith.constant 0 : i32
    %c0_i32_0 = arith.constant 0 : i32
    return %arg0, %c0_i32 : i32, i32
  }
  func.func @transform_2(%arg0: i32) -> (i32, i32) {
    %c0_i32 = arith.constant 0 : i32
    %c0_i32_0 = arith.constant 0 : i32
    return %arg0, %c0_i32 : i32, i32
  }
  func.func @transform_3(%arg0: i32) -> (i32, i32) {
    %c0_i32 = arith.constant 0 : i32
    %c0_i32_0 = arith.constant 0 : i32
    %c0_i32_1 = arith.constant 0 : i32
    return %c0_i32, %c0_i32_0 : i32, i32
  }
  func.func @transform_4(%arg0: i32) -> (i32, i32) {
    %c0_i32 = arith.constant 0 : i32
    %c0_i32_0 = arith.constant 0 : i32
    %c0_i32_1 = arith.constant 0 : i32
    return %c0_i32, %c0_i32_0 : i32, i32
  }
  func.func @transform_5(%arg0: i32) -> (i32, i32) {
    %c0_i32 = arith.constant 0 : i32
    %c0_i32_0 = arith.constant 0 : i32
    %c0_i32_1 = arith.constant 0 : i32
    return %c0_i32, %c0_i32_0 : i32, i32
  }
  func.func @transform_6(%arg0: i32) -> (i32, i32) {
    %c0_i32 = arith.constant 0 : i32
    %c0_i32_0 = arith.constant 0 : i32
    return %arg0, %c0_i32 : i32, i32
  }
}

module attributes {stable_mosaic.version = 14 : i64} {
  func.func @_tc_final_body(%arg0: i32, %arg1: memref<2x1000x128xf32, #tpu.memory_space<vmem>>, %arg2: memref<1000x128xf32, #tpu.memory_space<vmem>>, %arg3: memref<1000x1xf32, #tpu.memory_space<vmem>>, %arg4: memref<1x128xf32, #tpu.memory_space<vmem>>, %arg5: memref<1000x128xf32, #tpu.memory_space<vmem>>) attributes {dimension_semantics = [#tpu.dimension_semantics<arbitrary>], iteration_bounds = array<i64: 10>, scalar_prefetch = 0 : i64, scratch_operands = 0 : i64, tpu.core_type = #tpu.core_type<tc>, window_params = [{transform_indices = @transform_0, window_bounds = array<i64: 2, 1000, 128>}, {transform_indices = @transform_1, window_bounds = array<i64: 1000, 128>}, {transform_indices = @transform_2, window_bounds = array<i64: 1000, 1>}, {pipeline_mode = #tpu.pipeline_mode<synchronous>, transform_indices = @transform_3, window_bounds = array<i64: 1, 128>}, {transform_indices = @transform_4, window_bounds = array<i64: 1000, 128>}]} {
    %get3A = arith.constant 0 : index
    %get3A_0 = arith.constant 0 : index
    %get3A_1 = arith.constant 0 : index
    %get3A_2 = vector.load %arg1[%get3A, %get3A_0, %get3A_1] : memref<2x1000x128xf32, #tpu.memory_space<vmem>>, vector<1x1000x128xf32>
    %get3A_3 = vector.shape_cast %get3A_2 : vector<1x1000x128xf32> to vector<1000x128xf32>
    %get3A_4 = arith.constant 1 : index
    %get3A_5 = arith.constant 0 : index
    %get3A_6 = arith.constant 0 : index
    %get3A_7 = vector.load %arg1[%get3A_4, %get3A_5, %get3A_6] : memref<2x1000x128xf32, #tpu.memory_space<vmem>>, vector<1x1000x128xf32>
    %get3A_8 = vector.shape_cast %get3A_7 : vector<1x1000x128xf32> to vector<1000x128xf32>
    %add3A = arith.addf %get3A_3, %get3A_8 : vector<1000x128xf32>
    %get3A_9 = arith.constant 0 : index
    %get3A_10 = arith.constant 0 : index
    %get3A_11 = vector.load %arg2[%get3A_9, %get3A_10] : memref<1000x128xf32, #tpu.memory_space<vmem>>, vector<1000x128xf32>
    %add3A_12 = arith.addf %add3A, %get3A_11 : vector<1000x128xf32>
    %get3A_13 = arith.constant 0 : index
    %get3A_14 = arith.constant 0 : index
    %get3A_15 = vector.load %arg3[%get3A_13, %get3A_14] : memref<1000x1xf32, #tpu.memory_space<vmem>>, vector<1000x1xf32>
    %mul3A = vector.broadcast %get3A_15 : vector<1000x1xf32> to vector<1000x128xf32>
    %mul3A_16 = arith.mulf %add3A_12, %mul3A : vector<1000x128xf32>
    %get3A_17 = arith.constant 0 : index
    %get3A_18 = arith.constant 0 : index
    %get3A_19 = vector.load %arg4[%get3A_17, %get3A_18] : memref<1x128xf32, #tpu.memory_space<vmem>>, vector<1x128xf32>
    %add3A_20 = vector.broadcast %get3A_19 : vector<1x128xf32> to vector<1000x128xf32>
    %add3A_21 = arith.addf %mul3A_16, %add3A_20 : vector<1000x128xf32>
    %max3A = arith.constant 0.000000e+00 : f32
    %max3A_22 = vector.broadcast %max3A : f32 to vector<1000x128xf32>
    %max3A_23 = arith.maximumf %add3A_21, %max3A_22 : vector<1000x128xf32>
    %swap3A = arith.constant 0 : index
    %swap3A_24 = arith.constant 0 : index
    %swap3A_25 = vector.load %arg5[%swap3A, %swap3A_24] : memref<1000x128xf32, #tpu.memory_space<vmem>>, vector<1000x128xf32>
    tpu.vector_store %arg5[%swap3A, %swap3A_24], %max3A_23 {strides = array<i32>} : memref<1000x128xf32, #tpu.memory_space<vmem>>, vector<1000x128xf32>,
    return
  }
  func.func @transform_0(%arg0: i32) -> (i32, i32, i32) {
    %c0_i32 = arith.constant 0 : i32
    %c0_i32_0 = arith.constant 0 : i32
    %c0_i32_1 = arith.constant 0 : i32
    return %c0_i32, %arg0, %c0_i32_0 : i32, i32, i32
  }
  func.func @transform_1(%arg0: i32) -> (i32, i32) {
    %c0_i32 = arith.constant 0 : i32
    %c0_i32_0 = arith.constant 0 : i32
    return %arg0, %c0_i32 : i32, i32
  }
  func.func @transform_2(%arg0: i32) -> (i32, i32) {
    %c0_i32 = arith.constant 0 : i32
    %c0_i32_0 = arith.constant 0 : i32
    return %arg0, %c0_i32 : i32, i32
  }
  func.func @transform_3(%arg0: i32) -> (i32, i32) {
    %c0_i32 = arith.constant 0 : i32
    %c0_i32_0 = arith.constant 0 : i32
    %c0_i32_1 = arith.constant 0 : i32
    return %c0_i32, %c0_i32_0 : i32, i32
  }
  func.func @transform_4(%arg0: i32) -> (i32, i32) {
    %c0_i32 = arith.constant 0 : i32
    %c0_i32_0 = arith.constant 0 : i32
    return %arg0, %c0_i32 : i32, i32
  }
}

</mosaic_0001>

<sc_bundles>
// kernel: sc_gcn_deg.3.cloned.1.call-start
scs
__scs_entry_jumppad:
0x0: {  	(pc) =	sbr.rel $0x88, $3  }
0x1: {  	(tag) =	ssettag $0x0;
	lr =	simm.s32 $0x1  }
0x2: {  	[smem:$0x3F9B] =	sst lr;
	_ =	strace $0xD0000000  }
0x3: {  	_ = 	snop  }
0x4: {  	_ = 	snop  }
0x5: {  	_ = 	snop  }
0x6: {  	_ = 	snop  }
0x7: {  	_ = 	snop  }
__scs_overlays_trampoline_lowered:
0x8: {  	[smem:$0x3FAA] =	sst s0  }
0x9: {  	[smem:$0x3FAB] =	sst s1  }
0xa: {  	[smem:$0x3FAC] =	sst s2  }
0xb: {  	[smem:$0x3FAD] =	sst s3  }
0xc: {  	[smem:$0x3FAE] =	sst s4  }
0xd: {  	[smem:$0x3FAF] =	sst s5  }
0xe: {  	[smem:$0x3FB0] =	sst s6  }
0xf: {  	[smem:$0x3FB1] =	sst s7  }
0x10: {  	[smem:$0x3FB2] =	sst s8  }
0x11: {  	[smem:$0x3FB3] =	sst s9;
	s0 =	simm.s32 @!p0 $0x0  }
0x12: {  	s1 =	sld [smem:$0x3F99];
	s0 =	simm.s32 @p0 $0x1  }
0x13: {  	[smem:$0x3FB4] =	sst s0;
	s0 =	simm.s32 @!p1 $0x0  }
0x14: {  	s2 =	sld [smem:$0x3F98];
	s0 =	simm.s32 @p1 $0x1  }
0x15: {  	[smem:$0x3FB5] =	sst s0;
	s0 =	simm.s32 @!p2 $0x0  }
0x16: {  	s3 =	sld [smem:$0x3FDB];
	s0 =	simm.s32 @p2 $0x1  }
0x17: {  	s4 =	simm.s32 $0x1BF5;
	[smem:$0x3FB7] =	sst s0  }
0x18: {  	s0 =	sld [smem:$0x3F9A];
	_ =	swait.ge [sflag:s4], $0x0  }
0x19: {  	s7 =	sld [smem:$0x3F9B]  }
0x1a: {  	s8 =	sadd.s32 $0xFFFFE003, lr  }
0x1b: {  	s9 =	sadd.s32 $0xFFFFFEF7, lr;
	s5 =	simm.s32 $0xFFFFFFFF;
	p2 =	slt.u32 s8, $0xFFFFF086  }
0x1c: {  	p1 =	slt.u32 s9, $0xF7A;
	s5 =	simm.s32 @!p2 $0x0  }
0x1d: {  	s5 =	simm.s32 @p1 $0x1;
	p0 =	seq.s32 s7, s2  }
0x1e: {  	s7 =	smul.u32 @!p0 $0xF7A, s2;
	p2 =	seq.s32 @!p0 s5, $0x0  }
0x1f: {  	s9 =	smul.u32 $0xF7A, s1;
	s8 =	simm.s32 @!p0 $0x1BF5;
	p2 =	por !p2, p0  }
0x20: {  	[sflag:s8] =	ssyncset.s32 @!p0 $0xFFFFF086;
	s6 =	sadd.s32 @!p0 s3, s7;
	s7 =	simm.s32 @!p0 $0x108  }
0x21: {  	s3 =	sadd.s32 s3, s9;
	s6 =	sadd.s32 @!p0 $0x88, s6;
	s7 =	simm.s32 @p2 $0x1082  }
0x22: {  	[simem:s7], [sflag:s8] =	dma.local @!p0 [hbm:s6], $0xF7A  }
0x23: {  	s9 =	sor.u32 $0xD0000000, s2;
	s6 =	simm.s32 $0x108;
	_ =	swait.ge @!p0 [sflag:s8], $0x0  }
0x24: {  	s3 =	sadd.s32 $0x88, s3;
	s6 =	simm.s32 @!p1 $0x1082;
	[sflag:s4] =	ssyncset.s32 $0xFFFFF086  }
0x25: {  	[simem:s6], [sflag:s4] =	dma.local [hbm:s3], $0xF7A  }
0x26: {  	[smem:$0x3F9B] =	sst s1;
	(tag) =	ssettag s2;
	_ =	strace s9  }
0x27: {  	s1 =	sld [smem:$0x3FAB]  }
0x28: {  	s2 =	sld [smem:$0x3FAC]  }
0x29: {  	s4 =	sld [smem:$0x3FAE]  }
0x2a: {  	p0 =	seq.s32 s5, $0x0;
	s5 =	sld [smem:$0x3FAF]  }
0x2b: {  	s6 =	sld [smem:$0x3FB0]  }
0x2c: {  	s7 =	sld [smem:$0x3FB1]  }
0x2d: {  	s3 =	simm.s32 $0x108;
	s8 =	sld [smem:$0x3FB2]  }
0x2e: {  	s3 =	simm.s32 @!p0 $0x1082;
	s9 =	sld [smem:$0x3FB3]  }
0x2f: {  	lr =	sadd.s32 s0, s3;
	s0 =	sld [smem:$0x3FAA]  }
0x30: {  	s3 =	sld [smem:$0x3FAD]  }
0x31: {  	[smem:$0x3FB6] =	sst s10  }
0x32: {  	s10 =	sld [smem:$0x3FB4];
	_ =	sdelay $0x3  }
0x33: {  	p0 =	seq.s32 s10, $0x1;
	s10 =	sld [smem:$0x3FB6];
	_ =	sdelay $0x3  }
0x34: {  	[smem:$0x3FB6] =	sst s10  }
0x35: {  	s10 =	sld [smem:$0x3FB5];
	_ =	sdelay $0x3  }
0x36: {  	p1 =	seq.s32 s10, $0x1;
	s10 =	sld [smem:$0x3FB6];
	_ =	sdelay $0x3  }
0x37: {  	[smem:$0x3FB6] =	sst s10  }
0x38: {  	s10 =	sld [smem:$0x3FB7]  }
0x39: {  	_ = 	snop;
	(pc) =	sbr.ind lr, $3  }
0x3a: {  	_ = 	snop  }
0x3b: {  	_ = 	snop  }
0x3c: {  	p2 =	seq.s32 s10, $0x1;
	s10 =	sld [smem:$0x3FB6]  }
0x3d: {  	_ =	shalt  }
0x3e: {  	_ =	shalt  }
0x3f: {  	_ =	shalt  }
0x40: {  	_ =	shalt  }
0x41: {  	_ =	shalt  }
0x42: {  	_ =	shalt  }
0x43: {  	_ =	shalt  }
0x44: {  	_ =	shalt  }
0x45: {  	_ =	shalt  }
0x46: {  	_ =	shalt  }
0x47: {  	_ =	shalt  }
0x48: {  	_ =	shalt  }
0x49: {  	_ =	shalt  }
0x4a: {  	_ =	shalt  }
0x4b: {  	_ =	shalt  }
0x4c: {  	_ =	shalt  }
0x4d: {  	_ =	shalt  }
0x4e: {  	_ =	shalt  }
0x4f: {  	_ =	shalt  }
0x50: {  	_ =	shalt  }
0x51: {  	_ =	shalt  }
0x52: {  	_ =	shalt  }
0x53: {  	_ =	shalt  }
0x54: {  	_ =	shalt  }
0x55: {  	_ =	shalt  }
0x56: {  	_ =	shalt  }
0x57: {  	_ =	shalt  }
0x58: {  	_ =	shalt  }
0x59: {  	_ =	shalt  }
0x5a: {  	_ =	shalt  }
0x5b: {  	_ =	shalt  }
0x5c: {  	_ =	shalt  }
0x5d: {  	_ =	shalt  }
0x5e: {  	_ =	shalt  }
0x5f: {  	_ =	shalt  }
0x60: {  	_ =	shalt  }
0x61: {  	_ =	shalt  }
0x62: {  	_ =	shalt  }
0x63: {  	_ =	shalt  }
0x64: {  	_ =	shalt  }
0x65: {  	_ =	shalt  }
0x66: {  	_ =	shalt  }
0x67: {  	_ =	shalt  }
0x68: {  	_ =	shalt  }
0x69: {  	_ =	shalt  }
0x6a: {  	_ =	shalt  }
0x6b: {  	_ =	shalt  }
0x6c: {  	_ =	shalt  }
0x6d: {  	_ =	shalt  }
0x6e: {  	_ =	shalt  }
0x6f: {  	_ =	shalt  }
0x70: {  	_ =	shalt  }
0x71: {  	_ =	shalt  }
0x72: {  	_ =	shalt  }
0x73: {  	_ =	shalt  }
0x74: {  	_ =	shalt  }
0x75: {  	_ =	shalt  }
0x76: {  	_ =	shalt  }
0x77: {  	_ =	shalt  }
0x78: {  	_ =	shalt  }
0x79: {  	_ =	shalt  }
0x7a: {  	_ =	shalt  }
0x7b: {  	_ =	shalt  }
0x7c: {  	_ =	shalt  }
0x7d: {  	_ =	shalt  }
0x7e: {  	_ =	shalt  }
0x7f: {  	_ =	shalt  }
0x80: {  	_ =	shalt  }
0x81: {  	_ =	shalt  }
0x82: {  	_ =	shalt  }
0x83: {  	_ =	shalt  }
0x84: {  	_ =	shalt  }
0x85: {  	_ =	shalt  }
0x86: {  	_ =	shalt  }
0x87: {  	_ =	shalt  }
.Lfunc_end0:
.L_simem_size_0:
called_computation_lowered:
.L_overlay_start_0:
0x88: {  	s2 =	sld [smem:$0x3FD9]  }
0x89: {  	s3 =	sld [smem:$0x3FFE];
	_ =	sdelay $0x1  }
0x8a: {  	s1 =	srdreg.scid  }
0x8b: {  	s0 =	sand.u32 $0x1, s1  }
0x8c: {  	s17 =	sshll.u32 s0, $0xA;
	s2 =	sadd.s32 s3, s2  }
0x8d: {  	s2 =	sadd.s32 s2, s17  }
0x8e: {  	[smem:$0x3FC2] =	sst s2  }
0x8f: {  	_ = 	snop  }
0x90: {  	s2 =	sld [smem:$0x3FD0];
	(tm) =	ssettm $0x1  }
0x91: {  	s18 =	sld [smem:$0x3FFB];
	_ =	sdelay $0x3  }
0x92: {  	_ =	strace s18  }
0x93: {  	s3 =	sld [smem:$0x3FFC];
	_ =	sdelay $0x3  }
0x94: {  	_ =	strace s3  }
0x95: {  	s3 =	sld [smem:$0x3FFD];
	_ =	sdelay $0x3  }
0x96: {  	_ =	strace s3  }
0x97: {  	_ =	strace $0x8FFFFFFF  }
0x98: {  	s19 =	sld [smem:$0x3FDB];
	_ =	sdelay $0x1  }
0x99: {  	s4 =	simm.s32 $_scs_section_size  }
0x9a: {  	s5 =	simm.s32 $_size__tile_overlayer_lowered;
	s6 =	simm.s32 $_tile_overlayer_lowered  }
0x9b: {  	s22 =	simm.s32 $0x1BFF;
	s21 =	sshll.u32 s6, $0x1;
	s3 =	sadd.s32 s4, s19  }
0x9c: {  	s7 =	simm.s32 $0x0;
	s20 =	sshll.u32 s5, $0x1;
	s5 =	sadd.s32 s21, s3  }
0x9d: {  	[timem:s7], [sflag:s22] =	dma.local [hbm:s5], s20  }
0x9e: {  	_ =	swait.ge [sflag:s22], s20  }
0x9f: {  	s4 =	ssub.s32 $0x0, s20;
	[sflag:s22] =	ssyncset.done $0x0  }
0xa0: {  	[sflag:s22] =	ssyncadd.s32 s4;
	_ =	sdelay $0x1  }
0xa1: {  	s23 =	simm.s32 $0x1B8B  }
0xa2: {  	_ =	swait.ge [sflag:s23], $0x1  }
0xa3: {  	[sflag:s23] =	ssyncset.done $0x0  }
0xa4: {  	s25 =	simm.s32 $0x1B8E;
	s24 =	sld [smem:$0x3FFE];
	[sflag:s23] =	ssyncadd.s32 $0xFFFFFFFF  }
0xa5: {  	s26 =	simm.s32 $execute0_lowered;
	[smem:$0x3FD2] =	sst s25  }
0xa6: {  	s5 =	sshll.u32 s26, $0x1;
	_ =	strace $0x80000046;
	[dreg:$0x1] =	wrdreg $0xFFFFFFFF  }
0xa7: {  	s28 =	simm.s32 $_size_execute0_lowered;
	s3 =	sadd.s32 s3, s5;
	[dreg:$0x0] =	wrdreg $0x0  }
0xa8: {  	s5 =	sshll.u32 s28, $0x1;
	[dreg:$0x2] =	wrdreg s3  }
0xa9: {  	[dreg:$0x3] =	wrdreg s5  }
0xaa: {  	[dreg:$0x4] =	wrdreg $0xC0  }
0xab: {  	_ =	task [dreg:s7], $0x5FFFF  }
0xac: {  	[dreg:$0x1] =	wrdreg $0xFFFFFFFF  }
0xad: {  	[dreg:$0x0] =	wrdreg $0x60  }
0xae: {  	[dreg:$0x2] =	wrdreg s2  }
0xaf: {  	[dreg:$0x3] =	wrdreg s24  }
0xb0: {  	[dreg:$0x4] =	wrdreg $0x28800  }
0xb1: {  	[dreg:$0x5] =	wrdreg $0x9  }
0xb2: {  	_ =	task.clear_ibuf [dreg:s7], $0x6FFFF;
	_ =	strace $0x90000046  }
0xb3: {  	s29 =	simm.s32 $0x9;
	_ =	strace $0x80000048  }
0xb4: {  	_ =	swait.ge [sflag:s29], $0x1  }
0xb5: {  	[sflag:s29] =	ssyncadd.s32 $0xFFFFFFFF  }
0xb6: {  	_ =	strace $0x90000048  }
0xb7: {  	_ =	sfence  }
0xb8: {  	s30 =	sld [smem:$0x0];
	_ =	sdelay $0x2  }
0xb9: {  	s31 =	sshll.u32 s1, $0xD;
	s1 =	sshrl.u32 s1, $0x2  }
0xba: {  	s3 =	sand.u32 $0x4000, s31;
	s1 =	sadd.s32 s1, s30  }
0xbb: {  	s0 =	sor.u32 s3, s0;
	s1 =	sshll.u32 s1, $0x11  }
0xbc: {  	s0 =	sor.u32 s1, s0  }
0xbd: {  	s0 =	sadd.s32 $0x8F2B, s0  }
0xbe: {  	[sflag:s0] =	ssyncadd.remote.s32 $0x1  }
0xbf: {  	_ =	sfence.sel $0xFFFF  }
0xc0: {  	[dreg:$0x0] =	wrdreg $0xFFFFFFFF;
	(pc) =	sbr.abs _section_cstart, $3  }
0xc1: {  	[dreg:$0x1] =	wrdreg $0xFFFFFFFF  }
0xc2: {  	_ =	task.clear_ibuf [dreg:s7], $0x2FFFF;
	_ =	strace $0x9FFFFFFF  }
0xc3: {  	(tm) =	ssettm $0x7FFFFFFF  }
tec
execute0_lowered:
.L_overlay_start_1:
0x0: {  	(tag) =	ssettag $0x1  }
0x1: {  	s6 =	rddreg [dreg:$0x0]  }
0x2: {  	s7 =	rddreg [dreg:$0x1]  }
0x3: {  	s2 =	rddreg [dreg:$0x2]  }
0x4: {  	s0 =	rddreg [dreg:$0x3]  }
0x5: {  	s3 =	simm.s32 $0x0;
	s4 =	srdreg.scid;
	s1 =	stileid.u32  }
0x6: {  	s13 =	simm.s32 $0x7D;
	s14 =	simm.s32 $0x80;
	s15 =	simm.s32 $0x100  }
0x7: {  	s16 =	simm.s32 $0x180;
	s17 =	simm.s32 $0x1;
	s18 =	simm.s32 $0x2  }
0x8: {  	s19 =	simm.s32 $0x3;
	s20 =	simm.s32 $0x4;
	s21 =	simm.s32 $0x20  }
0x9: {  	s22 =	simm.s32 $0x10;
	s23 =	simm.s32 $0x0;
	s5 =	smul.u32 $0x500, s1  }
0xa: {  	[smem:$0x7FF] =	sst s3;
	s8 =	sand.u32 $0x1, s4;
	s11 =	smul.u32 $0x2800, s1  }
0xb: {  	s4 =	sadd.s32 $0x3800, s7;
	s12 =	smul.u32 $0xA00, s1;
	s31 =	sshll.u32 s1, $0x6  }
0xc: {  	_ =	strace $0x80000047;
	s9 =	sshll.u32 s8, $0x7;
	s10 =	smul.u32 $0x28000, s8  }
0xd: {  	s8 =	ssub.s32 $0x2, s8;
	s9 =	sor.u32 s9, s5;
	s5 =	sadd.s32 $0x3600, s7  }
0xe: {  	s29 =	sshrl.u32 s8, $0x1;
	s30 =	sshrl.u32 s12, $0x2;
	s9 =	sshrl.u32 s9, $0x3  }
0xf: {  	s28 =	sadd.s32 s11, s10;
	s8 =	ssub.s32 s8, s29;
	s12 =	sadd.s32 s30, s2  }
0x10: {  	s10 =	simm.s32 $0x2800;
	s11 =	sor.u32 $0x1C05, s31;
	s7 =	sadd.s32 s9, s7  }
0x11: {  	s9 =	sshrl.u32 s28, $0x3;
	s8 =	smax.u32 s8, $0x1;
	s12 =	sshrl.u32 s12, $0x3  }
0x12: {  	s6 =	sadd.s32 s6, s9;
	s7 =	sadd.s32 $0x3A00, s7;
	s9 =	simm.s32 $0x5  }
.LBB2_1:
0x13: {  	[tilespmem:s3], [sflag:$0x5] =	stream.linear.gather [hbm4b:s6+s3], $0x2800, $0x38;
	[tilespmem:$0x2B00] =	vst v63  }
0x14: {  	_ =	swait.ge [sflag:s9], $0x2800  }
0x15: {  	[sflag:s9] =	ssyncset.done $0x0  }
0x16: {  	[sflag:s9] =	ssyncadd.s32 $0xFFFFD800  }
0x17: {  	[tilespmem:s10], [sflag:$0x5] =	stream.linear.gather [hbm4b:s4+s3], $0x80, $0x38;
	[tilespmem:$0x2B00] =	vst v63  }
0x18: {  	_ =	swait.ge [sflag:s9], $0x80  }
0x19: {  	[sflag:s9] =	ssyncset.done $0x0  }
0x1a: {  	[sflag:s9] =	ssyncadd.s32 $0xFFFFFF80  }
0x1b: {  	[spmem:s12], [sflag:s11] =	dma.local [hbm:s5], $0x50  }
0x1c: {  	_ =	swait.ge [sflag:s9], $0x50  }
0x1d: {  	[sflag:s9] =	ssyncset.done $0x0  }
0x1e: {  	[sflag:s9] =	ssyncadd.s32 $0xFFFFFFB0  }
0x1f: {  	[bflag:$0x0] =	sbarrier.arrive $0xFFFF  }
0x20: {  	[spmem:s2] =	stream.indirect.scatter.add.f32 [tilespmem:s10], [sflag:$0x1], $0x1, s3, s13, $0xb8;
	[tilespmem:$0x2B00] =	vst v63  }
0x21: {  	_ = 	snop  }
0x22: {  	[spmem:s2] =	stream.indirect.scatter.add.f32 [tilespmem:s10], [sflag:$0x2], $0x1, s14, s13, $0xb8;
	[tilespmem:$0x2B00] =	vst v63  }
0x23: {  	_ = 	snop  }
0x24: {  	[spmem:s2] =	stream.indirect.scatter.add.f32 [tilespmem:s10], [sflag:$0x3], $0x1, s15, s13, $0xb8;
	[tilespmem:$0x2B00] =	vst v63  }
0x25: {  	_ = 	snop  }
0x26: {  	[spmem:s2] =	stream.indirect.scatter.add.f32 [tilespmem:s10], [sflag:$0x4], $0x1, s16, s13, $0xb8;
	[tilespmem:$0x2B00] =	vst v63  }
0x27: {  	_ =	swait.ge [sflag:s17], $0x7D  }
0x28: {  	[sflag:s17] =	ssyncset.done $0x0  }
0x29: {  	s24 =	simm.s32 $0x200;
	[sflag:s17] =	ssyncadd.s32 $0xFFFFFF83  }
0x2a: {  	[spmem:s2] =	stream.indirect.scatter.add.f32 [tilespmem:s10], [sflag:$0x1], $0x1, s24, s13, $0xb8;
	[tilespmem:$0x2B00] =	vst v63  }
0x2b: {  	_ =	swait.ge [sflag:s18], $0x7D  }
0x2c: {  	[sflag:s18] =	ssyncset.done $0x0  }
0x2d: {  	s30 =	simm.s32 $0x280;
	[sflag:s18] =	ssyncadd.s32 $0xFFFFFF83  }
0x2e: {  	[spmem:s2] =	stream.indirect.scatter.add.f32 [tilespmem:s10], [sflag:$0x2], $0x1, s30, s13, $0xb8;
	[tilespmem:$0x2B00] =	vst v63  }
0x2f: {  	_ =	swait.ge [sflag:s19], $0x7D  }
0x30: {  	[sflag:s19] =	ssyncset.done $0x0  }
0x31: {  	s31 =	simm.s32 $0x300;
	[sflag:s19] =	ssyncadd.s32 $0xFFFFFF83  }
0x32: {  	[spmem:s2] =	stream.indirect.scatter.add.f32 [tilespmem:s10], [sflag:$0x3], $0x1, s31, s13, $0xb8;
	[tilespmem:$0x2B00] =	vst v63  }
0x33: {  	_ =	swait.ge [sflag:s20], $0x7D  }
0x34: {  	[sflag:s20] =	ssyncset.done $0x0  }
0x35: {  	s25 =	simm.s32 $0x380;
	s24 =	simm.s32 $0xFFFF7000;
	[sflag:s20] =	ssyncadd.s32 $0xFFFFFF83  }
.LBB2_2:
0x36: {  	[spmem:s2] =	stream.indirect.scatter.add.f32 [tilespmem:s10], [sflag:$0x4], $0x1, s25, s13, $0xb8;
	[tilespmem:$0x2B00] =	vst v63  }
0x37: {  	s25 =	smov.u32 s24  }
0x38: {  	p0 =	sne.s32 s24, $0xFFFFF800;
	s24 =	sadd.s32 $0x800, s24;
	_ =	swait.ge [sflag:s17], $0x7D  }
0x39: {  	s25 =	sshra.s32 s25, $0x2;
	[sflag:s17] =	ssyncset.done $0x0  }
0x3a: {  	s26 =	sadd.s32 $0x2800, s25;
	[sflag:s17] =	ssyncadd.s32 $0xFFFFFF83  }
0x3b: {  	[spmem:s2] =	stream.indirect.scatter.add.f32 [tilespmem:s10], [sflag:$0x1], $0x1, s26, s13, $0xb8;
	[tilespmem:$0x2B00] =	vst v63  }
0x3c: {  	_ =	swait.ge [sflag:s18], $0x7D  }
0x3d: {  	[sflag:s18] =	ssyncset.done $0x0  }
0x3e: {  	s26 =	sadd.s32 $0x2880, s25;
	[sflag:s18] =	ssyncadd.s32 $0xFFFFFF83  }
0x3f: {  	[spmem:s2] =	stream.indirect.scatter.add.f32 [tilespmem:s10], [sflag:$0x2], $0x1, s26, s13, $0xb8;
	[tilespmem:$0x2B00] =	vst v63  }
0x40: {  	_ =	swait.ge [sflag:s19], $0x7D  }
0x41: {  	[sflag:s19] =	ssyncset.done $0x0  }
.Ltmp0:
0x42: {  	s26 =	sadd.s32 $0x2900, s25;
	[sflag:s19] =	ssyncadd.s32 $0xFFFFFF83;
	(pc) =	sbr.rel @p0 .LBB2_2-.Ltmp0, $4  }
0x43: {  	[spmem:s2] =	stream.indirect.scatter.add.f32 [tilespmem:s10], [sflag:$0x3], $0x1, s26, s13, $0xb8;
	[tilespmem:$0x2B00] =	vst v63  }
0x44: {  	_ =	swait.ge [sflag:s20], $0x7D  }
0x45: {  	[sflag:s20] =	ssyncset.done $0x0  }
0x46: {  	s25 =	sadd.s32 $0x2980, s25;
	[sflag:s20] =	ssyncadd.s32 $0xFFFFFF83  }
0x47: {  	[spmem:s2] =	stream.indirect.scatter.add.f32 [tilespmem:s10], [sflag:$0x4], $0x1, s25, s13, $0xb8;
	[tilespmem:$0x2B00] =	vst v63  }
0x48: {  	_ =	swait.ge [sflag:s17], $0x7D  }
0x49: {  	[sflag:s17] =	ssyncset.done $0x0  }
0x4a: {  	[sflag:s17] =	ssyncadd.s32 $0xFFFFFF83  }
0x4b: {  	_ =	swait.ge [sflag:s18], $0x7D  }
0x4c: {  	[sflag:s18] =	ssyncset.done $0x0  }
0x4d: {  	[sflag:s18] =	ssyncadd.s32 $0xFFFFFF83  }
0x4e: {  	_ =	swait.ge [sflag:s19], $0x7D  }
0x4f: {  	[sflag:s19] =	ssyncset.done $0x0  }
0x50: {  	[sflag:s19] =	ssyncadd.s32 $0xFFFFFF83  }
0x51: {  	_ =	swait.ge [sflag:s20], $0x7D  }
0x52: {  	s23 =	sadd.s32 $0x1, s23;
	[sflag:s20] =	ssyncset.done $0x0  }
0x53: {  	p0 =	sne.s32 s23, s8;
	[sflag:s20] =	ssyncadd.s32 $0xFFFFFF83  }
.Ltmp1:
0x54: {  	[bflag:$0x0] =	sbarrier.arrive $0xFFFF;
	(pc) =	sbr.rel @p0 .LBB2_1-.Ltmp1, $4  }
0x55: {  	[hbm:s7@s21], [sflag:s11] =	dma.strided [spmem:s12@s22], $0x50, s17, $0x10   }
0x56: {  	_ =	swait.ge [sflag:s9], $0x50  }
0x57: {  	[sflag:s9] =	ssyncset.done $0x0  }
0x58: {  	[sflag:s9] =	ssyncadd.s32 $0xFFFFFFB0  }
0x59: {  	_ =	sfence.sel $0x180000  }
0x5a: {  	[bflag:$0x0] =	sbarrier.arrive $0xFFFF  }
0x5b: {  	p0 =	sne.s32 s1, $0x0;
	_ =	strace $0x90000047  }
0x5c: {  	s0 =	sadd.s32 @!p0 $0x100000, s0;
	[bflag:$0x2] =	sbarrier.arrive $0xFFFF  }
0x5d: {  	[sflag:s0] =	ssyncadd.tile.s32 @!p0 $0x1;
	_ =	shalt  }
.Lfunc_end2:
_tile_overlayer_lowered:
.L_overlay_start_2:
0x5e: {  	(tag) =	ssettag $0x2  }
0x5f: {  	s0 =	rddreg [dreg:$0x0];
	s2 =	stileid.u32  }
0x60: {  	s1 =	rddreg [dreg:$0x1];
	p0 =	sne.s32 s2, $0x0  }
0x61: {  	s3 =	rddreg [dreg:$0x2];
	[bflag:$0x3] =	sbarrier.arrive $0xFFFF;
	s2 =	simm.s32 @!p0 $0x1C05  }
0x62: {  	[timem:s3], [sflag:s2] =	dma.local @!p0 [hbm:s0], s1  }
0x63: {  	s0 =	simm.s32 @!p0 $0x5  }
0x64: {  	_ =	swait.ge @!p0 [sflag:s0], s1  }
0x65: {  	s1 =	ssub.s32 @!p0 $0x0, s1;
	[sflag:s0] =	ssyncset.done @!p0 $0x0  }
0x66: {  	[sflag:s0] =	ssyncadd.s32 @!p0 s1  }
0x67: {  	[bflag:$0x3] =	sbarrier.arrive $0xFFFF  }
0x68: {  	_ =	shalt  }

// kernel: sc_gcn_scatter.12.cloned.1.call-start
scs
__scs_entry_jumppad:
0x0: {  	(pc) =	sbr.rel $0x88, $3  }
0x1: {  	(tag) =	ssettag $0x0;
	lr =	simm.s32 $0x1  }
0x2: {  	[smem:$0x3F9B] =	sst lr;
	_ =	strace $0xD0000000  }
0x3: {  	_ = 	snop  }
0x4: {  	_ = 	snop  }
0x5: {  	_ = 	snop  }
0x6: {  	_ = 	snop  }
0x7: {  	_ = 	snop  }
__scs_overlays_trampoline_lowered:
0x8: {  	[smem:$0x3FAA] =	sst s0  }
0x9: {  	[smem:$0x3FAB] =	sst s1  }
0xa: {  	[smem:$0x3FAC] =	sst s2  }
0xb: {  	[smem:$0x3FAD] =	sst s3  }
0xc: {  	[smem:$0x3FAE] =	sst s4  }
0xd: {  	[smem:$0x3FAF] =	sst s5  }
0xe: {  	[smem:$0x3FB0] =	sst s6  }
0xf: {  	[smem:$0x3FB1] =	sst s7  }
0x10: {  	[smem:$0x3FB2] =	sst s8  }
0x11: {  	[smem:$0x3FB3] =	sst s9;
	s0 =	simm.s32 @!p0 $0x0  }
0x12: {  	s1 =	sld [smem:$0x3F99];
	s0 =	simm.s32 @p0 $0x1  }
0x13: {  	[smem:$0x3FB4] =	sst s0;
	s0 =	simm.s32 @!p1 $0x0  }
0x14: {  	s2 =	sld [smem:$0x3F98];
	s0 =	simm.s32 @p1 $0x1  }
0x15: {  	[smem:$0x3FB5] =	sst s0;
	s0 =	simm.s32 @!p2 $0x0  }
0x16: {  	s3 =	sld [smem:$0x3FDB];
	s0 =	simm.s32 @p2 $0x1  }
0x17: {  	s4 =	simm.s32 $0x1BF5;
	[smem:$0x3FB7] =	sst s0  }
0x18: {  	s0 =	sld [smem:$0x3F9A];
	_ =	swait.ge [sflag:s4], $0x0  }
0x19: {  	s7 =	sld [smem:$0x3F9B]  }
0x1a: {  	s8 =	sadd.s32 $0xFFFFE003, lr  }
0x1b: {  	s9 =	sadd.s32 $0xFFFFFEF7, lr;
	s5 =	simm.s32 $0xFFFFFFFF;
	p2 =	slt.u32 s8, $0xFFFFF086  }
0x1c: {  	p1 =	slt.u32 s9, $0xF7A;
	s5 =	simm.s32 @!p2 $0x0  }
0x1d: {  	s5 =	simm.s32 @p1 $0x1;
	p0 =	seq.s32 s7, s2  }
0x1e: {  	s7 =	smul.u32 @!p0 $0xF7A, s2;
	p2 =	seq.s32 @!p0 s5, $0x0  }
0x1f: {  	s9 =	smul.u32 $0xF7A, s1;
	s8 =	simm.s32 @!p0 $0x1BF5;
	p2 =	por !p2, p0  }
0x20: {  	[sflag:s8] =	ssyncset.s32 @!p0 $0xFFFFF086;
	s6 =	sadd.s32 @!p0 s3, s7;
	s7 =	simm.s32 @!p0 $0x108  }
0x21: {  	s3 =	sadd.s32 s3, s9;
	s6 =	sadd.s32 @!p0 $0x88, s6;
	s7 =	simm.s32 @p2 $0x1082  }
0x22: {  	[simem:s7], [sflag:s8] =	dma.local @!p0 [hbm:s6], $0xF7A  }
0x23: {  	s9 =	sor.u32 $0xD0000000, s2;
	s6 =	simm.s32 $0x108;
	_ =	swait.ge @!p0 [sflag:s8], $0x0  }
0x24: {  	s3 =	sadd.s32 $0x88, s3;
	s6 =	simm.s32 @!p1 $0x1082;
	[sflag:s4] =	ssyncset.s32 $0xFFFFF086  }
0x25: {  	[simem:s6], [sflag:s4] =	dma.local [hbm:s3], $0xF7A  }
0x26: {  	[smem:$0x3F9B] =	sst s1;
	(tag) =	ssettag s2;
	_ =	strace s9  }
0x27: {  	s1 =	sld [smem:$0x3FAB]  }
0x28: {  	s2 =	sld [smem:$0x3FAC]  }
0x29: {  	s4 =	sld [smem:$0x3FAE]  }
0x2a: {  	p0 =	seq.s32 s5, $0x0;
	s5 =	sld [smem:$0x3FAF]  }
0x2b: {  	s6 =	sld [smem:$0x3FB0]  }
0x2c: {  	s7 =	sld [smem:$0x3FB1]  }
0x2d: {  	s3 =	simm.s32 $0x108;
	s8 =	sld [smem:$0x3FB2]  }
0x2e: {  	s3 =	simm.s32 @!p0 $0x1082;
	s9 =	sld [smem:$0x3FB3]  }
0x2f: {  	lr =	sadd.s32 s0, s3;
	s0 =	sld [smem:$0x3FAA]  }
0x30: {  	s3 =	sld [smem:$0x3FAD]  }
0x31: {  	[smem:$0x3FB6] =	sst s10  }
0x32: {  	s10 =	sld [smem:$0x3FB4];
	_ =	sdelay $0x3  }
0x33: {  	p0 =	seq.s32 s10, $0x1;
	s10 =	sld [smem:$0x3FB6];
	_ =	sdelay $0x3  }
0x34: {  	[smem:$0x3FB6] =	sst s10  }
0x35: {  	s10 =	sld [smem:$0x3FB5];
	_ =	sdelay $0x3  }
0x36: {  	p1 =	seq.s32 s10, $0x1;
	s10 =	sld [smem:$0x3FB6];
	_ =	sdelay $0x3  }
0x37: {  	[smem:$0x3FB6] =	sst s10  }
0x38: {  	s10 =	sld [smem:$0x3FB7]  }
0x39: {  	_ = 	snop;
	(pc) =	sbr.ind lr, $3  }
0x3a: {  	_ = 	snop  }
0x3b: {  	_ = 	snop  }
0x3c: {  	p2 =	seq.s32 s10, $0x1;
	s10 =	sld [smem:$0x3FB6]  }
0x3d: {  	_ =	shalt  }
0x3e: {  	_ =	shalt  }
0x3f: {  	_ =	shalt  }
0x40: {  	_ =	shalt  }
0x41: {  	_ =	shalt  }
0x42: {  	_ =	shalt  }
0x43: {  	_ =	shalt  }
0x44: {  	_ =	shalt  }
0x45: {  	_ =	shalt  }
0x46: {  	_ =	shalt  }
0x47: {  	_ =	shalt  }
0x48: {  	_ =	shalt  }
0x49: {  	_ =	shalt  }
0x4a: {  	_ =	shalt  }
0x4b: {  	_ =	shalt  }
0x4c: {  	_ =	shalt  }
0x4d: {  	_ =	shalt  }
0x4e: {  	_ =	shalt  }
0x4f: {  	_ =	shalt  }
0x50: {  	_ =	shalt  }
0x51: {  	_ =	shalt  }
0x52: {  	_ =	shalt  }
0x53: {  	_ =	shalt  }
0x54: {  	_ =	shalt  }
0x55: {  	_ =	shalt  }
0x56: {  	_ =	shalt  }
0x57: {  	_ =	shalt  }
0x58: {  	_ =	shalt  }
0x59: {  	_ =	shalt  }
0x5a: {  	_ =	shalt  }
0x5b: {  	_ =	shalt  }
0x5c: {  	_ =	shalt  }
0x5d: {  	_ =	shalt  }
0x5e: {  	_ =	shalt  }
0x5f: {  	_ =	shalt  }
0x60: {  	_ =	shalt  }
0x61: {  	_ =	shalt  }
0x62: {  	_ =	shalt  }
0x63: {  	_ =	shalt  }
0x64: {  	_ =	shalt  }
0x65: {  	_ =	shalt  }
0x66: {  	_ =	shalt  }
0x67: {  	_ =	shalt  }
0x68: {  	_ =	shalt  }
0x69: {  	_ =	shalt  }
0x6a: {  	_ =	shalt  }
0x6b: {  	_ =	shalt  }
0x6c: {  	_ =	shalt  }
0x6d: {  	_ =	shalt  }
0x6e: {  	_ =	shalt  }
0x6f: {  	_ =	shalt  }
0x70: {  	_ =	shalt  }
0x71: {  	_ =	shalt  }
0x72: {  	_ =	shalt  }
0x73: {  	_ =	shalt  }
0x74: {  	_ =	shalt  }
0x75: {  	_ =	shalt  }
0x76: {  	_ =	shalt  }
0x77: {  	_ =	shalt  }
0x78: {  	_ =	shalt  }
0x79: {  	_ =	shalt  }
0x7a: {  	_ =	shalt  }
0x7b: {  	_ =	shalt  }
0x7c: {  	_ =	shalt  }
0x7d: {  	_ =	shalt  }
0x7e: {  	_ =	shalt  }
0x7f: {  	_ =	shalt  }
0x80: {  	_ =	shalt  }
0x81: {  	_ =	shalt  }
0x82: {  	_ =	shalt  }
0x83: {  	_ =	shalt  }
0x84: {  	_ =	shalt  }
0x85: {  	_ =	shalt  }
0x86: {  	_ =	shalt  }
0x87: {  	_ =	shalt  }
.Lfunc_end0:
.L_simem_size_0:
called_computation.3_lowered:
.L_overlay_start_0:
0x88: {  	s2 =	sld [smem:$0x3FD9]  }
0x89: {  	s3 =	sld [smem:$0x3FFE];
	_ =	sdelay $0x1  }
0x8a: {  	s1 =	srdreg.scid  }
0x8b: {  	s0 =	sand.u32 $0x1, s1  }
0x8c: {  	s17 =	sshll.u32 s0, $0xA;
	s2 =	sadd.s32 s3, s2  }
0x8d: {  	s2 =	sadd.s32 s2, s17  }
0x8e: {  	[smem:$0x3FC2] =	sst s2  }
0x8f: {  	_ = 	snop  }
0x90: {  	s2 =	sld [smem:$0x3FD0];
	(tm) =	ssettm $0x1  }
0x91: {  	s18 =	sld [smem:$0x3FFB];
	_ =	sdelay $0x3  }
0x92: {  	_ =	strace s18  }
0x93: {  	s3 =	sld [smem:$0x3FFC];
	_ =	sdelay $0x3  }
0x94: {  	_ =	strace s3  }
0x95: {  	s3 =	sld [smem:$0x3FFD];
	_ =	sdelay $0x3  }
0x96: {  	_ =	strace s3  }
0x97: {  	_ =	strace $0x8FFFFFFF  }
0x98: {  	s19 =	sld [smem:$0x3FDB];
	_ =	sdelay $0x1  }
0x99: {  	s4 =	simm.s32 $_scs_section_size  }
0x9a: {  	s5 =	simm.s32 $_size__tile_overlayer_lowered;
	s6 =	simm.s32 $_tile_overlayer_lowered  }
0x9b: {  	s22 =	simm.s32 $0x1BFF;
	s21 =	sshll.u32 s6, $0x1;
	s3 =	sadd.s32 s4, s19  }
0x9c: {  	s7 =	simm.s32 $0x0;
	s20 =	sshll.u32 s5, $0x1;
	s5 =	sadd.s32 s21, s3  }
0x9d: {  	[timem:s7], [sflag:s22] =	dma.local [hbm:s5], s20  }
0x9e: {  	_ =	swait.ge [sflag:s22], s20  }
0x9f: {  	s4 =	ssub.s32 $0x0, s20;
	[sflag:s22] =	ssyncset.done $0x0  }
0xa0: {  	[sflag:s22] =	ssyncadd.s32 s4;
	_ =	sdelay $0x1  }
0xa1: {  	s23 =	simm.s32 $0x1B8B  }
0xa2: {  	_ =	swait.ge [sflag:s23], $0x1  }
0xa3: {  	[sflag:s23] =	ssyncset.done $0x0  }
0xa4: {  	s25 =	simm.s32 $0x1B8E;
	s24 =	sld [smem:$0x3FFE];
	[sflag:s23] =	ssyncadd.s32 $0xFFFFFFFF  }
0xa5: {  	s26 =	simm.s32 $execute0_lowered;
	[smem:$0x3FD2] =	sst s25  }
0xa6: {  	s5 =	sshll.u32 s26, $0x1;
	_ =	strace $0x8000004F;
	[dreg:$0x1] =	wrdreg $0xFFFFFFFF  }
0xa7: {  	s28 =	simm.s32 $_size_execute0_lowered;
	s3 =	sadd.s32 s3, s5;
	[dreg:$0x0] =	wrdreg $0x0  }
0xa8: {  	s5 =	sshll.u32 s28, $0x1;
	[dreg:$0x2] =	wrdreg s3  }
0xa9: {  	[dreg:$0x3] =	wrdreg s5  }
0xaa: {  	[dreg:$0x4] =	wrdreg $0xC0  }
0xab: {  	_ =	task [dreg:s7], $0x5FFFF  }
0xac: {  	[dreg:$0x1] =	wrdreg $0xFFFFFFFF  }
0xad: {  	[dreg:$0x0] =	wrdreg $0x60  }
0xae: {  	[dreg:$0x2] =	wrdreg s2  }
0xaf: {  	[dreg:$0x3] =	wrdreg s24  }
0xb0: {  	[dreg:$0x4] =	wrdreg $0x90000  }
0xb1: {  	[dreg:$0x5] =	wrdreg $0x9  }
0xb2: {  	_ =	task.clear_ibuf [dreg:s7], $0x6FFFF;
	_ =	strace $0x9000004F  }
0xb3: {  	s29 =	simm.s32 $0x9;
	_ =	strace $0x80000051  }
0xb4: {  	_ =	swait.ge [sflag:s29], $0x1  }
0xb5: {  	[sflag:s29] =	ssyncadd.s32 $0xFFFFFFFF  }
0xb6: {  	_ =	strace $0x90000051  }
0xb7: {  	_ =	sfence  }
0xb8: {  	s30 =	sld [smem:$0x0];
	_ =	sdelay $0x2  }
0xb9: {  	s31 =	sshll.u32 s1, $0xD;
	s1 =	sshrl.u32 s1, $0x2  }
0xba: {  	s3 =	sand.u32 $0x4000, s31;
	s1 =	sadd.s32 s1, s30  }
0xbb: {  	s0 =	sor.u32 s3, s0;
	s1 =	sshll.u32 s1, $0x11  }
0xbc: {  	s0 =	sor.u32 s1, s0  }
0xbd: {  	s0 =	sadd.s32 $0x8F2B, s0  }
0xbe: {  	[sflag:s0] =	ssyncadd.remote.s32 $0x1  }
0xbf: {  	_ =	sfence.sel $0xFFFF  }
0xc0: {  	[dreg:$0x0] =	wrdreg $0xFFFFFFFF;
	(pc) =	sbr.abs _section_cstart, $3  }
0xc1: {  	[dreg:$0x1] =	wrdreg $0xFFFFFFFF  }
0xc2: {  	_ =	task.clear_ibuf [dreg:s7], $0x2FFFF;
	_ =	strace $0x9FFFFFFF  }
0xc3: {  	(tm) =	ssettm $0x7FFFFFFF  }
tec
execute0_lowered:
.L_overlay_start_1:
0x0: {  	(tag) =	ssettag $0x1  }
0x1: {  	s0 =	srdreg.scid;
	s1 =	rddreg [dreg:$0x0]  }
0x2: {  	s8 =	stileid.u32;
	s4 =	rddreg [dreg:$0x1];
	s15 =	simm.s32 $0x0  }
0x3: {  	s25 =	simm.s32 $0x11;
	s28 =	simm.s32 $0x2;
	s31 =	simm.s32 $0x7800  }
0x4: {  	s30 =	simm.s32 $0x9;
	s11 =	simm.s32 $0xD;
	s9 =	simm.s32 $0xE  }
0x5: {  	s13 =	simm.s32 $0xF;
	s12 =	simm.s32 $0x0;
	s17 =	smul.u32 $0xA000, s8  }
0x6: {  	s0 =	sand.u32 $0x1, s0;
	s3 =	sshrl.u32 s8, $0x3;
	s19 =	smul.u32 $0x29000, s8  }
0x7: {  	s6 =	sshll.u32 s8, $0x7;
	[smem:$0x7FF] =	sst s15;
	s20 =	smul.u32 $0x28000, s8  }
0x8: {  	s7 =	sadd.s32 $0x22400, s4;
	s24 =	sshll.u32 s8, $0x6;
	s2 =	smul.u32 $0x28000, s0  }
0x9: {  	s8 =	simm.s32 $0xC;
	s5 =	smul.u32 $0x14000, s3;
	s3 =	rddreg [dreg:$0x2]  }
0xa: {  	s14 =	sand.u32 $0x380, s6;
	s16 =	smul.u32 $0xA0000, s0;
	_ =	strace $0x80000050  }
0xb: {  	[dreg:$0x4] =	wrdreg s7;
	s0 =	ssub.s32 $0x2, s0;
	s15 =	sor.u32 $0x1C11, s24  }
0xc: {  	s24 =	simm.s32 $0x4;
	s6 =	simm.s32 $0xB;
	s7 =	simm.s32 $0x8  }
0xd: {  	s18 =	sshrl.u32 s0, $0x1;
	s22 =	sshrl.u32 s19, $0x2;
	s23 =	sshrl.u32 s20, $0x2  }
0xe: {  	s20 =	simm.s32 $0x6000;
	s19 =	simm.s32 $0x5;
	[dreg:$0x9] =	wrdreg s15  }
0xf: {  	s2 =	sadd.s32 s2, s5;
	s5 =	sadd.s32 s17, s16;
	s0 =	ssub.s32 s0, s18  }
0x10: {  	s16 =	simm.s32 $0x10;
	s17 =	simm.s32 $0x5000;
	s2 =	sor.u32 s14, s2  }
0x11: {  	s18 =	simm.s32 $0x5800;
	s0 =	smax.u32 s0, $0x1;
	s2 =	sshrl.u32 s2, $0x3  }
0x12: {  	s5 =	sshrl.u32 s5, $0x3;
	[dreg:$0x8] =	wrdreg s0;
	s2 =	sadd.s32 s2, s4  }
0x13: {  	s0 =	simm.s32 $0x8800;
	s4 =	sadd.s32 s5, s4;
	s21 =	sadd.s32 $0x4400, s2  }
0x14: {  	s5 =	simm.s32 $0x7;
	s2 =	sadd.s32 $0xE400, s2;
	[dreg:$0x5] =	wrdreg s21  }
.Ltmp0:
0x15: {  	s4 =	sadd.s32 $0x23A00, s4;
	[dreg:$0x6] =	wrdreg s2;
	(pc) =	sbr.rel .LBB2_1-.Ltmp0, $4  }
0x16: {  	s2 =	sadd.s32 s22, s3;
	[dreg:$0x7] =	wrdreg s4;
	s4 =	sadd.s32 s23, s3  }
0x17: {  	s22 =	simm.s32 $0x6800;
	s23 =	simm.s32 $0x1;
	s26 =	sshrl.u32 s2, $0x3  }
0x18: {  	s21 =	simm.s32 $0x8000;
	s29 =	sshrl.u32 s4, $0x3;
	[dreg:$0xa] =	wrdreg s26  }
0x19: {  	s2 =	simm.s32 $0x3;
	[dreg:$0xb] =	wrdreg s29;
	s26 =	simm.s32 $0x7000  }
.LBB2_4:
0x1a: {  	_ =	swait.ge [sflag:s7], $0x800  }
0x1b: {  	[sflag:s7] =	ssyncset.done $0x0  }
0x1c: {  	[sflag:s7] =	ssyncadd.s32 $0xFFFFF800  }
0x1d: {  	[spmem:s3] =	stream.indirect.scatter.add.f32 [tilespmem:s0], [sflag:$0x10], $0x80, s29, s16, $0xb8;
	[tilespmem:$0x13400] =	vst v63  }
0x1e: {  	_ =	swait.ge [sflag:s8], $0x800  }
0x1f: {  	[sflag:s8] =	ssyncset.done $0x0  }
0x20: {  	[sflag:s8] =	ssyncadd.s32 $0xFFFFF800  }
0x21: {  	_ =	swait.ge [sflag:s11], $0x800  }
0x22: {  	[sflag:s11] =	ssyncset.done $0x0  }
0x23: {  	[sflag:s11] =	ssyncadd.s32 $0xFFFFF800  }
0x24: {  	_ =	swait.ge [sflag:s9], $0x800  }
0x25: {  	[sflag:s9] =	ssyncset.done $0x0  }
0x26: {  	[sflag:s9] =	ssyncadd.s32 $0xFFFFF800  }
0x27: {  	_ =	swait.ge [sflag:s13], $0x800  }
0x28: {  	[sflag:s13] =	ssyncset.done $0x0  }
0x29: {  	[sflag:s13] =	ssyncadd.s32 $0xFFFFF800  }
0x2a: {  	_ =	swait.ge [sflag:s16], $0x800  }
0x2b: {  	[sflag:s16] =	ssyncset.done $0x0  }
0x2c: {  	[sflag:s16] =	ssyncadd.s32 $0xFFFFF800  }
0x2d: {  	[bflag:$0x0] =	sbarrier.arrive $0xFFFF  }
0x2e: {  	s4 =	rddreg [dreg:$0x7]  }
0x2f: {  	s15 =	rddreg [dreg:$0x9]  }
0x30: {  	s25 =	simm.s32 $0x11;
	s12 =	rddreg [dreg:$0xb]  }
0x31: {  	[hbm:s4], [sflag:s15] =	dma.local [spmem:s12], $0x1400  }
0x32: {  	_ =	swait.ge [sflag:s25], $0x1400  }
0x33: {  	s14 =	rddreg [dreg:$0xc]  }
0x34: {  	s29 =	rddreg [dreg:$0x8];
	s12 =	sadd.s32 $0x1, s14  }
0x35: {  	p0 =	sne.s32 s12, s29  }
.Ltmp1:
0x36: {  	_ = 	snop;
	(pc) =	sbr.rel @!p0 .LBB2_5-.Ltmp1, $3  }
0x37: {  	_ =	sdelay $0x1  }
0x38: {  	[sflag:s25] =	ssyncset.done $0x0  }
0x39: {  	[sflag:s25] =	ssyncadd.s32 $0xFFFFEC00  }
.LBB2_1:
0x3a: {  	[dreg:$0xc] =	wrdreg s12;
	s4 =	simm.s32 $0x0  }
0x3b: {  	s10 =	rddreg [dreg:$0x5];
	s12 =	simm.s32 $0x80;
	s14 =	simm.s32 $0x400  }
0x3c: {  	[tilespmem:s4], [sflag:$0x11] =	stream.strided.gather [hbm4b:s10+s12], $0x2800, s14, s12, $0x38;
	[tilespmem:$0x13400] =	vst v63  }
0x3d: {  	_ =	swait.ge [sflag:s25], $0x2800  }
0x3e: {  	[sflag:s25] =	ssyncset.done $0x0  }
0x3f: {  	s29 =	simm.s32 $0x2800;
	s10 =	rddreg [dreg:$0x6];
	[sflag:s25] =	ssyncadd.s32 $0xFFFFD800  }
0x40: {  	[tilespmem:s29], [sflag:$0x11] =	stream.strided.gather [hbm4b:s10+s12], $0x2800, s14, s12, $0x38;
	[tilespmem:$0x13400] =	vst v63  }
0x41: {  	_ =	swait.ge [sflag:s25], $0x2800  }
0x42: {  	[sflag:s25] =	ssyncset.done $0x0;
	s10 =	rddreg [dreg:$0x4]  }
0x43: {  	s14 =	rddreg [dreg:$0xa];
	[sflag:s25] =	ssyncadd.s32 $0xFFFFD800  }
0x44: {  	[spmem:s14], [sflag:s15] =	dma.local [hbm:s10], $0x1480  }
0x45: {  	_ =	swait.ge [sflag:s25], $0x1480  }
0x46: {  	[sflag:s25] =	ssyncset.done $0x0  }
0x47: {  	[sflag:s25] =	ssyncadd.s32 $0xFFFFEB80  }
0x48: {  	[bflag:$0x0] =	sbarrier.arrive $0xFFFF  }
0x49: {  	[tilespmem:s17], [sflag:$0x1] =	stream.indirect.gather [hbm4b:s1+s16], $0x80, s4, s16, $0xb8;
	[tilespmem:$0x13400] =	vst v63  }
0x4a: {  	_ = 	snop  }
0x4b: {  	[tilespmem:s18], [sflag:$0x2] =	stream.indirect.gather [hbm4b:s1+s16], $0x80, s16, s16, $0xb8;
	[tilespmem:$0x13400] =	vst v63  }
0x4c: {  	s15 =	simm.s32 $0x20  }
0x4d: {  	[tilespmem:s20], [sflag:$0x3] =	stream.indirect.gather [hbm4b:s1+s16], $0x80, s15, s16, $0xb8;
	[tilespmem:$0x13400] =	vst v63  }
0x4e: {  	s25 =	simm.s32 $0x30  }
0x4f: {  	[tilespmem:s22], [sflag:$0x4] =	stream.indirect.gather [hbm4b:s1+s16], $0x80, s25, s16, $0xb8;
	[tilespmem:$0x13400] =	vst v63  }
0x50: {  	_ =	swait.ge [sflag:s23], $0x800  }
0x51: {  	[sflag:s23] =	ssyncset.done $0x0  }
0x52: {  	[sflag:s23] =	ssyncadd.s32 $0xFFFFF800  }
0x53: {  	[spmem:s3] =	stream.indirect.scatter.add.f32 [tilespmem:s17], [sflag:$0x9], $0x80, s29, s16, $0xb8;
	[tilespmem:$0x13400] =	vst v63  }
0x54: {  	s10 =	simm.s32 $0x40  }
0x55: {  	[tilespmem:s26], [sflag:$0x5] =	stream.indirect.gather [hbm4b:s1+s16], $0x80, s10, s16, $0xb8;
	[tilespmem:$0x13400] =	vst v63  }
0x56: {  	_ =	swait.ge [sflag:s28], $0x800  }
0x57: {  	[sflag:s28] =	ssyncset.done $0x0  }
0x58: {  	s14 =	simm.s32 $0x2810;
	[sflag:s28] =	ssyncadd.s32 $0xFFFFF800  }
0x59: {  	[spmem:s3] =	stream.indirect.scatter.add.f32 [tilespmem:s18], [sflag:$0xA], $0x80, s14, s16, $0xb8;
	[tilespmem:$0x13400] =	vst v63  }
0x5a: {  	s15 =	simm.s32 $0x50  }
0x5b: {  	[tilespmem:s31], [sflag:$0x6] =	stream.indirect.gather [hbm4b:s1+s16], $0x80, s15, s16, $0xb8;
	[tilespmem:$0x13400] =	vst v63  }
0x5c: {  	_ =	swait.ge [sflag:s2], $0x800  }
0x5d: {  	[sflag:s2] =	ssyncset.done $0x0  }
0x5e: {  	s25 =	simm.s32 $0x2820;
	[sflag:s2] =	ssyncadd.s32 $0xFFFFF800  }
0x5f: {  	[spmem:s3] =	stream.indirect.scatter.add.f32 [tilespmem:s20], [sflag:$0xB], $0x80, s25, s16, $0xb8;
	[tilespmem:$0x13400] =	vst v63  }
0x60: {  	s29 =	simm.s32 $0x60  }
0x61: {  	[tilespmem:s21], [sflag:$0x7] =	stream.indirect.gather [hbm4b:s1+s16], $0x80, s29, s16, $0xb8;
	[tilespmem:$0x13400] =	vst v63  }
0x62: {  	_ =	swait.ge [sflag:s24], $0x800  }
0x63: {  	[sflag:s24] =	ssyncset.done $0x0  }
0x64: {  	s10 =	simm.s32 $0x2830;
	[sflag:s24] =	ssyncadd.s32 $0xFFFFF800  }
0x65: {  	[spmem:s3] =	stream.indirect.scatter.add.f32 [tilespmem:s22], [sflag:$0xC], $0x80, s10, s16, $0xb8;
	[tilespmem:$0x13400] =	vst v63  }
0x66: {  	s14 =	simm.s32 $0x70  }
0x67: {  	[tilespmem:s0], [sflag:$0x8] =	stream.indirect.gather [hbm4b:s1+s16], $0x80, s14, s16, $0xb8;
	[tilespmem:$0x13400] =	vst v63  }
0x68: {  	_ =	swait.ge [sflag:s19], $0x800  }
0x69: {  	[sflag:s19] =	ssyncset.done $0x0  }
0x6a: {  	s15 =	simm.s32 $0x2840;
	[sflag:s19] =	ssyncadd.s32 $0xFFFFF800  }
0x6b: {  	[spmem:s3] =	stream.indirect.scatter.add.f32 [tilespmem:s26], [sflag:$0xD], $0x80, s15, s16, $0xb8;
	[tilespmem:$0x13400] =	vst v63  }
0x6c: {  	_ =	swait.ge [sflag:s30], $0x800  }
0x6d: {  	[sflag:s30] =	ssyncset.done $0x0  }
0x6e: {  	s25 =	simm.s32 $0x6;
	[sflag:s30] =	ssyncadd.s32 $0xFFFFF800  }
0x6f: {  	[tilespmem:s17], [sflag:$0x1] =	stream.indirect.gather [hbm4b:s1+s16], $0x80, s12, s16, $0xb8;
	[tilespmem:$0x13400] =	vst v63  }
0x70: {  	_ =	swait.ge [sflag:s25], $0x800  }
0x71: {  	[sflag:s25] =	ssyncset.done $0x0  }
0x72: {  	s29 =	simm.s32 $0x2850;
	s10 =	simm.s32 $0xA;
	[sflag:s25] =	ssyncadd.s32 $0xFFFFF800  }
0x73: {  	[spmem:s3] =	stream.indirect.scatter.add.f32 [tilespmem:s31], [sflag:$0xE], $0x80, s29, s16, $0xb8;
	[tilespmem:$0x13400] =	vst v63  }
0x74: {  	_ =	swait.ge [sflag:s10], $0x800  }
0x75: {  	[sflag:s10] =	ssyncset.done $0x0  }
0x76: {  	s12 =	simm.s32 $0x90;
	[sflag:s10] =	ssyncadd.s32 $0xFFFFF800  }
0x77: {  	[tilespmem:s18], [sflag:$0x2] =	stream.indirect.gather [hbm4b:s1+s16], $0x80, s12, s16, $0xb8;
	[tilespmem:$0x13400] =	vst v63  }
0x78: {  	_ =	swait.ge [sflag:s5], $0x800  }
0x79: {  	[sflag:s5] =	ssyncset.done $0x0  }
0x7a: {  	s14 =	simm.s32 $0x2860;
	[sflag:s5] =	ssyncadd.s32 $0xFFFFF800  }
0x7b: {  	[spmem:s3] =	stream.indirect.scatter.add.f32 [tilespmem:s21], [sflag:$0xF], $0x80, s14, s16, $0xb8;
	[tilespmem:$0x13400] =	vst v63  }
0x7c: {  	_ =	swait.ge [sflag:s6], $0x800  }
0x7d: {  	[sflag:s6] =	ssyncset.done $0x0  }
0x7e: {  	s15 =	simm.s32 $0xA0;
	[sflag:s6] =	ssyncadd.s32 $0xFFFFF800  }
0x7f: {  	[tilespmem:s20], [sflag:$0x3] =	stream.indirect.gather [hbm4b:s1+s16], $0x80, s15, s16, $0xb8;
	[tilespmem:$0x13400] =	vst v63  }
0x80: {  	_ =	swait.ge [sflag:s7], $0x800  }
0x81: {  	[sflag:s7] =	ssyncset.done $0x0  }
0x82: {  	s25 =	simm.s32 $0x2870;
	[sflag:s7] =	ssyncadd.s32 $0xFFFFF800  }
0x83: {  	[spmem:s3] =	stream.indirect.scatter.add.f32 [tilespmem:s0], [sflag:$0x10], $0x80, s25, s16, $0xb8;
	[tilespmem:$0x13400] =	vst v63  }
0x84: {  	_ =	swait.ge [sflag:s8], $0x800  }
0x85: {  	[sflag:s8] =	ssyncset.done $0x0  }
0x86: {  	s29 =	simm.s32 $0xB0;
	s25 =	simm.s32 $0x0;
	[sflag:s8] =	ssyncadd.s32 $0xFFFFF800  }
0x87: {  	[tilespmem:s22], [sflag:$0x4] =	stream.indirect.gather [hbm4b:s1+s16], $0x80, s29, s16, $0xb8;
	[tilespmem:$0x13400] =	vst v63  }
.LBB2_2:
0x88: {  	_ =	swait.ge [sflag:s23], $0x800  }
0x89: {  	s10 =	sshra.s32 s25, $0x2;
	[sflag:s23] =	ssyncset.done $0x0  }
0x8a: {  	s29 =	sadd.s32 $0x2880, s10;
	[sflag:s23] =	ssyncadd.s32 $0xFFFFF800  }
0x8b: {  	[spmem:s3] =	stream.indirect.scatter.add.f32 [tilespmem:s17], [sflag:$0x9], $0x80, s29, s16, $0xb8;
	[tilespmem:$0x13400] =	vst v63  }
0x8c: {  	_ =	swait.ge [sflag:s11], $0x800  }
0x8d: {  	[sflag:s11] =	ssyncset.done $0x0  }
0x8e: {  	s29 =	sadd.s32 $0xC0, s10;
	[sflag:s11] =	ssyncadd.s32 $0xFFFFF800  }
0x8f: {  	[tilespmem:s26], [sflag:$0x5] =	stream.indirect.gather [hbm4b:s1+s16], $0x80, s29, s16, $0xb8;
	[tilespmem:$0x13400] =	vst v63  }
0x90: {  	_ =	swait.ge [sflag:s28], $0x800  }
0x91: {  	[sflag:s28] =	ssyncset.done $0x0  }
0x92: {  	s29 =	sadd.s32 $0x2890, s10;
	[sflag:s28] =	ssyncadd.s32 $0xFFFFF800  }
0x93: {  	[spmem:s3] =	stream.indirect.scatter.add.f32 [tilespmem:s18], [sflag:$0xA], $0x80, s29, s16, $0xb8;
	[tilespmem:$0x13400] =	vst v63  }
0x94: {  	_ =	swait.ge [sflag:s9], $0x800  }
0x95: {  	[sflag:s9] =	ssyncset.done $0x0  }
0x96: {  	s29 =	sadd.s32 $0xD0, s10;
	[sflag:s9] =	ssyncadd.s32 $0xFFFFF800  }
0x97: {  	[tilespmem:s31], [sflag:$0x6] =	stream.indirect.gather [hbm4b:s1+s16], $0x80, s29, s16, $0xb8;
	[tilespmem:$0x13400] =	vst v63  }
0x98: {  	_ =	swait.ge [sflag:s2], $0x800  }
0x99: {  	[sflag:s2] =	ssyncset.done $0x0  }
0x9a: {  	s29 =	sadd.s32 $0x28A0, s10;
	[sflag:s2] =	ssyncadd.s32 $0xFFFFF800  }
0x9b: {  	[spmem:s3] =	stream.indirect.scatter.add.f32 [tilespmem:s20], [sflag:$0xB], $0x80, s29, s16, $0xb8;
	[tilespmem:$0x13400] =	vst v63  }
0x9c: {  	_ =	swait.ge [sflag:s13], $0x800  }
0x9d: {  	[sflag:s13] =	ssyncset.done $0x0  }
0x9e: {  	s29 =	sadd.s32 $0xE0, s10;
	[sflag:s13] =	ssyncadd.s32 $0xFFFFF800  }
0x9f: {  	[tilespmem:s21], [sflag:$0x7] =	stream.indirect.gather [hbm4b:s1+s16], $0x80, s29, s16, $0xb8;
	[tilespmem:$0x13400] =	vst v63  }
0xa0: {  	_ =	swait.ge [sflag:s24], $0x800  }
0xa1: {  	[sflag:s24] =	ssyncset.done $0x0  }
0xa2: {  	s29 =	sadd.s32 $0x28B0, s10;
	[sflag:s24] =	ssyncadd.s32 $0xFFFFF800  }
0xa3: {  	[spmem:s3] =	stream.indirect.scatter.add.f32 [tilespmem:s22], [sflag:$0xC], $0x80, s29, s16, $0xb8;
	[tilespmem:$0x13400] =	vst v63  }
0xa4: {  	_ =	swait.ge [sflag:s16], $0x800  }
0xa5: {  	[sflag:s16] =	ssyncset.done $0x0  }
0xa6: {  	s29 =	sadd.s32 $0xF0, s10;
	[sflag:s16] =	ssyncadd.s32 $0xFFFFF800  }
0xa7: {  	[tilespmem:s0], [sflag:$0x8] =	stream.indirect.gather [hbm4b:s1+s16], $0x80, s29, s16, $0xb8;
	[tilespmem:$0x13400] =	vst v63  }
0xa8: {  	_ =	swait.ge [sflag:s19], $0x800  }
0xa9: {  	[sflag:s19] =	ssyncset.done $0x0  }
0xaa: {  	s29 =	sadd.s32 $0x28C0, s10;
	[sflag:s19] =	ssyncadd.s32 $0xFFFFF800  }
0xab: {  	[spmem:s3] =	stream.indirect.scatter.add.f32 [tilespmem:s26], [sflag:$0xD], $0x80, s29, s16, $0xb8;
	[tilespmem:$0x13400] =	vst v63  }
0xac: {  	_ =	swait.ge [sflag:s30], $0x800  }
0xad: {  	p0 =	seq.s32 s25, $0x9C00;
	[sflag:s30] =	ssyncset.done $0x0  }
0xae: {  	s29 =	simm.s32 @p0 $0x6;
	[sflag:s30] =	ssyncadd.s32 $0xFFFFF800  }
0xaf: {  	_ =	swait.ge @p0 [sflag:s29], $0x800  }
0xb0: {  	[sflag:s29] =	ssyncset.done @p0 $0x0  }
0xb1: {  	[sflag:s29] =	ssyncadd.s32 @p0 $0xFFFFF800;
	s29 =	sshra.s32 @p0 s25, $0x2  }
0xb2: {  	s4 =	simm.s32 @p0 $0x10;
	s14 =	simm.s32 @p0 $0x7800;
	s29 =	sadd.s32 @p0 $0x28D0, s29  }
0xb3: {  	[spmem:s3] =	stream.indirect.scatter.add.f32 @p0 [tilespmem:s14], [sflag:$0xE], $0x80, s29, s4, $0xb8;
	[tilespmem:$0x13400] =	vst v63  }
0xb4: {  	s4 =	simm.s32 @p0 $0xA  }
0xb5: {  	_ =	swait.ge @p0 [sflag:s4], $0x800  }
0xb6: {  	[sflag:s4] =	ssyncset.done @p0 $0x0  }
0xb7: {  	[sflag:s4] =	ssyncadd.s32 @p0 $0xFFFFF800;
	s4 =	sshra.s32 @!p0 s25, $0x2  }
0xb8: {  	s12 =	simm.s32 @!p0 $0x5000;
	s29 =	simm.s32 @!p0 $0x10;
	s14 =	sadd.s32 @!p0 $0x100, s4  }
0xb9: {  	[tilespmem:s12], [sflag:$0x1] =	stream.indirect.gather @!p0 [hbm4b:s1+s29], $0x80, s14, s29, $0xb8;
	[tilespmem:$0x13400] =	vst v63  }
0xba: {  	s12 =	simm.s32 @!p0 $0x6  }
0xbb: {  	_ =	swait.ge @!p0 [sflag:s12], $0x800  }
0xbc: {  	[sflag:s12] =	ssyncset.done @!p0 $0x0  }
0xbd: {  	s14 =	simm.s32 @!p0 $0x7800;
	[sflag:s12] =	ssyncadd.s32 @!p0 $0xFFFFF800;
	s12 =	sadd.s32 @!p0 $0x28D0, s4  }
0xbe: {  	[spmem:s3] =	stream.indirect.scatter.add.f32 @!p0 [tilespmem:s14], [sflag:$0xE], $0x80, s12, s29, $0xb8;
	[tilespmem:$0x13400] =	vst v63  }
0xbf: {  	s12 =	simm.s32 @!p0 $0xA  }
0xc0: {  	_ =	swait.ge @!p0 [sflag:s12], $0x800  }
0xc1: {  	[sflag:s12] =	ssyncset.done @!p0 $0x0  }
0xc2: {  	s4 =	sadd.s32 @!p0 $0x110, s4;
	[sflag:s12] =	ssyncadd.s32 @!p0 $0xFFFFF800;
	s12 =	simm.s32 @!p0 $0x5800  }
0xc3: {  	[tilespmem:s12], [sflag:$0x2] =	stream.indirect.gather @!p0 [hbm4b:s1+s29], $0x80, s4, s29, $0xb8;
	[tilespmem:$0x13400] =	vst v63  }
0xc4: {  	_ =	swait.ge [sflag:s5], $0x800  }
0xc5: {  	[sflag:s5] =	ssyncset.done $0x0  }
.Ltmp2:
0xc6: {  	s15 =	sadd.s32 $0x28E0, s10;
	[sflag:s5] =	ssyncadd.s32 $0xFFFFF800;
	(pc) =	sbr.rel @p0 .LBB2_4-.Ltmp2, $4  }
0xc7: {  	[spmem:s3] =	stream.indirect.scatter.add.f32 [tilespmem:s21], [sflag:$0xF], $0x80, s15, s16, $0xb8;
	[tilespmem:$0x13400] =	vst v63  }
0xc8: {  	_ =	swait.ge [sflag:s6], $0x800  }
0xc9: {  	[sflag:s6] =	ssyncset.done $0x0  }
0xca: {  	s29 =	sadd.s32 $0x28F0, s10;
	[sflag:s6] =	ssyncadd.s32 $0xFFFFF800  }
0xcb: {  	s4 =	sadd.s32 $0x120, s10  }
0xcc: {  	[tilespmem:s20], [sflag:$0x3] =	stream.indirect.gather [hbm4b:s1+s16], $0x80, s4, s16, $0xb8;
	[tilespmem:$0x13400] =	vst v63  }
0xcd: {  	_ =	swait.ge [sflag:s7], $0x800  }
0xce: {  	[sflag:s7] =	ssyncset.done $0x0  }
0xcf: {  	[sflag:s7] =	ssyncadd.s32 $0xFFFFF800  }
0xd0: {  	[spmem:s3] =	stream.indirect.scatter.add.f32 [tilespmem:s0], [sflag:$0x10], $0x80, s29, s16, $0xb8;
	[tilespmem:$0x13400] =	vst v63  }
.Ltmp3:
0xd1: {  	_ = 	snop;
	(pc) =	sbr.rel .LBB2_2-.Ltmp3, $4  }
0xd2: {  	_ =	swait.ge [sflag:s8], $0x800  }
0xd3: {  	[sflag:s8] =	ssyncset.done $0x0  }
0xd4: {  	s25 =	sadd.s32 $0x200, s25;
	s29 =	sadd.s32 $0x130, s10;
	[sflag:s8] =	ssyncadd.s32 $0xFFFFF800  }
0xd5: {  	[tilespmem:s22], [sflag:$0x4] =	stream.indirect.gather [hbm4b:s1+s16], $0x80, s29, s16, $0xb8;
	[tilespmem:$0x13400] =	vst v63  }
.LBB2_5:
0xd6: {  	_ =	sfence.sel $0x180000  }
0xd7: {  	[bflag:$0x0] =	sbarrier.arrive $0xFFFF  }
0xd8: {  	_ =	strace $0x90000050  }
0xd9: {  	s0 =	stileid.u32;
	[bflag:$0x2] =	sbarrier.arrive $0xFFFF  }
0xda: {  	p0 =	sne.s32 s0, $0x0;
	s0 =	rddreg [dreg:$0x3]  }
0xdb: {  	s0 =	sadd.s32 @!p0 $0x100000, s0  }
0xdc: {  	[sflag:s0] =	ssyncadd.tile.s32 @!p0 $0x1;
	_ =	shalt  }
.Lfunc_end2:
_tile_overlayer_lowered:
.L_overlay_start_2:
0xdd: {  	(tag) =	ssettag $0x2  }
0xde: {  	s0 =	rddreg [dreg:$0x0];
	s2 =	stileid.u32  }
0xdf: {  	s1 =	rddreg [dreg:$0x1];
	p0 =	sne.s32 s2, $0x0  }
0xe0: {  	s3 =	rddreg [dreg:$0x2];
	[bflag:$0x3] =	sbarrier.arrive $0xFFFF;
	s2 =	simm.s32 @!p0 $0x1C11  }
0xe1: {  	[timem:s3], [sflag:s2] =	dma.local @!p0 [hbm:s0], s1  }
0xe2: {  	s0 =	simm.s32 @!p0 $0x11  }
0xe3: {  	_ =	swait.ge @!p0 [sflag:s0], s1  }
0xe4: {  	s1 =	ssub.s32 @!p0 $0x0, s1;
	[sflag:s0] =	ssyncset.done @!p0 $0x0  }
0xe5: {  	[sflag:s0] =	ssyncadd.s32 @!p0 s1  }
0xe6: {  	[bflag:$0x3] =	sbarrier.arrive $0xFFFF  }
0xe7: {  	_ =	shalt  }

// kernel: sc_gcn_scatter.15.cloned.1.call-start
scs
__scs_entry_jumppad:
0x0: {  	(pc) =	sbr.rel $0x88, $3  }
0x1: {  	(tag) =	ssettag $0x0;
	lr =	simm.s32 $0x1  }
0x2: {  	[smem:$0x3F9B] =	sst lr;
	_ =	strace $0xD0000000  }
0x3: {  	_ = 	snop  }
0x4: {  	_ = 	snop  }
0x5: {  	_ = 	snop  }
0x6: {  	_ = 	snop  }
0x7: {  	_ = 	snop  }
__scs_overlays_trampoline_lowered:
0x8: {  	[smem:$0x3FAA] =	sst s0  }
0x9: {  	[smem:$0x3FAB] =	sst s1  }
0xa: {  	[smem:$0x3FAC] =	sst s2  }
0xb: {  	[smem:$0x3FAD] =	sst s3  }
0xc: {  	[smem:$0x3FAE] =	sst s4  }
0xd: {  	[smem:$0x3FAF] =	sst s5  }
0xe: {  	[smem:$0x3FB0] =	sst s6  }
0xf: {  	[smem:$0x3FB1] =	sst s7  }
0x10: {  	[smem:$0x3FB2] =	sst s8  }
0x11: {  	[smem:$0x3FB3] =	sst s9;
	s0 =	simm.s32 @!p0 $0x0  }
0x12: {  	s1 =	sld [smem:$0x3F99];
	s0 =	simm.s32 @p0 $0x1  }
0x13: {  	[smem:$0x3FB4] =	sst s0;
	s0 =	simm.s32 @!p1 $0x0  }
0x14: {  	s2 =	sld [smem:$0x3F98];
	s0 =	simm.s32 @p1 $0x1  }
0x15: {  	[smem:$0x3FB5] =	sst s0;
	s0 =	simm.s32 @!p2 $0x0  }
0x16: {  	s3 =	sld [smem:$0x3FDB];
	s0 =	simm.s32 @p2 $0x1  }
0x17: {  	s4 =	simm.s32 $0x1BF5;
	[smem:$0x3FB7] =	sst s0  }
0x18: {  	s0 =	sld [smem:$0x3F9A];
	_ =	swait.ge [sflag:s4], $0x0  }
0x19: {  	s7 =	sld [smem:$0x3F9B]  }
0x1a: {  	s8 =	sadd.s32 $0xFFFFE003, lr  }
0x1b: {  	s9 =	sadd.s32 $0xFFFFFEF7, lr;
	s5 =	simm.s32 $0xFFFFFFFF;
	p2 =	slt.u32 s8, $0xFFFFF086  }
0x1c: {  	p1 =	slt.u32 s9, $0xF7A;
	s5 =	simm.s32 @!p2 $0x0  }
0x1d: {  	s5 =	simm.s32 @p1 $0x1;
	p0 =	seq.s32 s7, s2  }
0x1e: {  	s7 =	smul.u32 @!p0 $0xF7A, s2;
	p2 =	seq.s32 @!p0 s5, $0x0  }
0x1f: {  	s9 =	smul.u32 $0xF7A, s1;
	s8 =	simm.s32 @!p0 $0x1BF5;
	p2 =	por !p2, p0  }
0x20: {  	[sflag:s8] =	ssyncset.s32 @!p0 $0xFFFFF086;
	s6 =	sadd.s32 @!p0 s3, s7;
	s7 =	simm.s32 @!p0 $0x108  }
0x21: {  	s3 =	sadd.s32 s3, s9;
	s6 =	sadd.s32 @!p0 $0x88, s6;
	s7 =	simm.s32 @p2 $0x1082  }
0x22: {  	[simem:s7], [sflag:s8] =	dma.local @!p0 [hbm:s6], $0xF7A  }
0x23: {  	s9 =	sor.u32 $0xD0000000, s2;
	s6 =	simm.s32 $0x108;
	_ =	swait.ge @!p0 [sflag:s8], $0x0  }
0x24: {  	s3 =	sadd.s32 $0x88, s3;
	s6 =	simm.s32 @!p1 $0x1082;
	[sflag:s4] =	ssyncset.s32 $0xFFFFF086  }
0x25: {  	[simem:s6], [sflag:s4] =	dma.local [hbm:s3], $0xF7A  }
0x26: {  	[smem:$0x3F9B] =	sst s1;
	(tag) =	ssettag s2;
	_ =	strace s9  }
0x27: {  	s1 =	sld [smem:$0x3FAB]  }
0x28: {  	s2 =	sld [smem:$0x3FAC]  }
0x29: {  	s4 =	sld [smem:$0x3FAE]  }
0x2a: {  	p0 =	seq.s32 s5, $0x0;
	s5 =	sld [smem:$0x3FAF]  }
0x2b: {  	s6 =	sld [smem:$0x3FB0]  }
0x2c: {  	s7 =	sld [smem:$0x3FB1]  }
0x2d: {  	s3 =	simm.s32 $0x108;
	s8 =	sld [smem:$0x3FB2]  }
0x2e: {  	s3 =	simm.s32 @!p0 $0x1082;
	s9 =	sld [smem:$0x3FB3]  }
0x2f: {  	lr =	sadd.s32 s0, s3;
	s0 =	sld [smem:$0x3FAA]  }
0x30: {  	s3 =	sld [smem:$0x3FAD]  }
0x31: {  	[smem:$0x3FB6] =	sst s10  }
0x32: {  	s10 =	sld [smem:$0x3FB4];
	_ =	sdelay $0x3  }
0x33: {  	p0 =	seq.s32 s10, $0x1;
	s10 =	sld [smem:$0x3FB6];
	_ =	sdelay $0x3  }
0x34: {  	[smem:$0x3FB6] =	sst s10  }
0x35: {  	s10 =	sld [smem:$0x3FB5];
	_ =	sdelay $0x3  }
0x36: {  	p1 =	seq.s32 s10, $0x1;
	s10 =	sld [smem:$0x3FB6];
	_ =	sdelay $0x3  }
0x37: {  	[smem:$0x3FB6] =	sst s10  }
0x38: {  	s10 =	sld [smem:$0x3FB7]  }
0x39: {  	_ = 	snop;
	(pc) =	sbr.ind lr, $3  }
0x3a: {  	_ = 	snop  }
0x3b: {  	_ = 	snop  }
0x3c: {  	p2 =	seq.s32 s10, $0x1;
	s10 =	sld [smem:$0x3FB6]  }
0x3d: {  	_ =	shalt  }
0x3e: {  	_ =	shalt  }
0x3f: {  	_ =	shalt  }
0x40: {  	_ =	shalt  }
0x41: {  	_ =	shalt  }
0x42: {  	_ =	shalt  }
0x43: {  	_ =	shalt  }
0x44: {  	_ =	shalt  }
0x45: {  	_ =	shalt  }
0x46: {  	_ =	shalt  }
0x47: {  	_ =	shalt  }
0x48: {  	_ =	shalt  }
0x49: {  	_ =	shalt  }
0x4a: {  	_ =	shalt  }
0x4b: {  	_ =	shalt  }
0x4c: {  	_ =	shalt  }
0x4d: {  	_ =	shalt  }
0x4e: {  	_ =	shalt  }
0x4f: {  	_ =	shalt  }
0x50: {  	_ =	shalt  }
0x51: {  	_ =	shalt  }
0x52: {  	_ =	shalt  }
0x53: {  	_ =	shalt  }
0x54: {  	_ =	shalt  }
0x55: {  	_ =	shalt  }
0x56: {  	_ =	shalt  }
0x57: {  	_ =	shalt  }
0x58: {  	_ =	shalt  }
0x59: {  	_ =	shalt  }
0x5a: {  	_ =	shalt  }
0x5b: {  	_ =	shalt  }
0x5c: {  	_ =	shalt  }
0x5d: {  	_ =	shalt  }
0x5e: {  	_ =	shalt  }
0x5f: {  	_ =	shalt  }
0x60: {  	_ =	shalt  }
0x61: {  	_ =	shalt  }
0x62: {  	_ =	shalt  }
0x63: {  	_ =	shalt  }
0x64: {  	_ =	shalt  }
0x65: {  	_ =	shalt  }
0x66: {  	_ =	shalt  }
0x67: {  	_ =	shalt  }
0x68: {  	_ =	shalt  }
0x69: {  	_ =	shalt  }
0x6a: {  	_ =	shalt  }
0x6b: {  	_ =	shalt  }
0x6c: {  	_ =	shalt  }
0x6d: {  	_ =	shalt  }
0x6e: {  	_ =	shalt  }
0x6f: {  	_ =	shalt  }
0x70: {  	_ =	shalt  }
0x71: {  	_ =	shalt  }
0x72: {  	_ =	shalt  }
0x73: {  	_ =	shalt  }
0x74: {  	_ =	shalt  }
0x75: {  	_ =	shalt  }
0x76: {  	_ =	shalt  }
0x77: {  	_ =	shalt  }
0x78: {  	_ =	shalt  }
0x79: {  	_ =	shalt  }
0x7a: {  	_ =	shalt  }
0x7b: {  	_ =	shalt  }
0x7c: {  	_ =	shalt  }
0x7d: {  	_ =	shalt  }
0x7e: {  	_ =	shalt  }
0x7f: {  	_ =	shalt  }
0x80: {  	_ =	shalt  }
0x81: {  	_ =	shalt  }
0x82: {  	_ =	shalt  }
0x83: {  	_ =	shalt  }
0x84: {  	_ =	shalt  }
0x85: {  	_ =	shalt  }
0x86: {  	_ =	shalt  }
0x87: {  	_ =	shalt  }
.Lfunc_end0:
.L_simem_size_0:
called_computation.4_lowered:
.L_overlay_start_0:
0x88: {  	s2 =	sld [smem:$0x3FD9]  }
0x89: {  	s3 =	sld [smem:$0x3FFE];
	_ =	sdelay $0x1  }
0x8a: {  	s1 =	srdreg.scid  }
0x8b: {  	s0 =	sand.u32 $0x1, s1  }
0x8c: {  	s17 =	sshll.u32 s0, $0xA;
	s2 =	sadd.s32 s3, s2  }
0x8d: {  	s2 =	sadd.s32 s2, s17  }
0x8e: {  	[smem:$0x3FC2] =	sst s2  }
0x8f: {  	_ = 	snop  }
0x90: {  	s18 =	sld [smem:$0x3FD0];
	(tm) =	ssettm $0x1  }
0x91: {  	s19 =	sld [smem:$0x3FFB];
	_ =	sdelay $0x3  }
0x92: {  	_ =	strace s19  }
0x93: {  	s2 =	sld [smem:$0x3FFC];
	_ =	sdelay $0x3  }
0x94: {  	_ =	strace s2  }
0x95: {  	s2 =	sld [smem:$0x3FFD];
	_ =	sdelay $0x3  }
0x96: {  	_ =	strace s2  }
0x97: {  	_ =	strace $0x8FFFFFFF  }
0x98: {  	s20 =	sld [smem:$0x3FDB];
	_ =	sdelay $0x1  }
0x99: {  	s4 =	simm.s32 $_scs_section_size  }
0x9a: {  	s5 =	simm.s32 $_size__tile_overlayer_lowered;
	s6 =	simm.s32 $_tile_overlayer_lowered  }
0x9b: {  	s7 =	simm.s32 $0x1BFF;
	s21 =	sshll.u32 s6, $0x1;
	s4 =	sadd.s32 s4, s20  }
0x9c: {  	s22 =	simm.s32 $0x0;
	s5 =	sshll.u32 s5, $0x1;
	s6 =	sadd.s32 s21, s4  }
0x9d: {  	[timem:s22], [sflag:s7] =	dma.local [hbm:s6], s5  }
0x9e: {  	_ =	swait.ge [sflag:s7], s5  }
0x9f: {  	s5 =	ssub.s32 $0x0, s5;
	[sflag:s7] =	ssyncset.done $0x0  }
0xa0: {  	[sflag:s7] =	ssyncadd.s32 s5;
	_ =	sdelay $0x1  }
0xa1: {  	s23 =	simm.s32 $0x1B8B  }
0xa2: {  	_ =	swait.ge [sflag:s23], $0x1  }
0xa3: {  	[sflag:s23] =	ssyncset.done $0x0  }
0xa4: {  	[sflag:s23] =	ssyncadd.s32 $0xFFFFFFFF  }
0xa5: {  	s5 =	sld [smem:$0x0]  }
0xa6: {  	s6 =	sand.u32 $0xFFFFFFFE, s1  }
0xa7: {  	p0 =	sne.s32 s1, s6  }
0xa8: {  	s6 =	sshll.u32 @p0 s6, $0xE  }
0xa9: {  	s6 =	sadd.s32 @p0 $0x11B8D, s6;
	s7 =	sshll.u32 @p0 s5, $0x11  }
0xaa: {  	s6 =	sor.u32 @p0 s7, s6  }
0xab: {  	[sflag:s6] =	ssyncadd.remote.s32 @p0 $0x1;
	_ =	sdelay $0x1  }
0xac: {  	s6 =	simm.s32 @p0 $0x1B8D  }
0xad: {  	_ =	swait.eq @p0 [sflag:s6], $0x1  }
0xae: {  	[sflag:s6] =	ssyncadd.s32 @p0 $0xFFFFFFFF  }
0xaf: {  	s7 =	sshll.u32 @!p0 s1, $0xE  }
0xb0: {  	s7 =	sor.u32 @!p0 $0x4000, s7;
	s6 =	simm.s32 @!p0 $0x1B8D  }
0xb1: {  	s5 =	sshll.u32 @!p0 s5, $0x11;
	s7 =	sadd.s32 @!p0 $0x11B8D, s7;
	_ =	swait.eq @!p0 [sflag:s6], $0x1  }
0xb2: {  	s5 =	sor.u32 @!p0 s5, s7;
	[sflag:s6] =	ssyncadd.s32 @!p0 $0xFFFFFFFF  }
0xb3: {  	s25 =	simm.s32 $0x1B8E;
	s24 =	sld [smem:$0x3FFE];
	[sflag:s5] =	ssyncadd.remote.s32 @!p0 $0x1  }
0xb4: {  	s26 =	simm.s32 $execute0_lowered;
	[smem:$0x3FD2] =	sst s25  }
0xb5: {  	s6 =	sshll.u32 s26, $0x1;
	_ =	strace $0x80000052;
	[dreg:$0x1] =	wrdreg $0xFFFFFFFF  }
0xb6: {  	s28 =	simm.s32 $_size_execute0_lowered;
	s4 =	sadd.s32 s4, s6;
	[dreg:$0x0] =	wrdreg $0x0  }
0xb7: {  	s6 =	sshll.u32 s28, $0x1;
	[dreg:$0x2] =	wrdreg s4  }
0xb8: {  	[dreg:$0x3] =	wrdreg s6  }
0xb9: {  	[dreg:$0x4] =	wrdreg $0xC0  }
0xba: {  	_ =	task [dreg:s22], $0x5FFFF  }
0xbb: {  	[dreg:$0x1] =	wrdreg $0xFFFFFFFF  }
0xbc: {  	[dreg:$0x0] =	wrdreg $0x60  }
0xbd: {  	[dreg:$0x2] =	wrdreg s18  }
0xbe: {  	[dreg:$0x3] =	wrdreg s24  }
0xbf: {  	[dreg:$0x4] =	wrdreg $0x90000  }
0xc0: {  	[dreg:$0x5] =	wrdreg $0xA  }
0xc1: {  	_ =	task.clear_ibuf [dreg:s22], $0x6FFFF;
	_ =	strace $0x90000052  }
0xc2: {  	s29 =	simm.s32 $0xA;
	_ =	strace $0x80000054  }
0xc3: {  	_ =	swait.ge [sflag:s29], $0x1  }
0xc4: {  	[sflag:s29] =	ssyncadd.s32 $0xFFFFFFFF  }
0xc5: {  	_ =	strace $0x90000054  }
0xc6: {  	_ =	sfence  }
0xc7: {  	s30 =	sld [smem:$0x0];
	_ =	sdelay $0x2  }
0xc8: {  	s31 =	sshll.u32 s1, $0xD;
	s1 =	sshrl.u32 s1, $0x2  }
0xc9: {  	s4 =	sand.u32 $0x4000, s31;
	s1 =	sadd.s32 s1, s30  }
0xca: {  	s0 =	sor.u32 s4, s0;
	s1 =	sshll.u32 s1, $0x11  }
0xcb: {  	s0 =	sor.u32 s1, s0  }
0xcc: {  	s0 =	sadd.s32 $0x8F2B, s0  }
0xcd: {  	[sflag:s0] =	ssyncadd.remote.s32 $0x1  }
0xce: {  	_ =	sfence.sel $0xFFFF  }
0xcf: {  	[dreg:$0x0] =	wrdreg $0xFFFFFFFF;
	(pc) =	sbr.abs _section_cstart, $3  }
0xd0: {  	[dreg:$0x1] =	wrdreg $0xFFFFFFFF  }
0xd1: {  	_ =	task.clear_ibuf [dreg:s22], $0x2FFFF;
	_ =	strace $0x9FFFFFFF  }
0xd2: {  	(tm) =	ssettm $0x7FFFFFFF  }
0xd3: {  	_ =	shalt  }
tec
execute0_lowered:
.L_overlay_start_1:
0x0: {  	(tag) =	ssettag $0x1  }
0x1: {  	s0 =	srdreg.scid;
	s1 =	rddreg [dreg:$0x0]  }
0x2: {  	s8 =	stileid.u32;
	s4 =	rddreg [dreg:$0x1];
	s15 =	simm.s32 $0x0  }
0x3: {  	s25 =	simm.s32 $0x11;
	s28 =	simm.s32 $0x2;
	s31 =	simm.s32 $0x7800  }
0x4: {  	s30 =	simm.s32 $0x9;
	s11 =	simm.s32 $0xD;
	s9 =	simm.s32 $0xE  }
0x5: {  	s13 =	simm.s32 $0xF;
	s12 =	simm.s32 $0x0;
	s17 =	smul.u32 $0xA000, s8  }
0x6: {  	s0 =	sand.u32 $0x1, s0;
	s3 =	sshrl.u32 s8, $0x3;
	s19 =	smul.u32 $0x29000, s8  }
0x7: {  	s6 =	sshll.u32 s8, $0x7;
	[smem:$0x7FF] =	sst s15;
	s20 =	smul.u32 $0x28000, s8  }
0x8: {  	s7 =	sadd.s32 $0x22400, s4;
	s24 =	sshll.u32 s8, $0x6;
	s2 =	smul.u32 $0x28000, s0  }
0x9: {  	s8 =	simm.s32 $0xC;
	s5 =	smul.u32 $0x14000, s3;
	s3 =	rddreg [dreg:$0x2]  }
0xa: {  	s14 =	sand.u32 $0x380, s6;
	s16 =	smul.u32 $0xA0000, s0;
	_ =	strace $0x80000053  }
0xb: {  	[dreg:$0x4] =	wrdreg s7;
	s0 =	ssub.s32 $0x2, s0;
	s15 =	sor.u32 $0x1C11, s24  }
0xc: {  	s24 =	simm.s32 $0x4;
	s6 =	simm.s32 $0xB;
	s7 =	simm.s32 $0x8  }
0xd: {  	s18 =	sshrl.u32 s0, $0x1;
	s22 =	sshrl.u32 s19, $0x2;
	s23 =	sshrl.u32 s20, $0x2  }
0xe: {  	s20 =	simm.s32 $0x6000;
	s19 =	simm.s32 $0x5;
	[dreg:$0x9] =	wrdreg s15  }
0xf: {  	s2 =	sadd.s32 s2, s5;
	s5 =	sadd.s32 s17, s16;
	s0 =	ssub.s32 s0, s18  }
0x10: {  	s16 =	simm.s32 $0x10;
	s17 =	simm.s32 $0x5000;
	s2 =	sor.u32 s14, s2  }
0x11: {  	s18 =	simm.s32 $0x5800;
	s0 =	smax.u32 s0, $0x1;
	s2 =	sshrl.u32 s2, $0x3  }
0x12: {  	s5 =	sshrl.u32 s5, $0x3;
	[dreg:$0x8] =	wrdreg s0;
	s2 =	sadd.s32 s2, s4  }
0x13: {  	s0 =	simm.s32 $0x8800;
	s4 =	sadd.s32 s5, s4;
	s21 =	sadd.s32 $0x4400, s2  }
0x14: {  	s5 =	simm.s32 $0x7;
	s2 =	sadd.s32 $0x18400, s2;
	[dreg:$0x5] =	wrdreg s21  }
.Ltmp0:
0x15: {  	s4 =	sadd.s32 $0x4BA00, s4;
	[dreg:$0x6] =	wrdreg s2;
	(pc) =	sbr.rel .LBB2_1-.Ltmp0, $4  }
0x16: {  	s2 =	sadd.s32 s22, s3;
	[dreg:$0x7] =	wrdreg s4;
	s4 =	sadd.s32 s23, s3  }
0x17: {  	s22 =	simm.s32 $0x6800;
	s23 =	simm.s32 $0x1;
	s26 =	sshrl.u32 s2, $0x3  }
0x18: {  	s21 =	simm.s32 $0x8000;
	s29 =	sshrl.u32 s4, $0x3;
	[dreg:$0xa] =	wrdreg s26  }
0x19: {  	s2 =	simm.s32 $0x3;
	[dreg:$0xb] =	wrdreg s29;
	s26 =	simm.s32 $0x7000  }
.LBB2_4:
0x1a: {  	_ =	swait.ge [sflag:s7], $0x800  }
0x1b: {  	[sflag:s7] =	ssyncset.done $0x0  }
0x1c: {  	[sflag:s7] =	ssyncadd.s32 $0xFFFFF800  }
0x1d: {  	[spmem:s3] =	stream.indirect.scatter.add.f32 [tilespmem:s0], [sflag:$0x10], $0x80, s29, s16, $0xb8;
	[tilespmem:$0x13400] =	vst v63  }
0x1e: {  	_ =	swait.ge [sflag:s8], $0x800  }
0x1f: {  	[sflag:s8] =	ssyncset.done $0x0  }
0x20: {  	[sflag:s8] =	ssyncadd.s32 $0xFFFFF800  }
0x21: {  	_ =	swait.ge [sflag:s11], $0x800  }
0x22: {  	[sflag:s11] =	ssyncset.done $0x0  }
0x23: {  	[sflag:s11] =	ssyncadd.s32 $0xFFFFF800  }
0x24: {  	_ =	swait.ge [sflag:s9], $0x800  }
0x25: {  	[sflag:s9] =	ssyncset.done $0x0  }
0x26: {  	[sflag:s9] =	ssyncadd.s32 $0xFFFFF800  }
0x27: {  	_ =	swait.ge [sflag:s13], $0x800  }
0x28: {  	[sflag:s13] =	ssyncset.done $0x0  }
0x29: {  	[sflag:s13] =	ssyncadd.s32 $0xFFFFF800  }
0x2a: {  	_ =	swait.ge [sflag:s16], $0x800  }
0x2b: {  	[sflag:s16] =	ssyncset.done $0x0  }
0x2c: {  	[sflag:s16] =	ssyncadd.s32 $0xFFFFF800  }
0x2d: {  	[bflag:$0x0] =	sbarrier.arrive $0xFFFF  }
0x2e: {  	s4 =	rddreg [dreg:$0x7]  }
0x2f: {  	s15 =	rddreg [dreg:$0x9]  }
0x30: {  	s25 =	simm.s32 $0x11;
	s12 =	rddreg [dreg:$0xb]  }
0x31: {  	[hbm:s4], [sflag:s15] =	dma.local [spmem:s12], $0x1400  }
0x32: {  	_ =	swait.ge [sflag:s25], $0x1400  }
0x33: {  	s14 =	rddreg [dreg:$0xc]  }
0x34: {  	s29 =	rddreg [dreg:$0x8];
	s12 =	sadd.s32 $0x1, s14  }
0x35: {  	p0 =	sne.s32 s12, s29  }
.Ltmp1:
0x36: {  	_ = 	snop;
	(pc) =	sbr.rel @!p0 .LBB2_5-.Ltmp1, $3  }
0x37: {  	_ =	sdelay $0x1  }
0x38: {  	[sflag:s25] =	ssyncset.done $0x0  }
0x39: {  	[sflag:s25] =	ssyncadd.s32 $0xFFFFEC00  }
.LBB2_1:
0x3a: {  	[dreg:$0xc] =	wrdreg s12;
	s4 =	simm.s32 $0x0  }
0x3b: {  	s10 =	rddreg [dreg:$0x5];
	s12 =	simm.s32 $0x80;
	s14 =	simm.s32 $0x400  }
0x3c: {  	[tilespmem:s4], [sflag:$0x11] =	stream.strided.gather [hbm4b:s10+s12], $0x2800, s14, s12, $0x38;
	[tilespmem:$0x13400] =	vst v63  }
0x3d: {  	_ =	swait.ge [sflag:s25], $0x2800  }
0x3e: {  	[sflag:s25] =	ssyncset.done $0x0  }
0x3f: {  	s29 =	simm.s32 $0x2800;
	s10 =	rddreg [dreg:$0x6];
	[sflag:s25] =	ssyncadd.s32 $0xFFFFD800  }
0x40: {  	[tilespmem:s29], [sflag:$0x11] =	stream.strided.gather [hbm4b:s10+s12], $0x2800, s14, s12, $0x38;
	[tilespmem:$0x13400] =	vst v63  }
0x41: {  	_ =	swait.ge [sflag:s25], $0x2800  }
0x42: {  	[sflag:s25] =	ssyncset.done $0x0;
	s10 =	rddreg [dreg:$0x4]  }
0x43: {  	s14 =	rddreg [dreg:$0xa];
	[sflag:s25] =	ssyncadd.s32 $0xFFFFD800  }
0x44: {  	[spmem:s14], [sflag:s15] =	dma.local [hbm:s10], $0x1480  }
0x45: {  	_ =	swait.ge [sflag:s25], $0x1480  }
0x46: {  	[sflag:s25] =	ssyncset.done $0x0  }
0x47: {  	[sflag:s25] =	ssyncadd.s32 $0xFFFFEB80  }
0x48: {  	[bflag:$0x0] =	sbarrier.arrive $0xFFFF  }
0x49: {  	[tilespmem:s17], [sflag:$0x1] =	stream.indirect.gather [hbm4b:s1+s16], $0x80, s4, s16, $0xb8;
	[tilespmem:$0x13400] =	vst v63  }
0x4a: {  	_ = 	snop  }
0x4b: {  	[tilespmem:s18], [sflag:$0x2] =	stream.indirect.gather [hbm4b:s1+s16], $0x80, s16, s16, $0xb8;
	[tilespmem:$0x13400] =	vst v63  }
0x4c: {  	s15 =	simm.s32 $0x20  }
0x4d: {  	[tilespmem:s20], [sflag:$0x3] =	stream.indirect.gather [hbm4b:s1+s16], $0x80, s15, s16, $0xb8;
	[tilespmem:$0x13400] =	vst v63  }
0x4e: {  	s25 =	simm.s32 $0x30  }
0x4f: {  	[tilespmem:s22], [sflag:$0x4] =	stream.indirect.gather [hbm4b:s1+s16], $0x80, s25, s16, $0xb8;
	[tilespmem:$0x13400] =	vst v63  }
0x50: {  	_ =	swait.ge [sflag:s23], $0x800  }
0x51: {  	[sflag:s23] =	ssyncset.done $0x0  }
0x52: {  	[sflag:s23] =	ssyncadd.s32 $0xFFFFF800  }
0x53: {  	[spmem:s3] =	stream.indirect.scatter.add.f32 [tilespmem:s17], [sflag:$0x9], $0x80, s29, s16, $0xb8;
	[tilespmem:$0x13400] =	vst v63  }
0x54: {  	s10 =	simm.s32 $0x40  }
0x55: {  	[tilespmem:s26], [sflag:$0x5] =	stream.indirect.gather [hbm4b:s1+s16], $0x80, s10, s16, $0xb8;
	[tilespmem:$0x13400] =	vst v63  }
0x56: {  	_ =	swait.ge [sflag:s28], $0x800  }
0x57: {  	[sflag:s28] =	ssyncset.done $0x0  }
0x58: {  	s14 =	simm.s32 $0x2810;
	[sflag:s28] =	ssyncadd.s32 $0xFFFFF800  }
0x59: {  	[spmem:s3] =	stream.indirect.scatter.add.f32 [tilespmem:s18], [sflag:$0xA], $0x80, s14, s16, $0xb8;
	[tilespmem:$0x13400] =	vst v63  }
0x5a: {  	s15 =	simm.s32 $0x50  }
0x5b: {  	[tilespmem:s31], [sflag:$0x6] =	stream.indirect.gather [hbm4b:s1+s16], $0x80, s15, s16, $0xb8;
	[tilespmem:$0x13400] =	vst v63  }
0x5c: {  	_ =	swait.ge [sflag:s2], $0x800  }
0x5d: {  	[sflag:s2] =	ssyncset.done $0x0  }
0x5e: {  	s25 =	simm.s32 $0x2820;
	[sflag:s2] =	ssyncadd.s32 $0xFFFFF800  }
0x5f: {  	[spmem:s3] =	stream.indirect.scatter.add.f32 [tilespmem:s20], [sflag:$0xB], $0x80, s25, s16, $0xb8;
	[tilespmem:$0x13400] =	vst v63  }
0x60: {  	s29 =	simm.s32 $0x60  }
0x61: {  	[tilespmem:s21], [sflag:$0x7] =	stream.indirect.gather [hbm4b:s1+s16], $0x80, s29, s16, $0xb8;
	[tilespmem:$0x13400] =	vst v63  }
0x62: {  	_ =	swait.ge [sflag:s24], $0x800  }
0x63: {  	[sflag:s24] =	ssyncset.done $0x0  }
0x64: {  	s10 =	simm.s32 $0x2830;
	[sflag:s24] =	ssyncadd.s32 $0xFFFFF800  }
0x65: {  	[spmem:s3] =	stream.indirect.scatter.add.f32 [tilespmem:s22], [sflag:$0xC], $0x80, s10, s16, $0xb8;
	[tilespmem:$0x13400] =	vst v63  }
0x66: {  	s14 =	simm.s32 $0x70  }
0x67: {  	[tilespmem:s0], [sflag:$0x8] =	stream.indirect.gather [hbm4b:s1+s16], $0x80, s14, s16, $0xb8;
	[tilespmem:$0x13400] =	vst v63  }
0x68: {  	_ =	swait.ge [sflag:s19], $0x800  }
0x69: {  	[sflag:s19] =	ssyncset.done $0x0  }
0x6a: {  	s15 =	simm.s32 $0x2840;
	[sflag:s19] =	ssyncadd.s32 $0xFFFFF800  }
0x6b: {  	[spmem:s3] =	stream.indirect.scatter.add.f32 [tilespmem:s26], [sflag:$0xD], $0x80, s15, s16, $0xb8;
	[tilespmem:$0x13400] =	vst v63  }
0x6c: {  	_ =	swait.ge [sflag:s30], $0x800  }
0x6d: {  	[sflag:s30] =	ssyncset.done $0x0  }
0x6e: {  	s25 =	simm.s32 $0x6;
	[sflag:s30] =	ssyncadd.s32 $0xFFFFF800  }
0x6f: {  	[tilespmem:s17], [sflag:$0x1] =	stream.indirect.gather [hbm4b:s1+s16], $0x80, s12, s16, $0xb8;
	[tilespmem:$0x13400] =	vst v63  }
0x70: {  	_ =	swait.ge [sflag:s25], $0x800  }
0x71: {  	[sflag:s25] =	ssyncset.done $0x0  }
0x72: {  	s29 =	simm.s32 $0x2850;
	s10 =	simm.s32 $0xA;
	[sflag:s25] =	ssyncadd.s32 $0xFFFFF800  }
0x73: {  	[spmem:s3] =	stream.indirect.scatter.add.f32 [tilespmem:s31], [sflag:$0xE], $0x80, s29, s16, $0xb8;
	[tilespmem:$0x13400] =	vst v63  }
0x74: {  	_ =	swait.ge [sflag:s10], $0x800  }
0x75: {  	[sflag:s10] =	ssyncset.done $0x0  }
0x76: {  	s12 =	simm.s32 $0x90;
	[sflag:s10] =	ssyncadd.s32 $0xFFFFF800  }
0x77: {  	[tilespmem:s18], [sflag:$0x2] =	stream.indirect.gather [hbm4b:s1+s16], $0x80, s12, s16, $0xb8;
	[tilespmem:$0x13400] =	vst v63  }
0x78: {  	_ =	swait.ge [sflag:s5], $0x800  }
0x79: {  	[sflag:s5] =	ssyncset.done $0x0  }
0x7a: {  	s14 =	simm.s32 $0x2860;
	[sflag:s5] =	ssyncadd.s32 $0xFFFFF800  }
0x7b: {  	[spmem:s3] =	stream.indirect.scatter.add.f32 [tilespmem:s21], [sflag:$0xF], $0x80, s14, s16, $0xb8;
	[tilespmem:$0x13400] =	vst v63  }
0x7c: {  	_ =	swait.ge [sflag:s6], $0x800  }
0x7d: {  	[sflag:s6] =	ssyncset.done $0x0  }
0x7e: {  	s15 =	simm.s32 $0xA0;
	[sflag:s6] =	ssyncadd.s32 $0xFFFFF800  }
0x7f: {  	[tilespmem:s20], [sflag:$0x3] =	stream.indirect.gather [hbm4b:s1+s16], $0x80, s15, s16, $0xb8;
	[tilespmem:$0x13400] =	vst v63  }
0x80: {  	_ =	swait.ge [sflag:s7], $0x800  }
0x81: {  	[sflag:s7] =	ssyncset.done $0x0  }
0x82: {  	s25 =	simm.s32 $0x2870;
	[sflag:s7] =	ssyncadd.s32 $0xFFFFF800  }
0x83: {  	[spmem:s3] =	stream.indirect.scatter.add.f32 [tilespmem:s0], [sflag:$0x10], $0x80, s25, s16, $0xb8;
	[tilespmem:$0x13400] =	vst v63  }
0x84: {  	_ =	swait.ge [sflag:s8], $0x800  }
0x85: {  	[sflag:s8] =	ssyncset.done $0x0  }
0x86: {  	s29 =	simm.s32 $0xB0;
	s25 =	simm.s32 $0x0;
	[sflag:s8] =	ssyncadd.s32 $0xFFFFF800  }
0x87: {  	[tilespmem:s22], [sflag:$0x4] =	stream.indirect.gather [hbm4b:s1+s16], $0x80, s29, s16, $0xb8;
	[tilespmem:$0x13400] =	vst v63  }
.LBB2_2:
0x88: {  	_ =	swait.ge [sflag:s23], $0x800  }
0x89: {  	s10 =	sshra.s32 s25, $0x2;
	[sflag:s23] =	ssyncset.done $0x0  }
0x8a: {  	s29 =	sadd.s32 $0x2880, s10;
	[sflag:s23] =	ssyncadd.s32 $0xFFFFF800  }
0x8b: {  	[spmem:s3] =	stream.indirect.scatter.add.f32 [tilespmem:s17], [sflag:$0x9], $0x80, s29, s16, $0xb8;
	[tilespmem:$0x13400] =	vst v63  }
0x8c: {  	_ =	swait.ge [sflag:s11], $0x800  }
0x8d: {  	[sflag:s11] =	ssyncset.done $0x0  }
0x8e: {  	s29 =	sadd.s32 $0xC0, s10;
	[sflag:s11] =	ssyncadd.s32 $0xFFFFF800  }
0x8f: {  	[tilespmem:s26], [sflag:$0x5] =	stream.indirect.gather [hbm4b:s1+s16], $0x80, s29, s16, $0xb8;
	[tilespmem:$0x13400] =	vst v63  }
0x90: {  	_ =	swait.ge [sflag:s28], $0x800  }
0x91: {  	[sflag:s28] =	ssyncset.done $0x0  }
0x92: {  	s29 =	sadd.s32 $0x2890, s10;
	[sflag:s28] =	ssyncadd.s32 $0xFFFFF800  }
0x93: {  	[spmem:s3] =	stream.indirect.scatter.add.f32 [tilespmem:s18], [sflag:$0xA], $0x80, s29, s16, $0xb8;
	[tilespmem:$0x13400] =	vst v63  }
0x94: {  	_ =	swait.ge [sflag:s9], $0x800  }
0x95: {  	[sflag:s9] =	ssyncset.done $0x0  }
0x96: {  	s29 =	sadd.s32 $0xD0, s10;
	[sflag:s9] =	ssyncadd.s32 $0xFFFFF800  }
0x97: {  	[tilespmem:s31], [sflag:$0x6] =	stream.indirect.gather [hbm4b:s1+s16], $0x80, s29, s16, $0xb8;
	[tilespmem:$0x13400] =	vst v63  }
0x98: {  	_ =	swait.ge [sflag:s2], $0x800  }
0x99: {  	[sflag:s2] =	ssyncset.done $0x0  }
0x9a: {  	s29 =	sadd.s32 $0x28A0, s10;
	[sflag:s2] =	ssyncadd.s32 $0xFFFFF800  }
0x9b: {  	[spmem:s3] =	stream.indirect.scatter.add.f32 [tilespmem:s20], [sflag:$0xB], $0x80, s29, s16, $0xb8;
	[tilespmem:$0x13400] =	vst v63  }
0x9c: {  	_ =	swait.ge [sflag:s13], $0x800  }
0x9d: {  	[sflag:s13] =	ssyncset.done $0x0  }
0x9e: {  	s29 =	sadd.s32 $0xE0, s10;
	[sflag:s13] =	ssyncadd.s32 $0xFFFFF800  }
0x9f: {  	[tilespmem:s21], [sflag:$0x7] =	stream.indirect.gather [hbm4b:s1+s16], $0x80, s29, s16, $0xb8;
	[tilespmem:$0x13400] =	vst v63  }
0xa0: {  	_ =	swait.ge [sflag:s24], $0x800  }
0xa1: {  	[sflag:s24] =	ssyncset.done $0x0  }
0xa2: {  	s29 =	sadd.s32 $0x28B0, s10;
	[sflag:s24] =	ssyncadd.s32 $0xFFFFF800  }
0xa3: {  	[spmem:s3] =	stream.indirect.scatter.add.f32 [tilespmem:s22], [sflag:$0xC], $0x80, s29, s16, $0xb8;
	[tilespmem:$0x13400] =	vst v63  }
0xa4: {  	_ =	swait.ge [sflag:s16], $0x800  }
0xa5: {  	[sflag:s16] =	ssyncset.done $0x0  }
0xa6: {  	s29 =	sadd.s32 $0xF0, s10;
	[sflag:s16] =	ssyncadd.s32 $0xFFFFF800  }
0xa7: {  	[tilespmem:s0], [sflag:$0x8] =	stream.indirect.gather [hbm4b:s1+s16], $0x80, s29, s16, $0xb8;
	[tilespmem:$0x13400] =	vst v63  }
0xa8: {  	_ =	swait.ge [sflag:s19], $0x800  }
0xa9: {  	[sflag:s19] =	ssyncset.done $0x0  }
0xaa: {  	s29 =	sadd.s32 $0x28C0, s10;
	[sflag:s19] =	ssyncadd.s32 $0xFFFFF800  }
0xab: {  	[spmem:s3] =	stream.indirect.scatter.add.f32 [tilespmem:s26], [sflag:$0xD], $0x80, s29, s16, $0xb8;
	[tilespmem:$0x13400] =	vst v63  }
0xac: {  	_ =	swait.ge [sflag:s30], $0x800  }
0xad: {  	p0 =	seq.s32 s25, $0x9C00;
	[sflag:s30] =	ssyncset.done $0x0  }
0xae: {  	s29 =	simm.s32 @p0 $0x6;
	[sflag:s30] =	ssyncadd.s32 $0xFFFFF800  }
0xaf: {  	_ =	swait.ge @p0 [sflag:s29], $0x800  }
0xb0: {  	[sflag:s29] =	ssyncset.done @p0 $0x0  }
0xb1: {  	[sflag:s29] =	ssyncadd.s32 @p0 $0xFFFFF800;
	s29 =	sshra.s32 @p0 s25, $0x2  }
0xb2: {  	s4 =	simm.s32 @p0 $0x10;
	s14 =	simm.s32 @p0 $0x7800;
	s29 =	sadd.s32 @p0 $0x28D0, s29  }
0xb3: {  	[spmem:s3] =	stream.indirect.scatter.add.f32 @p0 [tilespmem:s14], [sflag:$0xE], $0x80, s29, s4, $0xb8;
	[tilespmem:$0x13400] =	vst v63  }
0xb4: {  	s4 =	simm.s32 @p0 $0xA  }
0xb5: {  	_ =	swait.ge @p0 [sflag:s4], $0x800  }
0xb6: {  	[sflag:s4] =	ssyncset.done @p0 $0x0  }
0xb7: {  	[sflag:s4] =	ssyncadd.s32 @p0 $0xFFFFF800;
	s4 =	sshra.s32 @!p0 s25, $0x2  }
0xb8: {  	s12 =	simm.s32 @!p0 $0x5000;
	s29 =	simm.s32 @!p0 $0x10;
	s14 =	sadd.s32 @!p0 $0x100, s4  }
0xb9: {  	[tilespmem:s12], [sflag:$0x1] =	stream.indirect.gather @!p0 [hbm4b:s1+s29], $0x80, s14, s29, $0xb8;
	[tilespmem:$0x13400] =	vst v63  }
0xba: {  	s12 =	simm.s32 @!p0 $0x6  }
0xbb: {  	_ =	swait.ge @!p0 [sflag:s12], $0x800  }
0xbc: {  	[sflag:s12] =	ssyncset.done @!p0 $0x0  }
0xbd: {  	s14 =	simm.s32 @!p0 $0x7800;
	[sflag:s12] =	ssyncadd.s32 @!p0 $0xFFFFF800;
	s12 =	sadd.s32 @!p0 $0x28D0, s4  }
0xbe: {  	[spmem:s3] =	stream.indirect.scatter.add.f32 @!p0 [tilespmem:s14], [sflag:$0xE], $0x80, s12, s29, $0xb8;
	[tilespmem:$0x13400] =	vst v63  }
0xbf: {  	s12 =	simm.s32 @!p0 $0xA  }
0xc0: {  	_ =	swait.ge @!p0 [sflag:s12], $0x800  }
0xc1: {  	[sflag:s12] =	ssyncset.done @!p0 $0x0  }
0xc2: {  	s4 =	sadd.s32 @!p0 $0x110, s4;
	[sflag:s12] =	ssyncadd.s32 @!p0 $0xFFFFF800;
	s12 =	simm.s32 @!p0 $0x5800  }
0xc3: {  	[tilespmem:s12], [sflag:$0x2] =	stream.indirect.gather @!p0 [hbm4b:s1+s29], $0x80, s4, s29, $0xb8;
	[tilespmem:$0x13400] =	vst v63  }
0xc4: {  	_ =	swait.ge [sflag:s5], $0x800  }
0xc5: {  	[sflag:s5] =	ssyncset.done $0x0  }
.Ltmp2:
0xc6: {  	s15 =	sadd.s32 $0x28E0, s10;
	[sflag:s5] =	ssyncadd.s32 $0xFFFFF800;
	(pc) =	sbr.rel @p0 .LBB2_4-.Ltmp2, $4  }
0xc7: {  	[spmem:s3] =	stream.indirect.scatter.add.f32 [tilespmem:s21], [sflag:$0xF], $0x80, s15, s16, $0xb8;
	[tilespmem:$0x13400] =	vst v63  }
0xc8: {  	_ =	swait.ge [sflag:s6], $0x800  }
0xc9: {  	[sflag:s6] =	ssyncset.done $0x0  }
0xca: {  	s29 =	sadd.s32 $0x28F0, s10;
	[sflag:s6] =	ssyncadd.s32 $0xFFFFF800  }
0xcb: {  	s4 =	sadd.s32 $0x120, s10  }
0xcc: {  	[tilespmem:s20], [sflag:$0x3] =	stream.indirect.gather [hbm4b:s1+s16], $0x80, s4, s16, $0xb8;
	[tilespmem:$0x13400] =	vst v63  }
0xcd: {  	_ =	swait.ge [sflag:s7], $0x800  }
0xce: {  	[sflag:s7] =	ssyncset.done $0x0  }
0xcf: {  	[sflag:s7] =	ssyncadd.s32 $0xFFFFF800  }
0xd0: {  	[spmem:s3] =	stream.indirect.scatter.add.f32 [tilespmem:s0], [sflag:$0x10], $0x80, s29, s16, $0xb8;
	[tilespmem:$0x13400] =	vst v63  }
.Ltmp3:
0xd1: {  	_ = 	snop;
	(pc) =	sbr.rel .LBB2_2-.Ltmp3, $4  }
0xd2: {  	_ =	swait.ge [sflag:s8], $0x800  }
0xd3: {  	[sflag:s8] =	ssyncset.done $0x0  }
0xd4: {  	s25 =	sadd.s32 $0x200, s25;
	s29 =	sadd.s32 $0x130, s10;
	[sflag:s8] =	ssyncadd.s32 $0xFFFFF800  }
0xd5: {  	[tilespmem:s22], [sflag:$0x4] =	stream.indirect.gather [hbm4b:s1+s16], $0x80, s29, s16, $0xb8;
	[tilespmem:$0x13400] =	vst v63  }
.LBB2_5:
0xd6: {  	_ =	sfence.sel $0x180000  }
0xd7: {  	[bflag:$0x0] =	sbarrier.arrive $0xFFFF  }
0xd8: {  	_ =	strace $0x90000053  }
0xd9: {  	s0 =	stileid.u32;
	[bflag:$0x2] =	sbarrier.arrive $0xFFFF  }
0xda: {  	p0 =	sne.s32 s0, $0x0;
	s0 =	rddreg [dreg:$0x3]  }
0xdb: {  	s0 =	sadd.s32 @!p0 $0x100000, s0  }
0xdc: {  	[sflag:s0] =	ssyncadd.tile.s32 @!p0 $0x1;
	_ =	shalt  }
.Lfunc_end2:
_tile_overlayer_lowered:
.L_overlay_start_2:
0xdd: {  	(tag) =	ssettag $0x2  }
0xde: {  	s0 =	rddreg [dreg:$0x0];
	s2 =	stileid.u32  }
0xdf: {  	s1 =	rddreg [dreg:$0x1];
	p0 =	sne.s32 s2, $0x0  }
0xe0: {  	s3 =	rddreg [dreg:$0x2];
	[bflag:$0x3] =	sbarrier.arrive $0xFFFF;
	s2 =	simm.s32 @!p0 $0x1C11  }
0xe1: {  	[timem:s3], [sflag:s2] =	dma.local @!p0 [hbm:s0], s1  }
0xe2: {  	s0 =	simm.s32 @!p0 $0x11  }
0xe3: {  	_ =	swait.ge @!p0 [sflag:s0], s1  }
0xe4: {  	s1 =	ssub.s32 @!p0 $0x0, s1;
	[sflag:s0] =	ssyncset.done @!p0 $0x0  }
0xe5: {  	[sflag:s0] =	ssyncadd.s32 @!p0 s1  }
0xe6: {  	[bflag:$0x3] =	sbarrier.arrive $0xFFFF  }
0xe7: {  	_ =	shalt  }

// kernel: sc_gcn_scatter.6.cloned.1.call-start
scs
__scs_entry_jumppad:
0x0: {  	(pc) =	sbr.rel $0x88, $3  }
0x1: {  	(tag) =	ssettag $0x0;
	lr =	simm.s32 $0x1  }
0x2: {  	[smem:$0x3F9B] =	sst lr;
	_ =	strace $0xD0000000  }
0x3: {  	_ = 	snop  }
0x4: {  	_ = 	snop  }
0x5: {  	_ = 	snop  }
0x6: {  	_ = 	snop  }
0x7: {  	_ = 	snop  }
__scs_overlays_trampoline_lowered:
0x8: {  	[smem:$0x3FAA] =	sst s0  }
0x9: {  	[smem:$0x3FAB] =	sst s1  }
0xa: {  	[smem:$0x3FAC] =	sst s2  }
0xb: {  	[smem:$0x3FAD] =	sst s3  }
0xc: {  	[smem:$0x3FAE] =	sst s4  }
0xd: {  	[smem:$0x3FAF] =	sst s5  }
0xe: {  	[smem:$0x3FB0] =	sst s6  }
0xf: {  	[smem:$0x3FB1] =	sst s7  }
0x10: {  	[smem:$0x3FB2] =	sst s8  }
0x11: {  	[smem:$0x3FB3] =	sst s9;
	s0 =	simm.s32 @!p0 $0x0  }
0x12: {  	s1 =	sld [smem:$0x3F99];
	s0 =	simm.s32 @p0 $0x1  }
0x13: {  	[smem:$0x3FB4] =	sst s0;
	s0 =	simm.s32 @!p1 $0x0  }
0x14: {  	s2 =	sld [smem:$0x3F98];
	s0 =	simm.s32 @p1 $0x1  }
0x15: {  	[smem:$0x3FB5] =	sst s0;
	s0 =	simm.s32 @!p2 $0x0  }
0x16: {  	s3 =	sld [smem:$0x3FDB];
	s0 =	simm.s32 @p2 $0x1  }
0x17: {  	s4 =	simm.s32 $0x1BF5;
	[smem:$0x3FB7] =	sst s0  }
0x18: {  	s0 =	sld [smem:$0x3F9A];
	_ =	swait.ge [sflag:s4], $0x0  }
0x19: {  	s7 =	sld [smem:$0x3F9B]  }
0x1a: {  	s8 =	sadd.s32 $0xFFFFE003, lr  }
0x1b: {  	s9 =	sadd.s32 $0xFFFFFEF7, lr;
	s5 =	simm.s32 $0xFFFFFFFF;
	p2 =	slt.u32 s8, $0xFFFFF086  }
0x1c: {  	p1 =	slt.u32 s9, $0xF7A;
	s5 =	simm.s32 @!p2 $0x0  }
0x1d: {  	s5 =	simm.s32 @p1 $0x1;
	p0 =	seq.s32 s7, s2  }
0x1e: {  	s7 =	smul.u32 @!p0 $0xF7A, s2;
	p2 =	seq.s32 @!p0 s5, $0x0  }
0x1f: {  	s9 =	smul.u32 $0xF7A, s1;
	s8 =	simm.s32 @!p0 $0x1BF5;
	p2 =	por !p2, p0  }
0x20: {  	[sflag:s8] =	ssyncset.s32 @!p0 $0xFFFFF086;
	s6 =	sadd.s32 @!p0 s3, s7;
	s7 =	simm.s32 @!p0 $0x108  }
0x21: {  	s3 =	sadd.s32 s3, s9;
	s6 =	sadd.s32 @!p0 $0x88, s6;
	s7 =	simm.s32 @p2 $0x1082  }
0x22: {  	[simem:s7], [sflag:s8] =	dma.local @!p0 [hbm:s6], $0xF7A  }
0x23: {  	s9 =	sor.u32 $0xD0000000, s2;
	s6 =	simm.s32 $0x108;
	_ =	swait.ge @!p0 [sflag:s8], $0x0  }
0x24: {  	s3 =	sadd.s32 $0x88, s3;
	s6 =	simm.s32 @!p1 $0x1082;
	[sflag:s4] =	ssyncset.s32 $0xFFFFF086  }
0x25: {  	[simem:s6], [sflag:s4] =	dma.local [hbm:s3], $0xF7A  }
0x26: {  	[smem:$0x3F9B] =	sst s1;
	(tag) =	ssettag s2;
	_ =	strace s9  }
0x27: {  	s1 =	sld [smem:$0x3FAB]  }
0x28: {  	s2 =	sld [smem:$0x3FAC]  }
0x29: {  	s4 =	sld [smem:$0x3FAE]  }
0x2a: {  	p0 =	seq.s32 s5, $0x0;
	s5 =	sld [smem:$0x3FAF]  }
0x2b: {  	s6 =	sld [smem:$0x3FB0]  }
0x2c: {  	s7 =	sld [smem:$0x3FB1]  }
0x2d: {  	s3 =	simm.s32 $0x108;
	s8 =	sld [smem:$0x3FB2]  }
0x2e: {  	s3 =	simm.s32 @!p0 $0x1082;
	s9 =	sld [smem:$0x3FB3]  }
0x2f: {  	lr =	sadd.s32 s0, s3;
	s0 =	sld [smem:$0x3FAA]  }
0x30: {  	s3 =	sld [smem:$0x3FAD]  }
0x31: {  	[smem:$0x3FB6] =	sst s10  }
0x32: {  	s10 =	sld [smem:$0x3FB4];
	_ =	sdelay $0x3  }
0x33: {  	p0 =	seq.s32 s10, $0x1;
	s10 =	sld [smem:$0x3FB6];
	_ =	sdelay $0x3  }
0x34: {  	[smem:$0x3FB6] =	sst s10  }
0x35: {  	s10 =	sld [smem:$0x3FB5];
	_ =	sdelay $0x3  }
0x36: {  	p1 =	seq.s32 s10, $0x1;
	s10 =	sld [smem:$0x3FB6];
	_ =	sdelay $0x3  }
0x37: {  	[smem:$0x3FB6] =	sst s10  }
0x38: {  	s10 =	sld [smem:$0x3FB7]  }
0x39: {  	_ = 	snop;
	(pc) =	sbr.ind lr, $3  }
0x3a: {  	_ = 	snop  }
0x3b: {  	_ = 	snop  }
0x3c: {  	p2 =	seq.s32 s10, $0x1;
	s10 =	sld [smem:$0x3FB6]  }
0x3d: {  	_ =	shalt  }
0x3e: {  	_ =	shalt  }
0x3f: {  	_ =	shalt  }
0x40: {  	_ =	shalt  }
0x41: {  	_ =	shalt  }
0x42: {  	_ =	shalt  }
0x43: {  	_ =	shalt  }
0x44: {  	_ =	shalt  }
0x45: {  	_ =	shalt  }
0x46: {  	_ =	shalt  }
0x47: {  	_ =	shalt  }
0x48: {  	_ =	shalt  }
0x49: {  	_ =	shalt  }
0x4a: {  	_ =	shalt  }
0x4b: {  	_ =	shalt  }
0x4c: {  	_ =	shalt  }
0x4d: {  	_ =	shalt  }
0x4e: {  	_ =	shalt  }
0x4f: {  	_ =	shalt  }
0x50: {  	_ =	shalt  }
0x51: {  	_ =	shalt  }
0x52: {  	_ =	shalt  }
0x53: {  	_ =	shalt  }
0x54: {  	_ =	shalt  }
0x55: {  	_ =	shalt  }
0x56: {  	_ =	shalt  }
0x57: {  	_ =	shalt  }
0x58: {  	_ =	shalt  }
0x59: {  	_ =	shalt  }
0x5a: {  	_ =	shalt  }
0x5b: {  	_ =	shalt  }
0x5c: {  	_ =	shalt  }
0x5d: {  	_ =	shalt  }
0x5e: {  	_ =	shalt  }
0x5f: {  	_ =	shalt  }
0x60: {  	_ =	shalt  }
0x61: {  	_ =	shalt  }
0x62: {  	_ =	shalt  }
0x63: {  	_ =	shalt  }
0x64: {  	_ =	shalt  }
0x65: {  	_ =	shalt  }
0x66: {  	_ =	shalt  }
0x67: {  	_ =	shalt  }
0x68: {  	_ =	shalt  }
0x69: {  	_ =	shalt  }
0x6a: {  	_ =	shalt  }
0x6b: {  	_ =	shalt  }
0x6c: {  	_ =	shalt  }
0x6d: {  	_ =	shalt  }
0x6e: {  	_ =	shalt  }
0x6f: {  	_ =	shalt  }
0x70: {  	_ =	shalt  }
0x71: {  	_ =	shalt  }
0x72: {  	_ =	shalt  }
0x73: {  	_ =	shalt  }
0x74: {  	_ =	shalt  }
0x75: {  	_ =	shalt  }
0x76: {  	_ =	shalt  }
0x77: {  	_ =	shalt  }
0x78: {  	_ =	shalt  }
0x79: {  	_ =	shalt  }
0x7a: {  	_ =	shalt  }
0x7b: {  	_ =	shalt  }
0x7c: {  	_ =	shalt  }
0x7d: {  	_ =	shalt  }
0x7e: {  	_ =	shalt  }
0x7f: {  	_ =	shalt  }
0x80: {  	_ =	shalt  }
0x81: {  	_ =	shalt  }
0x82: {  	_ =	shalt  }
0x83: {  	_ =	shalt  }
0x84: {  	_ =	shalt  }
0x85: {  	_ =	shalt  }
0x86: {  	_ =	shalt  }
0x87: {  	_ =	shalt  }
.Lfunc_end0:
.L_simem_size_0:
called_computation.1_lowered:
.L_overlay_start_0:
0x88: {  	s2 =	sld [smem:$0x3FD9]  }
0x89: {  	s3 =	sld [smem:$0x3FFE];
	_ =	sdelay $0x1  }
0x8a: {  	s1 =	srdreg.scid  }
0x8b: {  	s0 =	sand.u32 $0x1, s1  }
0x8c: {  	s17 =	sshll.u32 s0, $0xA;
	s2 =	sadd.s32 s3, s2  }
0x8d: {  	s2 =	sadd.s32 s2, s17  }
0x8e: {  	[smem:$0x3FC2] =	sst s2  }
0x8f: {  	_ = 	snop  }
0x90: {  	s2 =	sld [smem:$0x3FD0];
	(tm) =	ssettm $0x1  }
0x91: {  	s18 =	sld [smem:$0x3FFB];
	_ =	sdelay $0x3  }
0x92: {  	_ =	strace s18  }
0x93: {  	s3 =	sld [smem:$0x3FFC];
	_ =	sdelay $0x3  }
0x94: {  	_ =	strace s3  }
0x95: {  	s3 =	sld [smem:$0x3FFD];
	_ =	sdelay $0x3  }
0x96: {  	_ =	strace s3  }
0x97: {  	_ =	strace $0x8FFFFFFF  }
0x98: {  	s19 =	sld [smem:$0x3FDB];
	_ =	sdelay $0x1  }
0x99: {  	s4 =	simm.s32 $_scs_section_size  }
0x9a: {  	s5 =	simm.s32 $_size__tile_overlayer_lowered;
	s6 =	simm.s32 $_tile_overlayer_lowered  }
0x9b: {  	s22 =	simm.s32 $0x1BFF;
	s21 =	sshll.u32 s6, $0x1;
	s3 =	sadd.s32 s4, s19  }
0x9c: {  	s7 =	simm.s32 $0x0;
	s20 =	sshll.u32 s5, $0x1;
	s5 =	sadd.s32 s21, s3  }
0x9d: {  	[timem:s7], [sflag:s22] =	dma.local [hbm:s5], s20  }
0x9e: {  	_ =	swait.ge [sflag:s22], s20  }
0x9f: {  	s4 =	ssub.s32 $0x0, s20;
	[sflag:s22] =	ssyncset.done $0x0  }
0xa0: {  	[sflag:s22] =	ssyncadd.s32 s4;
	_ =	sdelay $0x1  }
0xa1: {  	s23 =	simm.s32 $0x1B8B  }
0xa2: {  	_ =	swait.ge [sflag:s23], $0x1  }
0xa3: {  	[sflag:s23] =	ssyncset.done $0x0  }
0xa4: {  	s25 =	simm.s32 $0x1B8E;
	s24 =	sld [smem:$0x3FFE];
	[sflag:s23] =	ssyncadd.s32 $0xFFFFFFFF  }
0xa5: {  	s26 =	simm.s32 $execute0_lowered;
	[smem:$0x3FD2] =	sst s25  }
0xa6: {  	s5 =	sshll.u32 s26, $0x1;
	_ =	strace $0x80000049;
	[dreg:$0x1] =	wrdreg $0xFFFFFFFF  }
0xa7: {  	s28 =	simm.s32 $_size_execute0_lowered;
	s3 =	sadd.s32 s3, s5;
	[dreg:$0x0] =	wrdreg $0x0  }
0xa8: {  	s5 =	sshll.u32 s28, $0x1;
	[dreg:$0x2] =	wrdreg s3  }
0xa9: {  	[dreg:$0x3] =	wrdreg s5  }
0xaa: {  	[dreg:$0x4] =	wrdreg $0xC0  }
0xab: {  	_ =	task [dreg:s7], $0x5FFFF  }
0xac: {  	[dreg:$0x1] =	wrdreg $0xFFFFFFFF  }
0xad: {  	[dreg:$0x0] =	wrdreg $0x60  }
0xae: {  	[dreg:$0x2] =	wrdreg s2  }
0xaf: {  	[dreg:$0x3] =	wrdreg s24  }
0xb0: {  	[dreg:$0x4] =	wrdreg $0x90000  }
0xb1: {  	[dreg:$0x5] =	wrdreg $0x9  }
0xb2: {  	_ =	task.clear_ibuf [dreg:s7], $0x6FFFF;
	_ =	strace $0x90000049  }
0xb3: {  	s29 =	simm.s32 $0x9;
	_ =	strace $0x8000004B  }
0xb4: {  	_ =	swait.ge [sflag:s29], $0x1  }
0xb5: {  	[sflag:s29] =	ssyncadd.s32 $0xFFFFFFFF  }
0xb6: {  	_ =	strace $0x9000004B  }
0xb7: {  	_ =	sfence  }
0xb8: {  	s30 =	sld [smem:$0x0];
	_ =	sdelay $0x2  }
0xb9: {  	s31 =	sshll.u32 s1, $0xD;
	s1 =	sshrl.u32 s1, $0x2  }
0xba: {  	s3 =	sand.u32 $0x4000, s31;
	s1 =	sadd.s32 s1, s30  }
0xbb: {  	s0 =	sor.u32 s3, s0;
	s1 =	sshll.u32 s1, $0x11  }
0xbc: {  	s0 =	sor.u32 s1, s0  }
0xbd: {  	s0 =	sadd.s32 $0x8F2B, s0  }
0xbe: {  	[sflag:s0] =	ssyncadd.remote.s32 $0x1  }
0xbf: {  	_ =	sfence.sel $0xFFFF  }
0xc0: {  	[dreg:$0x0] =	wrdreg $0xFFFFFFFF;
	(pc) =	sbr.abs _section_cstart, $3  }
0xc1: {  	[dreg:$0x1] =	wrdreg $0xFFFFFFFF  }
0xc2: {  	_ =	task.clear_ibuf [dreg:s7], $0x2FFFF;
	_ =	strace $0x9FFFFFFF  }
0xc3: {  	(tm) =	ssettm $0x7FFFFFFF  }
tec
execute0_lowered:
.L_overlay_start_1:
0x0: {  	(tag) =	ssettag $0x1  }
0x1: {  	s0 =	srdreg.scid;
	s1 =	rddreg [dreg:$0x0]  }
0x2: {  	s8 =	stileid.u32;
	s4 =	rddreg [dreg:$0x1];
	s15 =	simm.s32 $0x0  }
0x3: {  	s25 =	simm.s32 $0x11;
	s28 =	simm.s32 $0x2;
	s31 =	simm.s32 $0x7800  }
0x4: {  	s30 =	simm.s32 $0x9;
	s11 =	simm.s32 $0xD;
	s9 =	simm.s32 $0xE  }
0x5: {  	s13 =	simm.s32 $0xF;
	s12 =	simm.s32 $0x0;
	s17 =	smul.u32 $0xA000, s8  }
0x6: {  	s0 =	sand.u32 $0x1, s0;
	s3 =	sshrl.u32 s8, $0x3;
	s19 =	smul.u32 $0x29000, s8  }
0x7: {  	s6 =	sshll.u32 s8, $0x7;
	[smem:$0x7FF] =	sst s15;
	s20 =	smul.u32 $0x28000, s8  }
0x8: {  	s7 =	sadd.s32 $0x22400, s4;
	s24 =	sshll.u32 s8, $0x6;
	s2 =	smul.u32 $0x28000, s0  }
0x9: {  	s8 =	simm.s32 $0xC;
	s5 =	smul.u32 $0x14000, s3;
	s3 =	rddreg [dreg:$0x2]  }
0xa: {  	s14 =	sand.u32 $0x380, s6;
	s16 =	smul.u32 $0xA0000, s0;
	_ =	strace $0x8000004A  }
0xb: {  	[dreg:$0x4] =	wrdreg s7;
	s0 =	ssub.s32 $0x2, s0;
	s15 =	sor.u32 $0x1C11, s24  }
0xc: {  	s24 =	simm.s32 $0x4;
	s6 =	simm.s32 $0xB;
	s7 =	simm.s32 $0x8  }
0xd: {  	s18 =	sshrl.u32 s0, $0x1;
	s22 =	sshrl.u32 s19, $0x2;
	s23 =	sshrl.u32 s20, $0x2  }
0xe: {  	s20 =	simm.s32 $0x6000;
	s19 =	simm.s32 $0x5;
	[dreg:$0x9] =	wrdreg s15  }
0xf: {  	s2 =	sadd.s32 s2, s5;
	s5 =	sadd.s32 s17, s16;
	s0 =	ssub.s32 s0, s18  }
0x10: {  	s16 =	simm.s32 $0x10;
	s17 =	simm.s32 $0x5000;
	s2 =	sor.u32 s14, s2  }
0x11: {  	s18 =	simm.s32 $0x5800;
	s0 =	smax.u32 s0, $0x1;
	s2 =	sshrl.u32 s2, $0x3  }
0x12: {  	s5 =	sshrl.u32 s5, $0x3;
	[dreg:$0x8] =	wrdreg s0;
	s2 =	sadd.s32 s2, s4  }
0x13: {  	s0 =	simm.s32 $0x8800;
	s4 =	sadd.s32 s5, s4;
	s21 =	sadd.s32 $0x4400, s2  }
0x14: {  	s5 =	simm.s32 $0x7;
	s2 =	sadd.s32 $0xE400, s2;
	[dreg:$0x5] =	wrdreg s21  }
.Ltmp0:
0x15: {  	s4 =	sadd.s32 $0x23A00, s4;
	[dreg:$0x6] =	wrdreg s2;
	(pc) =	sbr.rel .LBB2_1-.Ltmp0, $4  }
0x16: {  	s2 =	sadd.s32 s22, s3;
	[dreg:$0x7] =	wrdreg s4;
	s4 =	sadd.s32 s23, s3  }
0x17: {  	s22 =	simm.s32 $0x6800;
	s23 =	simm.s32 $0x1;
	s26 =	sshrl.u32 s2, $0x3  }
0x18: {  	s21 =	simm.s32 $0x8000;
	s29 =	sshrl.u32 s4, $0x3;
	[dreg:$0xa] =	wrdreg s26  }
0x19: {  	s2 =	simm.s32 $0x3;
	[dreg:$0xb] =	wrdreg s29;
	s26 =	simm.s32 $0x7000  }
.LBB2_4:
0x1a: {  	_ =	swait.ge [sflag:s7], $0x800  }
0x1b: {  	[sflag:s7] =	ssyncset.done $0x0  }
0x1c: {  	[sflag:s7] =	ssyncadd.s32 $0xFFFFF800  }
0x1d: {  	[spmem:s3] =	stream.indirect.scatter.add.f32 [tilespmem:s0], [sflag:$0x10], $0x80, s29, s16, $0xb8;
	[tilespmem:$0x13400] =	vst v63  }
0x1e: {  	_ =	swait.ge [sflag:s8], $0x800  }
0x1f: {  	[sflag:s8] =	ssyncset.done $0x0  }
0x20: {  	[sflag:s8] =	ssyncadd.s32 $0xFFFFF800  }
0x21: {  	_ =	swait.ge [sflag:s11], $0x800  }
0x22: {  	[sflag:s11] =	ssyncset.done $0x0  }
0x23: {  	[sflag:s11] =	ssyncadd.s32 $0xFFFFF800  }
0x24: {  	_ =	swait.ge [sflag:s9], $0x800  }
0x25: {  	[sflag:s9] =	ssyncset.done $0x0  }
0x26: {  	[sflag:s9] =	ssyncadd.s32 $0xFFFFF800  }
0x27: {  	_ =	swait.ge [sflag:s13], $0x800  }
0x28: {  	[sflag:s13] =	ssyncset.done $0x0  }
0x29: {  	[sflag:s13] =	ssyncadd.s32 $0xFFFFF800  }
0x2a: {  	_ =	swait.ge [sflag:s16], $0x800  }
0x2b: {  	[sflag:s16] =	ssyncset.done $0x0  }
0x2c: {  	[sflag:s16] =	ssyncadd.s32 $0xFFFFF800  }
0x2d: {  	[bflag:$0x0] =	sbarrier.arrive $0xFFFF  }
0x2e: {  	s4 =	rddreg [dreg:$0x7]  }
0x2f: {  	s15 =	rddreg [dreg:$0x9]  }
0x30: {  	s25 =	simm.s32 $0x11;
	s12 =	rddreg [dreg:$0xb]  }
0x31: {  	[hbm:s4], [sflag:s15] =	dma.local [spmem:s12], $0x1400  }
0x32: {  	_ =	swait.ge [sflag:s25], $0x1400  }
0x33: {  	s14 =	rddreg [dreg:$0xc]  }
0x34: {  	s29 =	rddreg [dreg:$0x8];
	s12 =	sadd.s32 $0x1, s14  }
0x35: {  	p0 =	sne.s32 s12, s29  }
.Ltmp1:
0x36: {  	_ = 	snop;
	(pc) =	sbr.rel @!p0 .LBB2_5-.Ltmp1, $3  }
0x37: {  	_ =	sdelay $0x1  }
0x38: {  	[sflag:s25] =	ssyncset.done $0x0  }
0x39: {  	[sflag:s25] =	ssyncadd.s32 $0xFFFFEC00  }
.LBB2_1:
0x3a: {  	[dreg:$0xc] =	wrdreg s12;
	s4 =	simm.s32 $0x0  }
0x3b: {  	s10 =	rddreg [dreg:$0x5];
	s12 =	simm.s32 $0x80;
	s14 =	simm.s32 $0x400  }
0x3c: {  	[tilespmem:s4], [sflag:$0x11] =	stream.strided.gather [hbm4b:s10+s12], $0x2800, s14, s12, $0x38;
	[tilespmem:$0x13400] =	vst v63  }
0x3d: {  	_ =	swait.ge [sflag:s25], $0x2800  }
0x3e: {  	[sflag:s25] =	ssyncset.done $0x0  }
0x3f: {  	s29 =	simm.s32 $0x2800;
	s10 =	rddreg [dreg:$0x6];
	[sflag:s25] =	ssyncadd.s32 $0xFFFFD800  }
0x40: {  	[tilespmem:s29], [sflag:$0x11] =	stream.strided.gather [hbm4b:s10+s12], $0x2800, s14, s12, $0x38;
	[tilespmem:$0x13400] =	vst v63  }
0x41: {  	_ =	swait.ge [sflag:s25], $0x2800  }
0x42: {  	[sflag:s25] =	ssyncset.done $0x0;
	s10 =	rddreg [dreg:$0x4]  }
0x43: {  	s14 =	rddreg [dreg:$0xa];
	[sflag:s25] =	ssyncadd.s32 $0xFFFFD800  }
0x44: {  	[spmem:s14], [sflag:s15] =	dma.local [hbm:s10], $0x1480  }
0x45: {  	_ =	swait.ge [sflag:s25], $0x1480  }
0x46: {  	[sflag:s25] =	ssyncset.done $0x0  }
0x47: {  	[sflag:s25] =	ssyncadd.s32 $0xFFFFEB80  }
0x48: {  	[bflag:$0x0] =	sbarrier.arrive $0xFFFF  }
0x49: {  	[tilespmem:s17], [sflag:$0x1] =	stream.indirect.gather [hbm4b:s1+s16], $0x80, s4, s16, $0xb8;
	[tilespmem:$0x13400] =	vst v63  }
0x4a: {  	_ = 	snop  }
0x4b: {  	[tilespmem:s18], [sflag:$0x2] =	stream.indirect.gather [hbm4b:s1+s16], $0x80, s16, s16, $0xb8;
	[tilespmem:$0x13400] =	vst v63  }
0x4c: {  	s15 =	simm.s32 $0x20  }
0x4d: {  	[tilespmem:s20], [sflag:$0x3] =	stream.indirect.gather [hbm4b:s1+s16], $0x80, s15, s16, $0xb8;
	[tilespmem:$0x13400] =	vst v63  }
0x4e: {  	s25 =	simm.s32 $0x30  }
0x4f: {  	[tilespmem:s22], [sflag:$0x4] =	stream.indirect.gather [hbm4b:s1+s16], $0x80, s25, s16, $0xb8;
	[tilespmem:$0x13400] =	vst v63  }
0x50: {  	_ =	swait.ge [sflag:s23], $0x800  }
0x51: {  	[sflag:s23] =	ssyncset.done $0x0  }
0x52: {  	[sflag:s23] =	ssyncadd.s32 $0xFFFFF800  }
0x53: {  	[spmem:s3] =	stream.indirect.scatter.add.f32 [tilespmem:s17], [sflag:$0x9], $0x80, s29, s16, $0xb8;
	[tilespmem:$0x13400] =	vst v63  }
0x54: {  	s10 =	simm.s32 $0x40  }
0x55: {  	[tilespmem:s26], [sflag:$0x5] =	stream.indirect.gather [hbm4b:s1+s16], $0x80, s10, s16, $0xb8;
	[tilespmem:$0x13400] =	vst v63  }
0x56: {  	_ =	swait.ge [sflag:s28], $0x800  }
0x57: {  	[sflag:s28] =	ssyncset.done $0x0  }
0x58: {  	s14 =	simm.s32 $0x2810;
	[sflag:s28] =	ssyncadd.s32 $0xFFFFF800  }
0x59: {  	[spmem:s3] =	stream.indirect.scatter.add.f32 [tilespmem:s18], [sflag:$0xA], $0x80, s14, s16, $0xb8;
	[tilespmem:$0x13400] =	vst v63  }
0x5a: {  	s15 =	simm.s32 $0x50  }
0x5b: {  	[tilespmem:s31], [sflag:$0x6] =	stream.indirect.gather [hbm4b:s1+s16], $0x80, s15, s16, $0xb8;
	[tilespmem:$0x13400] =	vst v63  }
0x5c: {  	_ =	swait.ge [sflag:s2], $0x800  }
0x5d: {  	[sflag:s2] =	ssyncset.done $0x0  }
0x5e: {  	s25 =	simm.s32 $0x2820;
	[sflag:s2] =	ssyncadd.s32 $0xFFFFF800  }
0x5f: {  	[spmem:s3] =	stream.indirect.scatter.add.f32 [tilespmem:s20], [sflag:$0xB], $0x80, s25, s16, $0xb8;
	[tilespmem:$0x13400] =	vst v63  }
0x60: {  	s29 =	simm.s32 $0x60  }
0x61: {  	[tilespmem:s21], [sflag:$0x7] =	stream.indirect.gather [hbm4b:s1+s16], $0x80, s29, s16, $0xb8;
	[tilespmem:$0x13400] =	vst v63  }
0x62: {  	_ =	swait.ge [sflag:s24], $0x800  }
0x63: {  	[sflag:s24] =	ssyncset.done $0x0  }
0x64: {  	s10 =	simm.s32 $0x2830;
	[sflag:s24] =	ssyncadd.s32 $0xFFFFF800  }
0x65: {  	[spmem:s3] =	stream.indirect.scatter.add.f32 [tilespmem:s22], [sflag:$0xC], $0x80, s10, s16, $0xb8;
	[tilespmem:$0x13400] =	vst v63  }
0x66: {  	s14 =	simm.s32 $0x70  }
0x67: {  	[tilespmem:s0], [sflag:$0x8] =	stream.indirect.gather [hbm4b:s1+s16], $0x80, s14, s16, $0xb8;
	[tilespmem:$0x13400] =	vst v63  }
0x68: {  	_ =	swait.ge [sflag:s19], $0x800  }
0x69: {  	[sflag:s19] =	ssyncset.done $0x0  }
0x6a: {  	s15 =	simm.s32 $0x2840;
	[sflag:s19] =	ssyncadd.s32 $0xFFFFF800  }
0x6b: {  	[spmem:s3] =	stream.indirect.scatter.add.f32 [tilespmem:s26], [sflag:$0xD], $0x80, s15, s16, $0xb8;
	[tilespmem:$0x13400] =	vst v63  }
0x6c: {  	_ =	swait.ge [sflag:s30], $0x800  }
0x6d: {  	[sflag:s30] =	ssyncset.done $0x0  }
0x6e: {  	s25 =	simm.s32 $0x6;
	[sflag:s30] =	ssyncadd.s32 $0xFFFFF800  }
0x6f: {  	[tilespmem:s17], [sflag:$0x1] =	stream.indirect.gather [hbm4b:s1+s16], $0x80, s12, s16, $0xb8;
	[tilespmem:$0x13400] =	vst v63  }
0x70: {  	_ =	swait.ge [sflag:s25], $0x800  }
0x71: {  	[sflag:s25] =	ssyncset.done $0x0  }
0x72: {  	s29 =	simm.s32 $0x2850;
	s10 =	simm.s32 $0xA;
	[sflag:s25] =	ssyncadd.s32 $0xFFFFF800  }
0x73: {  	[spmem:s3] =	stream.indirect.scatter.add.f32 [tilespmem:s31], [sflag:$0xE], $0x80, s29, s16, $0xb8;
	[tilespmem:$0x13400] =	vst v63  }
0x74: {  	_ =	swait.ge [sflag:s10], $0x800  }
0x75: {  	[sflag:s10] =	ssyncset.done $0x0  }
0x76: {  	s12 =	simm.s32 $0x90;
	[sflag:s10] =	ssyncadd.s32 $0xFFFFF800  }
0x77: {  	[tilespmem:s18], [sflag:$0x2] =	stream.indirect.gather [hbm4b:s1+s16], $0x80, s12, s16, $0xb8;
	[tilespmem:$0x13400] =	vst v63  }
0x78: {  	_ =	swait.ge [sflag:s5], $0x800  }
0x79: {  	[sflag:s5] =	ssyncset.done $0x0  }
0x7a: {  	s14 =	simm.s32 $0x2860;
	[sflag:s5] =	ssyncadd.s32 $0xFFFFF800  }
0x7b: {  	[spmem:s3] =	stream.indirect.scatter.add.f32 [tilespmem:s21], [sflag:$0xF], $0x80, s14, s16, $0xb8;
	[tilespmem:$0x13400] =	vst v63  }
0x7c: {  	_ =	swait.ge [sflag:s6], $0x800  }
0x7d: {  	[sflag:s6] =	ssyncset.done $0x0  }
0x7e: {  	s15 =	simm.s32 $0xA0;
	[sflag:s6] =	ssyncadd.s32 $0xFFFFF800  }
0x7f: {  	[tilespmem:s20], [sflag:$0x3] =	stream.indirect.gather [hbm4b:s1+s16], $0x80, s15, s16, $0xb8;
	[tilespmem:$0x13400] =	vst v63  }
0x80: {  	_ =	swait.ge [sflag:s7], $0x800  }
0x81: {  	[sflag:s7] =	ssyncset.done $0x0  }
0x82: {  	s25 =	simm.s32 $0x2870;
	[sflag:s7] =	ssyncadd.s32 $0xFFFFF800  }
0x83: {  	[spmem:s3] =	stream.indirect.scatter.add.f32 [tilespmem:s0], [sflag:$0x10], $0x80, s25, s16, $0xb8;
	[tilespmem:$0x13400] =	vst v63  }
0x84: {  	_ =	swait.ge [sflag:s8], $0x800  }
0x85: {  	[sflag:s8] =	ssyncset.done $0x0  }
0x86: {  	s29 =	simm.s32 $0xB0;
	s25 =	simm.s32 $0x0;
	[sflag:s8] =	ssyncadd.s32 $0xFFFFF800  }
0x87: {  	[tilespmem:s22], [sflag:$0x4] =	stream.indirect.gather [hbm4b:s1+s16], $0x80, s29, s16, $0xb8;
	[tilespmem:$0x13400] =	vst v63  }
.LBB2_2:
0x88: {  	_ =	swait.ge [sflag:s23], $0x800  }
0x89: {  	s10 =	sshra.s32 s25, $0x2;
	[sflag:s23] =	ssyncset.done $0x0  }
0x8a: {  	s29 =	sadd.s32 $0x2880, s10;
	[sflag:s23] =	ssyncadd.s32 $0xFFFFF800  }
0x8b: {  	[spmem:s3] =	stream.indirect.scatter.add.f32 [tilespmem:s17], [sflag:$0x9], $0x80, s29, s16, $0xb8;
	[tilespmem:$0x13400] =	vst v63  }
0x8c: {  	_ =	swait.ge [sflag:s11], $0x800  }
0x8d: {  	[sflag:s11] =	ssyncset.done $0x0  }
0x8e: {  	s29 =	sadd.s32 $0xC0, s10;
	[sflag:s11] =	ssyncadd.s32 $0xFFFFF800  }
0x8f: {  	[tilespmem:s26], [sflag:$0x5] =	stream.indirect.gather [hbm4b:s1+s16], $0x80, s29, s16, $0xb8;
	[tilespmem:$0x13400] =	vst v63  }
0x90: {  	_ =	swait.ge [sflag:s28], $0x800  }
0x91: {  	[sflag:s28] =	ssyncset.done $0x0  }
0x92: {  	s29 =	sadd.s32 $0x2890, s10;
	[sflag:s28] =	ssyncadd.s32 $0xFFFFF800  }
0x93: {  	[spmem:s3] =	stream.indirect.scatter.add.f32 [tilespmem:s18], [sflag:$0xA], $0x80, s29, s16, $0xb8;
	[tilespmem:$0x13400] =	vst v63  }
0x94: {  	_ =	swait.ge [sflag:s9], $0x800  }
0x95: {  	[sflag:s9] =	ssyncset.done $0x0  }
0x96: {  	s29 =	sadd.s32 $0xD0, s10;
	[sflag:s9] =	ssyncadd.s32 $0xFFFFF800  }
0x97: {  	[tilespmem:s31], [sflag:$0x6] =	stream.indirect.gather [hbm4b:s1+s16], $0x80, s29, s16, $0xb8;
	[tilespmem:$0x13400] =	vst v63  }
0x98: {  	_ =	swait.ge [sflag:s2], $0x800  }
0x99: {  	[sflag:s2] =	ssyncset.done $0x0  }
0x9a: {  	s29 =	sadd.s32 $0x28A0, s10;
	[sflag:s2] =	ssyncadd.s32 $0xFFFFF800  }
0x9b: {  	[spmem:s3] =	stream.indirect.scatter.add.f32 [tilespmem:s20], [sflag:$0xB], $0x80, s29, s16, $0xb8;
	[tilespmem:$0x13400] =	vst v63  }
0x9c: {  	_ =	swait.ge [sflag:s13], $0x800  }
0x9d: {  	[sflag:s13] =	ssyncset.done $0x0  }
0x9e: {  	s29 =	sadd.s32 $0xE0, s10;
	[sflag:s13] =	ssyncadd.s32 $0xFFFFF800  }
0x9f: {  	[tilespmem:s21], [sflag:$0x7] =	stream.indirect.gather [hbm4b:s1+s16], $0x80, s29, s16, $0xb8;
	[tilespmem:$0x13400] =	vst v63  }
0xa0: {  	_ =	swait.ge [sflag:s24], $0x800  }
0xa1: {  	[sflag:s24] =	ssyncset.done $0x0  }
0xa2: {  	s29 =	sadd.s32 $0x28B0, s10;
	[sflag:s24] =	ssyncadd.s32 $0xFFFFF800  }
0xa3: {  	[spmem:s3] =	stream.indirect.scatter.add.f32 [tilespmem:s22], [sflag:$0xC], $0x80, s29, s16, $0xb8;
	[tilespmem:$0x13400] =	vst v63  }
0xa4: {  	_ =	swait.ge [sflag:s16], $0x800  }
0xa5: {  	[sflag:s16] =	ssyncset.done $0x0  }
0xa6: {  	s29 =	sadd.s32 $0xF0, s10;
	[sflag:s16] =	ssyncadd.s32 $0xFFFFF800  }
0xa7: {  	[tilespmem:s0], [sflag:$0x8] =	stream.indirect.gather [hbm4b:s1+s16], $0x80, s29, s16, $0xb8;
	[tilespmem:$0x13400] =	vst v63  }
0xa8: {  	_ =	swait.ge [sflag:s19], $0x800  }
0xa9: {  	[sflag:s19] =	ssyncset.done $0x0  }
0xaa: {  	s29 =	sadd.s32 $0x28C0, s10;
	[sflag:s19] =	ssyncadd.s32 $0xFFFFF800  }
0xab: {  	[spmem:s3] =	stream.indirect.scatter.add.f32 [tilespmem:s26], [sflag:$0xD], $0x80, s29, s16, $0xb8;
	[tilespmem:$0x13400] =	vst v63  }
0xac: {  	_ =	swait.ge [sflag:s30], $0x800  }
0xad: {  	p0 =	seq.s32 s25, $0x9C00;
	[sflag:s30] =	ssyncset.done $0x0  }
0xae: {  	s29 =	simm.s32 @p0 $0x6;
	[sflag:s30] =	ssyncadd.s32 $0xFFFFF800  }
0xaf: {  	_ =	swait.ge @p0 [sflag:s29], $0x800  }
0xb0: {  	[sflag:s29] =	ssyncset.done @p0 $0x0  }
0xb1: {  	[sflag:s29] =	ssyncadd.s32 @p0 $0xFFFFF800;
	s29 =	sshra.s32 @p0 s25, $0x2  }
0xb2: {  	s4 =	simm.s32 @p0 $0x10;
	s14 =	simm.s32 @p0 $0x7800;
	s29 =	sadd.s32 @p0 $0x28D0, s29  }
0xb3: {  	[spmem:s3] =	stream.indirect.scatter.add.f32 @p0 [tilespmem:s14], [sflag:$0xE], $0x80, s29, s4, $0xb8;
	[tilespmem:$0x13400] =	vst v63  }
0xb4: {  	s4 =	simm.s32 @p0 $0xA  }
0xb5: {  	_ =	swait.ge @p0 [sflag:s4], $0x800  }
0xb6: {  	[sflag:s4] =	ssyncset.done @p0 $0x0  }
0xb7: {  	[sflag:s4] =	ssyncadd.s32 @p0 $0xFFFFF800;
	s4 =	sshra.s32 @!p0 s25, $0x2  }
0xb8: {  	s12 =	simm.s32 @!p0 $0x5000;
	s29 =	simm.s32 @!p0 $0x10;
	s14 =	sadd.s32 @!p0 $0x100, s4  }
0xb9: {  	[tilespmem:s12], [sflag:$0x1] =	stream.indirect.gather @!p0 [hbm4b:s1+s29], $0x80, s14, s29, $0xb8;
	[tilespmem:$0x13400] =	vst v63  }
0xba: {  	s12 =	simm.s32 @!p0 $0x6  }
0xbb: {  	_ =	swait.ge @!p0 [sflag:s12], $0x800  }
0xbc: {  	[sflag:s12] =	ssyncset.done @!p0 $0x0  }
0xbd: {  	s14 =	simm.s32 @!p0 $0x7800;
	[sflag:s12] =	ssyncadd.s32 @!p0 $0xFFFFF800;
	s12 =	sadd.s32 @!p0 $0x28D0, s4  }
0xbe: {  	[spmem:s3] =	stream.indirect.scatter.add.f32 @!p0 [tilespmem:s14], [sflag:$0xE], $0x80, s12, s29, $0xb8;
	[tilespmem:$0x13400] =	vst v63  }
0xbf: {  	s12 =	simm.s32 @!p0 $0xA  }
0xc0: {  	_ =	swait.ge @!p0 [sflag:s12], $0x800  }
0xc1: {  	[sflag:s12] =	ssyncset.done @!p0 $0x0  }
0xc2: {  	s4 =	sadd.s32 @!p0 $0x110, s4;
	[sflag:s12] =	ssyncadd.s32 @!p0 $0xFFFFF800;
	s12 =	simm.s32 @!p0 $0x5800  }
0xc3: {  	[tilespmem:s12], [sflag:$0x2] =	stream.indirect.gather @!p0 [hbm4b:s1+s29], $0x80, s4, s29, $0xb8;
	[tilespmem:$0x13400] =	vst v63  }
0xc4: {  	_ =	swait.ge [sflag:s5], $0x800  }
0xc5: {  	[sflag:s5] =	ssyncset.done $0x0  }
.Ltmp2:
0xc6: {  	s15 =	sadd.s32 $0x28E0, s10;
	[sflag:s5] =	ssyncadd.s32 $0xFFFFF800;
	(pc) =	sbr.rel @p0 .LBB2_4-.Ltmp2, $4  }
0xc7: {  	[spmem:s3] =	stream.indirect.scatter.add.f32 [tilespmem:s21], [sflag:$0xF], $0x80, s15, s16, $0xb8;
	[tilespmem:$0x13400] =	vst v63  }
0xc8: {  	_ =	swait.ge [sflag:s6], $0x800  }
0xc9: {  	[sflag:s6] =	ssyncset.done $0x0  }
0xca: {  	s29 =	sadd.s32 $0x28F0, s10;
	[sflag:s6] =	ssyncadd.s32 $0xFFFFF800  }
0xcb: {  	s4 =	sadd.s32 $0x120, s10  }
0xcc: {  	[tilespmem:s20], [sflag:$0x3] =	stream.indirect.gather [hbm4b:s1+s16], $0x80, s4, s16, $0xb8;
	[tilespmem:$0x13400] =	vst v63  }
0xcd: {  	_ =	swait.ge [sflag:s7], $0x800  }
0xce: {  	[sflag:s7] =	ssyncset.done $0x0  }
0xcf: {  	[sflag:s7] =	ssyncadd.s32 $0xFFFFF800  }
0xd0: {  	[spmem:s3] =	stream.indirect.scatter.add.f32 [tilespmem:s0], [sflag:$0x10], $0x80, s29, s16, $0xb8;
	[tilespmem:$0x13400] =	vst v63  }
.Ltmp3:
0xd1: {  	_ = 	snop;
	(pc) =	sbr.rel .LBB2_2-.Ltmp3, $4  }
0xd2: {  	_ =	swait.ge [sflag:s8], $0x800  }
0xd3: {  	[sflag:s8] =	ssyncset.done $0x0  }
0xd4: {  	s25 =	sadd.s32 $0x200, s25;
	s29 =	sadd.s32 $0x130, s10;
	[sflag:s8] =	ssyncadd.s32 $0xFFFFF800  }
0xd5: {  	[tilespmem:s22], [sflag:$0x4] =	stream.indirect.gather [hbm4b:s1+s16], $0x80, s29, s16, $0xb8;
	[tilespmem:$0x13400] =	vst v63  }
.LBB2_5:
0xd6: {  	_ =	sfence.sel $0x180000  }
0xd7: {  	[bflag:$0x0] =	sbarrier.arrive $0xFFFF  }
0xd8: {  	_ =	strace $0x9000004A  }
0xd9: {  	s0 =	stileid.u32;
	[bflag:$0x2] =	sbarrier.arrive $0xFFFF  }
0xda: {  	p0 =	sne.s32 s0, $0x0;
	s0 =	rddreg [dreg:$0x3]  }
0xdb: {  	s0 =	sadd.s32 @!p0 $0x100000, s0  }
0xdc: {  	[sflag:s0] =	ssyncadd.tile.s32 @!p0 $0x1;
	_ =	shalt  }
.Lfunc_end2:
_tile_overlayer_lowered:
.L_overlay_start_2:
0xdd: {  	(tag) =	ssettag $0x2  }
0xde: {  	s0 =	rddreg [dreg:$0x0];
	s2 =	stileid.u32  }
0xdf: {  	s1 =	rddreg [dreg:$0x1];
	p0 =	sne.s32 s2, $0x0  }
0xe0: {  	s3 =	rddreg [dreg:$0x2];
	[bflag:$0x3] =	sbarrier.arrive $0xFFFF;
	s2 =	simm.s32 @!p0 $0x1C11  }
0xe1: {  	[timem:s3], [sflag:s2] =	dma.local @!p0 [hbm:s0], s1  }
0xe2: {  	s0 =	simm.s32 @!p0 $0x11  }
0xe3: {  	_ =	swait.ge @!p0 [sflag:s0], s1  }
0xe4: {  	s1 =	ssub.s32 @!p0 $0x0, s1;
	[sflag:s0] =	ssyncset.done @!p0 $0x0  }
0xe5: {  	[sflag:s0] =	ssyncadd.s32 @!p0 s1  }
0xe6: {  	[bflag:$0x3] =	sbarrier.arrive $0xFFFF  }
0xe7: {  	_ =	shalt  }

// kernel: sc_gcn_scatter.9.cloned.1.call-start
scs
__scs_entry_jumppad:
0x0: {  	(pc) =	sbr.rel $0x88, $3  }
0x1: {  	(tag) =	ssettag $0x0;
	lr =	simm.s32 $0x1  }
0x2: {  	[smem:$0x3F9B] =	sst lr;
	_ =	strace $0xD0000000  }
0x3: {  	_ = 	snop  }
0x4: {  	_ = 	snop  }
0x5: {  	_ = 	snop  }
0x6: {  	_ = 	snop  }
0x7: {  	_ = 	snop  }
__scs_overlays_trampoline_lowered:
0x8: {  	[smem:$0x3FAA] =	sst s0  }
0x9: {  	[smem:$0x3FAB] =	sst s1  }
0xa: {  	[smem:$0x3FAC] =	sst s2  }
0xb: {  	[smem:$0x3FAD] =	sst s3  }
0xc: {  	[smem:$0x3FAE] =	sst s4  }
0xd: {  	[smem:$0x3FAF] =	sst s5  }
0xe: {  	[smem:$0x3FB0] =	sst s6  }
0xf: {  	[smem:$0x3FB1] =	sst s7  }
0x10: {  	[smem:$0x3FB2] =	sst s8  }
0x11: {  	[smem:$0x3FB3] =	sst s9;
	s0 =	simm.s32 @!p0 $0x0  }
0x12: {  	s1 =	sld [smem:$0x3F99];
	s0 =	simm.s32 @p0 $0x1  }
0x13: {  	[smem:$0x3FB4] =	sst s0;
	s0 =	simm.s32 @!p1 $0x0  }
0x14: {  	s2 =	sld [smem:$0x3F98];
	s0 =	simm.s32 @p1 $0x1  }
0x15: {  	[smem:$0x3FB5] =	sst s0;
	s0 =	simm.s32 @!p2 $0x0  }
0x16: {  	s3 =	sld [smem:$0x3FDB];
	s0 =	simm.s32 @p2 $0x1  }
0x17: {  	s4 =	simm.s32 $0x1BF5;
	[smem:$0x3FB7] =	sst s0  }
0x18: {  	s0 =	sld [smem:$0x3F9A];
	_ =	swait.ge [sflag:s4], $0x0  }
0x19: {  	s7 =	sld [smem:$0x3F9B]  }
0x1a: {  	s8 =	sadd.s32 $0xFFFFE003, lr  }
0x1b: {  	s9 =	sadd.s32 $0xFFFFFEF7, lr;
	s5 =	simm.s32 $0xFFFFFFFF;
	p2 =	slt.u32 s8, $0xFFFFF086  }
0x1c: {  	p1 =	slt.u32 s9, $0xF7A;
	s5 =	simm.s32 @!p2 $0x0  }
0x1d: {  	s5 =	simm.s32 @p1 $0x1;
	p0 =	seq.s32 s7, s2  }
0x1e: {  	s7 =	smul.u32 @!p0 $0xF7A, s2;
	p2 =	seq.s32 @!p0 s5, $0x0  }
0x1f: {  	s9 =	smul.u32 $0xF7A, s1;
	s8 =	simm.s32 @!p0 $0x1BF5;
	p2 =	por !p2, p0  }
0x20: {  	[sflag:s8] =	ssyncset.s32 @!p0 $0xFFFFF086;
	s6 =	sadd.s32 @!p0 s3, s7;
	s7 =	simm.s32 @!p0 $0x108  }
0x21: {  	s3 =	sadd.s32 s3, s9;
	s6 =	sadd.s32 @!p0 $0x88, s6;
	s7 =	simm.s32 @p2 $0x1082  }
0x22: {  	[simem:s7], [sflag:s8] =	dma.local @!p0 [hbm:s6], $0xF7A  }
0x23: {  	s9 =	sor.u32 $0xD0000000, s2;
	s6 =	simm.s32 $0x108;
	_ =	swait.ge @!p0 [sflag:s8], $0x0  }
0x24: {  	s3 =	sadd.s32 $0x88, s3;
	s6 =	simm.s32 @!p1 $0x1082;
	[sflag:s4] =	ssyncset.s32 $0xFFFFF086  }
0x25: {  	[simem:s6], [sflag:s4] =	dma.local [hbm:s3], $0xF7A  }
0x26: {  	[smem:$0x3F9B] =	sst s1;
	(tag) =	ssettag s2;
	_ =	strace s9  }
0x27: {  	s1 =	sld [smem:$0x3FAB]  }
0x28: {  	s2 =	sld [smem:$0x3FAC]  }
0x29: {  	s4 =	sld [smem:$0x3FAE]  }
0x2a: {  	p0 =	seq.s32 s5, $0x0;
	s5 =	sld [smem:$0x3FAF]  }
0x2b: {  	s6 =	sld [smem:$0x3FB0]  }
0x2c: {  	s7 =	sld [smem:$0x3FB1]  }
0x2d: {  	s3 =	simm.s32 $0x108;
	s8 =	sld [smem:$0x3FB2]  }
0x2e: {  	s3 =	simm.s32 @!p0 $0x1082;
	s9 =	sld [smem:$0x3FB3]  }
0x2f: {  	lr =	sadd.s32 s0, s3;
	s0 =	sld [smem:$0x3FAA]  }
0x30: {  	s3 =	sld [smem:$0x3FAD]  }
0x31: {  	[smem:$0x3FB6] =	sst s10  }
0x32: {  	s10 =	sld [smem:$0x3FB4];
	_ =	sdelay $0x3  }
0x33: {  	p0 =	seq.s32 s10, $0x1;
	s10 =	sld [smem:$0x3FB6];
	_ =	sdelay $0x3  }
0x34: {  	[smem:$0x3FB6] =	sst s10  }
0x35: {  	s10 =	sld [smem:$0x3FB5];
	_ =	sdelay $0x3  }
0x36: {  	p1 =	seq.s32 s10, $0x1;
	s10 =	sld [smem:$0x3FB6];
	_ =	sdelay $0x3  }
0x37: {  	[smem:$0x3FB6] =	sst s10  }
0x38: {  	s10 =	sld [smem:$0x3FB7]  }
0x39: {  	_ = 	snop;
	(pc) =	sbr.ind lr, $3  }
0x3a: {  	_ = 	snop  }
0x3b: {  	_ = 	snop  }
0x3c: {  	p2 =	seq.s32 s10, $0x1;
	s10 =	sld [smem:$0x3FB6]  }
0x3d: {  	_ =	shalt  }
0x3e: {  	_ =	shalt  }
0x3f: {  	_ =	shalt  }
0x40: {  	_ =	shalt  }
0x41: {  	_ =	shalt  }
0x42: {  	_ =	shalt  }
0x43: {  	_ =	shalt  }
0x44: {  	_ =	shalt  }
0x45: {  	_ =	shalt  }
0x46: {  	_ =	shalt  }
0x47: {  	_ =	shalt  }
0x48: {  	_ =	shalt  }
0x49: {  	_ =	shalt  }
0x4a: {  	_ =	shalt  }
0x4b: {  	_ =	shalt  }
0x4c: {  	_ =	shalt  }
0x4d: {  	_ =	shalt  }
0x4e: {  	_ =	shalt  }
0x4f: {  	_ =	shalt  }
0x50: {  	_ =	shalt  }
0x51: {  	_ =	shalt  }
0x52: {  	_ =	shalt  }
0x53: {  	_ =	shalt  }
0x54: {  	_ =	shalt  }
0x55: {  	_ =	shalt  }
0x56: {  	_ =	shalt  }
0x57: {  	_ =	shalt  }
0x58: {  	_ =	shalt  }
0x59: {  	_ =	shalt  }
0x5a: {  	_ =	shalt  }
0x5b: {  	_ =	shalt  }
0x5c: {  	_ =	shalt  }
0x5d: {  	_ =	shalt  }
0x5e: {  	_ =	shalt  }
0x5f: {  	_ =	shalt  }
0x60: {  	_ =	shalt  }
0x61: {  	_ =	shalt  }
0x62: {  	_ =	shalt  }
0x63: {  	_ =	shalt  }
0x64: {  	_ =	shalt  }
0x65: {  	_ =	shalt  }
0x66: {  	_ =	shalt  }
0x67: {  	_ =	shalt  }
0x68: {  	_ =	shalt  }
0x69: {  	_ =	shalt  }
0x6a: {  	_ =	shalt  }
0x6b: {  	_ =	shalt  }
0x6c: {  	_ =	shalt  }
0x6d: {  	_ =	shalt  }
0x6e: {  	_ =	shalt  }
0x6f: {  	_ =	shalt  }
0x70: {  	_ =	shalt  }
0x71: {  	_ =	shalt  }
0x72: {  	_ =	shalt  }
0x73: {  	_ =	shalt  }
0x74: {  	_ =	shalt  }
0x75: {  	_ =	shalt  }
0x76: {  	_ =	shalt  }
0x77: {  	_ =	shalt  }
0x78: {  	_ =	shalt  }
0x79: {  	_ =	shalt  }
0x7a: {  	_ =	shalt  }
0x7b: {  	_ =	shalt  }
0x7c: {  	_ =	shalt  }
0x7d: {  	_ =	shalt  }
0x7e: {  	_ =	shalt  }
0x7f: {  	_ =	shalt  }
0x80: {  	_ =	shalt  }
0x81: {  	_ =	shalt  }
0x82: {  	_ =	shalt  }
0x83: {  	_ =	shalt  }
0x84: {  	_ =	shalt  }
0x85: {  	_ =	shalt  }
0x86: {  	_ =	shalt  }
0x87: {  	_ =	shalt  }
.Lfunc_end0:
.L_simem_size_0:
called_computation.2_lowered:
.L_overlay_start_0:
0x88: {  	s2 =	sld [smem:$0x3FD9]  }
0x89: {  	s3 =	sld [smem:$0x3FFE];
	_ =	sdelay $0x1  }
0x8a: {  	s1 =	srdreg.scid  }
0x8b: {  	s0 =	sand.u32 $0x1, s1  }
0x8c: {  	s17 =	sshll.u32 s0, $0xA;
	s2 =	sadd.s32 s3, s2  }
0x8d: {  	s2 =	sadd.s32 s2, s17  }
0x8e: {  	[smem:$0x3FC2] =	sst s2  }
0x8f: {  	_ = 	snop  }
0x90: {  	s18 =	sld [smem:$0x3FD0];
	(tm) =	ssettm $0x1  }
0x91: {  	s19 =	sld [smem:$0x3FFB];
	_ =	sdelay $0x3  }
0x92: {  	_ =	strace s19  }
0x93: {  	s2 =	sld [smem:$0x3FFC];
	_ =	sdelay $0x3  }
0x94: {  	_ =	strace s2  }
0x95: {  	s2 =	sld [smem:$0x3FFD];
	_ =	sdelay $0x3  }
0x96: {  	_ =	strace s2  }
0x97: {  	_ =	strace $0x8FFFFFFF  }
0x98: {  	s20 =	sld [smem:$0x3FDB];
	_ =	sdelay $0x1  }
0x99: {  	s4 =	simm.s32 $_scs_section_size  }
0x9a: {  	s5 =	simm.s32 $_size__tile_overlayer_lowered;
	s6 =	simm.s32 $_tile_overlayer_lowered  }
0x9b: {  	s7 =	simm.s32 $0x1BFF;
	s21 =	sshll.u32 s6, $0x1;
	s4 =	sadd.s32 s4, s20  }
0x9c: {  	s22 =	simm.s32 $0x0;
	s5 =	sshll.u32 s5, $0x1;
	s6 =	sadd.s32 s21, s4  }
0x9d: {  	[timem:s22], [sflag:s7] =	dma.local [hbm:s6], s5  }
0x9e: {  	_ =	swait.ge [sflag:s7], s5  }
0x9f: {  	s5 =	ssub.s32 $0x0, s5;
	[sflag:s7] =	ssyncset.done $0x0  }
0xa0: {  	[sflag:s7] =	ssyncadd.s32 s5;
	_ =	sdelay $0x1  }
0xa1: {  	s23 =	simm.s32 $0x1B8B  }
0xa2: {  	_ =	swait.ge [sflag:s23], $0x1  }
0xa3: {  	[sflag:s23] =	ssyncset.done $0x0  }
0xa4: {  	[sflag:s23] =	ssyncadd.s32 $0xFFFFFFFF  }
0xa5: {  	s5 =	sld [smem:$0x0]  }
0xa6: {  	s6 =	sand.u32 $0xFFFFFFFE, s1  }
0xa7: {  	p0 =	sne.s32 s1, s6  }
0xa8: {  	s6 =	sshll.u32 @p0 s6, $0xE  }
0xa9: {  	s6 =	sadd.s32 @p0 $0x11B8D, s6;
	s7 =	sshll.u32 @p0 s5, $0x11  }
0xaa: {  	s6 =	sor.u32 @p0 s7, s6  }
0xab: {  	[sflag:s6] =	ssyncadd.remote.s32 @p0 $0x1;
	_ =	sdelay $0x1  }
0xac: {  	s6 =	simm.s32 @p0 $0x1B8D  }
0xad: {  	_ =	swait.eq @p0 [sflag:s6], $0x1  }
0xae: {  	[sflag:s6] =	ssyncadd.s32 @p0 $0xFFFFFFFF  }
0xaf: {  	s7 =	sshll.u32 @!p0 s1, $0xE  }
0xb0: {  	s7 =	sor.u32 @!p0 $0x4000, s7;
	s6 =	simm.s32 @!p0 $0x1B8D  }
0xb1: {  	s5 =	sshll.u32 @!p0 s5, $0x11;
	s7 =	sadd.s32 @!p0 $0x11B8D, s7;
	_ =	swait.eq @!p0 [sflag:s6], $0x1  }
0xb2: {  	s5 =	sor.u32 @!p0 s5, s7;
	[sflag:s6] =	ssyncadd.s32 @!p0 $0xFFFFFFFF  }
0xb3: {  	s25 =	simm.s32 $0x1B8E;
	s24 =	sld [smem:$0x3FFE];
	[sflag:s5] =	ssyncadd.remote.s32 @!p0 $0x1  }
0xb4: {  	s26 =	simm.s32 $execute0_lowered;
	[smem:$0x3FD2] =	sst s25  }
0xb5: {  	s6 =	sshll.u32 s26, $0x1;
	_ =	strace $0x8000004C;
	[dreg:$0x1] =	wrdreg $0xFFFFFFFF  }
0xb6: {  	s28 =	simm.s32 $_size_execute0_lowered;
	s4 =	sadd.s32 s4, s6;
	[dreg:$0x0] =	wrdreg $0x0  }
0xb7: {  	s6 =	sshll.u32 s28, $0x1;
	[dreg:$0x2] =	wrdreg s4  }
0xb8: {  	[dreg:$0x3] =	wrdreg s6  }
0xb9: {  	[dreg:$0x4] =	wrdreg $0xC0  }
0xba: {  	_ =	task [dreg:s22], $0x5FFFF  }
0xbb: {  	[dreg:$0x1] =	wrdreg $0xFFFFFFFF  }
0xbc: {  	[dreg:$0x0] =	wrdreg $0x60  }
0xbd: {  	[dreg:$0x2] =	wrdreg s18  }
0xbe: {  	[dreg:$0x3] =	wrdreg s24  }
0xbf: {  	[dreg:$0x4] =	wrdreg $0x90000  }
0xc0: {  	[dreg:$0x5] =	wrdreg $0xA  }
0xc1: {  	_ =	task.clear_ibuf [dreg:s22], $0x6FFFF;
	_ =	strace $0x9000004C  }
0xc2: {  	s29 =	simm.s32 $0xA;
	_ =	strace $0x8000004E  }
0xc3: {  	_ =	swait.ge [sflag:s29], $0x1  }
0xc4: {  	[sflag:s29] =	ssyncadd.s32 $0xFFFFFFFF  }
0xc5: {  	_ =	strace $0x9000004E  }
0xc6: {  	_ =	sfence  }
0xc7: {  	s30 =	sld [smem:$0x0];
	_ =	sdelay $0x2  }
0xc8: {  	s31 =	sshll.u32 s1, $0xD;
	s1 =	sshrl.u32 s1, $0x2  }
0xc9: {  	s4 =	sand.u32 $0x4000, s31;
	s1 =	sadd.s32 s1, s30  }
0xca: {  	s0 =	sor.u32 s4, s0;
	s1 =	sshll.u32 s1, $0x11  }
0xcb: {  	s0 =	sor.u32 s1, s0  }
0xcc: {  	s0 =	sadd.s32 $0x8F2B, s0  }
0xcd: {  	[sflag:s0] =	ssyncadd.remote.s32 $0x1  }
0xce: {  	_ =	sfence.sel $0xFFFF  }
0xcf: {  	[dreg:$0x0] =	wrdreg $0xFFFFFFFF;
	(pc) =	sbr.abs _section_cstart, $3  }
0xd0: {  	[dreg:$0x1] =	wrdreg $0xFFFFFFFF  }
0xd1: {  	_ =	task.clear_ibuf [dreg:s22], $0x2FFFF;
	_ =	strace $0x9FFFFFFF  }
0xd2: {  	(tm) =	ssettm $0x7FFFFFFF  }
0xd3: {  	_ =	shalt  }
tec
execute0_lowered:
.L_overlay_start_1:
0x0: {  	(tag) =	ssettag $0x1  }
0x1: {  	s0 =	srdreg.scid;
	s1 =	rddreg [dreg:$0x0]  }
0x2: {  	s8 =	stileid.u32;
	s4 =	rddreg [dreg:$0x1];
	s15 =	simm.s32 $0x0  }
0x3: {  	s25 =	simm.s32 $0x11;
	s28 =	simm.s32 $0x2;
	s31 =	simm.s32 $0x7800  }
0x4: {  	s30 =	simm.s32 $0x9;
	s11 =	simm.s32 $0xD;
	s9 =	simm.s32 $0xE  }
0x5: {  	s13 =	simm.s32 $0xF;
	s12 =	simm.s32 $0x0;
	s17 =	smul.u32 $0xA000, s8  }
0x6: {  	s0 =	sand.u32 $0x1, s0;
	s3 =	sshrl.u32 s8, $0x3;
	s19 =	smul.u32 $0x29000, s8  }
0x7: {  	s6 =	sshll.u32 s8, $0x7;
	[smem:$0x7FF] =	sst s15;
	s20 =	smul.u32 $0x28000, s8  }
0x8: {  	s7 =	sadd.s32 $0x22400, s4;
	s24 =	sshll.u32 s8, $0x6;
	s2 =	smul.u32 $0x28000, s0  }
0x9: {  	s8 =	simm.s32 $0xC;
	s5 =	smul.u32 $0x14000, s3;
	s3 =	rddreg [dreg:$0x2]  }
0xa: {  	s14 =	sand.u32 $0x380, s6;
	s16 =	smul.u32 $0xA0000, s0;
	_ =	strace $0x8000004D  }
0xb: {  	[dreg:$0x4] =	wrdreg s7;
	s0 =	ssub.s32 $0x2, s0;
	s15 =	sor.u32 $0x1C11, s24  }
0xc: {  	s24 =	simm.s32 $0x4;
	s6 =	simm.s32 $0xB;
	s7 =	simm.s32 $0x8  }
0xd: {  	s18 =	sshrl.u32 s0, $0x1;
	s22 =	sshrl.u32 s19, $0x2;
	s23 =	sshrl.u32 s20, $0x2  }
0xe: {  	s20 =	simm.s32 $0x6000;
	s19 =	simm.s32 $0x5;
	[dreg:$0x9] =	wrdreg s15  }
0xf: {  	s2 =	sadd.s32 s2, s5;
	s5 =	sadd.s32 s17, s16;
	s0 =	ssub.s32 s0, s18  }
0x10: {  	s16 =	simm.s32 $0x10;
	s17 =	simm.s32 $0x5000;
	s2 =	sor.u32 s14, s2  }
0x11: {  	s18 =	simm.s32 $0x5800;
	s0 =	smax.u32 s0, $0x1;
	s2 =	sshrl.u32 s2, $0x3  }
0x12: {  	s5 =	sshrl.u32 s5, $0x3;
	[dreg:$0x8] =	wrdreg s0;
	s2 =	sadd.s32 s2, s4  }
0x13: {  	s0 =	simm.s32 $0x8800;
	s4 =	sadd.s32 s5, s4;
	s21 =	sadd.s32 $0x4400, s2  }
0x14: {  	s5 =	simm.s32 $0x7;
	s2 =	sadd.s32 $0x18400, s2;
	[dreg:$0x5] =	wrdreg s21  }
.Ltmp0:
0x15: {  	s4 =	sadd.s32 $0x4BA00, s4;
	[dreg:$0x6] =	wrdreg s2;
	(pc) =	sbr.rel .LBB2_1-.Ltmp0, $4  }
0x16: {  	s2 =	sadd.s32 s22, s3;
	[dreg:$0x7] =	wrdreg s4;
	s4 =	sadd.s32 s23, s3  }
0x17: {  	s22 =	simm.s32 $0x6800;
	s23 =	simm.s32 $0x1;
	s26 =	sshrl.u32 s2, $0x3  }
0x18: {  	s21 =	simm.s32 $0x8000;
	s29 =	sshrl.u32 s4, $0x3;
	[dreg:$0xa] =	wrdreg s26  }
0x19: {  	s2 =	simm.s32 $0x3;
	[dreg:$0xb] =	wrdreg s29;
	s26 =	simm.s32 $0x7000  }
.LBB2_4:
0x1a: {  	_ =	swait.ge [sflag:s7], $0x800  }
0x1b: {  	[sflag:s7] =	ssyncset.done $0x0  }
0x1c: {  	[sflag:s7] =	ssyncadd.s32 $0xFFFFF800  }
0x1d: {  	[spmem:s3] =	stream.indirect.scatter.add.f32 [tilespmem:s0], [sflag:$0x10], $0x80, s29, s16, $0xb8;
	[tilespmem:$0x13400] =	vst v63  }
0x1e: {  	_ =	swait.ge [sflag:s8], $0x800  }
0x1f: {  	[sflag:s8] =	ssyncset.done $0x0  }
0x20: {  	[sflag:s8] =	ssyncadd.s32 $0xFFFFF800  }
0x21: {  	_ =	swait.ge [sflag:s11], $0x800  }
0x22: {  	[sflag:s11] =	ssyncset.done $0x0  }
0x23: {  	[sflag:s11] =	ssyncadd.s32 $0xFFFFF800  }
0x24: {  	_ =	swait.ge [sflag:s9], $0x800  }
0x25: {  	[sflag:s9] =	ssyncset.done $0x0  }
0x26: {  	[sflag:s9] =	ssyncadd.s32 $0xFFFFF800  }
0x27: {  	_ =	swait.ge [sflag:s13], $0x800  }
0x28: {  	[sflag:s13] =	ssyncset.done $0x0  }
0x29: {  	[sflag:s13] =	ssyncadd.s32 $0xFFFFF800  }
0x2a: {  	_ =	swait.ge [sflag:s16], $0x800  }
0x2b: {  	[sflag:s16] =	ssyncset.done $0x0  }
0x2c: {  	[sflag:s16] =	ssyncadd.s32 $0xFFFFF800  }
0x2d: {  	[bflag:$0x0] =	sbarrier.arrive $0xFFFF  }
0x2e: {  	s4 =	rddreg [dreg:$0x7]  }
0x2f: {  	s15 =	rddreg [dreg:$0x9]  }
0x30: {  	s25 =	simm.s32 $0x11;
	s12 =	rddreg [dreg:$0xb]  }
0x31: {  	[hbm:s4], [sflag:s15] =	dma.local [spmem:s12], $0x1400  }
0x32: {  	_ =	swait.ge [sflag:s25], $0x1400  }
0x33: {  	s14 =	rddreg [dreg:$0xc]  }
0x34: {  	s29 =	rddreg [dreg:$0x8];
	s12 =	sadd.s32 $0x1, s14  }
0x35: {  	p0 =	sne.s32 s12, s29  }
.Ltmp1:
0x36: {  	_ = 	snop;
	(pc) =	sbr.rel @!p0 .LBB2_5-.Ltmp1, $3  }
0x37: {  	_ =	sdelay $0x1  }
0x38: {  	[sflag:s25] =	ssyncset.done $0x0  }
0x39: {  	[sflag:s25] =	ssyncadd.s32 $0xFFFFEC00  }
.LBB2_1:
0x3a: {  	[dreg:$0xc] =	wrdreg s12;
	s4 =	simm.s32 $0x0  }
0x3b: {  	s10 =	rddreg [dreg:$0x5];
	s12 =	simm.s32 $0x80;
	s14 =	simm.s32 $0x400  }
0x3c: {  	[tilespmem:s4], [sflag:$0x11] =	stream.strided.gather [hbm4b:s10+s12], $0x2800, s14, s12, $0x38;
	[tilespmem:$0x13400] =	vst v63  }
0x3d: {  	_ =	swait.ge [sflag:s25], $0x2800  }
0x3e: {  	[sflag:s25] =	ssyncset.done $0x0  }
0x3f: {  	s29 =	simm.s32 $0x2800;
	s10 =	rddreg [dreg:$0x6];
	[sflag:s25] =	ssyncadd.s32 $0xFFFFD800  }
0x40: {  	[tilespmem:s29], [sflag:$0x11] =	stream.strided.gather [hbm4b:s10+s12], $0x2800, s14, s12, $0x38;
	[tilespmem:$0x13400] =	vst v63  }
0x41: {  	_ =	swait.ge [sflag:s25], $0x2800  }
0x42: {  	[sflag:s25] =	ssyncset.done $0x0;
	s10 =	rddreg [dreg:$0x4]  }
0x43: {  	s14 =	rddreg [dreg:$0xa];
	[sflag:s25] =	ssyncadd.s32 $0xFFFFD800  }
0x44: {  	[spmem:s14], [sflag:s15] =	dma.local [hbm:s10], $0x1480  }
0x45: {  	_ =	swait.ge [sflag:s25], $0x1480  }
0x46: {  	[sflag:s25] =	ssyncset.done $0x0  }
0x47: {  	[sflag:s25] =	ssyncadd.s32 $0xFFFFEB80  }
0x48: {  	[bflag:$0x0] =	sbarrier.arrive $0xFFFF  }
0x49: {  	[tilespmem:s17], [sflag:$0x1] =	stream.indirect.gather [hbm4b:s1+s16], $0x80, s4, s16, $0xb8;
	[tilespmem:$0x13400] =	vst v63  }
0x4a: {  	_ = 	snop  }
0x4b: {  	[tilespmem:s18], [sflag:$0x2] =	stream.indirect.gather [hbm4b:s1+s16], $0x80, s16, s16, $0xb8;
	[tilespmem:$0x13400] =	vst v63  }
0x4c: {  	s15 =	simm.s32 $0x20  }
0x4d: {  	[tilespmem:s20], [sflag:$0x3] =	stream.indirect.gather [hbm4b:s1+s16], $0x80, s15, s16, $0xb8;
	[tilespmem:$0x13400] =	vst v63  }
0x4e: {  	s25 =	simm.s32 $0x30  }
0x4f: {  	[tilespmem:s22], [sflag:$0x4] =	stream.indirect.gather [hbm4b:s1+s16], $0x80, s25, s16, $0xb8;
	[tilespmem:$0x13400] =	vst v63  }
0x50: {  	_ =	swait.ge [sflag:s23], $0x800  }
0x51: {  	[sflag:s23] =	ssyncset.done $0x0  }
0x52: {  	[sflag:s23] =	ssyncadd.s32 $0xFFFFF800  }
0x53: {  	[spmem:s3] =	stream.indirect.scatter.add.f32 [tilespmem:s17], [sflag:$0x9], $0x80, s29, s16, $0xb8;
	[tilespmem:$0x13400] =	vst v63  }
0x54: {  	s10 =	simm.s32 $0x40  }
0x55: {  	[tilespmem:s26], [sflag:$0x5] =	stream.indirect.gather [hbm4b:s1+s16], $0x80, s10, s16, $0xb8;
	[tilespmem:$0x13400] =	vst v63  }
0x56: {  	_ =	swait.ge [sflag:s28], $0x800  }
0x57: {  	[sflag:s28] =	ssyncset.done $0x0  }
0x58: {  	s14 =	simm.s32 $0x2810;
	[sflag:s28] =	ssyncadd.s32 $0xFFFFF800  }
0x59: {  	[spmem:s3] =	stream.indirect.scatter.add.f32 [tilespmem:s18], [sflag:$0xA], $0x80, s14, s16, $0xb8;
	[tilespmem:$0x13400] =	vst v63  }
0x5a: {  	s15 =	simm.s32 $0x50  }
0x5b: {  	[tilespmem:s31], [sflag:$0x6] =	stream.indirect.gather [hbm4b:s1+s16], $0x80, s15, s16, $0xb8;
	[tilespmem:$0x13400] =	vst v63  }
0x5c: {  	_ =	swait.ge [sflag:s2], $0x800  }
0x5d: {  	[sflag:s2] =	ssyncset.done $0x0  }
0x5e: {  	s25 =	simm.s32 $0x2820;
	[sflag:s2] =	ssyncadd.s32 $0xFFFFF800  }
0x5f: {  	[spmem:s3] =	stream.indirect.scatter.add.f32 [tilespmem:s20], [sflag:$0xB], $0x80, s25, s16, $0xb8;
	[tilespmem:$0x13400] =	vst v63  }
0x60: {  	s29 =	simm.s32 $0x60  }
0x61: {  	[tilespmem:s21], [sflag:$0x7] =	stream.indirect.gather [hbm4b:s1+s16], $0x80, s29, s16, $0xb8;
	[tilespmem:$0x13400] =	vst v63  }
0x62: {  	_ =	swait.ge [sflag:s24], $0x800  }
0x63: {  	[sflag:s24] =	ssyncset.done $0x0  }
0x64: {  	s10 =	simm.s32 $0x2830;
	[sflag:s24] =	ssyncadd.s32 $0xFFFFF800  }
0x65: {  	[spmem:s3] =	stream.indirect.scatter.add.f32 [tilespmem:s22], [sflag:$0xC], $0x80, s10, s16, $0xb8;
	[tilespmem:$0x13400] =	vst v63  }
0x66: {  	s14 =	simm.s32 $0x70  }
0x67: {  	[tilespmem:s0], [sflag:$0x8] =	stream.indirect.gather [hbm4b:s1+s16], $0x80, s14, s16, $0xb8;
	[tilespmem:$0x13400] =	vst v63  }
0x68: {  	_ =	swait.ge [sflag:s19], $0x800  }
0x69: {  	[sflag:s19] =	ssyncset.done $0x0  }
0x6a: {  	s15 =	simm.s32 $0x2840;
	[sflag:s19] =	ssyncadd.s32 $0xFFFFF800  }
0x6b: {  	[spmem:s3] =	stream.indirect.scatter.add.f32 [tilespmem:s26], [sflag:$0xD], $0x80, s15, s16, $0xb8;
	[tilespmem:$0x13400] =	vst v63  }
0x6c: {  	_ =	swait.ge [sflag:s30], $0x800  }
0x6d: {  	[sflag:s30] =	ssyncset.done $0x0  }
0x6e: {  	s25 =	simm.s32 $0x6;
	[sflag:s30] =	ssyncadd.s32 $0xFFFFF800  }
0x6f: {  	[tilespmem:s17], [sflag:$0x1] =	stream.indirect.gather [hbm4b:s1+s16], $0x80, s12, s16, $0xb8;
	[tilespmem:$0x13400] =	vst v63  }
0x70: {  	_ =	swait.ge [sflag:s25], $0x800  }
0x71: {  	[sflag:s25] =	ssyncset.done $0x0  }
0x72: {  	s29 =	simm.s32 $0x2850;
	s10 =	simm.s32 $0xA;
	[sflag:s25] =	ssyncadd.s32 $0xFFFFF800  }
0x73: {  	[spmem:s3] =	stream.indirect.scatter.add.f32 [tilespmem:s31], [sflag:$0xE], $0x80, s29, s16, $0xb8;
	[tilespmem:$0x13400] =	vst v63  }
0x74: {  	_ =	swait.ge [sflag:s10], $0x800  }
0x75: {  	[sflag:s10] =	ssyncset.done $0x0  }
0x76: {  	s12 =	simm.s32 $0x90;
	[sflag:s10] =	ssyncadd.s32 $0xFFFFF800  }
0x77: {  	[tilespmem:s18], [sflag:$0x2] =	stream.indirect.gather [hbm4b:s1+s16], $0x80, s12, s16, $0xb8;
	[tilespmem:$0x13400] =	vst v63  }
0x78: {  	_ =	swait.ge [sflag:s5], $0x800  }
0x79: {  	[sflag:s5] =	ssyncset.done $0x0  }
0x7a: {  	s14 =	simm.s32 $0x2860;
	[sflag:s5] =	ssyncadd.s32 $0xFFFFF800  }
0x7b: {  	[spmem:s3] =	stream.indirect.scatter.add.f32 [tilespmem:s21], [sflag:$0xF], $0x80, s14, s16, $0xb8;
	[tilespmem:$0x13400] =	vst v63  }
0x7c: {  	_ =	swait.ge [sflag:s6], $0x800  }
0x7d: {  	[sflag:s6] =	ssyncset.done $0x0  }
0x7e: {  	s15 =	simm.s32 $0xA0;
	[sflag:s6] =	ssyncadd.s32 $0xFFFFF800  }
0x7f: {  	[tilespmem:s20], [sflag:$0x3] =	stream.indirect.gather [hbm4b:s1+s16], $0x80, s15, s16, $0xb8;
	[tilespmem:$0x13400] =	vst v63  }
0x80: {  	_ =	swait.ge [sflag:s7], $0x800  }
0x81: {  	[sflag:s7] =	ssyncset.done $0x0  }
0x82: {  	s25 =	simm.s32 $0x2870;
	[sflag:s7] =	ssyncadd.s32 $0xFFFFF800  }
0x83: {  	[spmem:s3] =	stream.indirect.scatter.add.f32 [tilespmem:s0], [sflag:$0x10], $0x80, s25, s16, $0xb8;
	[tilespmem:$0x13400] =	vst v63  }
0x84: {  	_ =	swait.ge [sflag:s8], $0x800  }
0x85: {  	[sflag:s8] =	ssyncset.done $0x0  }
0x86: {  	s29 =	simm.s32 $0xB0;
	s25 =	simm.s32 $0x0;
	[sflag:s8] =	ssyncadd.s32 $0xFFFFF800  }
0x87: {  	[tilespmem:s22], [sflag:$0x4] =	stream.indirect.gather [hbm4b:s1+s16], $0x80, s29, s16, $0xb8;
	[tilespmem:$0x13400] =	vst v63  }
.LBB2_2:
0x88: {  	_ =	swait.ge [sflag:s23], $0x800  }
0x89: {  	s10 =	sshra.s32 s25, $0x2;
	[sflag:s23] =	ssyncset.done $0x0  }
0x8a: {  	s29 =	sadd.s32 $0x2880, s10;
	[sflag:s23] =	ssyncadd.s32 $0xFFFFF800  }
0x8b: {  	[spmem:s3] =	stream.indirect.scatter.add.f32 [tilespmem:s17], [sflag:$0x9], $0x80, s29, s16, $0xb8;
	[tilespmem:$0x13400] =	vst v63  }
0x8c: {  	_ =	swait.ge [sflag:s11], $0x800  }
0x8d: {  	[sflag:s11] =	ssyncset.done $0x0  }
0x8e: {  	s29 =	sadd.s32 $0xC0, s10;
	[sflag:s11] =	ssyncadd.s32 $0xFFFFF800  }
0x8f: {  	[tilespmem:s26], [sflag:$0x5] =	stream.indirect.gather [hbm4b:s1+s16], $0x80, s29, s16, $0xb8;
	[tilespmem:$0x13400] =	vst v63  }
0x90: {  	_ =	swait.ge [sflag:s28], $0x800  }
0x91: {  	[sflag:s28] =	ssyncset.done $0x0  }
0x92: {  	s29 =	sadd.s32 $0x2890, s10;
	[sflag:s28] =	ssyncadd.s32 $0xFFFFF800  }
0x93: {  	[spmem:s3] =	stream.indirect.scatter.add.f32 [tilespmem:s18], [sflag:$0xA], $0x80, s29, s16, $0xb8;
	[tilespmem:$0x13400] =	vst v63  }
0x94: {  	_ =	swait.ge [sflag:s9], $0x800  }
0x95: {  	[sflag:s9] =	ssyncset.done $0x0  }
0x96: {  	s29 =	sadd.s32 $0xD0, s10;
	[sflag:s9] =	ssyncadd.s32 $0xFFFFF800  }
0x97: {  	[tilespmem:s31], [sflag:$0x6] =	stream.indirect.gather [hbm4b:s1+s16], $0x80, s29, s16, $0xb8;
	[tilespmem:$0x13400] =	vst v63  }
0x98: {  	_ =	swait.ge [sflag:s2], $0x800  }
0x99: {  	[sflag:s2] =	ssyncset.done $0x0  }
0x9a: {  	s29 =	sadd.s32 $0x28A0, s10;
	[sflag:s2] =	ssyncadd.s32 $0xFFFFF800  }
0x9b: {  	[spmem:s3] =	stream.indirect.scatter.add.f32 [tilespmem:s20], [sflag:$0xB], $0x80, s29, s16, $0xb8;
	[tilespmem:$0x13400] =	vst v63  }
0x9c: {  	_ =	swait.ge [sflag:s13], $0x800  }
0x9d: {  	[sflag:s13] =	ssyncset.done $0x0  }
0x9e: {  	s29 =	sadd.s32 $0xE0, s10;
	[sflag:s13] =	ssyncadd.s32 $0xFFFFF800  }
0x9f: {  	[tilespmem:s21], [sflag:$0x7] =	stream.indirect.gather [hbm4b:s1+s16], $0x80, s29, s16, $0xb8;
	[tilespmem:$0x13400] =	vst v63  }
0xa0: {  	_ =	swait.ge [sflag:s24], $0x800  }
0xa1: {  	[sflag:s24] =	ssyncset.done $0x0  }
0xa2: {  	s29 =	sadd.s32 $0x28B0, s10;
	[sflag:s24] =	ssyncadd.s32 $0xFFFFF800  }
0xa3: {  	[spmem:s3] =	stream.indirect.scatter.add.f32 [tilespmem:s22], [sflag:$0xC], $0x80, s29, s16, $0xb8;
	[tilespmem:$0x13400] =	vst v63  }
0xa4: {  	_ =	swait.ge [sflag:s16], $0x800  }
0xa5: {  	[sflag:s16] =	ssyncset.done $0x0  }
0xa6: {  	s29 =	sadd.s32 $0xF0, s10;
	[sflag:s16] =	ssyncadd.s32 $0xFFFFF800  }
0xa7: {  	[tilespmem:s0], [sflag:$0x8] =	stream.indirect.gather [hbm4b:s1+s16], $0x80, s29, s16, $0xb8;
	[tilespmem:$0x13400] =	vst v63  }
0xa8: {  	_ =	swait.ge [sflag:s19], $0x800  }
0xa9: {  	[sflag:s19] =	ssyncset.done $0x0  }
0xaa: {  	s29 =	sadd.s32 $0x28C0, s10;
	[sflag:s19] =	ssyncadd.s32 $0xFFFFF800  }
0xab: {  	[spmem:s3] =	stream.indirect.scatter.add.f32 [tilespmem:s26], [sflag:$0xD], $0x80, s29, s16, $0xb8;
	[tilespmem:$0x13400] =	vst v63  }
0xac: {  	_ =	swait.ge [sflag:s30], $0x800  }
0xad: {  	p0 =	seq.s32 s25, $0x9C00;
	[sflag:s30] =	ssyncset.done $0x0  }
0xae: {  	s29 =	simm.s32 @p0 $0x6;
	[sflag:s30] =	ssyncadd.s32 $0xFFFFF800  }
0xaf: {  	_ =	swait.ge @p0 [sflag:s29], $0x800  }
0xb0: {  	[sflag:s29] =	ssyncset.done @p0 $0x0  }
0xb1: {  	[sflag:s29] =	ssyncadd.s32 @p0 $0xFFFFF800;
	s29 =	sshra.s32 @p0 s25, $0x2  }
0xb2: {  	s4 =	simm.s32 @p0 $0x10;
	s14 =	simm.s32 @p0 $0x7800;
	s29 =	sadd.s32 @p0 $0x28D0, s29  }
0xb3: {  	[spmem:s3] =	stream.indirect.scatter.add.f32 @p0 [tilespmem:s14], [sflag:$0xE], $0x80, s29, s4, $0xb8;
	[tilespmem:$0x13400] =	vst v63  }
0xb4: {  	s4 =	simm.s32 @p0 $0xA  }
0xb5: {  	_ =	swait.ge @p0 [sflag:s4], $0x800  }
0xb6: {  	[sflag:s4] =	ssyncset.done @p0 $0x0  }
0xb7: {  	[sflag:s4] =	ssyncadd.s32 @p0 $0xFFFFF800;
	s4 =	sshra.s32 @!p0 s25, $0x2  }
0xb8: {  	s12 =	simm.s32 @!p0 $0x5000;
	s29 =	simm.s32 @!p0 $0x10;
	s14 =	sadd.s32 @!p0 $0x100, s4  }
0xb9: {  	[tilespmem:s12], [sflag:$0x1] =	stream.indirect.gather @!p0 [hbm4b:s1+s29], $0x80, s14, s29, $0xb8;
	[tilespmem:$0x13400] =	vst v63  }
0xba: {  	s12 =	simm.s32 @!p0 $0x6  }
0xbb: {  	_ =	swait.ge @!p0 [sflag:s12], $0x800  }
0xbc: {  	[sflag:s12] =	ssyncset.done @!p0 $0x0  }
0xbd: {  	s14 =	simm.s32 @!p0 $0x7800;
	[sflag:s12] =	ssyncadd.s32 @!p0 $0xFFFFF800;
	s12 =	sadd.s32 @!p0 $0x28D0, s4  }
0xbe: {  	[spmem:s3] =	stream.indirect.scatter.add.f32 @!p0 [tilespmem:s14], [sflag:$0xE], $0x80, s12, s29, $0xb8;
	[tilespmem:$0x13400] =	vst v63  }
0xbf: {  	s12 =	simm.s32 @!p0 $0xA  }
0xc0: {  	_ =	swait.ge @!p0 [sflag:s12], $0x800  }
0xc1: {  	[sflag:s12] =	ssyncset.done @!p0 $0x0  }
0xc2: {  	s4 =	sadd.s32 @!p0 $0x110, s4;
	[sflag:s12] =	ssyncadd.s32 @!p0 $0xFFFFF800;
	s12 =	simm.s32 @!p0 $0x5800  }
0xc3: {  	[tilespmem:s12], [sflag:$0x2] =	stream.indirect.gather @!p0 [hbm4b:s1+s29], $0x80, s4, s29, $0xb8;
	[tilespmem:$0x13400] =	vst v63  }
0xc4: {  	_ =	swait.ge [sflag:s5], $0x800  }
0xc5: {  	[sflag:s5] =	ssyncset.done $0x0  }
.Ltmp2:
0xc6: {  	s15 =	sadd.s32 $0x28E0, s10;
	[sflag:s5] =	ssyncadd.s32 $0xFFFFF800;
	(pc) =	sbr.rel @p0 .LBB2_4-.Ltmp2, $4  }
0xc7: {  	[spmem:s3] =	stream.indirect.scatter.add.f32 [tilespmem:s21], [sflag:$0xF], $0x80, s15, s16, $0xb8;
	[tilespmem:$0x13400] =	vst v63  }
0xc8: {  	_ =	swait.ge [sflag:s6], $0x800  }
0xc9: {  	[sflag:s6] =	ssyncset.done $0x0  }
0xca: {  	s29 =	sadd.s32 $0x28F0, s10;
	[sflag:s6] =	ssyncadd.s32 $0xFFFFF800  }
0xcb: {  	s4 =	sadd.s32 $0x120, s10  }
0xcc: {  	[tilespmem:s20], [sflag:$0x3] =	stream.indirect.gather [hbm4b:s1+s16], $0x80, s4, s16, $0xb8;
	[tilespmem:$0x13400] =	vst v63  }
0xcd: {  	_ =	swait.ge [sflag:s7], $0x800  }
0xce: {  	[sflag:s7] =	ssyncset.done $0x0  }
0xcf: {  	[sflag:s7] =	ssyncadd.s32 $0xFFFFF800  }
0xd0: {  	[spmem:s3] =	stream.indirect.scatter.add.f32 [tilespmem:s0], [sflag:$0x10], $0x80, s29, s16, $0xb8;
	[tilespmem:$0x13400] =	vst v63  }
.Ltmp3:
0xd1: {  	_ = 	snop;
	(pc) =	sbr.rel .LBB2_2-.Ltmp3, $4  }
0xd2: {  	_ =	swait.ge [sflag:s8], $0x800  }
0xd3: {  	[sflag:s8] =	ssyncset.done $0x0  }
0xd4: {  	s25 =	sadd.s32 $0x200, s25;
	s29 =	sadd.s32 $0x130, s10;
	[sflag:s8] =	ssyncadd.s32 $0xFFFFF800  }
0xd5: {  	[tilespmem:s22], [sflag:$0x4] =	stream.indirect.gather [hbm4b:s1+s16], $0x80, s29, s16, $0xb8;
	[tilespmem:$0x13400] =	vst v63  }
.LBB2_5:
0xd6: {  	_ =	sfence.sel $0x180000  }
0xd7: {  	[bflag:$0x0] =	sbarrier.arrive $0xFFFF  }
0xd8: {  	_ =	strace $0x9000004D  }
0xd9: {  	s0 =	stileid.u32;
	[bflag:$0x2] =	sbarrier.arrive $0xFFFF  }
0xda: {  	p0 =	sne.s32 s0, $0x0;
	s0 =	rddreg [dreg:$0x3]  }
0xdb: {  	s0 =	sadd.s32 @!p0 $0x100000, s0  }
0xdc: {  	[sflag:s0] =	ssyncadd.tile.s32 @!p0 $0x1;
	_ =	shalt  }
.Lfunc_end2:
_tile_overlayer_lowered:
.L_overlay_start_2:
0xdd: {  	(tag) =	ssettag $0x2  }
0xde: {  	s0 =	rddreg [dreg:$0x0];
	s2 =	stileid.u32  }
0xdf: {  	s1 =	rddreg [dreg:$0x1];
	p0 =	sne.s32 s2, $0x0  }
0xe0: {  	s3 =	rddreg [dreg:$0x2];
	[bflag:$0x3] =	sbarrier.arrive $0xFFFF;
	s2 =	simm.s32 @!p0 $0x1C11  }
0xe1: {  	[timem:s3], [sflag:s2] =	dma.local @!p0 [hbm:s0], s1  }
0xe2: {  	s0 =	simm.s32 @!p0 $0x11  }
0xe3: {  	_ =	swait.ge @!p0 [sflag:s0], s1  }
0xe4: {  	s1 =	ssub.s32 @!p0 $0x0, s1;
	[sflag:s0] =	ssyncset.done @!p0 $0x0  }
0xe5: {  	[sflag:s0] =	ssyncadd.s32 @!p0 s1  }
0xe6: {  	[bflag:$0x3] =	sbarrier.arrive $0xFFFF  }
0xe7: {  	_ =	shalt  }

</sc_bundles>
